<compile_context>
chip_gen: v7x
topology: tpu7x:2x2x1
jax: 0.10.2.dev20260603
libtpu: 0.0.44.dev20260713+nightly
codegen_flags: <defaults>
</compile_context>

<pallas_src>
import functools

import jax
import jax.numpy as jnp
from jax import lax
from jax.experimental import pallas as pl
from jax.experimental.pallas import tpu as pltpu
from jax.experimental.pallas import tpu_sc as plsc

N = 10000
NC, NS = 2, 16
NW = NC * NS
CHUNK = 128
NPAD = 10008
ROWS_A = 632
ROWS_B = 520
NBUF = 4
FRAC0 = 0.95


def _split(E):
    tot0 = -(-E // CHUNK)
    k1 = max(NBUF, int(round(tot0 * (1.0 - FRAC0) / NS / NBUF)) * NBUF)
    k0 = -(-(tot0 - NS * k1) // (NS * NBUF)) * NBUF
    return k0, k1, NS * (k0 + k1)



def _zero_acc(acc, zbuf, sid, width_slices):
    base = sid * ROWS_A

    def zcp(i, carry):
        pltpu.sync_copy(zbuf, acc.at[pl.ds(base + i * CHUNK, CHUNK)])
        return carry

    lax.fori_loop(0, 4, zcp, 0)

    @pl.when(sid < NS - 1)
    def _():
        pltpu.sync_copy(zbuf.at[width_slices(ROWS_A - 512)],
                        acc.at[pl.ds(base + 512, ROWS_A - 512)])

    @pl.when(sid == NS - 1)
    def _():
        pltpu.sync_copy(zbuf.at[width_slices(ROWS_B + 8 - 512)],
                        acc.at[pl.ds(base + 512, ROWS_B + 8 - 512)])


def _sc_segment_sum(d, K0, K1):
    mesh = plsc.VectorSubcoreMesh(core_axis_name="c", subcore_axis_name="s")

    @functools.partial(
        pl.kernel,
        out_type=jax.ShapeDtypeStruct((NC * N, d), jnp.float32),
        mesh=mesh,
        compiler_params=pltpu.CompilerParams(use_tc_tiling_on_sc=False),
        scratch_types=[
            pltpu.VMEM((K0, CHUNK), jnp.int32),
            pltpu.VMEM((K0, CHUNK), jnp.int32),
            pltpu.VMEM((NBUF, CHUNK, d), jnp.float32),
            pltpu.VMEM_SHARED((NPAD, d), jnp.float32),
            pltpu.SemaphoreType.DMA((NBUF,)),
            pltpu.SemaphoreType.DMA((NBUF,)),
        ],
    )
    def k(hp, srcg, dstg, out, src_v, dst_v, rows_v, acc, gsem, ssem):
        cid = lax.axis_index("c")
        sid = lax.axis_index("s")
        t0 = jnp.where(cid == 0, sid * K0, NS * K0 + sid * K1)
        cnt = jnp.where(cid == 0, K0, K1)

        @pl.when(cid == 0)
        def _():
            pltpu.sync_copy(srcg.at[pl.ds(t0, K0)], src_v)
            pltpu.sync_copy(dstg.at[pl.ds(t0, K0)], dst_v)

        @pl.when(cid != 0)
        def _():
            pltpu.sync_copy(srcg.at[pl.ds(t0, K1)], src_v.at[pl.ds(0, K1)])
            pltpu.sync_copy(dstg.at[pl.ds(t0, K1)], dst_v.at[pl.ds(0, K1)])

        zv = jnp.zeros((16,), jnp.float32)

        def zrow(i, carry):
            for q in range(d // 16):
                rows_v[0, i, pl.ds(q * 16, 16)] = zv
            return carry

        lax.fori_loop(0, CHUNK, zrow, 0)
        _zero_acc(acc, rows_v.at[0], sid, lambda w: pl.ds(0, w))
        plsc.subcore_barrier()

        for b in range(NBUF):
            pltpu.async_copy(hp.at[src_v.at[b]], rows_v.at[b], gsem.at[b])

        def grp(g, carry):
            j0 = g * NBUF
            for b in range(NBUF):
                pltpu.make_async_copy(hp.at[src_v.at[0]], rows_v.at[b],
                                      gsem.at[b]).wait()
                pltpu.async_copy(rows_v.at[b], acc.at[dst_v.at[j0 + b]],
                                 ssem.at[b], add=True)
            for b in range(NBUF):
                jn = j0 + b + NBUF

                @pl.when(jn < cnt)
                def _():
                    pltpu.make_async_copy(rows_v.at[b], acc.at[dst_v.at[0]],
                                          ssem.at[b]).wait()
                    pltpu.async_copy(hp.at[src_v.at[jn]], rows_v.at[b],
                                     gsem.at[b])
            return carry

        lax.fori_loop(0, cnt // NBUF, grp, 0)
        for b in range(NBUF):
            pltpu.make_async_copy(rows_v.at[b], acc.at[dst_v.at[0]],
                                  ssem.at[b]).wait()
        plsc.subcore_barrier()

        base = sid * ROWS_A
        obase = cid * N + base

        @pl.when(sid < NS - 1)
        def _():
            pltpu.sync_copy(acc.at[pl.ds(base, ROWS_A)],
                            out.at[pl.ds(obase, ROWS_A)])

        @pl.when(sid == NS - 1)
        def _():
            pltpu.sync_copy(acc.at[pl.ds(base, ROWS_B)],
                            out.at[pl.ds(obase, ROWS_B)])

    return k


def _sc_degree(KD):
    mesh = plsc.VectorSubcoreMesh(core_axis_name="c", subcore_axis_name="s")

    @functools.partial(
        pl.kernel,
        out_type=jax.ShapeDtypeStruct((NC * N,), jnp.float32),
        mesh=mesh,
        scratch_types=[
            pltpu.VMEM((KD, CHUNK), jnp.int32),
            pltpu.VMEM((CHUNK,), jnp.float32),
            pltpu.VMEM((CHUNK,), jnp.float32),
            pltpu.VMEM((ROWS_A,), jnp.float32),
            pltpu.VMEM_SHARED((NPAD,), jnp.float32),
        ],
    )
    def k(dstg, out, dst_v, ones_v, zbuf, rb_v, acc):
        cid = lax.axis_index("c")
        sid = lax.axis_index("s")
        wid = cid * NS + sid
        pltpu.sync_copy(dstg.at[pl.ds(wid * KD, KD)], dst_v)

        ov = jnp.ones((16,), jnp.float32)
        zv = jnp.zeros((16,), jnp.float32)
        for q in range(CHUNK // 16):
            ones_v[pl.ds(q * 16, 16)] = ov
            zbuf[pl.ds(q * 16, 16)] = zv

        _zero_acc(acc, zbuf, sid, lambda w: pl.ds(0, w))
        plsc.subcore_barrier()

        def step(j, carry):
            pltpu.sync_copy(ones_v, acc.at[dst_v.at[j]], add=True)
            return carry

        lax.fori_loop(0, KD, step, 0)
        plsc.subcore_barrier()

        base = sid * ROWS_A
        obase = cid * N + base

        @pl.when(sid < NS - 1)
        def _():
            pltpu.sync_copy(acc.at[pl.ds(base, ROWS_A)], rb_v)
            pltpu.sync_copy(rb_v, out.at[pl.ds(obase, ROWS_A)])

        @pl.when(sid == NS - 1)
        def _():
            pltpu.sync_copy(acc.at[pl.ds(base, ROWS_B)],
                            rb_v.at[pl.ds(0, ROWS_B)])
            pltpu.sync_copy(rb_v.at[pl.ds(0, ROWS_B)],
                            out.at[pl.ds(obase, ROWS_B)])

    return k



_BR = 1000


def _tc_first(x, W1, degcol):
    G = N // _BR

    def body(x_r, w_r, d0_r, d1_r, hp_r, dinv_r):
        dinv = lax.rsqrt(d0_r[...] + d1_r[...] + 1.0)
        dinv_r[...] = dinv
        h = jnp.dot(x_r[...], w_r[...], preferred_element_type=jnp.float32)
        hp_r[...] = h * dinv

    return pl.pallas_call(
        body,
        grid=(G,),
        in_specs=[
            pl.BlockSpec((_BR, x.shape[1]), lambda i: (i, 0)),
            pl.BlockSpec(W1.shape, lambda i: (0, 0)),
            pl.BlockSpec((_BR, 1), lambda i: (i, 0)),
            pl.BlockSpec((_BR, 1), lambda i: (i + G, 0)),
        ],
        out_specs=[
            pl.BlockSpec((_BR, W1.shape[1]), lambda i: (i, 0)),
            pl.BlockSpec((_BR, 1), lambda i: (i, 0)),
        ],
        out_shape=[
            jax.ShapeDtypeStruct((N, W1.shape[1]), jnp.float32),
            jax.ShapeDtypeStruct((N, 1), jnp.float32),
        ],
    )(x, W1, degcol, degcol)


def _tc_layer(S, hp, dinv, svec, cvec, Wn, bias_out=None):
    d = hp.shape[1]
    dn = Wn.shape[1]
    G = N // _BR
    final = bias_out is not None

    def body(s0_r, s1_r, hp_r, dinv_r, s_r, c_r, w_r, *rest):
        if final:
            b_r, out_r = rest
        else:
            (out_r,) = rest
        dinv = dinv_r[...]
        y = (s0_r[...] + s1_r[...] + hp_r[...]) * dinv * s_r[...] + c_r[...]
        y = jnp.maximum(y, 0.0)
        z = jnp.dot(y, w_r[...], preferred_element_type=jnp.float32)
        if final:
            out_r[...] = jax.nn.sigmoid(z + b_r[...])
        else:
            out_r[...] = z * dinv

    in_specs = [
        pl.BlockSpec((_BR, d), lambda i: (i, 0)),
        pl.BlockSpec((_BR, d), lambda i: (i + G, 0)),
        pl.BlockSpec((_BR, d), lambda i: (i, 0)),
        pl.BlockSpec((_BR, 1), lambda i: (i, 0)),
        pl.BlockSpec((1, d), lambda i: (0, 0)),
        pl.BlockSpec((1, d), lambda i: (0, 0)),
        pl.BlockSpec((d, dn), lambda i: (0, 0)),
    ]
    args = [S, S, hp, dinv, svec, cvec, Wn]
    if final:
        in_specs.append(pl.BlockSpec((1, dn), lambda i: (0, 0)))
        args.append(bias_out)

    return pl.pallas_call(
        body,
        grid=(G,),
        in_specs=in_specs,
        out_specs=pl.BlockSpec((_BR, dn), lambda i: (i, 0)),
        out_shape=jax.ShapeDtypeStruct((N, dn), jnp.float32),
    )(*args)



def _fold_bn(b, gamma, beta, mean, var, eps=1e-5):
    s = gamma * lax.rsqrt(var + eps)
    c = (b - mean) * s + beta
    return s.reshape(1, -1), c.reshape(1, -1)


def kernel(x, edge_index, W1, b1, gamma1, beta1, mean1, var1,
           W2, b2, gamma2, beta2, mean2, var2,
           W3, b3, gamma3, beta3, mean3, var3, Wfc, bfc):
    E = edge_index.shape[1]
    K0, K1, TOT = _split(E)
    EPAD = TOT * CHUNK

    ei = edge_index.astype(jnp.int32)
    pad = EPAD - E
    src = jnp.concatenate([ei[0], jnp.zeros((pad,), jnp.int32)])
    dst = jnp.concatenate([ei[1], jnp.full((pad,), N, jnp.int32)])
    srcg = src.reshape(TOT, CHUNK)
    dstg = dst.reshape(TOT, CHUNK)

    s1, c1 = _fold_bn(b1, gamma1, beta1, mean1, var1)
    s2, c2 = _fold_bn(b2, gamma2, beta2, mean2, var2)
    s3, c3 = _fold_bn(b3, gamma3, beta3, mean3, var3)

    deg = _sc_degree(TOT // NW)(dstg).reshape(NC * N, 1)
    h1p, dinv = _tc_first(x, W1, deg)

    S1 = _sc_segment_sum(W1.shape[1], K0, K1)(h1p, srcg, dstg)
    h2p = _tc_layer(S1, h1p, dinv, s1, c1, W2)

    S2 = _sc_segment_sum(W2.shape[1], K0, K1)(h2p, srcg, dstg)
    h3p = _tc_layer(S2, h2p, dinv, s2, c2, W3)

    S3 = _sc_segment_sum(W3.shape[1], K0, K1)(h3p, srcg, dstg)
    out = _tc_layer(S3, h3p, dinv, s3, c3, Wfc, bias_out=bfc.reshape(1, -1))
    return out

# --- scband reference (transcript-rebuilt; emitter-appended) ---
"""Pipeline reference for scband-gnn-71640054497345 (READ-ONLY COPY).

The authoritative reference and input builder live on the scoring server;
editing this copy changes nothing except your own understanding.
"""

import jax, jax.numpy as jnp
import numpy as np

N_NODES = 10000


def gcn_conv(x, edge_index, W, b):
    n = x.shape[0]
    loop = jnp.arange(n, dtype=edge_index.dtype)
    src = jnp.concatenate([edge_index[0], loop])
    dst = jnp.concatenate([edge_index[1], loop])
    deg = jnp.zeros((n,), dtype=x.dtype).at[dst].add(1.0)
    dinv = 1.0 / jnp.sqrt(jnp.clip(deg, 1.0))
    norm = dinv[src] * dinv[dst]
    h = x @ W
    msg = h[src] * norm[:, None]
    out = jnp.zeros((n, W.shape[1]), dtype=x.dtype).at[dst].add(msg)
    return out + b


def batch_norm(x, gamma, beta, mean, var, eps=1e-5):
    return (x - mean) / jnp.sqrt(var + eps) * gamma + beta


def setup_inputs(seed: int = 0) -> dict:
    key = jax.random.key(seed)
    ks = jax.random.split(key, 12)
    d_in, num_classes = 128, 16
    x = jax.random.normal(ks[0], (N_NODES, d_in), dtype=jnp.float32)
    edge_index = jax.random.randint(ks[1], (2, 320000), 0, N_NODES, dtype=jnp.int64)
    def lin(k, fi, fo):
        s = 1.0 / np.sqrt(fi)
        k1, k2 = jax.random.split(k)
        return (jax.random.uniform(k1, (fi, fo), jnp.float32, -s, s),
                jax.random.uniform(k2, (fo,), jnp.float32, -s, s))
    W1, b1 = lin(ks[2], d_in, 64)
    W2, b2 = lin(ks[3], 64, 32)
    W3, b3 = lin(ks[4], 32, 16)
    Wfc, bfc = lin(ks[5], 16, num_classes)
    return {
        "x": x, "edge_index": edge_index,
        "W1": W1, "b1": b1, "gamma1": jnp.ones((64,)), "beta1": jnp.zeros((64,)),
        "mean1": jnp.zeros((64,)), "var1": jnp.ones((64,)),
        "W2": W2, "b2": b2, "gamma2": jnp.ones((32,)), "beta2": jnp.zeros((32,)),
        "mean2": jnp.zeros((32,)), "var2": jnp.ones((32,)),
        "W3": W3, "b3": b3, "gamma3": jnp.ones((16,)), "beta3": jnp.zeros((16,)),
        "mean3": jnp.zeros((16,)), "var3": jnp.ones((16,)),
        "Wfc": Wfc, "bfc": bfc,
    }


def reference(x, edge_index, W1, b1, gamma1, beta1, mean1, var1,
              W2, b2, gamma2, beta2, mean2, var2,
              W3, b3, gamma3, beta3, mean3, var3, Wfc, bfc):
    # eval mode: dropout is identity, BN uses running stats
    h = gcn_conv(x, edge_index, W1, b1)
    h = jax.nn.relu(batch_norm(h, gamma1, beta1, mean1, var1))
    h = jax.nn.relu(h)
    h = gcn_conv(h, edge_index, W2, b2)
    h = jax.nn.relu(batch_norm(h, gamma2, beta2, mean2, var2))
    h = jax.nn.relu(h)
    h = gcn_conv(h, edge_index, W3, b3)
    h = jax.nn.relu(batch_norm(h, gamma3, beta3, mean3, var3))
    h = jax.nn.relu(h)
    h = h @ Wfc + bfc
    return jax.nn.sigmoid(h)

if __name__ == "__main__":
    import jax
    _d = setup_inputs()
    print(jax.jit(kernel)(*tuple(_d.values())))

</pallas_src>

<mosaic_0001>
#map = affine_map<(d0, d1) -> (0, 0)>
module attributes {stable_mosaic.version = 14 : i64} {
  func.func @k(%arg0: i32, %arg1: i32, %arg2: memref<10000x32xf32, #tpu.memory_space<hbm>>, %arg3: memref<2560x128xi32, #tpu.memory_space<hbm>>, %arg4: memref<2560x128xi32, #tpu.memory_space<hbm>>, %arg5: memref<20000x32xf32, #tpu.memory_space<hbm>>, %arg6: memref<152x128xi32, #tpu.memory_space<vmem>>, %arg7: memref<152x128xi32, #tpu.memory_space<vmem>>, %arg8: memref<4x128x32xf32, #tpu.memory_space<vmem>>, %arg9: memref<10008x32xf32, #tpu.memory_space<vmem_shared>>, %arg10: memref<4x!tpu.dma_semaphore, #tpu.memory_space<semaphore_mem>>, %arg11: memref<4x!tpu.dma_semaphore, #tpu.memory_space<semaphore_mem>>) attributes {dimension_semantics = [#tpu.dimension_semantics<core_parallel>, #tpu.dimension_semantics<subcore_parallel>], iteration_bounds = array<i64: 2, 16>, scalar_prefetch = 0 : i64, scratch_operands = 6 : i64, tpu.core_type = #tpu.core_type<sc_vector_subcore>, window_params = [{transform_indices = #map}, {transform_indices = #map}, {transform_indices = #map}, {transform_indices = #map}]} {
    %eq3A = arith.constant 0 : i32
    %eq3A_0 = arith.cmpi eq, %arg0, %eq3A : i32
    %mul3A = arith.constant 152 : i32
    %mul3A_1 = arith.muli %arg1, %mul3A : i32
    %mul3A_2 = arith.constant 8 : i32
    %mul3A_3 = arith.muli %arg1, %mul3A_2 : i32
    %add3A = arith.constant 2432 : i32
    %add3A_4 = arith.addi %add3A, %mul3A_3 : i32
    %select_n3A = arith.select %eq3A_0, %mul3A_1, %add3A_4 : i32
    %eq3A_5 = arith.constant 0 : i32
    %eq3A_6 = arith.cmpi eq, %arg0, %eq3A_5 : i32
    %jit3A = arith.constant 152 : i32
    %jit3A_7 = arith.constant 8 : i32
    %select_n3A_8 = arith.select %eq3A_6, %jit3A, %jit3A_7 : i32
    %eq3A_9 = arith.constant 0 : i32
    %eq3A_10 = arith.cmpi eq, %arg0, %eq3A_9 : i32
    %convert_element_type3A = arith.extui %eq3A_10 : i1 to i32
    %cond3A = arith.constant 0 : i32
    %cond3A_11 = arith.cmpi ne, %convert_element_type3A, %cond3A : i32
    scf.if %cond3A_11 {
      "tpu.region"() ({
        %run_scoped3A = tpu.sem_alloc : memref<!tpu.dma_semaphore, #tpu.memory_space<semaphore_mem>>
        %dma_start3A_204 = arith.constant 0 : i32
        %dma_start3A_205 = tpu.memref_slice %arg3[%select_n3A, %dma_start3A_204] : memref<2560x128xi32, #tpu.memory_space<hbm>> -> memref<152x128xi32, #tpu.memory_space<hbm>>
        %dma_start3A_206 = arith.constant 0 : i32
        %dma_start3A_207 = tpu.memref_slice %arg3[%select_n3A, %dma_start3A_206] : memref<2560x128xi32, #tpu.memory_space<hbm>> -> memref<152x128xi32, #tpu.memory_space<hbm>>
        tpu.enqueue_dma source(%dma_start3A_207 : memref<152x128xi32, #tpu.memory_space<hbm>>) target(%arg6 : memref<152x128xi32, #tpu.memory_space<vmem>>) target_semaphore(%run_scoped3A : memref<!tpu.dma_semaphore, #tpu.memory_space<semaphore_mem>>)
        %dma_wait3A_208 = arith.constant 0 : i32
        %dma_wait3A_209 = tpu.memref_slice %arg3[%select_n3A, %dma_wait3A_208] : memref<2560x128xi32, #tpu.memory_space<hbm>> -> memref<152x128xi32, #tpu.memory_space<hbm>>
        %dma_wait3A_210 = arith.constant 0 : i32
        %dma_wait3A_211 = tpu.memref_slice %arg3[%select_n3A, %dma_wait3A_210] : memref<2560x128xi32, #tpu.memory_space<hbm>> -> memref<152x128xi32, #tpu.memory_space<hbm>>
        tpu.wait_dma2 semaphore(%run_scoped3A : memref<!tpu.dma_semaphore, #tpu.memory_space<semaphore_mem>>) src(%dma_wait3A_211 : memref<152x128xi32, #tpu.memory_space<hbm>>) dst(%arg6 : memref<152x128xi32, #tpu.memory_space<vmem>>)
        tpu.yield
      }) : () -> ()
      "tpu.region"() ({
        %run_scoped3A = tpu.sem_alloc : memref<!tpu.dma_semaphore, #tpu.memory_space<semaphore_mem>>
        %dma_start3A_204 = arith.constant 0 : i32
        %dma_start3A_205 = tpu.memref_slice %arg4[%select_n3A, %dma_start3A_204] : memref<2560x128xi32, #tpu.memory_space<hbm>> -> memref<152x128xi32, #tpu.memory_space<hbm>>
        %dma_start3A_206 = arith.constant 0 : i32
        %dma_start3A_207 = tpu.memref_slice %arg4[%select_n3A, %dma_start3A_206] : memref<2560x128xi32, #tpu.memory_space<hbm>> -> memref<152x128xi32, #tpu.memory_space<hbm>>
        tpu.enqueue_dma source(%dma_start3A_207 : memref<152x128xi32, #tpu.memory_space<hbm>>) target(%arg7 : memref<152x128xi32, #tpu.memory_space<vmem>>) target_semaphore(%run_scoped3A : memref<!tpu.dma_semaphore, #tpu.memory_space<semaphore_mem>>)
        %dma_wait3A_208 = arith.constant 0 : i32
        %dma_wait3A_209 = tpu.memref_slice %arg4[%select_n3A, %dma_wait3A_208] : memref<2560x128xi32, #tpu.memory_space<hbm>> -> memref<152x128xi32, #tpu.memory_space<hbm>>
        %dma_wait3A_210 = arith.constant 0 : i32
        %dma_wait3A_211 = tpu.memref_slice %arg4[%select_n3A, %dma_wait3A_210] : memref<2560x128xi32, #tpu.memory_space<hbm>> -> memref<152x128xi32, #tpu.memory_space<hbm>>
        tpu.wait_dma2 semaphore(%run_scoped3A : memref<!tpu.dma_semaphore, #tpu.memory_space<semaphore_mem>>) src(%dma_wait3A_211 : memref<152x128xi32, #tpu.memory_space<hbm>>) dst(%arg7 : memref<152x128xi32, #tpu.memory_space<vmem>>)
        tpu.yield
      }) : () -> ()
    } else {
    }
    %ne3A = arith.constant 0 : i32
    %ne3A_12 = arith.cmpi ne, %arg0, %ne3A : i32
    %convert_element_type3A_13 = arith.extui %ne3A_12 : i1 to i32
    %cond3A_14 = arith.constant 0 : i32
    %cond3A_15 = arith.cmpi ne, %convert_element_type3A_13, %cond3A_14 : i32
    scf.if %cond3A_15 {
      "tpu.region"() ({
        %run_scoped3A = tpu.sem_alloc : memref<!tpu.dma_semaphore, #tpu.memory_space<semaphore_mem>>
        %dma_start3A_204 = arith.constant 0 : i32
        %dma_start3A_205 = arith.constant 0 : i32
        %dma_start3A_206 = tpu.memref_slice %arg6[%dma_start3A_204, %dma_start3A_205] : memref<152x128xi32, #tpu.memory_space<vmem>> -> memref<8x128xi32, #tpu.memory_space<vmem>>
        %dma_start3A_207 = arith.constant 0 : i32
        %dma_start3A_208 = tpu.memref_slice %arg3[%select_n3A, %dma_start3A_207] : memref<2560x128xi32, #tpu.memory_space<hbm>> -> memref<8x128xi32, #tpu.memory_space<hbm>>
        %dma_start3A_209 = arith.constant 0 : i32
        %dma_start3A_210 = arith.constant 0 : i32
        %dma_start3A_211 = tpu.memref_slice %arg6[%dma_start3A_209, %dma_start3A_210] : memref<152x128xi32, #tpu.memory_space<vmem>> -> memref<8x128xi32, #tpu.memory_space<vmem>>
        %dma_start3A_212 = arith.constant 0 : i32
        %dma_start3A_213 = tpu.memref_slice %arg3[%select_n3A, %dma_start3A_212] : memref<2560x128xi32, #tpu.memory_space<hbm>> -> memref<8x128xi32, #tpu.memory_space<hbm>>
        tpu.enqueue_dma source(%dma_start3A_213 : memref<8x128xi32, #tpu.memory_space<hbm>>) target(%dma_start3A_211 : memref<8x128xi32, #tpu.memory_space<vmem>>) target_semaphore(%run_scoped3A : memref<!tpu.dma_semaphore, #tpu.memory_space<semaphore_mem>>)
        %dma_wait3A_214 = arith.constant 0 : i32
        %dma_wait3A_215 = arith.constant 0 : i32
        %dma_wait3A_216 = tpu.memref_slice %arg6[%dma_wait3A_214, %dma_wait3A_215] : memref<152x128xi32, #tpu.memory_space<vmem>> -> memref<8x128xi32, #tpu.memory_space<vmem>>
        %dma_wait3A_217 = arith.constant 0 : i32
        %dma_wait3A_218 = tpu.memref_slice %arg3[%select_n3A, %dma_wait3A_217] : memref<2560x128xi32, #tpu.memory_space<hbm>> -> memref<8x128xi32, #tpu.memory_space<hbm>>
        %dma_wait3A_219 = arith.constant 0 : i32
        %dma_wait3A_220 = arith.constant 0 : i32
        %dma_wait3A_221 = tpu.memref_slice %arg6[%dma_wait3A_219, %dma_wait3A_220] : memref<152x128xi32, #tpu.memory_space<vmem>> -> memref<8x128xi32, #tpu.memory_space<vmem>>
        %dma_wait3A_222 = arith.constant 0 : i32
        %dma_wait3A_223 = tpu.memref_slice %arg3[%select_n3A, %dma_wait3A_222] : memref<2560x128xi32, #tpu.memory_space<hbm>> -> memref<8x128xi32, #tpu.memory_space<hbm>>
        tpu.wait_dma2 semaphore(%run_scoped3A : memref<!tpu.dma_semaphore, #tpu.memory_space<semaphore_mem>>) src(%dma_wait3A_223 : memref<8x128xi32, #tpu.memory_space<hbm>>) dst(%dma_wait3A_221 : memref<8x128xi32, #tpu.memory_space<vmem>>)
        tpu.yield
      }) : () -> ()
      "tpu.region"() ({
        %run_scoped3A = tpu.sem_alloc : memref<!tpu.dma_semaphore, #tpu.memory_space<semaphore_mem>>
        %dma_start3A_204 = arith.constant 0 : i32
        %dma_start3A_205 = arith.constant 0 : i32
        %dma_start3A_206 = tpu.memref_slice %arg7[%dma_start3A_204, %dma_start3A_205] : memref<152x128xi32, #tpu.memory_space<vmem>> -> memref<8x128xi32, #tpu.memory_space<vmem>>
        %dma_start3A_207 = arith.constant 0 : i32
        %dma_start3A_208 = tpu.memref_slice %arg4[%select_n3A, %dma_start3A_207] : memref<2560x128xi32, #tpu.memory_space<hbm>> -> memref<8x128xi32, #tpu.memory_space<hbm>>
        %dma_start3A_209 = arith.constant 0 : i32
        %dma_start3A_210 = arith.constant 0 : i32
        %dma_start3A_211 = tpu.memref_slice %arg7[%dma_start3A_209, %dma_start3A_210] : memref<152x128xi32, #tpu.memory_space<vmem>> -> memref<8x128xi32, #tpu.memory_space<vmem>>
        %dma_start3A_212 = arith.constant 0 : i32
        %dma_start3A_213 = tpu.memref_slice %arg4[%select_n3A, %dma_start3A_212] : memref<2560x128xi32, #tpu.memory_space<hbm>> -> memref<8x128xi32, #tpu.memory_space<hbm>>
        tpu.enqueue_dma source(%dma_start3A_213 : memref<8x128xi32, #tpu.memory_space<hbm>>) target(%dma_start3A_211 : memref<8x128xi32, #tpu.memory_space<vmem>>) target_semaphore(%run_scoped3A : memref<!tpu.dma_semaphore, #tpu.memory_space<semaphore_mem>>)
        %dma_wait3A_214 = arith.constant 0 : i32
        %dma_wait3A_215 = arith.constant 0 : i32
        %dma_wait3A_216 = tpu.memref_slice %arg7[%dma_wait3A_214, %dma_wait3A_215] : memref<152x128xi32, #tpu.memory_space<vmem>> -> memref<8x128xi32, #tpu.memory_space<vmem>>
        %dma_wait3A_217 = arith.constant 0 : i32
        %dma_wait3A_218 = tpu.memref_slice %arg4[%select_n3A, %dma_wait3A_217] : memref<2560x128xi32, #tpu.memory_space<hbm>> -> memref<8x128xi32, #tpu.memory_space<hbm>>
        %dma_wait3A_219 = arith.constant 0 : i32
        %dma_wait3A_220 = arith.constant 0 : i32
        %dma_wait3A_221 = tpu.memref_slice %arg7[%dma_wait3A_219, %dma_wait3A_220] : memref<152x128xi32, #tpu.memory_space<vmem>> -> memref<8x128xi32, #tpu.memory_space<vmem>>
        %dma_wait3A_222 = arith.constant 0 : i32
        %dma_wait3A_223 = tpu.memref_slice %arg4[%select_n3A, %dma_wait3A_222] : memref<2560x128xi32, #tpu.memory_space<hbm>> -> memref<8x128xi32, #tpu.memory_space<hbm>>
        tpu.wait_dma2 semaphore(%run_scoped3A : memref<!tpu.dma_semaphore, #tpu.memory_space<semaphore_mem>>) src(%dma_wait3A_223 : memref<8x128xi32, #tpu.memory_space<hbm>>) dst(%dma_wait3A_221 : memref<8x128xi32, #tpu.memory_space<vmem>>)
        tpu.yield
      }) : () -> ()
    } else {
    }
    %broadcast_in_dim3A = arith.constant 0.000000e+00 : f32
    %broadcast_in_dim3A_16 = vector.broadcast %broadcast_in_dim3A : f32 to vector<16xf32>
    %scan3A = arith.constant 0 : i32
    %scan3A_17 = arith.constant 0 : i32
    %scan3A_18 = arith.constant 128 : i32
    %scan3A_19 = arith.addi %scan3A_17, %scan3A_18 : i32
    %scan3A_20 = arith.constant 1 : i32
    scf.for %scan3A_204 = %scan3A_17 to %scan3A_19 step %scan3A_20  : i32 {
      %swap3A = arith.constant 0 : i32
      %swap3A_205 = arith.index_cast %swap3A : i32 to index
      %swap3A_206 = arith.index_cast %scan3A_204 : i32 to index
      %swap3A_207 = arith.constant 0 : index
      %swap3A_208 = tpu.vector_load %arg8[%swap3A_205, %swap3A_206, %swap3A_207] {strides = array<i32>} : memref<4x128x32xf32, #tpu.memory_space<vmem>>, vector<1x1x16xf32>,
      %swap3A_209 = vector.shape_cast %swap3A_208 : vector<1x1x16xf32> to vector<16xf32>
      %swap3A_210 = vector.shape_cast %broadcast_in_dim3A_16 : vector<16xf32> to vector<1x1x16xf32>
      tpu.vector_store %arg8[%swap3A_205, %swap3A_206, %swap3A_207], %swap3A_210 {strides = array<i32>} : memref<4x128x32xf32, #tpu.memory_space<vmem>>, vector<1x1x16xf32>,
      %swap3A_211 = arith.constant 0 : i32
      %swap3A_212 = arith.index_cast %swap3A_211 : i32 to index
      %swap3A_213 = arith.index_cast %scan3A_204 : i32 to index
      %swap3A_214 = arith.constant 16 : index
      %swap3A_215 = tpu.vector_load %arg8[%swap3A_212, %swap3A_213, %swap3A_214] {strides = array<i32>} : memref<4x128x32xf32, #tpu.memory_space<vmem>>, vector<1x1x16xf32>,
      %swap3A_216 = vector.shape_cast %swap3A_215 : vector<1x1x16xf32> to vector<16xf32>
      %swap3A_217 = vector.shape_cast %broadcast_in_dim3A_16 : vector<16xf32> to vector<1x1x16xf32>
      tpu.vector_store %arg8[%swap3A_212, %swap3A_213, %swap3A_214], %swap3A_217 {strides = array<i32>} : memref<4x128x32xf32, #tpu.memory_space<vmem>>, vector<1x1x16xf32>,
    }
    %scan3A_21 = arith.constant 128 : i32
    %mul3A_22 = arith.constant 632 : i32
    %mul3A_23 = arith.muli %arg1, %mul3A_22 : i32
    %scan3A_24 = arith.constant 0 : i32
    %scan3A_25 = arith.constant 0 : i32
    %scan3A_26 = arith.constant 0 : i32
    %scan3A_27 = arith.constant 4 : i32
    %scan3A_28 = arith.addi %scan3A_26, %scan3A_27 : i32
    %scan3A_29 = arith.constant 1 : i32
    scf.for %scan3A_204 = %scan3A_26 to %scan3A_28 step %scan3A_29  : i32 {
      %mul3A_205 = arith.constant 128 : i32
      %mul3A_206 = arith.muli %scan3A_204, %mul3A_205 : i32
      %add3A_207 = arith.addi %mul3A_23, %mul3A_206 : i32
      "tpu.region"() ({
        %run_scoped3A = tpu.sem_alloc : memref<!tpu.dma_semaphore, #tpu.memory_space<semaphore_mem>>
        %dma_start3A_208 = arith.constant 0 : i32
        %dma_start3A_209 = arith.constant 0 : i32
        %dma_start3A_210 = tpu.memref_slice %arg8[%scan3A_25, %dma_start3A_208, %dma_start3A_209] : memref<4x128x32xf32, #tpu.memory_space<vmem>> -> memref<1x128x32xf32, #tpu.memory_space<vmem>>
        %dma_start3A_211 = tpu.memref_squeeze %dma_start3A_210 : memref<1x128x32xf32, #tpu.memory_space<vmem>> -> memref<128x32xf32, #tpu.memory_space<vmem>>
        %dma_start3A_212 = arith.constant 0 : i32
        %dma_start3A_213 = tpu.memref_slice %arg9[%add3A_207, %dma_start3A_212] : memref<10008x32xf32, #tpu.memory_space<vmem_shared>> -> memref<128x32xf32, #tpu.memory_space<vmem_shared>>
        %dma_start3A_214 = arith.constant 0 : i32
        %dma_start3A_215 = tpu.memref_slice %arg9[%add3A_207, %dma_start3A_214] : memref<10008x32xf32, #tpu.memory_space<vmem_shared>> -> memref<128x32xf32, #tpu.memory_space<vmem_shared>>
        %dma_start3A_216 = arith.constant 0 : i32
        %dma_start3A_217 = arith.constant 0 : i32
        %dma_start3A_218 = tpu.memref_slice %arg8[%scan3A_25, %dma_start3A_216, %dma_start3A_217] : memref<4x128x32xf32, #tpu.memory_space<vmem>> -> memref<1x128x32xf32, #tpu.memory_space<vmem>>
        %dma_start3A_219 = tpu.memref_squeeze %dma_start3A_218 : memref<1x128x32xf32, #tpu.memory_space<vmem>> -> memref<128x32xf32, #tpu.memory_space<vmem>>
        tpu.enqueue_dma source(%dma_start3A_219 : memref<128x32xf32, #tpu.memory_space<vmem>>) target(%dma_start3A_215 : memref<128x32xf32, #tpu.memory_space<vmem_shared>>) target_semaphore(%run_scoped3A : memref<!tpu.dma_semaphore, #tpu.memory_space<semaphore_mem>>)
        %dma_wait3A_220 = arith.constant 0 : i32
        %dma_wait3A_221 = arith.constant 0 : i32
        %dma_wait3A_222 = tpu.memref_slice %arg8[%scan3A_25, %dma_wait3A_220, %dma_wait3A_221] : memref<4x128x32xf32, #tpu.memory_space<vmem>> -> memref<1x128x32xf32, #tpu.memory_space<vmem>>
        %dma_wait3A_223 = tpu.memref_squeeze %dma_wait3A_222 : memref<1x128x32xf32, #tpu.memory_space<vmem>> -> memref<128x32xf32, #tpu.memory_space<vmem>>
        %dma_wait3A_224 = arith.constant 0 : i32
        %dma_wait3A_225 = tpu.memref_slice %arg9[%add3A_207, %dma_wait3A_224] : memref<10008x32xf32, #tpu.memory_space<vmem_shared>> -> memref<128x32xf32, #tpu.memory_space<vmem_shared>>
        %dma_wait3A_226 = arith.constant 0 : i32
        %dma_wait3A_227 = tpu.memref_slice %arg9[%add3A_207, %dma_wait3A_226] : memref<10008x32xf32, #tpu.memory_space<vmem_shared>> -> memref<128x32xf32, #tpu.memory_space<vmem_shared>>
        %dma_wait3A_228 = arith.constant 0 : i32
        %dma_wait3A_229 = arith.constant 0 : i32
        %dma_wait3A_230 = tpu.memref_slice %arg8[%scan3A_25, %dma_wait3A_228, %dma_wait3A_229] : memref<4x128x32xf32, #tpu.memory_space<vmem>> -> memref<1x128x32xf32, #tpu.memory_space<vmem>>
        %dma_wait3A_231 = tpu.memref_squeeze %dma_wait3A_230 : memref<1x128x32xf32, #tpu.memory_space<vmem>> -> memref<128x32xf32, #tpu.memory_space<vmem>>
        tpu.wait_dma2 semaphore(%run_scoped3A : memref<!tpu.dma_semaphore, #tpu.memory_space<semaphore_mem>>) src(%dma_wait3A_231 : memref<128x32xf32, #tpu.memory_space<vmem>>) dst(%dma_wait3A_227 : memref<128x32xf32, #tpu.memory_space<vmem_shared>>)
        tpu.yield
      }) : () -> ()
    }
    %scan3A_30 = arith.constant 4 : i32
    %lt3A = arith.constant 15 : i32
    %lt3A_31 = arith.cmpi slt, %arg1, %lt3A : i32
    %convert_element_type3A_32 = arith.extui %lt3A_31 : i1 to i32
    %cond3A_33 = arith.constant 0 : i32
    %cond3A_34 = arith.constant 0 : i32
    %cond3A_35 = arith.cmpi ne, %convert_element_type3A_32, %cond3A_34 : i32
    scf.if %cond3A_35 {
      %add3A_204 = arith.constant 512 : i32
      %add3A_205 = arith.addi %mul3A_23, %add3A_204 : i32
      "tpu.region"() ({
        %run_scoped3A = tpu.sem_alloc : memref<!tpu.dma_semaphore, #tpu.memory_space<semaphore_mem>>
        %dma_start3A_206 = arith.constant 0 : i32
        %dma_start3A_207 = arith.constant 0 : i32
        %dma_start3A_208 = tpu.memref_slice %arg8[%cond3A_33, %dma_start3A_206, %dma_start3A_207] : memref<4x128x32xf32, #tpu.memory_space<vmem>> -> memref<1x128x32xf32, #tpu.memory_space<vmem>>
        %dma_start3A_209 = tpu.memref_squeeze %dma_start3A_208 : memref<1x128x32xf32, #tpu.memory_space<vmem>> -> memref<128x32xf32, #tpu.memory_space<vmem>>
        %dma_start3A_210 = arith.constant 0 : i32
        %dma_start3A_211 = arith.constant 0 : i32
        %dma_start3A_212 = tpu.memref_slice %dma_start3A_209[%dma_start3A_210, %dma_start3A_211] : memref<128x32xf32, #tpu.memory_space<vmem>> -> memref<120x32xf32, #tpu.memory_space<vmem>>
        %dma_start3A_213 = arith.constant 0 : i32
        %dma_start3A_214 = tpu.memref_slice %arg9[%add3A_205, %dma_start3A_213] : memref<10008x32xf32, #tpu.memory_space<vmem_shared>> -> memref<120x32xf32, #tpu.memory_space<vmem_shared>>
        %dma_start3A_215 = arith.constant 0 : i32
        %dma_start3A_216 = tpu.memref_slice %arg9[%add3A_205, %dma_start3A_215] : memref<10008x32xf32, #tpu.memory_space<vmem_shared>> -> memref<120x32xf32, #tpu.memory_space<vmem_shared>>
        %dma_start3A_217 = arith.constant 0 : i32
        %dma_start3A_218 = arith.constant 0 : i32
        %dma_start3A_219 = tpu.memref_slice %arg8[%cond3A_33, %dma_start3A_217, %dma_start3A_218] : memref<4x128x32xf32, #tpu.memory_space<vmem>> -> memref<1x128x32xf32, #tpu.memory_space<vmem>>
        %dma_start3A_220 = tpu.memref_squeeze %dma_start3A_219 : memref<1x128x32xf32, #tpu.memory_space<vmem>> -> memref<128x32xf32, #tpu.memory_space<vmem>>
        %dma_start3A_221 = arith.constant 0 : i32
        %dma_start3A_222 = arith.constant 0 : i32
        %dma_start3A_223 = tpu.memref_slice %dma_start3A_220[%dma_start3A_221, %dma_start3A_222] : memref<128x32xf32, #tpu.memory_space<vmem>> -> memref<120x32xf32, #tpu.memory_space<vmem>>
        tpu.enqueue_dma source(%dma_start3A_223 : memref<120x32xf32, #tpu.memory_space<vmem>>) target(%dma_start3A_216 : memref<120x32xf32, #tpu.memory_space<vmem_shared>>) target_semaphore(%run_scoped3A : memref<!tpu.dma_semaphore, #tpu.memory_space<semaphore_mem>>)
        %dma_wait3A_224 = arith.constant 0 : i32
        %dma_wait3A_225 = arith.constant 0 : i32
        %dma_wait3A_226 = tpu.memref_slice %arg8[%cond3A_33, %dma_wait3A_224, %dma_wait3A_225] : memref<4x128x32xf32, #tpu.memory_space<vmem>> -> memref<1x128x32xf32, #tpu.memory_space<vmem>>
        %dma_wait3A_227 = tpu.memref_squeeze %dma_wait3A_226 : memref<1x128x32xf32, #tpu.memory_space<vmem>> -> memref<128x32xf32, #tpu.memory_space<vmem>>
        %dma_wait3A_228 = arith.constant 0 : i32
        %dma_wait3A_229 = arith.constant 0 : i32
        %dma_wait3A_230 = tpu.memref_slice %dma_wait3A_227[%dma_wait3A_228, %dma_wait3A_229] : memref<128x32xf32, #tpu.memory_space<vmem>> -> memref<120x32xf32, #tpu.memory_space<vmem>>
        %dma_wait3A_231 = arith.constant 0 : i32
        %dma_wait3A_232 = tpu.memref_slice %arg9[%add3A_205, %dma_wait3A_231] : memref<10008x32xf32, #tpu.memory_space<vmem_shared>> -> memref<120x32xf32, #tpu.memory_space<vmem_shared>>
        %dma_wait3A_233 = arith.constant 0 : i32
        %dma_wait3A_234 = tpu.memref_slice %arg9[%add3A_205, %dma_wait3A_233] : memref<10008x32xf32, #tpu.memory_space<vmem_shared>> -> memref<120x32xf32, #tpu.memory_space<vmem_shared>>
        %dma_wait3A_235 = arith.constant 0 : i32
        %dma_wait3A_236 = arith.constant 0 : i32
        %dma_wait3A_237 = tpu.memref_slice %arg8[%cond3A_33, %dma_wait3A_235, %dma_wait3A_236] : memref<4x128x32xf32, #tpu.memory_space<vmem>> -> memref<1x128x32xf32, #tpu.memory_space<vmem>>
        %dma_wait3A_238 = tpu.memref_squeeze %dma_wait3A_237 : memref<1x128x32xf32, #tpu.memory_space<vmem>> -> memref<128x32xf32, #tpu.memory_space<vmem>>
        %dma_wait3A_239 = arith.constant 0 : i32
        %dma_wait3A_240 = arith.constant 0 : i32
        %dma_wait3A_241 = tpu.memref_slice %dma_wait3A_238[%dma_wait3A_239, %dma_wait3A_240] : memref<128x32xf32, #tpu.memory_space<vmem>> -> memref<120x32xf32, #tpu.memory_space<vmem>>
        tpu.wait_dma2 semaphore(%run_scoped3A : memref<!tpu.dma_semaphore, #tpu.memory_space<semaphore_mem>>) src(%dma_wait3A_241 : memref<120x32xf32, #tpu.memory_space<vmem>>) dst(%dma_wait3A_234 : memref<120x32xf32, #tpu.memory_space<vmem_shared>>)
        tpu.yield
      }) : () -> ()
    } else {
    }
    %eq3A_36 = arith.constant 15 : i32
    %eq3A_37 = arith.cmpi eq, %arg1, %eq3A_36 : i32
    %convert_element_type3A_38 = arith.extui %eq3A_37 : i1 to i32
    %cond3A_39 = arith.constant 0 : i32
    %cond3A_40 = arith.constant 0 : i32
    %cond3A_41 = arith.cmpi ne, %convert_element_type3A_38, %cond3A_40 : i32
    scf.if %cond3A_41 {
      %add3A_204 = arith.constant 512 : i32
      %add3A_205 = arith.addi %mul3A_23, %add3A_204 : i32
      "tpu.region"() ({
        %run_scoped3A = tpu.sem_alloc : memref<!tpu.dma_semaphore, #tpu.memory_space<semaphore_mem>>
        %dma_start3A_206 = arith.constant 0 : i32
        %dma_start3A_207 = arith.constant 0 : i32
        %dma_start3A_208 = tpu.memref_slice %arg8[%cond3A_39, %dma_start3A_206, %dma_start3A_207] : memref<4x128x32xf32, #tpu.memory_space<vmem>> -> memref<1x128x32xf32, #tpu.memory_space<vmem>>
        %dma_start3A_209 = tpu.memref_squeeze %dma_start3A_208 : memref<1x128x32xf32, #tpu.memory_space<vmem>> -> memref<128x32xf32, #tpu.memory_space<vmem>>
        %dma_start3A_210 = arith.constant 0 : i32
        %dma_start3A_211 = arith.constant 0 : i32
        %dma_start3A_212 = tpu.memref_slice %dma_start3A_209[%dma_start3A_210, %dma_start3A_211] : memref<128x32xf32, #tpu.memory_space<vmem>> -> memref<16x32xf32, #tpu.memory_space<vmem>>
        %dma_start3A_213 = arith.constant 0 : i32
        %dma_start3A_214 = tpu.memref_slice %arg9[%add3A_205, %dma_start3A_213] : memref<10008x32xf32, #tpu.memory_space<vmem_shared>> -> memref<16x32xf32, #tpu.memory_space<vmem_shared>>
        %dma_start3A_215 = arith.constant 0 : i32
        %dma_start3A_216 = tpu.memref_slice %arg9[%add3A_205, %dma_start3A_215] : memref<10008x32xf32, #tpu.memory_space<vmem_shared>> -> memref<16x32xf32, #tpu.memory_space<vmem_shared>>
        %dma_start3A_217 = arith.constant 0 : i32
        %dma_start3A_218 = arith.constant 0 : i32
        %dma_start3A_219 = tpu.memref_slice %arg8[%cond3A_39, %dma_start3A_217, %dma_start3A_218] : memref<4x128x32xf32, #tpu.memory_space<vmem>> -> memref<1x128x32xf32, #tpu.memory_space<vmem>>
        %dma_start3A_220 = tpu.memref_squeeze %dma_start3A_219 : memref<1x128x32xf32, #tpu.memory_space<vmem>> -> memref<128x32xf32, #tpu.memory_space<vmem>>
        %dma_start3A_221 = arith.constant 0 : i32
        %dma_start3A_222 = arith.constant 0 : i32
        %dma_start3A_223 = tpu.memref_slice %dma_start3A_220[%dma_start3A_221, %dma_start3A_222] : memref<128x32xf32, #tpu.memory_space<vmem>> -> memref<16x32xf32, #tpu.memory_space<vmem>>
        tpu.enqueue_dma source(%dma_start3A_223 : memref<16x32xf32, #tpu.memory_space<vmem>>) target(%dma_start3A_216 : memref<16x32xf32, #tpu.memory_space<vmem_shared>>) target_semaphore(%run_scoped3A : memref<!tpu.dma_semaphore, #tpu.memory_space<semaphore_mem>>)
        %dma_wait3A_224 = arith.constant 0 : i32
        %dma_wait3A_225 = arith.constant 0 : i32
        %dma_wait3A_226 = tpu.memref_slice %arg8[%cond3A_39, %dma_wait3A_224, %dma_wait3A_225] : memref<4x128x32xf32, #tpu.memory_space<vmem>> -> memref<1x128x32xf32, #tpu.memory_space<vmem>>
        %dma_wait3A_227 = tpu.memref_squeeze %dma_wait3A_226 : memref<1x128x32xf32, #tpu.memory_space<vmem>> -> memref<128x32xf32, #tpu.memory_space<vmem>>
        %dma_wait3A_228 = arith.constant 0 : i32
        %dma_wait3A_229 = arith.constant 0 : i32
        %dma_wait3A_230 = tpu.memref_slice %dma_wait3A_227[%dma_wait3A_228, %dma_wait3A_229] : memref<128x32xf32, #tpu.memory_space<vmem>> -> memref<16x32xf32, #tpu.memory_space<vmem>>
        %dma_wait3A_231 = arith.constant 0 : i32
        %dma_wait3A_232 = tpu.memref_slice %arg9[%add3A_205, %dma_wait3A_231] : memref<10008x32xf32, #tpu.memory_space<vmem_shared>> -> memref<16x32xf32, #tpu.memory_space<vmem_shared>>
        %dma_wait3A_233 = arith.constant 0 : i32
        %dma_wait3A_234 = tpu.memref_slice %arg9[%add3A_205, %dma_wait3A_233] : memref<10008x32xf32, #tpu.memory_space<vmem_shared>> -> memref<16x32xf32, #tpu.memory_space<vmem_shared>>
        %dma_wait3A_235 = arith.constant 0 : i32
        %dma_wait3A_236 = arith.constant 0 : i32
        %dma_wait3A_237 = tpu.memref_slice %arg8[%cond3A_39, %dma_wait3A_235, %dma_wait3A_236] : memref<4x128x32xf32, #tpu.memory_space<vmem>> -> memref<1x128x32xf32, #tpu.memory_space<vmem>>
        %dma_wait3A_238 = tpu.memref_squeeze %dma_wait3A_237 : memref<1x128x32xf32, #tpu.memory_space<vmem>> -> memref<128x32xf32, #tpu.memory_space<vmem>>
        %dma_wait3A_239 = arith.constant 0 : i32
        %dma_wait3A_240 = arith.constant 0 : i32
        %dma_wait3A_241 = tpu.memref_slice %dma_wait3A_238[%dma_wait3A_239, %dma_wait3A_240] : memref<128x32xf32, #tpu.memory_space<vmem>> -> memref<16x32xf32, #tpu.memory_space<vmem>>
        tpu.wait_dma2 semaphore(%run_scoped3A : memref<!tpu.dma_semaphore, #tpu.memory_space<semaphore_mem>>) src(%dma_wait3A_241 : memref<16x32xf32, #tpu.memory_space<vmem>>) dst(%dma_wait3A_234 : memref<16x32xf32, #tpu.memory_space<vmem_shared>>)
        tpu.yield
      }) : () -> ()
    } else {
    }
    %barrier3A = arith.constant 0 : index
    tpu.barrier barrier_id(%barrier3A)
    %dma_start3A = arith.constant 0 : i32
    %dma_start3A_42 = arith.constant 0 : i32
    %dma_start3A_43 = arith.constant 0 : i32
    %dma_start3A_44 = arith.constant 0 : i32
    %dma_start3A_45 = arith.constant 0 : i32
    %dma_start3A_46 = tpu.memref_slice %arg8[%dma_start3A_42, %dma_start3A_44, %dma_start3A_45] : memref<4x128x32xf32, #tpu.memory_space<vmem>> -> memref<1x128x32xf32, #tpu.memory_space<vmem>>
    %dma_start3A_47 = tpu.memref_squeeze %dma_start3A_46 : memref<1x128x32xf32, #tpu.memory_space<vmem>> -> memref<128x32xf32, #tpu.memory_space<vmem>>
    %dma_start3A_48 = arith.constant 0 : i32
    %dma_start3A_49 = tpu.memref_slice %arg6[%dma_start3A, %dma_start3A_48] : memref<152x128xi32, #tpu.memory_space<vmem>> -> memref<1x128xi32, #tpu.memory_space<vmem>>
    %dma_start3A_50 = tpu.memref_squeeze %dma_start3A_49 : memref<1x128xi32, #tpu.memory_space<vmem>> -> memref<128xi32, #tpu.memory_space<vmem>>
    %dma_start3A_51 = arith.constant 0 : i32
    %dma_start3A_52 = arith.constant 0 : i32
    %dma_start3A_53 = tpu.memref_slice %arg2[%dma_start3A_51, %dma_start3A_52] : memref<10000x32xf32, #tpu.memory_space<hbm>> -> memref<10000x32xf32, #tpu.memory_space<hbm>>
    %dma_start3A_54 = tpu.memref_slice %arg10[%dma_start3A_43] : memref<4x!tpu.dma_semaphore, #tpu.memory_space<semaphore_mem>> -> memref<1x!tpu.dma_semaphore, #tpu.memory_space<semaphore_mem>>
    %dma_start3A_55 = tpu.memref_squeeze %dma_start3A_54 : memref<1x!tpu.dma_semaphore, #tpu.memory_space<semaphore_mem>> -> memref<!tpu.dma_semaphore, #tpu.memory_space<semaphore_mem>>
    tpu.enqueue_indirect_dma source(%dma_start3A_53 : memref<10000x32xf32, #tpu.memory_space<hbm>>) target(%dma_start3A_47 : memref<128x32xf32, #tpu.memory_space<vmem>>) offsets(%dma_start3A_50 : memref<128xi32, #tpu.memory_space<vmem>>) semaphore(%dma_start3A_55 : memref<!tpu.dma_semaphore, #tpu.memory_space<semaphore_mem>>)
    %dma_start3A_56 = arith.constant 1 : i32
    %dma_start3A_57 = arith.constant 1 : i32
    %dma_start3A_58 = arith.constant 1 : i32
    %dma_start3A_59 = arith.constant 0 : i32
    %dma_start3A_60 = arith.constant 0 : i32
    %dma_start3A_61 = tpu.memref_slice %arg8[%dma_start3A_57, %dma_start3A_59, %dma_start3A_60] : memref<4x128x32xf32, #tpu.memory_space<vmem>> -> memref<1x128x32xf32, #tpu.memory_space<vmem>>
    %dma_start3A_62 = tpu.memref_squeeze %dma_start3A_61 : memref<1x128x32xf32, #tpu.memory_space<vmem>> -> memref<128x32xf32, #tpu.memory_space<vmem>>
    %dma_start3A_63 = arith.constant 0 : i32
    %dma_start3A_64 = tpu.memref_slice %arg6[%dma_start3A_56, %dma_start3A_63] : memref<152x128xi32, #tpu.memory_space<vmem>> -> memref<1x128xi32, #tpu.memory_space<vmem>>
    %dma_start3A_65 = tpu.memref_squeeze %dma_start3A_64 : memref<1x128xi32, #tpu.memory_space<vmem>> -> memref<128xi32, #tpu.memory_space<vmem>>
    %dma_start3A_66 = arith.constant 0 : i32
    %dma_start3A_67 = arith.constant 0 : i32
    %dma_start3A_68 = tpu.memref_slice %arg2[%dma_start3A_66, %dma_start3A_67] : memref<10000x32xf32, #tpu.memory_space<hbm>> -> memref<10000x32xf32, #tpu.memory_space<hbm>>
    %dma_start3A_69 = tpu.memref_slice %arg10[%dma_start3A_58] : memref<4x!tpu.dma_semaphore, #tpu.memory_space<semaphore_mem>> -> memref<1x!tpu.dma_semaphore, #tpu.memory_space<semaphore_mem>>
    %dma_start3A_70 = tpu.memref_squeeze %dma_start3A_69 : memref<1x!tpu.dma_semaphore, #tpu.memory_space<semaphore_mem>> -> memref<!tpu.dma_semaphore, #tpu.memory_space<semaphore_mem>>
    tpu.enqueue_indirect_dma source(%dma_start3A_68 : memref<10000x32xf32, #tpu.memory_space<hbm>>) target(%dma_start3A_62 : memref<128x32xf32, #tpu.memory_space<vmem>>) offsets(%dma_start3A_65 : memref<128xi32, #tpu.memory_space<vmem>>) semaphore(%dma_start3A_70 : memref<!tpu.dma_semaphore, #tpu.memory_space<semaphore_mem>>)
    %dma_start3A_71 = arith.constant 2 : i32
    %dma_start3A_72 = arith.constant 2 : i32
    %dma_start3A_73 = arith.constant 2 : i32
    %dma_start3A_74 = arith.constant 0 : i32
    %dma_start3A_75 = arith.constant 0 : i32
    %dma_start3A_76 = tpu.memref_slice %arg8[%dma_start3A_72, %dma_start3A_74, %dma_start3A_75] : memref<4x128x32xf32, #tpu.memory_space<vmem>> -> memref<1x128x32xf32, #tpu.memory_space<vmem>>
    %dma_start3A_77 = tpu.memref_squeeze %dma_start3A_76 : memref<1x128x32xf32, #tpu.memory_space<vmem>> -> memref<128x32xf32, #tpu.memory_space<vmem>>
    %dma_start3A_78 = arith.constant 0 : i32
    %dma_start3A_79 = tpu.memref_slice %arg6[%dma_start3A_71, %dma_start3A_78] : memref<152x128xi32, #tpu.memory_space<vmem>> -> memref<1x128xi32, #tpu.memory_space<vmem>>
    %dma_start3A_80 = tpu.memref_squeeze %dma_start3A_79 : memref<1x128xi32, #tpu.memory_space<vmem>> -> memref<128xi32, #tpu.memory_space<vmem>>
    %dma_start3A_81 = arith.constant 0 : i32
    %dma_start3A_82 = arith.constant 0 : i32
    %dma_start3A_83 = tpu.memref_slice %arg2[%dma_start3A_81, %dma_start3A_82] : memref<10000x32xf32, #tpu.memory_space<hbm>> -> memref<10000x32xf32, #tpu.memory_space<hbm>>
    %dma_start3A_84 = tpu.memref_slice %arg10[%dma_start3A_73] : memref<4x!tpu.dma_semaphore, #tpu.memory_space<semaphore_mem>> -> memref<1x!tpu.dma_semaphore, #tpu.memory_space<semaphore_mem>>
    %dma_start3A_85 = tpu.memref_squeeze %dma_start3A_84 : memref<1x!tpu.dma_semaphore, #tpu.memory_space<semaphore_mem>> -> memref<!tpu.dma_semaphore, #tpu.memory_space<semaphore_mem>>
    tpu.enqueue_indirect_dma source(%dma_start3A_83 : memref<10000x32xf32, #tpu.memory_space<hbm>>) target(%dma_start3A_77 : memref<128x32xf32, #tpu.memory_space<vmem>>) offsets(%dma_start3A_80 : memref<128xi32, #tpu.memory_space<vmem>>) semaphore(%dma_start3A_85 : memref<!tpu.dma_semaphore, #tpu.memory_space<semaphore_mem>>)
    %dma_start3A_86 = arith.constant 3 : i32
    %dma_start3A_87 = arith.constant 3 : i32
    %dma_start3A_88 = arith.constant 3 : i32
    %dma_start3A_89 = arith.constant 0 : i32
    %dma_start3A_90 = arith.constant 0 : i32
    %dma_start3A_91 = tpu.memref_slice %arg8[%dma_start3A_87, %dma_start3A_89, %dma_start3A_90] : memref<4x128x32xf32, #tpu.memory_space<vmem>> -> memref<1x128x32xf32, #tpu.memory_space<vmem>>
    %dma_start3A_92 = tpu.memref_squeeze %dma_start3A_91 : memref<1x128x32xf32, #tpu.memory_space<vmem>> -> memref<128x32xf32, #tpu.memory_space<vmem>>
    %dma_start3A_93 = arith.constant 0 : i32
    %dma_start3A_94 = tpu.memref_slice %arg6[%dma_start3A_86, %dma_start3A_93] : memref<152x128xi32, #tpu.memory_space<vmem>> -> memref<1x128xi32, #tpu.memory_space<vmem>>
    %dma_start3A_95 = tpu.memref_squeeze %dma_start3A_94 : memref<1x128xi32, #tpu.memory_space<vmem>> -> memref<128xi32, #tpu.memory_space<vmem>>
    %dma_start3A_96 = arith.constant 0 : i32
    %dma_start3A_97 = arith.constant 0 : i32
    %dma_start3A_98 = tpu.memref_slice %arg2[%dma_start3A_96, %dma_start3A_97] : memref<10000x32xf32, #tpu.memory_space<hbm>> -> memref<10000x32xf32, #tpu.memory_space<hbm>>
    %dma_start3A_99 = tpu.memref_slice %arg10[%dma_start3A_88] : memref<4x!tpu.dma_semaphore, #tpu.memory_space<semaphore_mem>> -> memref<1x!tpu.dma_semaphore, #tpu.memory_space<semaphore_mem>>
    %dma_start3A_100 = tpu.memref_squeeze %dma_start3A_99 : memref<1x!tpu.dma_semaphore, #tpu.memory_space<semaphore_mem>> -> memref<!tpu.dma_semaphore, #tpu.memory_space<semaphore_mem>>
    tpu.enqueue_indirect_dma source(%dma_start3A_98 : memref<10000x32xf32, #tpu.memory_space<hbm>>) target(%dma_start3A_92 : memref<128x32xf32, #tpu.memory_space<vmem>>) offsets(%dma_start3A_95 : memref<128xi32, #tpu.memory_space<vmem>>) semaphore(%dma_start3A_100 : memref<!tpu.dma_semaphore, #tpu.memory_space<semaphore_mem>>)
    %jit3A_101 = arith.constant 4 : i32
    %div3A = arith.divsi %select_n3A_8, %jit3A_101 : i32
    %sign3A = arith.constant 0 : i32
    %sign3A_102 = arith.cmpi sgt, %select_n3A_8, %sign3A : i32
    %sign3A_103 = arith.extui %sign3A_102 : i1 to i32
    %sign3A_104 = arith.constant 0 : i32
    %sign3A_105 = arith.cmpi slt, %select_n3A_8, %sign3A_104 : i32
    %sign3A_106 = arith.extui %sign3A_105 : i1 to i32
    %sign3A_107 = arith.subi %sign3A_103, %sign3A_106 : i32
    %sign3A_108 = arith.constant 0 : i32
    %sign3A_109 = arith.cmpi sgt, %jit3A_101, %sign3A_108 : i32
    %sign3A_110 = arith.extui %sign3A_109 : i1 to i32
    %sign3A_111 = arith.constant 0 : i32
    %sign3A_112 = arith.cmpi slt, %jit3A_101, %sign3A_111 : i32
    %sign3A_113 = arith.extui %sign3A_112 : i1 to i32
    %sign3A_114 = arith.subi %sign3A_110, %sign3A_113 : i32
    %ne3A_115 = arith.cmpi ne, %sign3A_107, %sign3A_114 : i32
    %rem3A = arith.remsi %select_n3A_8, %jit3A_101 : i32
    %ne3A_116 = arith.constant 0 : i32
    %ne3A_117 = arith.cmpi ne, %rem3A, %ne3A_116 : i32
    %and3A = arith.andi %ne3A_115, %ne3A_117 : i1
    %sub3A = arith.constant 1 : i32
    %sub3A_118 = arith.subi %div3A, %sub3A : i32
    %select_n3A_119 = arith.select %and3A, %sub3A_118, %div3A : i32
    %while3A = arith.constant 0 : i32
    %while3A_120 = arith.constant 0 : i32
    %while3A_121 = arith.subi %select_n3A_119, %while3A_120 : i32
    %while3A_122 = arith.addi %while3A_120, %while3A_121 : i32
    %while3A_123 = arith.constant 1 : i32
    %while3A_124 = arith.divsi %while3A_121, %while3A_123 : i32
    %while3A_125 = arith.muli %while3A_124, %while3A_123 : i32
    %while3A_126 = arith.addi %while3A_120, %while3A_125 : i32
    %while3A_127 = arith.constant 1 : i32
    scf.for %while3A_204 = %while3A_120 to %while3A_126 step %while3A_127  : i32 {
      %mul3A_205 = arith.constant 4 : i32
      %mul3A_206 = arith.muli %while3A_204, %mul3A_205 : i32
      %dma_wait3A_207 = arith.constant 0 : i32
      %dma_wait3A_208 = arith.constant 0 : i32
      %dma_wait3A_209 = arith.constant 0 : i32
      %dma_wait3A_210 = arith.constant 0 : i32
      %dma_wait3A_211 = arith.constant 0 : i32
      %dma_wait3A_212 = tpu.memref_slice %arg8[%dma_wait3A_208, %dma_wait3A_210, %dma_wait3A_211] : memref<4x128x32xf32, #tpu.memory_space<vmem>> -> memref<1x128x32xf32, #tpu.memory_space<vmem>>
      %dma_wait3A_213 = tpu.memref_squeeze %dma_wait3A_212 : memref<1x128x32xf32, #tpu.memory_space<vmem>> -> memref<128x32xf32, #tpu.memory_space<vmem>>
      %dma_wait3A_214 = arith.constant 0 : i32
      %dma_wait3A_215 = tpu.memref_slice %arg6[%dma_wait3A_207, %dma_wait3A_214] : memref<152x128xi32, #tpu.memory_space<vmem>> -> memref<1x128xi32, #tpu.memory_space<vmem>>
      %dma_wait3A_216 = tpu.memref_squeeze %dma_wait3A_215 : memref<1x128xi32, #tpu.memory_space<vmem>> -> memref<128xi32, #tpu.memory_space<vmem>>
      %dma_wait3A_217 = arith.constant 0 : i32
      %dma_wait3A_218 = arith.constant 0 : i32
      %dma_wait3A_219 = tpu.memref_slice %arg2[%dma_wait3A_217, %dma_wait3A_218] : memref<10000x32xf32, #tpu.memory_space<hbm>> -> memref<10000x32xf32, #tpu.memory_space<hbm>>
      %dma_wait3A_220 = tpu.memref_slice %arg10[%dma_wait3A_209] : memref<4x!tpu.dma_semaphore, #tpu.memory_space<semaphore_mem>> -> memref<1x!tpu.dma_semaphore, #tpu.memory_space<semaphore_mem>>
      %dma_wait3A_221 = tpu.memref_squeeze %dma_wait3A_220 : memref<1x!tpu.dma_semaphore, #tpu.memory_space<semaphore_mem>> -> memref<!tpu.dma_semaphore, #tpu.memory_space<semaphore_mem>>
      tpu.wait_indirect_dma semaphore(%dma_wait3A_221 : memref<!tpu.dma_semaphore, #tpu.memory_space<semaphore_mem>>) src(%dma_wait3A_219 : memref<10000x32xf32, #tpu.memory_space<hbm>>) dst(%dma_wait3A_213 : memref<128x32xf32, #tpu.memory_space<vmem>>)
      %add3A_222 = arith.constant 0 : i32
      %add3A_223 = arith.addi %mul3A_206, %add3A_222 : i32
      %dma_start3A_224 = arith.constant 0 : i32
      %dma_start3A_225 = arith.constant 0 : i32
      %dma_start3A_226 = arith.constant 0 : i32
      %dma_start3A_227 = arith.constant 0 : i32
      %dma_start3A_228 = tpu.memref_slice %arg8[%dma_start3A_224, %dma_start3A_226, %dma_start3A_227] : memref<4x128x32xf32, #tpu.memory_space<vmem>> -> memref<1x128x32xf32, #tpu.memory_space<vmem>>
      %dma_start3A_229 = tpu.memref_squeeze %dma_start3A_228 : memref<1x128x32xf32, #tpu.memory_space<vmem>> -> memref<128x32xf32, #tpu.memory_space<vmem>>
      %dma_start3A_230 = arith.constant 0 : i32
      %dma_start3A_231 = tpu.memref_slice %arg7[%add3A_223, %dma_start3A_230] : memref<152x128xi32, #tpu.memory_space<vmem>> -> memref<1x128xi32, #tpu.memory_space<vmem>>
      %dma_start3A_232 = tpu.memref_squeeze %dma_start3A_231 : memref<1x128xi32, #tpu.memory_space<vmem>> -> memref<128xi32, #tpu.memory_space<vmem>>
      %dma_start3A_233 = arith.constant 0 : i32
      %dma_start3A_234 = arith.constant 0 : i32
      %dma_start3A_235 = tpu.memref_slice %arg9[%dma_start3A_233, %dma_start3A_234] : memref<10008x32xf32, #tpu.memory_space<vmem_shared>> -> memref<10008x32xf32, #tpu.memory_space<vmem_shared>>
      %dma_start3A_236 = tpu.memref_slice %arg11[%dma_start3A_225] : memref<4x!tpu.dma_semaphore, #tpu.memory_space<semaphore_mem>> -> memref<1x!tpu.dma_semaphore, #tpu.memory_space<semaphore_mem>>
      %dma_start3A_237 = tpu.memref_squeeze %dma_start3A_236 : memref<1x!tpu.dma_semaphore, #tpu.memory_space<semaphore_mem>> -> memref<!tpu.dma_semaphore, #tpu.memory_space<semaphore_mem>>
      tpu.enqueue_indirect_dma source(%dma_start3A_229 : memref<128x32xf32, #tpu.memory_space<vmem>>) target(%dma_start3A_235 : memref<10008x32xf32, #tpu.memory_space<vmem_shared>>) offsets(%dma_start3A_232 : memref<128xi32, #tpu.memory_space<vmem>>) semaphore(%dma_start3A_237 : memref<!tpu.dma_semaphore, #tpu.memory_space<semaphore_mem>>) {add = true}
      %dma_wait3A_238 = arith.constant 0 : i32
      %dma_wait3A_239 = arith.constant 1 : i32
      %dma_wait3A_240 = arith.constant 1 : i32
      %dma_wait3A_241 = arith.constant 0 : i32
      %dma_wait3A_242 = arith.constant 0 : i32
      %dma_wait3A_243 = tpu.memref_slice %arg8[%dma_wait3A_239, %dma_wait3A_241, %dma_wait3A_242] : memref<4x128x32xf32, #tpu.memory_space<vmem>> -> memref<1x128x32xf32, #tpu.memory_space<vmem>>
      %dma_wait3A_244 = tpu.memref_squeeze %dma_wait3A_243 : memref<1x128x32xf32, #tpu.memory_space<vmem>> -> memref<128x32xf32, #tpu.memory_space<vmem>>
      %dma_wait3A_245 = arith.constant 0 : i32
      %dma_wait3A_246 = tpu.memref_slice %arg6[%dma_wait3A_238, %dma_wait3A_245] : memref<152x128xi32, #tpu.memory_space<vmem>> -> memref<1x128xi32, #tpu.memory_space<vmem>>
      %dma_wait3A_247 = tpu.memref_squeeze %dma_wait3A_246 : memref<1x128xi32, #tpu.memory_space<vmem>> -> memref<128xi32, #tpu.memory_space<vmem>>
      %dma_wait3A_248 = arith.constant 0 : i32
      %dma_wait3A_249 = arith.constant 0 : i32
      %dma_wait3A_250 = tpu.memref_slice %arg2[%dma_wait3A_248, %dma_wait3A_249] : memref<10000x32xf32, #tpu.memory_space<hbm>> -> memref<10000x32xf32, #tpu.memory_space<hbm>>
      %dma_wait3A_251 = tpu.memref_slice %arg10[%dma_wait3A_240] : memref<4x!tpu.dma_semaphore, #tpu.memory_space<semaphore_mem>> -> memref<1x!tpu.dma_semaphore, #tpu.memory_space<semaphore_mem>>
      %dma_wait3A_252 = tpu.memref_squeeze %dma_wait3A_251 : memref<1x!tpu.dma_semaphore, #tpu.memory_space<semaphore_mem>> -> memref<!tpu.dma_semaphore, #tpu.memory_space<semaphore_mem>>
      tpu.wait_indirect_dma semaphore(%dma_wait3A_252 : memref<!tpu.dma_semaphore, #tpu.memory_space<semaphore_mem>>) src(%dma_wait3A_250 : memref<10000x32xf32, #tpu.memory_space<hbm>>) dst(%dma_wait3A_244 : memref<128x32xf32, #tpu.memory_space<vmem>>)
      %add3A_253 = arith.constant 1 : i32
      %add3A_254 = arith.addi %mul3A_206, %add3A_253 : i32
      %dma_start3A_255 = arith.constant 1 : i32
      %dma_start3A_256 = arith.constant 1 : i32
      %dma_start3A_257 = arith.constant 0 : i32
      %dma_start3A_258 = arith.constant 0 : i32
      %dma_start3A_259 = tpu.memref_slice %arg8[%dma_start3A_255, %dma_start3A_257, %dma_start3A_258] : memref<4x128x32xf32, #tpu.memory_space<vmem>> -> memref<1x128x32xf32, #tpu.memory_space<vmem>>
      %dma_start3A_260 = tpu.memref_squeeze %dma_start3A_259 : memref<1x128x32xf32, #tpu.memory_space<vmem>> -> memref<128x32xf32, #tpu.memory_space<vmem>>
      %dma_start3A_261 = arith.constant 0 : i32
      %dma_start3A_262 = tpu.memref_slice %arg7[%add3A_254, %dma_start3A_261] : memref<152x128xi32, #tpu.memory_space<vmem>> -> memref<1x128xi32, #tpu.memory_space<vmem>>
      %dma_start3A_263 = tpu.memref_squeeze %dma_start3A_262 : memref<1x128xi32, #tpu.memory_space<vmem>> -> memref<128xi32, #tpu.memory_space<vmem>>
      %dma_start3A_264 = arith.constant 0 : i32
      %dma_start3A_265 = arith.constant 0 : i32
      %dma_start3A_266 = tpu.memref_slice %arg9[%dma_start3A_264, %dma_start3A_265] : memref<10008x32xf32, #tpu.memory_space<vmem_shared>> -> memref<10008x32xf32, #tpu.memory_space<vmem_shared>>
      %dma_start3A_267 = tpu.memref_slice %arg11[%dma_start3A_256] : memref<4x!tpu.dma_semaphore, #tpu.memory_space<semaphore_mem>> -> memref<1x!tpu.dma_semaphore, #tpu.memory_space<semaphore_mem>>
      %dma_start3A_268 = tpu.memref_squeeze %dma_start3A_267 : memref<1x!tpu.dma_semaphore, #tpu.memory_space<semaphore_mem>> -> memref<!tpu.dma_semaphore, #tpu.memory_space<semaphore_mem>>
      tpu.enqueue_indirect_dma source(%dma_start3A_260 : memref<128x32xf32, #tpu.memory_space<vmem>>) target(%dma_start3A_266 : memref<10008x32xf32, #tpu.memory_space<vmem_shared>>) offsets(%dma_start3A_263 : memref<128xi32, #tpu.memory_space<vmem>>) semaphore(%dma_start3A_268 : memref<!tpu.dma_semaphore, #tpu.memory_space<semaphore_mem>>) {add = true}
      %dma_wait3A_269 = arith.constant 0 : i32
      %dma_wait3A_270 = arith.constant 2 : i32
      %dma_wait3A_271 = arith.constant 2 : i32
      %dma_wait3A_272 = arith.constant 0 : i32
      %dma_wait3A_273 = arith.constant 0 : i32
      %dma_wait3A_274 = tpu.memref_slice %arg8[%dma_wait3A_270, %dma_wait3A_272, %dma_wait3A_273] : memref<4x128x32xf32, #tpu.memory_space<vmem>> -> memref<1x128x32xf32, #tpu.memory_space<vmem>>
      %dma_wait3A_275 = tpu.memref_squeeze %dma_wait3A_274 : memref<1x128x32xf32, #tpu.memory_space<vmem>> -> memref<128x32xf32, #tpu.memory_space<vmem>>
      %dma_wait3A_276 = arith.constant 0 : i32
      %dma_wait3A_277 = tpu.memref_slice %arg6[%dma_wait3A_269, %dma_wait3A_276] : memref<152x128xi32, #tpu.memory_space<vmem>> -> memref<1x128xi32, #tpu.memory_space<vmem>>
      %dma_wait3A_278 = tpu.memref_squeeze %dma_wait3A_277 : memref<1x128xi32, #tpu.memory_space<vmem>> -> memref<128xi32, #tpu.memory_space<vmem>>
      %dma_wait3A_279 = arith.constant 0 : i32
      %dma_wait3A_280 = arith.constant 0 : i32
      %dma_wait3A_281 = tpu.memref_slice %arg2[%dma_wait3A_279, %dma_wait3A_280] : memref<10000x32xf32, #tpu.memory_space<hbm>> -> memref<10000x32xf32, #tpu.memory_space<hbm>>
      %dma_wait3A_282 = tpu.memref_slice %arg10[%dma_wait3A_271] : memref<4x!tpu.dma_semaphore, #tpu.memory_space<semaphore_mem>> -> memref<1x!tpu.dma_semaphore, #tpu.memory_space<semaphore_mem>>
      %dma_wait3A_283 = tpu.memref_squeeze %dma_wait3A_282 : memref<1x!tpu.dma_semaphore, #tpu.memory_space<semaphore_mem>> -> memref<!tpu.dma_semaphore, #tpu.memory_space<semaphore_mem>>
      tpu.wait_indirect_dma semaphore(%dma_wait3A_283 : memref<!tpu.dma_semaphore, #tpu.memory_space<semaphore_mem>>) src(%dma_wait3A_281 : memref<10000x32xf32, #tpu.memory_space<hbm>>) dst(%dma_wait3A_275 : memref<128x32xf32, #tpu.memory_space<vmem>>)
      %add3A_284 = arith.constant 2 : i32
      %add3A_285 = arith.addi %mul3A_206, %add3A_284 : i32
      %dma_start3A_286 = arith.constant 2 : i32
      %dma_start3A_287 = arith.constant 2 : i32
      %dma_start3A_288 = arith.constant 0 : i32
      %dma_start3A_289 = arith.constant 0 : i32
      %dma_start3A_290 = tpu.memref_slice %arg8[%dma_start3A_286, %dma_start3A_288, %dma_start3A_289] : memref<4x128x32xf32, #tpu.memory_space<vmem>> -> memref<1x128x32xf32, #tpu.memory_space<vmem>>
      %dma_start3A_291 = tpu.memref_squeeze %dma_start3A_290 : memref<1x128x32xf32, #tpu.memory_space<vmem>> -> memref<128x32xf32, #tpu.memory_space<vmem>>
      %dma_start3A_292 = arith.constant 0 : i32
      %dma_start3A_293 = tpu.memref_slice %arg7[%add3A_285, %dma_start3A_292] : memref<152x128xi32, #tpu.memory_space<vmem>> -> memref<1x128xi32, #tpu.memory_space<vmem>>
      %dma_start3A_294 = tpu.memref_squeeze %dma_start3A_293 : memref<1x128xi32, #tpu.memory_space<vmem>> -> memref<128xi32, #tpu.memory_space<vmem>>
      %dma_start3A_295 = arith.constant 0 : i32
      %dma_start3A_296 = arith.constant 0 : i32
      %dma_start3A_297 = tpu.memref_slice %arg9[%dma_start3A_295, %dma_start3A_296] : memref<10008x32xf32, #tpu.memory_space<vmem_shared>> -> memref<10008x32xf32, #tpu.memory_space<vmem_shared>>
      %dma_start3A_298 = tpu.memref_slice %arg11[%dma_start3A_287] : memref<4x!tpu.dma_semaphore, #tpu.memory_space<semaphore_mem>> -> memref<1x!tpu.dma_semaphore, #tpu.memory_space<semaphore_mem>>
      %dma_start3A_299 = tpu.memref_squeeze %dma_start3A_298 : memref<1x!tpu.dma_semaphore, #tpu.memory_space<semaphore_mem>> -> memref<!tpu.dma_semaphore, #tpu.memory_space<semaphore_mem>>
      tpu.enqueue_indirect_dma source(%dma_start3A_291 : memref<128x32xf32, #tpu.memory_space<vmem>>) target(%dma_start3A_297 : memref<10008x32xf32, #tpu.memory_space<vmem_shared>>) offsets(%dma_start3A_294 : memref<128xi32, #tpu.memory_space<vmem>>) semaphore(%dma_start3A_299 : memref<!tpu.dma_semaphore, #tpu.memory_space<semaphore_mem>>) {add = true}
      %dma_wait3A_300 = arith.constant 0 : i32
      %dma_wait3A_301 = arith.constant 3 : i32
      %dma_wait3A_302 = arith.constant 3 : i32
      %dma_wait3A_303 = arith.constant 0 : i32
      %dma_wait3A_304 = arith.constant 0 : i32
      %dma_wait3A_305 = tpu.memref_slice %arg8[%dma_wait3A_301, %dma_wait3A_303, %dma_wait3A_304] : memref<4x128x32xf32, #tpu.memory_space<vmem>> -> memref<1x128x32xf32, #tpu.memory_space<vmem>>
      %dma_wait3A_306 = tpu.memref_squeeze %dma_wait3A_305 : memref<1x128x32xf32, #tpu.memory_space<vmem>> -> memref<128x32xf32, #tpu.memory_space<vmem>>
      %dma_wait3A_307 = arith.constant 0 : i32
      %dma_wait3A_308 = tpu.memref_slice %arg6[%dma_wait3A_300, %dma_wait3A_307] : memref<152x128xi32, #tpu.memory_space<vmem>> -> memref<1x128xi32, #tpu.memory_space<vmem>>
      %dma_wait3A_309 = tpu.memref_squeeze %dma_wait3A_308 : memref<1x128xi32, #tpu.memory_space<vmem>> -> memref<128xi32, #tpu.memory_space<vmem>>
      %dma_wait3A_310 = arith.constant 0 : i32
      %dma_wait3A_311 = arith.constant 0 : i32
      %dma_wait3A_312 = tpu.memref_slice %arg2[%dma_wait3A_310, %dma_wait3A_311] : memref<10000x32xf32, #tpu.memory_space<hbm>> -> memref<10000x32xf32, #tpu.memory_space<hbm>>
      %dma_wait3A_313 = tpu.memref_slice %arg10[%dma_wait3A_302] : memref<4x!tpu.dma_semaphore, #tpu.memory_space<semaphore_mem>> -> memref<1x!tpu.dma_semaphore, #tpu.memory_space<semaphore_mem>>
      %dma_wait3A_314 = tpu.memref_squeeze %dma_wait3A_313 : memref<1x!tpu.dma_semaphore, #tpu.memory_space<semaphore_mem>> -> memref<!tpu.dma_semaphore, #tpu.memory_space<semaphore_mem>>
      tpu.wait_indirect_dma semaphore(%dma_wait3A_314 : memref<!tpu.dma_semaphore, #tpu.memory_space<semaphore_mem>>) src(%dma_wait3A_312 : memref<10000x32xf32, #tpu.memory_space<hbm>>) dst(%dma_wait3A_306 : memref<128x32xf32, #tpu.memory_space<vmem>>)
      %add3A_315 = arith.constant 3 : i32
      %add3A_316 = arith.addi %mul3A_206, %add3A_315 : i32
      %dma_start3A_317 = arith.constant 3 : i32
      %dma_start3A_318 = arith.constant 3 : i32
      %dma_start3A_319 = arith.constant 0 : i32
      %dma_start3A_320 = arith.constant 0 : i32
      %dma_start3A_321 = tpu.memref_slice %arg8[%dma_start3A_317, %dma_start3A_319, %dma_start3A_320] : memref<4x128x32xf32, #tpu.memory_space<vmem>> -> memref<1x128x32xf32, #tpu.memory_space<vmem>>
      %dma_start3A_322 = tpu.memref_squeeze %dma_start3A_321 : memref<1x128x32xf32, #tpu.memory_space<vmem>> -> memref<128x32xf32, #tpu.memory_space<vmem>>
      %dma_start3A_323 = arith.constant 0 : i32
      %dma_start3A_324 = tpu.memref_slice %arg7[%add3A_316, %dma_start3A_323] : memref<152x128xi32, #tpu.memory_space<vmem>> -> memref<1x128xi32, #tpu.memory_space<vmem>>
      %dma_start3A_325 = tpu.memref_squeeze %dma_start3A_324 : memref<1x128xi32, #tpu.memory_space<vmem>> -> memref<128xi32, #tpu.memory_space<vmem>>
      %dma_start3A_326 = arith.constant 0 : i32
      %dma_start3A_327 = arith.constant 0 : i32
      %dma_start3A_328 = tpu.memref_slice %arg9[%dma_start3A_326, %dma_start3A_327] : memref<10008x32xf32, #tpu.memory_space<vmem_shared>> -> memref<10008x32xf32, #tpu.memory_space<vmem_shared>>
      %dma_start3A_329 = tpu.memref_slice %arg11[%dma_start3A_318] : memref<4x!tpu.dma_semaphore, #tpu.memory_space<semaphore_mem>> -> memref<1x!tpu.dma_semaphore, #tpu.memory_space<semaphore_mem>>
      %dma_start3A_330 = tpu.memref_squeeze %dma_start3A_329 : memref<1x!tpu.dma_semaphore, #tpu.memory_space<semaphore_mem>> -> memref<!tpu.dma_semaphore, #tpu.memory_space<semaphore_mem>>
      tpu.enqueue_indirect_dma source(%dma_start3A_322 : memref<128x32xf32, #tpu.memory_space<vmem>>) target(%dma_start3A_328 : memref<10008x32xf32, #tpu.memory_space<vmem_shared>>) offsets(%dma_start3A_325 : memref<128xi32, #tpu.memory_space<vmem>>) semaphore(%dma_start3A_330 : memref<!tpu.dma_semaphore, #tpu.memory_space<semaphore_mem>>) {add = true}
      %add3A_331 = arith.constant 0 : i32
      %add3A_332 = arith.addi %mul3A_206, %add3A_331 : i32
      %add3A_333 = arith.constant 4 : i32
      %add3A_334 = arith.addi %add3A_332, %add3A_333 : i32
      %lt3A_335 = arith.cmpi slt, %add3A_334, %select_n3A_8 : i32
      %convert_element_type3A_336 = arith.extui %lt3A_335 : i1 to i32
      %cond3A_337 = arith.constant 0 : i32
      %cond3A_338 = arith.cmpi ne, %convert_element_type3A_336, %cond3A_337 : i32
      scf.if %cond3A_338 {
        %dma_wait3A_363 = arith.constant 0 : i32
        %dma_wait3A_364 = arith.constant 0 : i32
        %dma_wait3A_365 = arith.constant 0 : i32
        %dma_wait3A_366 = arith.constant 0 : i32
        %dma_wait3A_367 = arith.constant 0 : i32
        %dma_wait3A_368 = tpu.memref_slice %arg8[%dma_wait3A_363, %dma_wait3A_366, %dma_wait3A_367] : memref<4x128x32xf32, #tpu.memory_space<vmem>> -> memref<1x128x32xf32, #tpu.memory_space<vmem>>
        %dma_wait3A_369 = tpu.memref_squeeze %dma_wait3A_368 : memref<1x128x32xf32, #tpu.memory_space<vmem>> -> memref<128x32xf32, #tpu.memory_space<vmem>>
        %dma_wait3A_370 = arith.constant 0 : i32
        %dma_wait3A_371 = tpu.memref_slice %arg7[%dma_wait3A_364, %dma_wait3A_370] : memref<152x128xi32, #tpu.memory_space<vmem>> -> memref<1x128xi32, #tpu.memory_space<vmem>>
        %dma_wait3A_372 = tpu.memref_squeeze %dma_wait3A_371 : memref<1x128xi32, #tpu.memory_space<vmem>> -> memref<128xi32, #tpu.memory_space<vmem>>
        %dma_wait3A_373 = arith.constant 0 : i32
        %dma_wait3A_374 = arith.constant 0 : i32
        %dma_wait3A_375 = tpu.memref_slice %arg9[%dma_wait3A_373, %dma_wait3A_374] : memref<10008x32xf32, #tpu.memory_space<vmem_shared>> -> memref<10008x32xf32, #tpu.memory_space<vmem_shared>>
        %dma_wait3A_376 = tpu.memref_slice %arg11[%dma_wait3A_365] : memref<4x!tpu.dma_semaphore, #tpu.memory_space<semaphore_mem>> -> memref<1x!tpu.dma_semaphore, #tpu.memory_space<semaphore_mem>>
        %dma_wait3A_377 = tpu.memref_squeeze %dma_wait3A_376 : memref<1x!tpu.dma_semaphore, #tpu.memory_space<semaphore_mem>> -> memref<!tpu.dma_semaphore, #tpu.memory_space<semaphore_mem>>
        tpu.wait_indirect_dma semaphore(%dma_wait3A_377 : memref<!tpu.dma_semaphore, #tpu.memory_space<semaphore_mem>>) src(%dma_wait3A_369 : memref<128x32xf32, #tpu.memory_space<vmem>>) dst(%dma_wait3A_375 : memref<10008x32xf32, #tpu.memory_space<vmem_shared>>)
        %dma_start3A_378 = arith.constant 0 : i32
        %dma_start3A_379 = arith.constant 0 : i32
        %dma_start3A_380 = arith.constant 0 : i32
        %dma_start3A_381 = arith.constant 0 : i32
        %dma_start3A_382 = tpu.memref_slice %arg8[%dma_start3A_378, %dma_start3A_380, %dma_start3A_381] : memref<4x128x32xf32, #tpu.memory_space<vmem>> -> memref<1x128x32xf32, #tpu.memory_space<vmem>>
        %dma_start3A_383 = tpu.memref_squeeze %dma_start3A_382 : memref<1x128x32xf32, #tpu.memory_space<vmem>> -> memref<128x32xf32, #tpu.memory_space<vmem>>
        %dma_start3A_384 = arith.constant 0 : i32
        %dma_start3A_385 = tpu.memref_slice %arg6[%add3A_334, %dma_start3A_384] : memref<152x128xi32, #tpu.memory_space<vmem>> -> memref<1x128xi32, #tpu.memory_space<vmem>>
        %dma_start3A_386 = tpu.memref_squeeze %dma_start3A_385 : memref<1x128xi32, #tpu.memory_space<vmem>> -> memref<128xi32, #tpu.memory_space<vmem>>
        %dma_start3A_387 = arith.constant 0 : i32
        %dma_start3A_388 = arith.constant 0 : i32
        %dma_start3A_389 = tpu.memref_slice %arg2[%dma_start3A_387, %dma_start3A_388] : memref<10000x32xf32, #tpu.memory_space<hbm>> -> memref<10000x32xf32, #tpu.memory_space<hbm>>
        %dma_start3A_390 = tpu.memref_slice %arg10[%dma_start3A_379] : memref<4x!tpu.dma_semaphore, #tpu.memory_space<semaphore_mem>> -> memref<1x!tpu.dma_semaphore, #tpu.memory_space<semaphore_mem>>
        %dma_start3A_391 = tpu.memref_squeeze %dma_start3A_390 : memref<1x!tpu.dma_semaphore, #tpu.memory_space<semaphore_mem>> -> memref<!tpu.dma_semaphore, #tpu.memory_space<semaphore_mem>>
        tpu.enqueue_indirect_dma source(%dma_start3A_389 : memref<10000x32xf32, #tpu.memory_space<hbm>>) target(%dma_start3A_383 : memref<128x32xf32, #tpu.memory_space<vmem>>) offsets(%dma_start3A_386 : memref<128xi32, #tpu.memory_space<vmem>>) semaphore(%dma_start3A_391 : memref<!tpu.dma_semaphore, #tpu.memory_space<semaphore_mem>>)
      } else {
      }
      %add3A_339 = arith.constant 1 : i32
      %add3A_340 = arith.addi %mul3A_206, %add3A_339 : i32
      %add3A_341 = arith.constant 4 : i32
      %add3A_342 = arith.addi %add3A_340, %add3A_341 : i32
      %lt3A_343 = arith.cmpi slt, %add3A_342, %select_n3A_8 : i32
      %convert_element_type3A_344 = arith.extui %lt3A_343 : i1 to i32
      %cond3A_345 = arith.constant 0 : i32
      %cond3A_346 = arith.cmpi ne, %convert_element_type3A_344, %cond3A_345 : i32
      scf.if %cond3A_346 {
        %dma_wait3A_363 = arith.constant 1 : i32
        %dma_wait3A_364 = arith.constant 0 : i32
        %dma_wait3A_365 = arith.constant 1 : i32
        %dma_wait3A_366 = arith.constant 0 : i32
        %dma_wait3A_367 = arith.constant 0 : i32
        %dma_wait3A_368 = tpu.memref_slice %arg8[%dma_wait3A_363, %dma_wait3A_366, %dma_wait3A_367] : memref<4x128x32xf32, #tpu.memory_space<vmem>> -> memref<1x128x32xf32, #tpu.memory_space<vmem>>
        %dma_wait3A_369 = tpu.memref_squeeze %dma_wait3A_368 : memref<1x128x32xf32, #tpu.memory_space<vmem>> -> memref<128x32xf32, #tpu.memory_space<vmem>>
        %dma_wait3A_370 = arith.constant 0 : i32
        %dma_wait3A_371 = tpu.memref_slice %arg7[%dma_wait3A_364, %dma_wait3A_370] : memref<152x128xi32, #tpu.memory_space<vmem>> -> memref<1x128xi32, #tpu.memory_space<vmem>>
        %dma_wait3A_372 = tpu.memref_squeeze %dma_wait3A_371 : memref<1x128xi32, #tpu.memory_space<vmem>> -> memref<128xi32, #tpu.memory_space<vmem>>
        %dma_wait3A_373 = arith.constant 0 : i32
        %dma_wait3A_374 = arith.constant 0 : i32
        %dma_wait3A_375 = tpu.memref_slice %arg9[%dma_wait3A_373, %dma_wait3A_374] : memref<10008x32xf32, #tpu.memory_space<vmem_shared>> -> memref<10008x32xf32, #tpu.memory_space<vmem_shared>>
        %dma_wait3A_376 = tpu.memref_slice %arg11[%dma_wait3A_365] : memref<4x!tpu.dma_semaphore, #tpu.memory_space<semaphore_mem>> -> memref<1x!tpu.dma_semaphore, #tpu.memory_space<semaphore_mem>>
        %dma_wait3A_377 = tpu.memref_squeeze %dma_wait3A_376 : memref<1x!tpu.dma_semaphore, #tpu.memory_space<semaphore_mem>> -> memref<!tpu.dma_semaphore, #tpu.memory_space<semaphore_mem>>
        tpu.wait_indirect_dma semaphore(%dma_wait3A_377 : memref<!tpu.dma_semaphore, #tpu.memory_space<semaphore_mem>>) src(%dma_wait3A_369 : memref<128x32xf32, #tpu.memory_space<vmem>>) dst(%dma_wait3A_375 : memref<10008x32xf32, #tpu.memory_space<vmem_shared>>)
        %dma_start3A_378 = arith.constant 1 : i32
        %dma_start3A_379 = arith.constant 1 : i32
        %dma_start3A_380 = arith.constant 0 : i32
        %dma_start3A_381 = arith.constant 0 : i32
        %dma_start3A_382 = tpu.memref_slice %arg8[%dma_start3A_378, %dma_start3A_380, %dma_start3A_381] : memref<4x128x32xf32, #tpu.memory_space<vmem>> -> memref<1x128x32xf32, #tpu.memory_space<vmem>>
        %dma_start3A_383 = tpu.memref_squeeze %dma_start3A_382 : memref<1x128x32xf32, #tpu.memory_space<vmem>> -> memref<128x32xf32, #tpu.memory_space<vmem>>
        %dma_start3A_384 = arith.constant 0 : i32
        %dma_start3A_385 = tpu.memref_slice %arg6[%add3A_342, %dma_start3A_384] : memref<152x128xi32, #tpu.memory_space<vmem>> -> memref<1x128xi32, #tpu.memory_space<vmem>>
        %dma_start3A_386 = tpu.memref_squeeze %dma_start3A_385 : memref<1x128xi32, #tpu.memory_space<vmem>> -> memref<128xi32, #tpu.memory_space<vmem>>
        %dma_start3A_387 = arith.constant 0 : i32
        %dma_start3A_388 = arith.constant 0 : i32
        %dma_start3A_389 = tpu.memref_slice %arg2[%dma_start3A_387, %dma_start3A_388] : memref<10000x32xf32, #tpu.memory_space<hbm>> -> memref<10000x32xf32, #tpu.memory_space<hbm>>
        %dma_start3A_390 = tpu.memref_slice %arg10[%dma_start3A_379] : memref<4x!tpu.dma_semaphore, #tpu.memory_space<semaphore_mem>> -> memref<1x!tpu.dma_semaphore, #tpu.memory_space<semaphore_mem>>
        %dma_start3A_391 = tpu.memref_squeeze %dma_start3A_390 : memref<1x!tpu.dma_semaphore, #tpu.memory_space<semaphore_mem>> -> memref<!tpu.dma_semaphore, #tpu.memory_space<semaphore_mem>>
        tpu.enqueue_indirect_dma source(%dma_start3A_389 : memref<10000x32xf32, #tpu.memory_space<hbm>>) target(%dma_start3A_383 : memref<128x32xf32, #tpu.memory_space<vmem>>) offsets(%dma_start3A_386 : memref<128xi32, #tpu.memory_space<vmem>>) semaphore(%dma_start3A_391 : memref<!tpu.dma_semaphore, #tpu.memory_space<semaphore_mem>>)
      } else {
      }
      %add3A_347 = arith.constant 2 : i32
      %add3A_348 = arith.addi %mul3A_206, %add3A_347 : i32
      %add3A_349 = arith.constant 4 : i32
      %add3A_350 = arith.addi %add3A_348, %add3A_349 : i32
      %lt3A_351 = arith.cmpi slt, %add3A_350, %select_n3A_8 : i32
      %convert_element_type3A_352 = arith.extui %lt3A_351 : i1 to i32
      %cond3A_353 = arith.constant 0 : i32
      %cond3A_354 = arith.cmpi ne, %convert_element_type3A_352, %cond3A_353 : i32
      scf.if %cond3A_354 {
        %dma_wait3A_363 = arith.constant 2 : i32
        %dma_wait3A_364 = arith.constant 0 : i32
        %dma_wait3A_365 = arith.constant 2 : i32
        %dma_wait3A_366 = arith.constant 0 : i32
        %dma_wait3A_367 = arith.constant 0 : i32
        %dma_wait3A_368 = tpu.memref_slice %arg8[%dma_wait3A_363, %dma_wait3A_366, %dma_wait3A_367] : memref<4x128x32xf32, #tpu.memory_space<vmem>> -> memref<1x128x32xf32, #tpu.memory_space<vmem>>
        %dma_wait3A_369 = tpu.memref_squeeze %dma_wait3A_368 : memref<1x128x32xf32, #tpu.memory_space<vmem>> -> memref<128x32xf32, #tpu.memory_space<vmem>>
        %dma_wait3A_370 = arith.constant 0 : i32
        %dma_wait3A_371 = tpu.memref_slice %arg7[%dma_wait3A_364, %dma_wait3A_370] : memref<152x128xi32, #tpu.memory_space<vmem>> -> memref<1x128xi32, #tpu.memory_space<vmem>>
        %dma_wait3A_372 = tpu.memref_squeeze %dma_wait3A_371 : memref<1x128xi32, #tpu.memory_space<vmem>> -> memref<128xi32, #tpu.memory_space<vmem>>
        %dma_wait3A_373 = arith.constant 0 : i32
        %dma_wait3A_374 = arith.constant 0 : i32
        %dma_wait3A_375 = tpu.memref_slice %arg9[%dma_wait3A_373, %dma_wait3A_374] : memref<10008x32xf32, #tpu.memory_space<vmem_shared>> -> memref<10008x32xf32, #tpu.memory_space<vmem_shared>>
        %dma_wait3A_376 = tpu.memref_slice %arg11[%dma_wait3A_365] : memref<4x!tpu.dma_semaphore, #tpu.memory_space<semaphore_mem>> -> memref<1x!tpu.dma_semaphore, #tpu.memory_space<semaphore_mem>>
        %dma_wait3A_377 = tpu.memref_squeeze %dma_wait3A_376 : memref<1x!tpu.dma_semaphore, #tpu.memory_space<semaphore_mem>> -> memref<!tpu.dma_semaphore, #tpu.memory_space<semaphore_mem>>
        tpu.wait_indirect_dma semaphore(%dma_wait3A_377 : memref<!tpu.dma_semaphore, #tpu.memory_space<semaphore_mem>>) src(%dma_wait3A_369 : memref<128x32xf32, #tpu.memory_space<vmem>>) dst(%dma_wait3A_375 : memref<10008x32xf32, #tpu.memory_space<vmem_shared>>)
        %dma_start3A_378 = arith.constant 2 : i32
        %dma_start3A_379 = arith.constant 2 : i32
        %dma_start3A_380 = arith.constant 0 : i32
        %dma_start3A_381 = arith.constant 0 : i32
        %dma_start3A_382 = tpu.memref_slice %arg8[%dma_start3A_378, %dma_start3A_380, %dma_start3A_381] : memref<4x128x32xf32, #tpu.memory_space<vmem>> -> memref<1x128x32xf32, #tpu.memory_space<vmem>>
        %dma_start3A_383 = tpu.memref_squeeze %dma_start3A_382 : memref<1x128x32xf32, #tpu.memory_space<vmem>> -> memref<128x32xf32, #tpu.memory_space<vmem>>
        %dma_start3A_384 = arith.constant 0 : i32
        %dma_start3A_385 = tpu.memref_slice %arg6[%add3A_350, %dma_start3A_384] : memref<152x128xi32, #tpu.memory_space<vmem>> -> memref<1x128xi32, #tpu.memory_space<vmem>>
        %dma_start3A_386 = tpu.memref_squeeze %dma_start3A_385 : memref<1x128xi32, #tpu.memory_space<vmem>> -> memref<128xi32, #tpu.memory_space<vmem>>
        %dma_start3A_387 = arith.constant 0 : i32
        %dma_start3A_388 = arith.constant 0 : i32
        %dma_start3A_389 = tpu.memref_slice %arg2[%dma_start3A_387, %dma_start3A_388] : memref<10000x32xf32, #tpu.memory_space<hbm>> -> memref<10000x32xf32, #tpu.memory_space<hbm>>
        %dma_start3A_390 = tpu.memref_slice %arg10[%dma_start3A_379] : memref<4x!tpu.dma_semaphore, #tpu.memory_space<semaphore_mem>> -> memref<1x!tpu.dma_semaphore, #tpu.memory_space<semaphore_mem>>
        %dma_start3A_391 = tpu.memref_squeeze %dma_start3A_390 : memref<1x!tpu.dma_semaphore, #tpu.memory_space<semaphore_mem>> -> memref<!tpu.dma_semaphore, #tpu.memory_space<semaphore_mem>>
        tpu.enqueue_indirect_dma source(%dma_start3A_389 : memref<10000x32xf32, #tpu.memory_space<hbm>>) target(%dma_start3A_383 : memref<128x32xf32, #tpu.memory_space<vmem>>) offsets(%dma_start3A_386 : memref<128xi32, #tpu.memory_space<vmem>>) semaphore(%dma_start3A_391 : memref<!tpu.dma_semaphore, #tpu.memory_space<semaphore_mem>>)
      } else {
      }
      %add3A_355 = arith.constant 3 : i32
      %add3A_356 = arith.addi %mul3A_206, %add3A_355 : i32
      %add3A_357 = arith.constant 4 : i32
      %add3A_358 = arith.addi %add3A_356, %add3A_357 : i32
      %lt3A_359 = arith.cmpi slt, %add3A_358, %select_n3A_8 : i32
      %convert_element_type3A_360 = arith.extui %lt3A_359 : i1 to i32
      %cond3A_361 = arith.constant 0 : i32
      %cond3A_362 = arith.cmpi ne, %convert_element_type3A_360, %cond3A_361 : i32
      scf.if %cond3A_362 {
        %dma_wait3A_363 = arith.constant 3 : i32
        %dma_wait3A_364 = arith.constant 0 : i32
        %dma_wait3A_365 = arith.constant 3 : i32
        %dma_wait3A_366 = arith.constant 0 : i32
        %dma_wait3A_367 = arith.constant 0 : i32
        %dma_wait3A_368 = tpu.memref_slice %arg8[%dma_wait3A_363, %dma_wait3A_366, %dma_wait3A_367] : memref<4x128x32xf32, #tpu.memory_space<vmem>> -> memref<1x128x32xf32, #tpu.memory_space<vmem>>
        %dma_wait3A_369 = tpu.memref_squeeze %dma_wait3A_368 : memref<1x128x32xf32, #tpu.memory_space<vmem>> -> memref<128x32xf32, #tpu.memory_space<vmem>>
        %dma_wait3A_370 = arith.constant 0 : i32
        %dma_wait3A_371 = tpu.memref_slice %arg7[%dma_wait3A_364, %dma_wait3A_370] : memref<152x128xi32, #tpu.memory_space<vmem>> -> memref<1x128xi32, #tpu.memory_space<vmem>>
        %dma_wait3A_372 = tpu.memref_squeeze %dma_wait3A_371 : memref<1x128xi32, #tpu.memory_space<vmem>> -> memref<128xi32, #tpu.memory_space<vmem>>
        %dma_wait3A_373 = arith.constant 0 : i32
        %dma_wait3A_374 = arith.constant 0 : i32
        %dma_wait3A_375 = tpu.memref_slice %arg9[%dma_wait3A_373, %dma_wait3A_374] : memref<10008x32xf32, #tpu.memory_space<vmem_shared>> -> memref<10008x32xf32, #tpu.memory_space<vmem_shared>>
        %dma_wait3A_376 = tpu.memref_slice %arg11[%dma_wait3A_365] : memref<4x!tpu.dma_semaphore, #tpu.memory_space<semaphore_mem>> -> memref<1x!tpu.dma_semaphore, #tpu.memory_space<semaphore_mem>>
        %dma_wait3A_377 = tpu.memref_squeeze %dma_wait3A_376 : memref<1x!tpu.dma_semaphore, #tpu.memory_space<semaphore_mem>> -> memref<!tpu.dma_semaphore, #tpu.memory_space<semaphore_mem>>
        tpu.wait_indirect_dma semaphore(%dma_wait3A_377 : memref<!tpu.dma_semaphore, #tpu.memory_space<semaphore_mem>>) src(%dma_wait3A_369 : memref<128x32xf32, #tpu.memory_space<vmem>>) dst(%dma_wait3A_375 : memref<10008x32xf32, #tpu.memory_space<vmem_shared>>)
        %dma_start3A_378 = arith.constant 3 : i32
        %dma_start3A_379 = arith.constant 3 : i32
        %dma_start3A_380 = arith.constant 0 : i32
        %dma_start3A_381 = arith.constant 0 : i32
        %dma_start3A_382 = tpu.memref_slice %arg8[%dma_start3A_378, %dma_start3A_380, %dma_start3A_381] : memref<4x128x32xf32, #tpu.memory_space<vmem>> -> memref<1x128x32xf32, #tpu.memory_space<vmem>>
        %dma_start3A_383 = tpu.memref_squeeze %dma_start3A_382 : memref<1x128x32xf32, #tpu.memory_space<vmem>> -> memref<128x32xf32, #tpu.memory_space<vmem>>
        %dma_start3A_384 = arith.constant 0 : i32
        %dma_start3A_385 = tpu.memref_slice %arg6[%add3A_358, %dma_start3A_384] : memref<152x128xi32, #tpu.memory_space<vmem>> -> memref<1x128xi32, #tpu.memory_space<vmem>>
        %dma_start3A_386 = tpu.memref_squeeze %dma_start3A_385 : memref<1x128xi32, #tpu.memory_space<vmem>> -> memref<128xi32, #tpu.memory_space<vmem>>
        %dma_start3A_387 = arith.constant 0 : i32
        %dma_start3A_388 = arith.constant 0 : i32
        %dma_start3A_389 = tpu.memref_slice %arg2[%dma_start3A_387, %dma_start3A_388] : memref<10000x32xf32, #tpu.memory_space<hbm>> -> memref<10000x32xf32, #tpu.memory_space<hbm>>
        %dma_start3A_390 = tpu.memref_slice %arg10[%dma_start3A_379] : memref<4x!tpu.dma_semaphore, #tpu.memory_space<semaphore_mem>> -> memref<1x!tpu.dma_semaphore, #tpu.memory_space<semaphore_mem>>
        %dma_start3A_391 = tpu.memref_squeeze %dma_start3A_390 : memref<1x!tpu.dma_semaphore, #tpu.memory_space<semaphore_mem>> -> memref<!tpu.dma_semaphore, #tpu.memory_space<semaphore_mem>>
        tpu.enqueue_indirect_dma source(%dma_start3A_389 : memref<10000x32xf32, #tpu.memory_space<hbm>>) target(%dma_start3A_383 : memref<128x32xf32, #tpu.memory_space<vmem>>) offsets(%dma_start3A_386 : memref<128xi32, #tpu.memory_space<vmem>>) semaphore(%dma_start3A_391 : memref<!tpu.dma_semaphore, #tpu.memory_space<semaphore_mem>>)
      } else {
      }
    }
    %while3A_128 = arith.constant 1 : i32
    scf.for %while3A_204 = %while3A_126 to %while3A_122 step %while3A_128  : i32 {
      %mul3A_205 = arith.constant 4 : i32
      %mul3A_206 = arith.muli %while3A_204, %mul3A_205 : i32
      %dma_wait3A_207 = arith.constant 0 : i32
      %dma_wait3A_208 = arith.constant 0 : i32
      %dma_wait3A_209 = arith.constant 0 : i32
      %dma_wait3A_210 = arith.constant 0 : i32
      %dma_wait3A_211 = arith.constant 0 : i32
      %dma_wait3A_212 = tpu.memref_slice %arg8[%dma_wait3A_208, %dma_wait3A_210, %dma_wait3A_211] : memref<4x128x32xf32, #tpu.memory_space<vmem>> -> memref<1x128x32xf32, #tpu.memory_space<vmem>>
      %dma_wait3A_213 = tpu.memref_squeeze %dma_wait3A_212 : memref<1x128x32xf32, #tpu.memory_space<vmem>> -> memref<128x32xf32, #tpu.memory_space<vmem>>
      %dma_wait3A_214 = arith.constant 0 : i32
      %dma_wait3A_215 = tpu.memref_slice %arg6[%dma_wait3A_207, %dma_wait3A_214] : memref<152x128xi32, #tpu.memory_space<vmem>> -> memref<1x128xi32, #tpu.memory_space<vmem>>
      %dma_wait3A_216 = tpu.memref_squeeze %dma_wait3A_215 : memref<1x128xi32, #tpu.memory_space<vmem>> -> memref<128xi32, #tpu.memory_space<vmem>>
      %dma_wait3A_217 = arith.constant 0 : i32
      %dma_wait3A_218 = arith.constant 0 : i32
      %dma_wait3A_219 = tpu.memref_slice %arg2[%dma_wait3A_217, %dma_wait3A_218] : memref<10000x32xf32, #tpu.memory_space<hbm>> -> memref<10000x32xf32, #tpu.memory_space<hbm>>
      %dma_wait3A_220 = tpu.memref_slice %arg10[%dma_wait3A_209] : memref<4x!tpu.dma_semaphore, #tpu.memory_space<semaphore_mem>> -> memref<1x!tpu.dma_semaphore, #tpu.memory_space<semaphore_mem>>
      %dma_wait3A_221 = tpu.memref_squeeze %dma_wait3A_220 : memref<1x!tpu.dma_semaphore, #tpu.memory_space<semaphore_mem>> -> memref<!tpu.dma_semaphore, #tpu.memory_space<semaphore_mem>>
      tpu.wait_indirect_dma semaphore(%dma_wait3A_221 : memref<!tpu.dma_semaphore, #tpu.memory_space<semaphore_mem>>) src(%dma_wait3A_219 : memref<10000x32xf32, #tpu.memory_space<hbm>>) dst(%dma_wait3A_213 : memref<128x32xf32, #tpu.memory_space<vmem>>)
      %add3A_222 = arith.constant 0 : i32
      %add3A_223 = arith.addi %mul3A_206, %add3A_222 : i32
      %dma_start3A_224 = arith.constant 0 : i32
      %dma_start3A_225 = arith.constant 0 : i32
      %dma_start3A_226 = arith.constant 0 : i32
      %dma_start3A_227 = arith.constant 0 : i32
      %dma_start3A_228 = tpu.memref_slice %arg8[%dma_start3A_224, %dma_start3A_226, %dma_start3A_227] : memref<4x128x32xf32, #tpu.memory_space<vmem>> -> memref<1x128x32xf32, #tpu.memory_space<vmem>>
      %dma_start3A_229 = tpu.memref_squeeze %dma_start3A_228 : memref<1x128x32xf32, #tpu.memory_space<vmem>> -> memref<128x32xf32, #tpu.memory_space<vmem>>
      %dma_start3A_230 = arith.constant 0 : i32
      %dma_start3A_231 = tpu.memref_slice %arg7[%add3A_223, %dma_start3A_230] : memref<152x128xi32, #tpu.memory_space<vmem>> -> memref<1x128xi32, #tpu.memory_space<vmem>>
      %dma_start3A_232 = tpu.memref_squeeze %dma_start3A_231 : memref<1x128xi32, #tpu.memory_space<vmem>> -> memref<128xi32, #tpu.memory_space<vmem>>
      %dma_start3A_233 = arith.constant 0 : i32
      %dma_start3A_234 = arith.constant 0 : i32
      %dma_start3A_235 = tpu.memref_slice %arg9[%dma_start3A_233, %dma_start3A_234] : memref<10008x32xf32, #tpu.memory_space<vmem_shared>> -> memref<10008x32xf32, #tpu.memory_space<vmem_shared>>
      %dma_start3A_236 = tpu.memref_slice %arg11[%dma_start3A_225] : memref<4x!tpu.dma_semaphore, #tpu.memory_space<semaphore_mem>> -> memref<1x!tpu.dma_semaphore, #tpu.memory_space<semaphore_mem>>
      %dma_start3A_237 = tpu.memref_squeeze %dma_start3A_236 : memref<1x!tpu.dma_semaphore, #tpu.memory_space<semaphore_mem>> -> memref<!tpu.dma_semaphore, #tpu.memory_space<semaphore_mem>>
      tpu.enqueue_indirect_dma source(%dma_start3A_229 : memref<128x32xf32, #tpu.memory_space<vmem>>) target(%dma_start3A_235 : memref<10008x32xf32, #tpu.memory_space<vmem_shared>>) offsets(%dma_start3A_232 : memref<128xi32, #tpu.memory_space<vmem>>) semaphore(%dma_start3A_237 : memref<!tpu.dma_semaphore, #tpu.memory_space<semaphore_mem>>) {add = true}
      %dma_wait3A_238 = arith.constant 0 : i32
      %dma_wait3A_239 = arith.constant 1 : i32
      %dma_wait3A_240 = arith.constant 1 : i32
      %dma_wait3A_241 = arith.constant 0 : i32
      %dma_wait3A_242 = arith.constant 0 : i32
      %dma_wait3A_243 = tpu.memref_slice %arg8[%dma_wait3A_239, %dma_wait3A_241, %dma_wait3A_242] : memref<4x128x32xf32, #tpu.memory_space<vmem>> -> memref<1x128x32xf32, #tpu.memory_space<vmem>>
      %dma_wait3A_244 = tpu.memref_squeeze %dma_wait3A_243 : memref<1x128x32xf32, #tpu.memory_space<vmem>> -> memref<128x32xf32, #tpu.memory_space<vmem>>
      %dma_wait3A_245 = arith.constant 0 : i32
      %dma_wait3A_246 = tpu.memref_slice %arg6[%dma_wait3A_238, %dma_wait3A_245] : memref<152x128xi32, #tpu.memory_space<vmem>> -> memref<1x128xi32, #tpu.memory_space<vmem>>
      %dma_wait3A_247 = tpu.memref_squeeze %dma_wait3A_246 : memref<1x128xi32, #tpu.memory_space<vmem>> -> memref<128xi32, #tpu.memory_space<vmem>>
      %dma_wait3A_248 = arith.constant 0 : i32
      %dma_wait3A_249 = arith.constant 0 : i32
      %dma_wait3A_250 = tpu.memref_slice %arg2[%dma_wait3A_248, %dma_wait3A_249] : memref<10000x32xf32, #tpu.memory_space<hbm>> -> memref<10000x32xf32, #tpu.memory_space<hbm>>
      %dma_wait3A_251 = tpu.memref_slice %arg10[%dma_wait3A_240] : memref<4x!tpu.dma_semaphore, #tpu.memory_space<semaphore_mem>> -> memref<1x!tpu.dma_semaphore, #tpu.memory_space<semaphore_mem>>
      %dma_wait3A_252 = tpu.memref_squeeze %dma_wait3A_251 : memref<1x!tpu.dma_semaphore, #tpu.memory_space<semaphore_mem>> -> memref<!tpu.dma_semaphore, #tpu.memory_space<semaphore_mem>>
      tpu.wait_indirect_dma semaphore(%dma_wait3A_252 : memref<!tpu.dma_semaphore, #tpu.memory_space<semaphore_mem>>) src(%dma_wait3A_250 : memref<10000x32xf32, #tpu.memory_space<hbm>>) dst(%dma_wait3A_244 : memref<128x32xf32, #tpu.memory_space<vmem>>)
      %add3A_253 = arith.constant 1 : i32
      %add3A_254 = arith.addi %mul3A_206, %add3A_253 : i32
      %dma_start3A_255 = arith.constant 1 : i32
      %dma_start3A_256 = arith.constant 1 : i32
      %dma_start3A_257 = arith.constant 0 : i32
      %dma_start3A_258 = arith.constant 0 : i32
      %dma_start3A_259 = tpu.memref_slice %arg8[%dma_start3A_255, %dma_start3A_257, %dma_start3A_258] : memref<4x128x32xf32, #tpu.memory_space<vmem>> -> memref<1x128x32xf32, #tpu.memory_space<vmem>>
      %dma_start3A_260 = tpu.memref_squeeze %dma_start3A_259 : memref<1x128x32xf32, #tpu.memory_space<vmem>> -> memref<128x32xf32, #tpu.memory_space<vmem>>
      %dma_start3A_261 = arith.constant 0 : i32
      %dma_start3A_262 = tpu.memref_slice %arg7[%add3A_254, %dma_start3A_261] : memref<152x128xi32, #tpu.memory_space<vmem>> -> memref<1x128xi32, #tpu.memory_space<vmem>>
      %dma_start3A_263 = tpu.memref_squeeze %dma_start3A_262 : memref<1x128xi32, #tpu.memory_space<vmem>> -> memref<128xi32, #tpu.memory_space<vmem>>
      %dma_start3A_264 = arith.constant 0 : i32
      %dma_start3A_265 = arith.constant 0 : i32
      %dma_start3A_266 = tpu.memref_slice %arg9[%dma_start3A_264, %dma_start3A_265] : memref<10008x32xf32, #tpu.memory_space<vmem_shared>> -> memref<10008x32xf32, #tpu.memory_space<vmem_shared>>
      %dma_start3A_267 = tpu.memref_slice %arg11[%dma_start3A_256] : memref<4x!tpu.dma_semaphore, #tpu.memory_space<semaphore_mem>> -> memref<1x!tpu.dma_semaphore, #tpu.memory_space<semaphore_mem>>
      %dma_start3A_268 = tpu.memref_squeeze %dma_start3A_267 : memref<1x!tpu.dma_semaphore, #tpu.memory_space<semaphore_mem>> -> memref<!tpu.dma_semaphore, #tpu.memory_space<semaphore_mem>>
      tpu.enqueue_indirect_dma source(%dma_start3A_260 : memref<128x32xf32, #tpu.memory_space<vmem>>) target(%dma_start3A_266 : memref<10008x32xf32, #tpu.memory_space<vmem_shared>>) offsets(%dma_start3A_263 : memref<128xi32, #tpu.memory_space<vmem>>) semaphore(%dma_start3A_268 : memref<!tpu.dma_semaphore, #tpu.memory_space<semaphore_mem>>) {add = true}
      %dma_wait3A_269 = arith.constant 0 : i32
      %dma_wait3A_270 = arith.constant 2 : i32
      %dma_wait3A_271 = arith.constant 2 : i32
      %dma_wait3A_272 = arith.constant 0 : i32
      %dma_wait3A_273 = arith.constant 0 : i32
      %dma_wait3A_274 = tpu.memref_slice %arg8[%dma_wait3A_270, %dma_wait3A_272, %dma_wait3A_273] : memref<4x128x32xf32, #tpu.memory_space<vmem>> -> memref<1x128x32xf32, #tpu.memory_space<vmem>>
      %dma_wait3A_275 = tpu.memref_squeeze %dma_wait3A_274 : memref<1x128x32xf32, #tpu.memory_space<vmem>> -> memref<128x32xf32, #tpu.memory_space<vmem>>
      %dma_wait3A_276 = arith.constant 0 : i32
      %dma_wait3A_277 = tpu.memref_slice %arg6[%dma_wait3A_269, %dma_wait3A_276] : memref<152x128xi32, #tpu.memory_space<vmem>> -> memref<1x128xi32, #tpu.memory_space<vmem>>
      %dma_wait3A_278 = tpu.memref_squeeze %dma_wait3A_277 : memref<1x128xi32, #tpu.memory_space<vmem>> -> memref<128xi32, #tpu.memory_space<vmem>>
      %dma_wait3A_279 = arith.constant 0 : i32
      %dma_wait3A_280 = arith.constant 0 : i32
      %dma_wait3A_281 = tpu.memref_slice %arg2[%dma_wait3A_279, %dma_wait3A_280] : memref<10000x32xf32, #tpu.memory_space<hbm>> -> memref<10000x32xf32, #tpu.memory_space<hbm>>
      %dma_wait3A_282 = tpu.memref_slice %arg10[%dma_wait3A_271] : memref<4x!tpu.dma_semaphore, #tpu.memory_space<semaphore_mem>> -> memref<1x!tpu.dma_semaphore, #tpu.memory_space<semaphore_mem>>
      %dma_wait3A_283 = tpu.memref_squeeze %dma_wait3A_282 : memref<1x!tpu.dma_semaphore, #tpu.memory_space<semaphore_mem>> -> memref<!tpu.dma_semaphore, #tpu.memory_space<semaphore_mem>>
      tpu.wait_indirect_dma semaphore(%dma_wait3A_283 : memref<!tpu.dma_semaphore, #tpu.memory_space<semaphore_mem>>) src(%dma_wait3A_281 : memref<10000x32xf32, #tpu.memory_space<hbm>>) dst(%dma_wait3A_275 : memref<128x32xf32, #tpu.memory_space<vmem>>)
      %add3A_284 = arith.constant 2 : i32
      %add3A_285 = arith.addi %mul3A_206, %add3A_284 : i32
      %dma_start3A_286 = arith.constant 2 : i32
      %dma_start3A_287 = arith.constant 2 : i32
      %dma_start3A_288 = arith.constant 0 : i32
      %dma_start3A_289 = arith.constant 0 : i32
      %dma_start3A_290 = tpu.memref_slice %arg8[%dma_start3A_286, %dma_start3A_288, %dma_start3A_289] : memref<4x128x32xf32, #tpu.memory_space<vmem>> -> memref<1x128x32xf32, #tpu.memory_space<vmem>>
      %dma_start3A_291 = tpu.memref_squeeze %dma_start3A_290 : memref<1x128x32xf32, #tpu.memory_space<vmem>> -> memref<128x32xf32, #tpu.memory_space<vmem>>
      %dma_start3A_292 = arith.constant 0 : i32
      %dma_start3A_293 = tpu.memref_slice %arg7[%add3A_285, %dma_start3A_292] : memref<152x128xi32, #tpu.memory_space<vmem>> -> memref<1x128xi32, #tpu.memory_space<vmem>>
      %dma_start3A_294 = tpu.memref_squeeze %dma_start3A_293 : memref<1x128xi32, #tpu.memory_space<vmem>> -> memref<128xi32, #tpu.memory_space<vmem>>
      %dma_start3A_295 = arith.constant 0 : i32
      %dma_start3A_296 = arith.constant 0 : i32
      %dma_start3A_297 = tpu.memref_slice %arg9[%dma_start3A_295, %dma_start3A_296] : memref<10008x32xf32, #tpu.memory_space<vmem_shared>> -> memref<10008x32xf32, #tpu.memory_space<vmem_shared>>
      %dma_start3A_298 = tpu.memref_slice %arg11[%dma_start3A_287] : memref<4x!tpu.dma_semaphore, #tpu.memory_space<semaphore_mem>> -> memref<1x!tpu.dma_semaphore, #tpu.memory_space<semaphore_mem>>
      %dma_start3A_299 = tpu.memref_squeeze %dma_start3A_298 : memref<1x!tpu.dma_semaphore, #tpu.memory_space<semaphore_mem>> -> memref<!tpu.dma_semaphore, #tpu.memory_space<semaphore_mem>>
      tpu.enqueue_indirect_dma source(%dma_start3A_291 : memref<128x32xf32, #tpu.memory_space<vmem>>) target(%dma_start3A_297 : memref<10008x32xf32, #tpu.memory_space<vmem_shared>>) offsets(%dma_start3A_294 : memref<128xi32, #tpu.memory_space<vmem>>) semaphore(%dma_start3A_299 : memref<!tpu.dma_semaphore, #tpu.memory_space<semaphore_mem>>) {add = true}
      %dma_wait3A_300 = arith.constant 0 : i32
      %dma_wait3A_301 = arith.constant 3 : i32
      %dma_wait3A_302 = arith.constant 3 : i32
      %dma_wait3A_303 = arith.constant 0 : i32
      %dma_wait3A_304 = arith.constant 0 : i32
      %dma_wait3A_305 = tpu.memref_slice %arg8[%dma_wait3A_301, %dma_wait3A_303, %dma_wait3A_304] : memref<4x128x32xf32, #tpu.memory_space<vmem>> -> memref<1x128x32xf32, #tpu.memory_space<vmem>>
      %dma_wait3A_306 = tpu.memref_squeeze %dma_wait3A_305 : memref<1x128x32xf32, #tpu.memory_space<vmem>> -> memref<128x32xf32, #tpu.memory_space<vmem>>
      %dma_wait3A_307 = arith.constant 0 : i32
      %dma_wait3A_308 = tpu.memref_slice %arg6[%dma_wait3A_300, %dma_wait3A_307] : memref<152x128xi32, #tpu.memory_space<vmem>> -> memref<1x128xi32, #tpu.memory_space<vmem>>
      %dma_wait3A_309 = tpu.memref_squeeze %dma_wait3A_308 : memref<1x128xi32, #tpu.memory_space<vmem>> -> memref<128xi32, #tpu.memory_space<vmem>>
      %dma_wait3A_310 = arith.constant 0 : i32
      %dma_wait3A_311 = arith.constant 0 : i32
      %dma_wait3A_312 = tpu.memref_slice %arg2[%dma_wait3A_310, %dma_wait3A_311] : memref<10000x32xf32, #tpu.memory_space<hbm>> -> memref<10000x32xf32, #tpu.memory_space<hbm>>
      %dma_wait3A_313 = tpu.memref_slice %arg10[%dma_wait3A_302] : memref<4x!tpu.dma_semaphore, #tpu.memory_space<semaphore_mem>> -> memref<1x!tpu.dma_semaphore, #tpu.memory_space<semaphore_mem>>
      %dma_wait3A_314 = tpu.memref_squeeze %dma_wait3A_313 : memref<1x!tpu.dma_semaphore, #tpu.memory_space<semaphore_mem>> -> memref<!tpu.dma_semaphore, #tpu.memory_space<semaphore_mem>>
      tpu.wait_indirect_dma semaphore(%dma_wait3A_314 : memref<!tpu.dma_semaphore, #tpu.memory_space<semaphore_mem>>) src(%dma_wait3A_312 : memref<10000x32xf32, #tpu.memory_space<hbm>>) dst(%dma_wait3A_306 : memref<128x32xf32, #tpu.memory_space<vmem>>)
      %add3A_315 = arith.constant 3 : i32
      %add3A_316 = arith.addi %mul3A_206, %add3A_315 : i32
      %dma_start3A_317 = arith.constant 3 : i32
      %dma_start3A_318 = arith.constant 3 : i32
      %dma_start3A_319 = arith.constant 0 : i32
      %dma_start3A_320 = arith.constant 0 : i32
      %dma_start3A_321 = tpu.memref_slice %arg8[%dma_start3A_317, %dma_start3A_319, %dma_start3A_320] : memref<4x128x32xf32, #tpu.memory_space<vmem>> -> memref<1x128x32xf32, #tpu.memory_space<vmem>>
      %dma_start3A_322 = tpu.memref_squeeze %dma_start3A_321 : memref<1x128x32xf32, #tpu.memory_space<vmem>> -> memref<128x32xf32, #tpu.memory_space<vmem>>
      %dma_start3A_323 = arith.constant 0 : i32
      %dma_start3A_324 = tpu.memref_slice %arg7[%add3A_316, %dma_start3A_323] : memref<152x128xi32, #tpu.memory_space<vmem>> -> memref<1x128xi32, #tpu.memory_space<vmem>>
      %dma_start3A_325 = tpu.memref_squeeze %dma_start3A_324 : memref<1x128xi32, #tpu.memory_space<vmem>> -> memref<128xi32, #tpu.memory_space<vmem>>
      %dma_start3A_326 = arith.constant 0 : i32
      %dma_start3A_327 = arith.constant 0 : i32
      %dma_start3A_328 = tpu.memref_slice %arg9[%dma_start3A_326, %dma_start3A_327] : memref<10008x32xf32, #tpu.memory_space<vmem_shared>> -> memref<10008x32xf32, #tpu.memory_space<vmem_shared>>
      %dma_start3A_329 = tpu.memref_slice %arg11[%dma_start3A_318] : memref<4x!tpu.dma_semaphore, #tpu.memory_space<semaphore_mem>> -> memref<1x!tpu.dma_semaphore, #tpu.memory_space<semaphore_mem>>
      %dma_start3A_330 = tpu.memref_squeeze %dma_start3A_329 : memref<1x!tpu.dma_semaphore, #tpu.memory_space<semaphore_mem>> -> memref<!tpu.dma_semaphore, #tpu.memory_space<semaphore_mem>>
      tpu.enqueue_indirect_dma source(%dma_start3A_322 : memref<128x32xf32, #tpu.memory_space<vmem>>) target(%dma_start3A_328 : memref<10008x32xf32, #tpu.memory_space<vmem_shared>>) offsets(%dma_start3A_325 : memref<128xi32, #tpu.memory_space<vmem>>) semaphore(%dma_start3A_330 : memref<!tpu.dma_semaphore, #tpu.memory_space<semaphore_mem>>) {add = true}
      %add3A_331 = arith.constant 0 : i32
      %add3A_332 = arith.addi %mul3A_206, %add3A_331 : i32
      %add3A_333 = arith.constant 4 : i32
      %add3A_334 = arith.addi %add3A_332, %add3A_333 : i32
      %lt3A_335 = arith.cmpi slt, %add3A_334, %select_n3A_8 : i32
      %convert_element_type3A_336 = arith.extui %lt3A_335 : i1 to i32
      %cond3A_337 = arith.constant 0 : i32
      %cond3A_338 = arith.cmpi ne, %convert_element_type3A_336, %cond3A_337 : i32
      scf.if %cond3A_338 {
        %dma_wait3A_363 = arith.constant 0 : i32
        %dma_wait3A_364 = arith.constant 0 : i32
        %dma_wait3A_365 = arith.constant 0 : i32
        %dma_wait3A_366 = arith.constant 0 : i32
        %dma_wait3A_367 = arith.constant 0 : i32
        %dma_wait3A_368 = tpu.memref_slice %arg8[%dma_wait3A_363, %dma_wait3A_366, %dma_wait3A_367] : memref<4x128x32xf32, #tpu.memory_space<vmem>> -> memref<1x128x32xf32, #tpu.memory_space<vmem>>
        %dma_wait3A_369 = tpu.memref_squeeze %dma_wait3A_368 : memref<1x128x32xf32, #tpu.memory_space<vmem>> -> memref<128x32xf32, #tpu.memory_space<vmem>>
        %dma_wait3A_370 = arith.constant 0 : i32
        %dma_wait3A_371 = tpu.memref_slice %arg7[%dma_wait3A_364, %dma_wait3A_370] : memref<152x128xi32, #tpu.memory_space<vmem>> -> memref<1x128xi32, #tpu.memory_space<vmem>>
        %dma_wait3A_372 = tpu.memref_squeeze %dma_wait3A_371 : memref<1x128xi32, #tpu.memory_space<vmem>> -> memref<128xi32, #tpu.memory_space<vmem>>
        %dma_wait3A_373 = arith.constant 0 : i32
        %dma_wait3A_374 = arith.constant 0 : i32
        %dma_wait3A_375 = tpu.memref_slice %arg9[%dma_wait3A_373, %dma_wait3A_374] : memref<10008x32xf32, #tpu.memory_space<vmem_shared>> -> memref<10008x32xf32, #tpu.memory_space<vmem_shared>>
        %dma_wait3A_376 = tpu.memref_slice %arg11[%dma_wait3A_365] : memref<4x!tpu.dma_semaphore, #tpu.memory_space<semaphore_mem>> -> memref<1x!tpu.dma_semaphore, #tpu.memory_space<semaphore_mem>>
        %dma_wait3A_377 = tpu.memref_squeeze %dma_wait3A_376 : memref<1x!tpu.dma_semaphore, #tpu.memory_space<semaphore_mem>> -> memref<!tpu.dma_semaphore, #tpu.memory_space<semaphore_mem>>
        tpu.wait_indirect_dma semaphore(%dma_wait3A_377 : memref<!tpu.dma_semaphore, #tpu.memory_space<semaphore_mem>>) src(%dma_wait3A_369 : memref<128x32xf32, #tpu.memory_space<vmem>>) dst(%dma_wait3A_375 : memref<10008x32xf32, #tpu.memory_space<vmem_shared>>)
        %dma_start3A_378 = arith.constant 0 : i32
        %dma_start3A_379 = arith.constant 0 : i32
        %dma_start3A_380 = arith.constant 0 : i32
        %dma_start3A_381 = arith.constant 0 : i32
        %dma_start3A_382 = tpu.memref_slice %arg8[%dma_start3A_378, %dma_start3A_380, %dma_start3A_381] : memref<4x128x32xf32, #tpu.memory_space<vmem>> -> memref<1x128x32xf32, #tpu.memory_space<vmem>>
        %dma_start3A_383 = tpu.memref_squeeze %dma_start3A_382 : memref<1x128x32xf32, #tpu.memory_space<vmem>> -> memref<128x32xf32, #tpu.memory_space<vmem>>
        %dma_start3A_384 = arith.constant 0 : i32
        %dma_start3A_385 = tpu.memref_slice %arg6[%add3A_334, %dma_start3A_384] : memref<152x128xi32, #tpu.memory_space<vmem>> -> memref<1x128xi32, #tpu.memory_space<vmem>>
        %dma_start3A_386 = tpu.memref_squeeze %dma_start3A_385 : memref<1x128xi32, #tpu.memory_space<vmem>> -> memref<128xi32, #tpu.memory_space<vmem>>
        %dma_start3A_387 = arith.constant 0 : i32
        %dma_start3A_388 = arith.constant 0 : i32
        %dma_start3A_389 = tpu.memref_slice %arg2[%dma_start3A_387, %dma_start3A_388] : memref<10000x32xf32, #tpu.memory_space<hbm>> -> memref<10000x32xf32, #tpu.memory_space<hbm>>
        %dma_start3A_390 = tpu.memref_slice %arg10[%dma_start3A_379] : memref<4x!tpu.dma_semaphore, #tpu.memory_space<semaphore_mem>> -> memref<1x!tpu.dma_semaphore, #tpu.memory_space<semaphore_mem>>
        %dma_start3A_391 = tpu.memref_squeeze %dma_start3A_390 : memref<1x!tpu.dma_semaphore, #tpu.memory_space<semaphore_mem>> -> memref<!tpu.dma_semaphore, #tpu.memory_space<semaphore_mem>>
        tpu.enqueue_indirect_dma source(%dma_start3A_389 : memref<10000x32xf32, #tpu.memory_space<hbm>>) target(%dma_start3A_383 : memref<128x32xf32, #tpu.memory_space<vmem>>) offsets(%dma_start3A_386 : memref<128xi32, #tpu.memory_space<vmem>>) semaphore(%dma_start3A_391 : memref<!tpu.dma_semaphore, #tpu.memory_space<semaphore_mem>>)
      } else {
      }
      %add3A_339 = arith.constant 1 : i32
      %add3A_340 = arith.addi %mul3A_206, %add3A_339 : i32
      %add3A_341 = arith.constant 4 : i32
      %add3A_342 = arith.addi %add3A_340, %add3A_341 : i32
      %lt3A_343 = arith.cmpi slt, %add3A_342, %select_n3A_8 : i32
      %convert_element_type3A_344 = arith.extui %lt3A_343 : i1 to i32
      %cond3A_345 = arith.constant 0 : i32
      %cond3A_346 = arith.cmpi ne, %convert_element_type3A_344, %cond3A_345 : i32
      scf.if %cond3A_346 {
        %dma_wait3A_363 = arith.constant 1 : i32
        %dma_wait3A_364 = arith.constant 0 : i32
        %dma_wait3A_365 = arith.constant 1 : i32
        %dma_wait3A_366 = arith.constant 0 : i32
        %dma_wait3A_367 = arith.constant 0 : i32
        %dma_wait3A_368 = tpu.memref_slice %arg8[%dma_wait3A_363, %dma_wait3A_366, %dma_wait3A_367] : memref<4x128x32xf32, #tpu.memory_space<vmem>> -> memref<1x128x32xf32, #tpu.memory_space<vmem>>
        %dma_wait3A_369 = tpu.memref_squeeze %dma_wait3A_368 : memref<1x128x32xf32, #tpu.memory_space<vmem>> -> memref<128x32xf32, #tpu.memory_space<vmem>>
        %dma_wait3A_370 = arith.constant 0 : i32
        %dma_wait3A_371 = tpu.memref_slice %arg7[%dma_wait3A_364, %dma_wait3A_370] : memref<152x128xi32, #tpu.memory_space<vmem>> -> memref<1x128xi32, #tpu.memory_space<vmem>>
        %dma_wait3A_372 = tpu.memref_squeeze %dma_wait3A_371 : memref<1x128xi32, #tpu.memory_space<vmem>> -> memref<128xi32, #tpu.memory_space<vmem>>
        %dma_wait3A_373 = arith.constant 0 : i32
        %dma_wait3A_374 = arith.constant 0 : i32
        %dma_wait3A_375 = tpu.memref_slice %arg9[%dma_wait3A_373, %dma_wait3A_374] : memref<10008x32xf32, #tpu.memory_space<vmem_shared>> -> memref<10008x32xf32, #tpu.memory_space<vmem_shared>>
        %dma_wait3A_376 = tpu.memref_slice %arg11[%dma_wait3A_365] : memref<4x!tpu.dma_semaphore, #tpu.memory_space<semaphore_mem>> -> memref<1x!tpu.dma_semaphore, #tpu.memory_space<semaphore_mem>>
        %dma_wait3A_377 = tpu.memref_squeeze %dma_wait3A_376 : memref<1x!tpu.dma_semaphore, #tpu.memory_space<semaphore_mem>> -> memref<!tpu.dma_semaphore, #tpu.memory_space<semaphore_mem>>
        tpu.wait_indirect_dma semaphore(%dma_wait3A_377 : memref<!tpu.dma_semaphore, #tpu.memory_space<semaphore_mem>>) src(%dma_wait3A_369 : memref<128x32xf32, #tpu.memory_space<vmem>>) dst(%dma_wait3A_375 : memref<10008x32xf32, #tpu.memory_space<vmem_shared>>)
        %dma_start3A_378 = arith.constant 1 : i32
        %dma_start3A_379 = arith.constant 1 : i32
        %dma_start3A_380 = arith.constant 0 : i32
        %dma_start3A_381 = arith.constant 0 : i32
        %dma_start3A_382 = tpu.memref_slice %arg8[%dma_start3A_378, %dma_start3A_380, %dma_start3A_381] : memref<4x128x32xf32, #tpu.memory_space<vmem>> -> memref<1x128x32xf32, #tpu.memory_space<vmem>>
        %dma_start3A_383 = tpu.memref_squeeze %dma_start3A_382 : memref<1x128x32xf32, #tpu.memory_space<vmem>> -> memref<128x32xf32, #tpu.memory_space<vmem>>
        %dma_start3A_384 = arith.constant 0 : i32
        %dma_start3A_385 = tpu.memref_slice %arg6[%add3A_342, %dma_start3A_384] : memref<152x128xi32, #tpu.memory_space<vmem>> -> memref<1x128xi32, #tpu.memory_space<vmem>>
        %dma_start3A_386 = tpu.memref_squeeze %dma_start3A_385 : memref<1x128xi32, #tpu.memory_space<vmem>> -> memref<128xi32, #tpu.memory_space<vmem>>
        %dma_start3A_387 = arith.constant 0 : i32
        %dma_start3A_388 = arith.constant 0 : i32
        %dma_start3A_389 = tpu.memref_slice %arg2[%dma_start3A_387, %dma_start3A_388] : memref<10000x32xf32, #tpu.memory_space<hbm>> -> memref<10000x32xf32, #tpu.memory_space<hbm>>
        %dma_start3A_390 = tpu.memref_slice %arg10[%dma_start3A_379] : memref<4x!tpu.dma_semaphore, #tpu.memory_space<semaphore_mem>> -> memref<1x!tpu.dma_semaphore, #tpu.memory_space<semaphore_mem>>
        %dma_start3A_391 = tpu.memref_squeeze %dma_start3A_390 : memref<1x!tpu.dma_semaphore, #tpu.memory_space<semaphore_mem>> -> memref<!tpu.dma_semaphore, #tpu.memory_space<semaphore_mem>>
        tpu.enqueue_indirect_dma source(%dma_start3A_389 : memref<10000x32xf32, #tpu.memory_space<hbm>>) target(%dma_start3A_383 : memref<128x32xf32, #tpu.memory_space<vmem>>) offsets(%dma_start3A_386 : memref<128xi32, #tpu.memory_space<vmem>>) semaphore(%dma_start3A_391 : memref<!tpu.dma_semaphore, #tpu.memory_space<semaphore_mem>>)
      } else {
      }
      %add3A_347 = arith.constant 2 : i32
      %add3A_348 = arith.addi %mul3A_206, %add3A_347 : i32
      %add3A_349 = arith.constant 4 : i32
      %add3A_350 = arith.addi %add3A_348, %add3A_349 : i32
      %lt3A_351 = arith.cmpi slt, %add3A_350, %select_n3A_8 : i32
      %convert_element_type3A_352 = arith.extui %lt3A_351 : i1 to i32
      %cond3A_353 = arith.constant 0 : i32
      %cond3A_354 = arith.cmpi ne, %convert_element_type3A_352, %cond3A_353 : i32
      scf.if %cond3A_354 {
        %dma_wait3A_363 = arith.constant 2 : i32
        %dma_wait3A_364 = arith.constant 0 : i32
        %dma_wait3A_365 = arith.constant 2 : i32
        %dma_wait3A_366 = arith.constant 0 : i32
        %dma_wait3A_367 = arith.constant 0 : i32
        %dma_wait3A_368 = tpu.memref_slice %arg8[%dma_wait3A_363, %dma_wait3A_366, %dma_wait3A_367] : memref<4x128x32xf32, #tpu.memory_space<vmem>> -> memref<1x128x32xf32, #tpu.memory_space<vmem>>
        %dma_wait3A_369 = tpu.memref_squeeze %dma_wait3A_368 : memref<1x128x32xf32, #tpu.memory_space<vmem>> -> memref<128x32xf32, #tpu.memory_space<vmem>>
        %dma_wait3A_370 = arith.constant 0 : i32
        %dma_wait3A_371 = tpu.memref_slice %arg7[%dma_wait3A_364, %dma_wait3A_370] : memref<152x128xi32, #tpu.memory_space<vmem>> -> memref<1x128xi32, #tpu.memory_space<vmem>>
        %dma_wait3A_372 = tpu.memref_squeeze %dma_wait3A_371 : memref<1x128xi32, #tpu.memory_space<vmem>> -> memref<128xi32, #tpu.memory_space<vmem>>
        %dma_wait3A_373 = arith.constant 0 : i32
        %dma_wait3A_374 = arith.constant 0 : i32
        %dma_wait3A_375 = tpu.memref_slice %arg9[%dma_wait3A_373, %dma_wait3A_374] : memref<10008x32xf32, #tpu.memory_space<vmem_shared>> -> memref<10008x32xf32, #tpu.memory_space<vmem_shared>>
        %dma_wait3A_376 = tpu.memref_slice %arg11[%dma_wait3A_365] : memref<4x!tpu.dma_semaphore, #tpu.memory_space<semaphore_mem>> -> memref<1x!tpu.dma_semaphore, #tpu.memory_space<semaphore_mem>>
        %dma_wait3A_377 = tpu.memref_squeeze %dma_wait3A_376 : memref<1x!tpu.dma_semaphore, #tpu.memory_space<semaphore_mem>> -> memref<!tpu.dma_semaphore, #tpu.memory_space<semaphore_mem>>
        tpu.wait_indirect_dma semaphore(%dma_wait3A_377 : memref<!tpu.dma_semaphore, #tpu.memory_space<semaphore_mem>>) src(%dma_wait3A_369 : memref<128x32xf32, #tpu.memory_space<vmem>>) dst(%dma_wait3A_375 : memref<10008x32xf32, #tpu.memory_space<vmem_shared>>)
        %dma_start3A_378 = arith.constant 2 : i32
        %dma_start3A_379 = arith.constant 2 : i32
        %dma_start3A_380 = arith.constant 0 : i32
        %dma_start3A_381 = arith.constant 0 : i32
        %dma_start3A_382 = tpu.memref_slice %arg8[%dma_start3A_378, %dma_start3A_380, %dma_start3A_381] : memref<4x128x32xf32, #tpu.memory_space<vmem>> -> memref<1x128x32xf32, #tpu.memory_space<vmem>>
        %dma_start3A_383 = tpu.memref_squeeze %dma_start3A_382 : memref<1x128x32xf32, #tpu.memory_space<vmem>> -> memref<128x32xf32, #tpu.memory_space<vmem>>
        %dma_start3A_384 = arith.constant 0 : i32
        %dma_start3A_385 = tpu.memref_slice %arg6[%add3A_350, %dma_start3A_384] : memref<152x128xi32, #tpu.memory_space<vmem>> -> memref<1x128xi32, #tpu.memory_space<vmem>>
        %dma_start3A_386 = tpu.memref_squeeze %dma_start3A_385 : memref<1x128xi32, #tpu.memory_space<vmem>> -> memref<128xi32, #tpu.memory_space<vmem>>
        %dma_start3A_387 = arith.constant 0 : i32
        %dma_start3A_388 = arith.constant 0 : i32
        %dma_start3A_389 = tpu.memref_slice %arg2[%dma_start3A_387, %dma_start3A_388] : memref<10000x32xf32, #tpu.memory_space<hbm>> -> memref<10000x32xf32, #tpu.memory_space<hbm>>
        %dma_start3A_390 = tpu.memref_slice %arg10[%dma_start3A_379] : memref<4x!tpu.dma_semaphore, #tpu.memory_space<semaphore_mem>> -> memref<1x!tpu.dma_semaphore, #tpu.memory_space<semaphore_mem>>
        %dma_start3A_391 = tpu.memref_squeeze %dma_start3A_390 : memref<1x!tpu.dma_semaphore, #tpu.memory_space<semaphore_mem>> -> memref<!tpu.dma_semaphore, #tpu.memory_space<semaphore_mem>>
        tpu.enqueue_indirect_dma source(%dma_start3A_389 : memref<10000x32xf32, #tpu.memory_space<hbm>>) target(%dma_start3A_383 : memref<128x32xf32, #tpu.memory_space<vmem>>) offsets(%dma_start3A_386 : memref<128xi32, #tpu.memory_space<vmem>>) semaphore(%dma_start3A_391 : memref<!tpu.dma_semaphore, #tpu.memory_space<semaphore_mem>>)
      } else {
      }
      %add3A_355 = arith.constant 3 : i32
      %add3A_356 = arith.addi %mul3A_206, %add3A_355 : i32
      %add3A_357 = arith.constant 4 : i32
      %add3A_358 = arith.addi %add3A_356, %add3A_357 : i32
      %lt3A_359 = arith.cmpi slt, %add3A_358, %select_n3A_8 : i32
      %convert_element_type3A_360 = arith.extui %lt3A_359 : i1 to i32
      %cond3A_361 = arith.constant 0 : i32
      %cond3A_362 = arith.cmpi ne, %convert_element_type3A_360, %cond3A_361 : i32
      scf.if %cond3A_362 {
        %dma_wait3A_363 = arith.constant 3 : i32
        %dma_wait3A_364 = arith.constant 0 : i32
        %dma_wait3A_365 = arith.constant 3 : i32
        %dma_wait3A_366 = arith.constant 0 : i32
        %dma_wait3A_367 = arith.constant 0 : i32
        %dma_wait3A_368 = tpu.memref_slice %arg8[%dma_wait3A_363, %dma_wait3A_366, %dma_wait3A_367] : memref<4x128x32xf32, #tpu.memory_space<vmem>> -> memref<1x128x32xf32, #tpu.memory_space<vmem>>
        %dma_wait3A_369 = tpu.memref_squeeze %dma_wait3A_368 : memref<1x128x32xf32, #tpu.memory_space<vmem>> -> memref<128x32xf32, #tpu.memory_space<vmem>>
        %dma_wait3A_370 = arith.constant 0 : i32
        %dma_wait3A_371 = tpu.memref_slice %arg7[%dma_wait3A_364, %dma_wait3A_370] : memref<152x128xi32, #tpu.memory_space<vmem>> -> memref<1x128xi32, #tpu.memory_space<vmem>>
        %dma_wait3A_372 = tpu.memref_squeeze %dma_wait3A_371 : memref<1x128xi32, #tpu.memory_space<vmem>> -> memref<128xi32, #tpu.memory_space<vmem>>
        %dma_wait3A_373 = arith.constant 0 : i32
        %dma_wait3A_374 = arith.constant 0 : i32
        %dma_wait3A_375 = tpu.memref_slice %arg9[%dma_wait3A_373, %dma_wait3A_374] : memref<10008x32xf32, #tpu.memory_space<vmem_shared>> -> memref<10008x32xf32, #tpu.memory_space<vmem_shared>>
        %dma_wait3A_376 = tpu.memref_slice %arg11[%dma_wait3A_365] : memref<4x!tpu.dma_semaphore, #tpu.memory_space<semaphore_mem>> -> memref<1x!tpu.dma_semaphore, #tpu.memory_space<semaphore_mem>>
        %dma_wait3A_377 = tpu.memref_squeeze %dma_wait3A_376 : memref<1x!tpu.dma_semaphore, #tpu.memory_space<semaphore_mem>> -> memref<!tpu.dma_semaphore, #tpu.memory_space<semaphore_mem>>
        tpu.wait_indirect_dma semaphore(%dma_wait3A_377 : memref<!tpu.dma_semaphore, #tpu.memory_space<semaphore_mem>>) src(%dma_wait3A_369 : memref<128x32xf32, #tpu.memory_space<vmem>>) dst(%dma_wait3A_375 : memref<10008x32xf32, #tpu.memory_space<vmem_shared>>)
        %dma_start3A_378 = arith.constant 3 : i32
        %dma_start3A_379 = arith.constant 3 : i32
        %dma_start3A_380 = arith.constant 0 : i32
        %dma_start3A_381 = arith.constant 0 : i32
        %dma_start3A_382 = tpu.memref_slice %arg8[%dma_start3A_378, %dma_start3A_380, %dma_start3A_381] : memref<4x128x32xf32, #tpu.memory_space<vmem>> -> memref<1x128x32xf32, #tpu.memory_space<vmem>>
        %dma_start3A_383 = tpu.memref_squeeze %dma_start3A_382 : memref<1x128x32xf32, #tpu.memory_space<vmem>> -> memref<128x32xf32, #tpu.memory_space<vmem>>
        %dma_start3A_384 = arith.constant 0 : i32
        %dma_start3A_385 = tpu.memref_slice %arg6[%add3A_358, %dma_start3A_384] : memref<152x128xi32, #tpu.memory_space<vmem>> -> memref<1x128xi32, #tpu.memory_space<vmem>>
        %dma_start3A_386 = tpu.memref_squeeze %dma_start3A_385 : memref<1x128xi32, #tpu.memory_space<vmem>> -> memref<128xi32, #tpu.memory_space<vmem>>
        %dma_start3A_387 = arith.constant 0 : i32
        %dma_start3A_388 = arith.constant 0 : i32
        %dma_start3A_389 = tpu.memref_slice %arg2[%dma_start3A_387, %dma_start3A_388] : memref<10000x32xf32, #tpu.memory_space<hbm>> -> memref<10000x32xf32, #tpu.memory_space<hbm>>
        %dma_start3A_390 = tpu.memref_slice %arg10[%dma_start3A_379] : memref<4x!tpu.dma_semaphore, #tpu.memory_space<semaphore_mem>> -> memref<1x!tpu.dma_semaphore, #tpu.memory_space<semaphore_mem>>
        %dma_start3A_391 = tpu.memref_squeeze %dma_start3A_390 : memref<1x!tpu.dma_semaphore, #tpu.memory_space<semaphore_mem>> -> memref<!tpu.dma_semaphore, #tpu.memory_space<semaphore_mem>>
        tpu.enqueue_indirect_dma source(%dma_start3A_389 : memref<10000x32xf32, #tpu.memory_space<hbm>>) target(%dma_start3A_383 : memref<128x32xf32, #tpu.memory_space<vmem>>) offsets(%dma_start3A_386 : memref<128xi32, #tpu.memory_space<vmem>>) semaphore(%dma_start3A_391 : memref<!tpu.dma_semaphore, #tpu.memory_space<semaphore_mem>>)
      } else {
      }
    }
    %dma_wait3A = arith.constant 0 : i32
    %dma_wait3A_129 = arith.constant 0 : i32
    %dma_wait3A_130 = arith.constant 0 : i32
    %dma_wait3A_131 = arith.constant 0 : i32
    %dma_wait3A_132 = arith.constant 0 : i32
    %dma_wait3A_133 = tpu.memref_slice %arg8[%dma_wait3A, %dma_wait3A_131, %dma_wait3A_132] : memref<4x128x32xf32, #tpu.memory_space<vmem>> -> memref<1x128x32xf32, #tpu.memory_space<vmem>>
    %dma_wait3A_134 = tpu.memref_squeeze %dma_wait3A_133 : memref<1x128x32xf32, #tpu.memory_space<vmem>> -> memref<128x32xf32, #tpu.memory_space<vmem>>
    %dma_wait3A_135 = arith.constant 0 : i32
    %dma_wait3A_136 = tpu.memref_slice %arg7[%dma_wait3A_129, %dma_wait3A_135] : memref<152x128xi32, #tpu.memory_space<vmem>> -> memref<1x128xi32, #tpu.memory_space<vmem>>
    %dma_wait3A_137 = tpu.memref_squeeze %dma_wait3A_136 : memref<1x128xi32, #tpu.memory_space<vmem>> -> memref<128xi32, #tpu.memory_space<vmem>>
    %dma_wait3A_138 = arith.constant 0 : i32
    %dma_wait3A_139 = arith.constant 0 : i32
    %dma_wait3A_140 = tpu.memref_slice %arg9[%dma_wait3A_138, %dma_wait3A_139] : memref<10008x32xf32, #tpu.memory_space<vmem_shared>> -> memref<10008x32xf32, #tpu.memory_space<vmem_shared>>
    %dma_wait3A_141 = tpu.memref_slice %arg11[%dma_wait3A_130] : memref<4x!tpu.dma_semaphore, #tpu.memory_space<semaphore_mem>> -> memref<1x!tpu.dma_semaphore, #tpu.memory_space<semaphore_mem>>
    %dma_wait3A_142 = tpu.memref_squeeze %dma_wait3A_141 : memref<1x!tpu.dma_semaphore, #tpu.memory_space<semaphore_mem>> -> memref<!tpu.dma_semaphore, #tpu.memory_space<semaphore_mem>>
    tpu.wait_indirect_dma semaphore(%dma_wait3A_142 : memref<!tpu.dma_semaphore, #tpu.memory_space<semaphore_mem>>) src(%dma_wait3A_134 : memref<128x32xf32, #tpu.memory_space<vmem>>) dst(%dma_wait3A_140 : memref<10008x32xf32, #tpu.memory_space<vmem_shared>>)
    %dma_wait3A_143 = arith.constant 1 : i32
    %dma_wait3A_144 = arith.constant 0 : i32
    %dma_wait3A_145 = arith.constant 1 : i32
    %dma_wait3A_146 = arith.constant 0 : i32
    %dma_wait3A_147 = arith.constant 0 : i32
    %dma_wait3A_148 = tpu.memref_slice %arg8[%dma_wait3A_143, %dma_wait3A_146, %dma_wait3A_147] : memref<4x128x32xf32, #tpu.memory_space<vmem>> -> memref<1x128x32xf32, #tpu.memory_space<vmem>>
    %dma_wait3A_149 = tpu.memref_squeeze %dma_wait3A_148 : memref<1x128x32xf32, #tpu.memory_space<vmem>> -> memref<128x32xf32, #tpu.memory_space<vmem>>
    %dma_wait3A_150 = arith.constant 0 : i32
    %dma_wait3A_151 = tpu.memref_slice %arg7[%dma_wait3A_144, %dma_wait3A_150] : memref<152x128xi32, #tpu.memory_space<vmem>> -> memref<1x128xi32, #tpu.memory_space<vmem>>
    %dma_wait3A_152 = tpu.memref_squeeze %dma_wait3A_151 : memref<1x128xi32, #tpu.memory_space<vmem>> -> memref<128xi32, #tpu.memory_space<vmem>>
    %dma_wait3A_153 = arith.constant 0 : i32
    %dma_wait3A_154 = arith.constant 0 : i32
    %dma_wait3A_155 = tpu.memref_slice %arg9[%dma_wait3A_153, %dma_wait3A_154] : memref<10008x32xf32, #tpu.memory_space<vmem_shared>> -> memref<10008x32xf32, #tpu.memory_space<vmem_shared>>
    %dma_wait3A_156 = tpu.memref_slice %arg11[%dma_wait3A_145] : memref<4x!tpu.dma_semaphore, #tpu.memory_space<semaphore_mem>> -> memref<1x!tpu.dma_semaphore, #tpu.memory_space<semaphore_mem>>
    %dma_wait3A_157 = tpu.memref_squeeze %dma_wait3A_156 : memref<1x!tpu.dma_semaphore, #tpu.memory_space<semaphore_mem>> -> memref<!tpu.dma_semaphore, #tpu.memory_space<semaphore_mem>>
    tpu.wait_indirect_dma semaphore(%dma_wait3A_157 : memref<!tpu.dma_semaphore, #tpu.memory_space<semaphore_mem>>) src(%dma_wait3A_149 : memref<128x32xf32, #tpu.memory_space<vmem>>) dst(%dma_wait3A_155 : memref<10008x32xf32, #tpu.memory_space<vmem_shared>>)
    %dma_wait3A_158 = arith.constant 2 : i32
    %dma_wait3A_159 = arith.constant 0 : i32
    %dma_wait3A_160 = arith.constant 2 : i32
    %dma_wait3A_161 = arith.constant 0 : i32
    %dma_wait3A_162 = arith.constant 0 : i32
    %dma_wait3A_163 = tpu.memref_slice %arg8[%dma_wait3A_158, %dma_wait3A_161, %dma_wait3A_162] : memref<4x128x32xf32, #tpu.memory_space<vmem>> -> memref<1x128x32xf32, #tpu.memory_space<vmem>>
    %dma_wait3A_164 = tpu.memref_squeeze %dma_wait3A_163 : memref<1x128x32xf32, #tpu.memory_space<vmem>> -> memref<128x32xf32, #tpu.memory_space<vmem>>
    %dma_wait3A_165 = arith.constant 0 : i32
    %dma_wait3A_166 = tpu.memref_slice %arg7[%dma_wait3A_159, %dma_wait3A_165] : memref<152x128xi32, #tpu.memory_space<vmem>> -> memref<1x128xi32, #tpu.memory_space<vmem>>
    %dma_wait3A_167 = tpu.memref_squeeze %dma_wait3A_166 : memref<1x128xi32, #tpu.memory_space<vmem>> -> memref<128xi32, #tpu.memory_space<vmem>>
    %dma_wait3A_168 = arith.constant 0 : i32
    %dma_wait3A_169 = arith.constant 0 : i32
    %dma_wait3A_170 = tpu.memref_slice %arg9[%dma_wait3A_168, %dma_wait3A_169] : memref<10008x32xf32, #tpu.memory_space<vmem_shared>> -> memref<10008x32xf32, #tpu.memory_space<vmem_shared>>
    %dma_wait3A_171 = tpu.memref_slice %arg11[%dma_wait3A_160] : memref<4x!tpu.dma_semaphore, #tpu.memory_space<semaphore_mem>> -> memref<1x!tpu.dma_semaphore, #tpu.memory_space<semaphore_mem>>
    %dma_wait3A_172 = tpu.memref_squeeze %dma_wait3A_171 : memref<1x!tpu.dma_semaphore, #tpu.memory_space<semaphore_mem>> -> memref<!tpu.dma_semaphore, #tpu.memory_space<semaphore_mem>>
    tpu.wait_indirect_dma semaphore(%dma_wait3A_172 : memref<!tpu.dma_semaphore, #tpu.memory_space<semaphore_mem>>) src(%dma_wait3A_164 : memref<128x32xf32, #tpu.memory_space<vmem>>) dst(%dma_wait3A_170 : memref<10008x32xf32, #tpu.memory_space<vmem_shared>>)
    %dma_wait3A_173 = arith.constant 3 : i32
    %dma_wait3A_174 = arith.constant 0 : i32
    %dma_wait3A_175 = arith.constant 3 : i32
    %dma_wait3A_176 = arith.constant 0 : i32
    %dma_wait3A_177 = arith.constant 0 : i32
    %dma_wait3A_178 = tpu.memref_slice %arg8[%dma_wait3A_173, %dma_wait3A_176, %dma_wait3A_177] : memref<4x128x32xf32, #tpu.memory_space<vmem>> -> memref<1x128x32xf32, #tpu.memory_space<vmem>>
    %dma_wait3A_179 = tpu.memref_squeeze %dma_wait3A_178 : memref<1x128x32xf32, #tpu.memory_space<vmem>> -> memref<128x32xf32, #tpu.memory_space<vmem>>
    %dma_wait3A_180 = arith.constant 0 : i32
    %dma_wait3A_181 = tpu.memref_slice %arg7[%dma_wait3A_174, %dma_wait3A_180] : memref<152x128xi32, #tpu.memory_space<vmem>> -> memref<1x128xi32, #tpu.memory_space<vmem>>
    %dma_wait3A_182 = tpu.memref_squeeze %dma_wait3A_181 : memref<1x128xi32, #tpu.memory_space<vmem>> -> memref<128xi32, #tpu.memory_space<vmem>>
    %dma_wait3A_183 = arith.constant 0 : i32
    %dma_wait3A_184 = arith.constant 0 : i32
    %dma_wait3A_185 = tpu.memref_slice %arg9[%dma_wait3A_183, %dma_wait3A_184] : memref<10008x32xf32, #tpu.memory_space<vmem_shared>> -> memref<10008x32xf32, #tpu.memory_space<vmem_shared>>
    %dma_wait3A_186 = tpu.memref_slice %arg11[%dma_wait3A_175] : memref<4x!tpu.dma_semaphore, #tpu.memory_space<semaphore_mem>> -> memref<1x!tpu.dma_semaphore, #tpu.memory_space<semaphore_mem>>
    %dma_wait3A_187 = tpu.memref_squeeze %dma_wait3A_186 : memref<1x!tpu.dma_semaphore, #tpu.memory_space<semaphore_mem>> -> memref<!tpu.dma_semaphore, #tpu.memory_space<semaphore_mem>>
    tpu.wait_indirect_dma semaphore(%dma_wait3A_187 : memref<!tpu.dma_semaphore, #tpu.memory_space<semaphore_mem>>) src(%dma_wait3A_179 : memref<128x32xf32, #tpu.memory_space<vmem>>) dst(%dma_wait3A_185 : memref<10008x32xf32, #tpu.memory_space<vmem_shared>>)
    %barrier3A_188 = arith.constant 0 : index
    tpu.barrier barrier_id(%barrier3A_188)
    %mul3A_189 = arith.constant 632 : i32
    %mul3A_190 = arith.muli %arg1, %mul3A_189 : i32
    %mul3A_191 = arith.constant 10000 : i32
    %mul3A_192 = arith.muli %arg0, %mul3A_191 : i32
    %add3A_193 = arith.addi %mul3A_192, %mul3A_190 : i32
    %lt3A_194 = arith.constant 15 : i32
    %lt3A_195 = arith.cmpi slt, %arg1, %lt3A_194 : i32
    %convert_element_type3A_196 = arith.extui %lt3A_195 : i1 to i32
    %cond3A_197 = arith.constant 0 : i32
    %cond3A_198 = arith.cmpi ne, %convert_element_type3A_196, %cond3A_197 : i32
    scf.if %cond3A_198 {
      "tpu.region"() ({
        %run_scoped3A = tpu.sem_alloc : memref<!tpu.dma_semaphore, #tpu.memory_space<semaphore_mem>>
        %dma_start3A_204 = arith.constant 0 : i32
        %dma_start3A_205 = tpu.memref_slice %arg5[%add3A_193, %dma_start3A_204] : memref<20000x32xf32, #tpu.memory_space<hbm>> -> memref<632x32xf32, #tpu.memory_space<hbm>>
        %dma_start3A_206 = arith.constant 0 : i32
        %dma_start3A_207 = tpu.memref_slice %arg9[%mul3A_190, %dma_start3A_206] : memref<10008x32xf32, #tpu.memory_space<vmem_shared>> -> memref<632x32xf32, #tpu.memory_space<vmem_shared>>
        tpu.enqueue_dma source(%dma_start3A_207 : memref<632x32xf32, #tpu.memory_space<vmem_shared>>) target(%dma_start3A_205 : memref<632x32xf32, #tpu.memory_space<hbm>>) target_semaphore(%run_scoped3A : memref<!tpu.dma_semaphore, #tpu.memory_space<semaphore_mem>>)
        %dma_wait3A_208 = arith.constant 0 : i32
        %dma_wait3A_209 = tpu.memref_slice %arg5[%add3A_193, %dma_wait3A_208] : memref<20000x32xf32, #tpu.memory_space<hbm>> -> memref<632x32xf32, #tpu.memory_space<hbm>>
        %dma_wait3A_210 = arith.constant 0 : i32
        %dma_wait3A_211 = tpu.memref_slice %arg9[%mul3A_190, %dma_wait3A_210] : memref<10008x32xf32, #tpu.memory_space<vmem_shared>> -> memref<632x32xf32, #tpu.memory_space<vmem_shared>>
        tpu.wait_dma2 semaphore(%run_scoped3A : memref<!tpu.dma_semaphore, #tpu.memory_space<semaphore_mem>>) src(%dma_wait3A_211 : memref<632x32xf32, #tpu.memory_space<vmem_shared>>) dst(%dma_wait3A_209 : memref<632x32xf32, #tpu.memory_space<hbm>>)
        tpu.yield
      }) : () -> ()
    } else {
    }
    %eq3A_199 = arith.constant 15 : i32
    %eq3A_200 = arith.cmpi eq, %arg1, %eq3A_199 : i32
    %convert_element_type3A_201 = arith.extui %eq3A_200 : i1 to i32
    %cond3A_202 = arith.constant 0 : i32
    %cond3A_203 = arith.cmpi ne, %convert_element_type3A_201, %cond3A_202 : i32
    scf.if %cond3A_203 {
      "tpu.region"() ({
        %run_scoped3A = tpu.sem_alloc : memref<!tpu.dma_semaphore, #tpu.memory_space<semaphore_mem>>
        %dma_start3A_204 = arith.constant 0 : i32
        %dma_start3A_205 = tpu.memref_slice %arg5[%add3A_193, %dma_start3A_204] : memref<20000x32xf32, #tpu.memory_space<hbm>> -> memref<520x32xf32, #tpu.memory_space<hbm>>
        %dma_start3A_206 = arith.constant 0 : i32
        %dma_start3A_207 = tpu.memref_slice %arg9[%mul3A_190, %dma_start3A_206] : memref<10008x32xf32, #tpu.memory_space<vmem_shared>> -> memref<520x32xf32, #tpu.memory_space<vmem_shared>>
        tpu.enqueue_dma source(%dma_start3A_207 : memref<520x32xf32, #tpu.memory_space<vmem_shared>>) target(%dma_start3A_205 : memref<520x32xf32, #tpu.memory_space<hbm>>) target_semaphore(%run_scoped3A : memref<!tpu.dma_semaphore, #tpu.memory_space<semaphore_mem>>)
        %dma_wait3A_208 = arith.constant 0 : i32
        %dma_wait3A_209 = tpu.memref_slice %arg5[%add3A_193, %dma_wait3A_208] : memref<20000x32xf32, #tpu.memory_space<hbm>> -> memref<520x32xf32, #tpu.memory_space<hbm>>
        %dma_wait3A_210 = arith.constant 0 : i32
        %dma_wait3A_211 = tpu.memref_slice %arg9[%mul3A_190, %dma_wait3A_210] : memref<10008x32xf32, #tpu.memory_space<vmem_shared>> -> memref<520x32xf32, #tpu.memory_space<vmem_shared>>
        tpu.wait_dma2 semaphore(%run_scoped3A : memref<!tpu.dma_semaphore, #tpu.memory_space<semaphore_mem>>) src(%dma_wait3A_211 : memref<520x32xf32, #tpu.memory_space<vmem_shared>>) dst(%dma_wait3A_209 : memref<520x32xf32, #tpu.memory_space<hbm>>)
        tpu.yield
      }) : () -> ()
    } else {
    }
    return
  }
}

#map = affine_map<(d0, d1) -> (0, 0)>
#map1 = affine_map<(d0, d1) -> (0)>
module attributes {stable_mosaic.version = 14 : i64} {
  func.func @k(%arg0: i32, %arg1: i32, %arg2: memref<2560x128xi32, #tpu.memory_space<hbm>>, %arg3: memref<20000xf32, #tpu.memory_space<hbm>>, %arg4: memref<80x128xi32, #tpu.memory_space<vmem>>, %arg5: memref<128xf32, #tpu.memory_space<vmem>>, %arg6: memref<128xf32, #tpu.memory_space<vmem>>, %arg7: memref<632xf32, #tpu.memory_space<vmem>>, %arg8: memref<10008xf32, #tpu.memory_space<vmem_shared>>) attributes {dimension_semantics = [#tpu.dimension_semantics<core_parallel>, #tpu.dimension_semantics<subcore_parallel>], iteration_bounds = array<i64: 2, 16>, scalar_prefetch = 0 : i64, scratch_operands = 5 : i64, tpu.core_type = #tpu.core_type<sc_vector_subcore>, window_params = [{transform_indices = #map}, {transform_indices = #map1}]} {
    %mul3A = arith.constant 16 : i32
    %mul3A_0 = arith.muli %arg0, %mul3A : i32
    %add3A = arith.addi %mul3A_0, %arg1 : i32
    %mul3A_1 = arith.constant 80 : i32
    %mul3A_2 = arith.muli %add3A, %mul3A_1 : i32
    "tpu.region"() ({
      %run_scoped3A = tpu.sem_alloc : memref<!tpu.dma_semaphore, #tpu.memory_space<semaphore_mem>>
      %dma_start3A = arith.constant 0 : i32
      %dma_start3A_104 = tpu.memref_slice %arg2[%mul3A_2, %dma_start3A] : memref<2560x128xi32, #tpu.memory_space<hbm>> -> memref<80x128xi32, #tpu.memory_space<hbm>>
      %dma_start3A_105 = arith.constant 0 : i32
      %dma_start3A_106 = tpu.memref_slice %arg2[%mul3A_2, %dma_start3A_105] : memref<2560x128xi32, #tpu.memory_space<hbm>> -> memref<80x128xi32, #tpu.memory_space<hbm>>
      tpu.enqueue_dma source(%dma_start3A_106 : memref<80x128xi32, #tpu.memory_space<hbm>>) target(%arg4 : memref<80x128xi32, #tpu.memory_space<vmem>>) target_semaphore(%run_scoped3A : memref<!tpu.dma_semaphore, #tpu.memory_space<semaphore_mem>>)
      %dma_wait3A = arith.constant 0 : i32
      %dma_wait3A_107 = tpu.memref_slice %arg2[%mul3A_2, %dma_wait3A] : memref<2560x128xi32, #tpu.memory_space<hbm>> -> memref<80x128xi32, #tpu.memory_space<hbm>>
      %dma_wait3A_108 = arith.constant 0 : i32
      %dma_wait3A_109 = tpu.memref_slice %arg2[%mul3A_2, %dma_wait3A_108] : memref<2560x128xi32, #tpu.memory_space<hbm>> -> memref<80x128xi32, #tpu.memory_space<hbm>>
      tpu.wait_dma2 semaphore(%run_scoped3A : memref<!tpu.dma_semaphore, #tpu.memory_space<semaphore_mem>>) src(%dma_wait3A_109 : memref<80x128xi32, #tpu.memory_space<hbm>>) dst(%arg4 : memref<80x128xi32, #tpu.memory_space<vmem>>)
      tpu.yield
    }) : () -> ()
    %broadcast_in_dim3A = arith.constant 1.000000e+00 : f32
    %broadcast_in_dim3A_3 = vector.broadcast %broadcast_in_dim3A : f32 to vector<16xf32>
    %broadcast_in_dim3A_4 = arith.constant 0.000000e+00 : f32
    %broadcast_in_dim3A_5 = vector.broadcast %broadcast_in_dim3A_4 : f32 to vector<16xf32>
    %swap3A = arith.constant 0 : index
    %swap3A_6 = tpu.vector_load %arg5[%swap3A] {strides = array<i32>} : memref<128xf32, #tpu.memory_space<vmem>>, vector<16xf32>,
    %swap3A_7 = vector.shape_cast %swap3A_6 : vector<16xf32> to vector<16xf32>
    %swap3A_8 = vector.shape_cast %broadcast_in_dim3A_3 : vector<16xf32> to vector<16xf32>
    tpu.vector_store %arg5[%swap3A], %swap3A_8 {strides = array<i32>} : memref<128xf32, #tpu.memory_space<vmem>>, vector<16xf32>,
    %swap3A_9 = arith.constant 0 : index
    %swap3A_10 = tpu.vector_load %arg6[%swap3A_9] {strides = array<i32>} : memref<128xf32, #tpu.memory_space<vmem>>, vector<16xf32>,
    %swap3A_11 = vector.shape_cast %swap3A_10 : vector<16xf32> to vector<16xf32>
    %swap3A_12 = vector.shape_cast %broadcast_in_dim3A_5 : vector<16xf32> to vector<16xf32>
    tpu.vector_store %arg6[%swap3A_9], %swap3A_12 {strides = array<i32>} : memref<128xf32, #tpu.memory_space<vmem>>, vector<16xf32>,
    %swap3A_13 = arith.constant 16 : index
    %swap3A_14 = tpu.vector_load %arg5[%swap3A_13] {strides = array<i32>} : memref<128xf32, #tpu.memory_space<vmem>>, vector<16xf32>,
    %swap3A_15 = vector.shape_cast %swap3A_14 : vector<16xf32> to vector<16xf32>
    %swap3A_16 = vector.shape_cast %broadcast_in_dim3A_3 : vector<16xf32> to vector<16xf32>
    tpu.vector_store %arg5[%swap3A_13], %swap3A_16 {strides = array<i32>} : memref<128xf32, #tpu.memory_space<vmem>>, vector<16xf32>,
    %swap3A_17 = arith.constant 16 : index
    %swap3A_18 = tpu.vector_load %arg6[%swap3A_17] {strides = array<i32>} : memref<128xf32, #tpu.memory_space<vmem>>, vector<16xf32>,
    %swap3A_19 = vector.shape_cast %swap3A_18 : vector<16xf32> to vector<16xf32>
    %swap3A_20 = vector.shape_cast %broadcast_in_dim3A_5 : vector<16xf32> to vector<16xf32>
    tpu.vector_store %arg6[%swap3A_17], %swap3A_20 {strides = array<i32>} : memref<128xf32, #tpu.memory_space<vmem>>, vector<16xf32>,
    %swap3A_21 = arith.constant 32 : index
    %swap3A_22 = tpu.vector_load %arg5[%swap3A_21] {strides = array<i32>} : memref<128xf32, #tpu.memory_space<vmem>>, vector<16xf32>,
    %swap3A_23 = vector.shape_cast %swap3A_22 : vector<16xf32> to vector<16xf32>
    %swap3A_24 = vector.shape_cast %broadcast_in_dim3A_3 : vector<16xf32> to vector<16xf32>
    tpu.vector_store %arg5[%swap3A_21], %swap3A_24 {strides = array<i32>} : memref<128xf32, #tpu.memory_space<vmem>>, vector<16xf32>,
    %swap3A_25 = arith.constant 32 : index
    %swap3A_26 = tpu.vector_load %arg6[%swap3A_25] {strides = array<i32>} : memref<128xf32, #tpu.memory_space<vmem>>, vector<16xf32>,
    %swap3A_27 = vector.shape_cast %swap3A_26 : vector<16xf32> to vector<16xf32>
    %swap3A_28 = vector.shape_cast %broadcast_in_dim3A_5 : vector<16xf32> to vector<16xf32>
    tpu.vector_store %arg6[%swap3A_25], %swap3A_28 {strides = array<i32>} : memref<128xf32, #tpu.memory_space<vmem>>, vector<16xf32>,
    %swap3A_29 = arith.constant 48 : index
    %swap3A_30 = tpu.vector_load %arg5[%swap3A_29] {strides = array<i32>} : memref<128xf32, #tpu.memory_space<vmem>>, vector<16xf32>,
    %swap3A_31 = vector.shape_cast %swap3A_30 : vector<16xf32> to vector<16xf32>
    %swap3A_32 = vector.shape_cast %broadcast_in_dim3A_3 : vector<16xf32> to vector<16xf32>
    tpu.vector_store %arg5[%swap3A_29], %swap3A_32 {strides = array<i32>} : memref<128xf32, #tpu.memory_space<vmem>>, vector<16xf32>,
    %swap3A_33 = arith.constant 48 : index
    %swap3A_34 = tpu.vector_load %arg6[%swap3A_33] {strides = array<i32>} : memref<128xf32, #tpu.memory_space<vmem>>, vector<16xf32>,
    %swap3A_35 = vector.shape_cast %swap3A_34 : vector<16xf32> to vector<16xf32>
    %swap3A_36 = vector.shape_cast %broadcast_in_dim3A_5 : vector<16xf32> to vector<16xf32>
    tpu.vector_store %arg6[%swap3A_33], %swap3A_36 {strides = array<i32>} : memref<128xf32, #tpu.memory_space<vmem>>, vector<16xf32>,
    %swap3A_37 = arith.constant 64 : index
    %swap3A_38 = tpu.vector_load %arg5[%swap3A_37] {strides = array<i32>} : memref<128xf32, #tpu.memory_space<vmem>>, vector<16xf32>,
    %swap3A_39 = vector.shape_cast %swap3A_38 : vector<16xf32> to vector<16xf32>
    %swap3A_40 = vector.shape_cast %broadcast_in_dim3A_3 : vector<16xf32> to vector<16xf32>
    tpu.vector_store %arg5[%swap3A_37], %swap3A_40 {strides = array<i32>} : memref<128xf32, #tpu.memory_space<vmem>>, vector<16xf32>,
    %swap3A_41 = arith.constant 64 : index
    %swap3A_42 = tpu.vector_load %arg6[%swap3A_41] {strides = array<i32>} : memref<128xf32, #tpu.memory_space<vmem>>, vector<16xf32>,
    %swap3A_43 = vector.shape_cast %swap3A_42 : vector<16xf32> to vector<16xf32>
    %swap3A_44 = vector.shape_cast %broadcast_in_dim3A_5 : vector<16xf32> to vector<16xf32>
    tpu.vector_store %arg6[%swap3A_41], %swap3A_44 {strides = array<i32>} : memref<128xf32, #tpu.memory_space<vmem>>, vector<16xf32>,
    %swap3A_45 = arith.constant 80 : index
    %swap3A_46 = tpu.vector_load %arg5[%swap3A_45] {strides = array<i32>} : memref<128xf32, #tpu.memory_space<vmem>>, vector<16xf32>,
    %swap3A_47 = vector.shape_cast %swap3A_46 : vector<16xf32> to vector<16xf32>
    %swap3A_48 = vector.shape_cast %broadcast_in_dim3A_3 : vector<16xf32> to vector<16xf32>
    tpu.vector_store %arg5[%swap3A_45], %swap3A_48 {strides = array<i32>} : memref<128xf32, #tpu.memory_space<vmem>>, vector<16xf32>,
    %swap3A_49 = arith.constant 80 : index
    %swap3A_50 = tpu.vector_load %arg6[%swap3A_49] {strides = array<i32>} : memref<128xf32, #tpu.memory_space<vmem>>, vector<16xf32>,
    %swap3A_51 = vector.shape_cast %swap3A_50 : vector<16xf32> to vector<16xf32>
    %swap3A_52 = vector.shape_cast %broadcast_in_dim3A_5 : vector<16xf32> to vector<16xf32>
    tpu.vector_store %arg6[%swap3A_49], %swap3A_52 {strides = array<i32>} : memref<128xf32, #tpu.memory_space<vmem>>, vector<16xf32>,
    %swap3A_53 = arith.constant 96 : index
    %swap3A_54 = tpu.vector_load %arg5[%swap3A_53] {strides = array<i32>} : memref<128xf32, #tpu.memory_space<vmem>>, vector<16xf32>,
    %swap3A_55 = vector.shape_cast %swap3A_54 : vector<16xf32> to vector<16xf32>
    %swap3A_56 = vector.shape_cast %broadcast_in_dim3A_3 : vector<16xf32> to vector<16xf32>
    tpu.vector_store %arg5[%swap3A_53], %swap3A_56 {strides = array<i32>} : memref<128xf32, #tpu.memory_space<vmem>>, vector<16xf32>,
    %swap3A_57 = arith.constant 96 : index
    %swap3A_58 = tpu.vector_load %arg6[%swap3A_57] {strides = array<i32>} : memref<128xf32, #tpu.memory_space<vmem>>, vector<16xf32>,
    %swap3A_59 = vector.shape_cast %swap3A_58 : vector<16xf32> to vector<16xf32>
    %swap3A_60 = vector.shape_cast %broadcast_in_dim3A_5 : vector<16xf32> to vector<16xf32>
    tpu.vector_store %arg6[%swap3A_57], %swap3A_60 {strides = array<i32>} : memref<128xf32, #tpu.memory_space<vmem>>, vector<16xf32>,
    %swap3A_61 = arith.constant 112 : index
    %swap3A_62 = tpu.vector_load %arg5[%swap3A_61] {strides = array<i32>} : memref<128xf32, #tpu.memory_space<vmem>>, vector<16xf32>,
    %swap3A_63 = vector.shape_cast %swap3A_62 : vector<16xf32> to vector<16xf32>
    %swap3A_64 = vector.shape_cast %broadcast_in_dim3A_3 : vector<16xf32> to vector<16xf32>
    tpu.vector_store %arg5[%swap3A_61], %swap3A_64 {strides = array<i32>} : memref<128xf32, #tpu.memory_space<vmem>>, vector<16xf32>,
    %swap3A_65 = arith.constant 112 : index
    %swap3A_66 = tpu.vector_load %arg6[%swap3A_65] {strides = array<i32>} : memref<128xf32, #tpu.memory_space<vmem>>, vector<16xf32>,
    %swap3A_67 = vector.shape_cast %swap3A_66 : vector<16xf32> to vector<16xf32>
    %swap3A_68 = vector.shape_cast %broadcast_in_dim3A_5 : vector<16xf32> to vector<16xf32>
    tpu.vector_store %arg6[%swap3A_65], %swap3A_68 {strides = array<i32>} : memref<128xf32, #tpu.memory_space<vmem>>, vector<16xf32>,
    %mul3A_69 = arith.constant 632 : i32
    %mul3A_70 = arith.muli %arg1, %mul3A_69 : i32
    %scan3A = arith.constant 0 : i32
    %scan3A_71 = arith.constant 0 : i32
    %scan3A_72 = arith.constant 4 : i32
    %scan3A_73 = arith.addi %scan3A_71, %scan3A_72 : i32
    %scan3A_74 = arith.constant 1 : i32
    scf.for %scan3A_104 = %scan3A_71 to %scan3A_73 step %scan3A_74  : i32 {
      %mul3A_105 = arith.constant 128 : i32
      %mul3A_106 = arith.muli %scan3A_104, %mul3A_105 : i32
      %add3A_107 = arith.addi %mul3A_70, %mul3A_106 : i32
      "tpu.region"() ({
        %run_scoped3A = tpu.sem_alloc : memref<!tpu.dma_semaphore, #tpu.memory_space<semaphore_mem>>
        %dma_start3A = tpu.memref_slice %arg8[%add3A_107] : memref<10008xf32, #tpu.memory_space<vmem_shared>> -> memref<128xf32, #tpu.memory_space<vmem_shared>>
        %dma_start3A_108 = tpu.memref_slice %arg8[%add3A_107] : memref<10008xf32, #tpu.memory_space<vmem_shared>> -> memref<128xf32, #tpu.memory_space<vmem_shared>>
        tpu.enqueue_dma source(%arg6 : memref<128xf32, #tpu.memory_space<vmem>>) target(%dma_start3A_108 : memref<128xf32, #tpu.memory_space<vmem_shared>>) target_semaphore(%run_scoped3A : memref<!tpu.dma_semaphore, #tpu.memory_space<semaphore_mem>>)
        %dma_wait3A = tpu.memref_slice %arg8[%add3A_107] : memref<10008xf32, #tpu.memory_space<vmem_shared>> -> memref<128xf32, #tpu.memory_space<vmem_shared>>
        %dma_wait3A_109 = tpu.memref_slice %arg8[%add3A_107] : memref<10008xf32, #tpu.memory_space<vmem_shared>> -> memref<128xf32, #tpu.memory_space<vmem_shared>>
        tpu.wait_dma2 semaphore(%run_scoped3A : memref<!tpu.dma_semaphore, #tpu.memory_space<semaphore_mem>>) src(%arg6 : memref<128xf32, #tpu.memory_space<vmem>>) dst(%dma_wait3A_109 : memref<128xf32, #tpu.memory_space<vmem_shared>>)
        tpu.yield
      }) : () -> ()
    }
    %scan3A_75 = arith.constant 4 : i32
    %lt3A = arith.constant 15 : i32
    %lt3A_76 = arith.cmpi slt, %arg1, %lt3A : i32
    %convert_element_type3A = arith.extui %lt3A_76 : i1 to i32
    %cond3A = arith.constant 0 : i32
    %cond3A_77 = arith.cmpi ne, %convert_element_type3A, %cond3A : i32
    scf.if %cond3A_77 {
      %add3A_104 = arith.constant 512 : i32
      %add3A_105 = arith.addi %mul3A_70, %add3A_104 : i32
      "tpu.region"() ({
        %run_scoped3A = tpu.sem_alloc : memref<!tpu.dma_semaphore, #tpu.memory_space<semaphore_mem>>
        %dma_start3A = arith.constant 0 : i32
        %dma_start3A_106 = tpu.memref_slice %arg6[%dma_start3A] : memref<128xf32, #tpu.memory_space<vmem>> -> memref<120xf32, #tpu.memory_space<vmem>>
        %dma_start3A_107 = tpu.memref_slice %arg8[%add3A_105] : memref<10008xf32, #tpu.memory_space<vmem_shared>> -> memref<120xf32, #tpu.memory_space<vmem_shared>>
        %dma_start3A_108 = tpu.memref_slice %arg8[%add3A_105] : memref<10008xf32, #tpu.memory_space<vmem_shared>> -> memref<120xf32, #tpu.memory_space<vmem_shared>>
        %dma_start3A_109 = arith.constant 0 : i32
        %dma_start3A_110 = tpu.memref_slice %arg6[%dma_start3A_109] : memref<128xf32, #tpu.memory_space<vmem>> -> memref<120xf32, #tpu.memory_space<vmem>>
        tpu.enqueue_dma source(%dma_start3A_110 : memref<120xf32, #tpu.memory_space<vmem>>) target(%dma_start3A_108 : memref<120xf32, #tpu.memory_space<vmem_shared>>) target_semaphore(%run_scoped3A : memref<!tpu.dma_semaphore, #tpu.memory_space<semaphore_mem>>)
        %dma_wait3A = arith.constant 0 : i32
        %dma_wait3A_111 = tpu.memref_slice %arg6[%dma_wait3A] : memref<128xf32, #tpu.memory_space<vmem>> -> memref<120xf32, #tpu.memory_space<vmem>>
        %dma_wait3A_112 = tpu.memref_slice %arg8[%add3A_105] : memref<10008xf32, #tpu.memory_space<vmem_shared>> -> memref<120xf32, #tpu.memory_space<vmem_shared>>
        %dma_wait3A_113 = tpu.memref_slice %arg8[%add3A_105] : memref<10008xf32, #tpu.memory_space<vmem_shared>> -> memref<120xf32, #tpu.memory_space<vmem_shared>>
        %dma_wait3A_114 = arith.constant 0 : i32
        %dma_wait3A_115 = tpu.memref_slice %arg6[%dma_wait3A_114] : memref<128xf32, #tpu.memory_space<vmem>> -> memref<120xf32, #tpu.memory_space<vmem>>
        tpu.wait_dma2 semaphore(%run_scoped3A : memref<!tpu.dma_semaphore, #tpu.memory_space<semaphore_mem>>) src(%dma_wait3A_115 : memref<120xf32, #tpu.memory_space<vmem>>) dst(%dma_wait3A_113 : memref<120xf32, #tpu.memory_space<vmem_shared>>)
        tpu.yield
      }) : () -> ()
    } else {
    }
    %eq3A = arith.constant 15 : i32
    %eq3A_78 = arith.cmpi eq, %arg1, %eq3A : i32
    %convert_element_type3A_79 = arith.extui %eq3A_78 : i1 to i32
    %cond3A_80 = arith.constant 0 : i32
    %cond3A_81 = arith.cmpi ne, %convert_element_type3A_79, %cond3A_80 : i32
    scf.if %cond3A_81 {
      %add3A_104 = arith.constant 512 : i32
      %add3A_105 = arith.addi %mul3A_70, %add3A_104 : i32
      "tpu.region"() ({
        %run_scoped3A = tpu.sem_alloc : memref<!tpu.dma_semaphore, #tpu.memory_space<semaphore_mem>>
        %dma_start3A = arith.constant 0 : i32
        %dma_start3A_106 = tpu.memref_slice %arg6[%dma_start3A] : memref<128xf32, #tpu.memory_space<vmem>> -> memref<16xf32, #tpu.memory_space<vmem>>
        %dma_start3A_107 = tpu.memref_slice %arg8[%add3A_105] : memref<10008xf32, #tpu.memory_space<vmem_shared>> -> memref<16xf32, #tpu.memory_space<vmem_shared>>
        %dma_start3A_108 = tpu.memref_slice %arg8[%add3A_105] : memref<10008xf32, #tpu.memory_space<vmem_shared>> -> memref<16xf32, #tpu.memory_space<vmem_shared>>
        %dma_start3A_109 = arith.constant 0 : i32
        %dma_start3A_110 = tpu.memref_slice %arg6[%dma_start3A_109] : memref<128xf32, #tpu.memory_space<vmem>> -> memref<16xf32, #tpu.memory_space<vmem>>
        tpu.enqueue_dma source(%dma_start3A_110 : memref<16xf32, #tpu.memory_space<vmem>>) target(%dma_start3A_108 : memref<16xf32, #tpu.memory_space<vmem_shared>>) target_semaphore(%run_scoped3A : memref<!tpu.dma_semaphore, #tpu.memory_space<semaphore_mem>>)
        %dma_wait3A = arith.constant 0 : i32
        %dma_wait3A_111 = tpu.memref_slice %arg6[%dma_wait3A] : memref<128xf32, #tpu.memory_space<vmem>> -> memref<16xf32, #tpu.memory_space<vmem>>
        %dma_wait3A_112 = tpu.memref_slice %arg8[%add3A_105] : memref<10008xf32, #tpu.memory_space<vmem_shared>> -> memref<16xf32, #tpu.memory_space<vmem_shared>>
        %dma_wait3A_113 = tpu.memref_slice %arg8[%add3A_105] : memref<10008xf32, #tpu.memory_space<vmem_shared>> -> memref<16xf32, #tpu.memory_space<vmem_shared>>
        %dma_wait3A_114 = arith.constant 0 : i32
        %dma_wait3A_115 = tpu.memref_slice %arg6[%dma_wait3A_114] : memref<128xf32, #tpu.memory_space<vmem>> -> memref<16xf32, #tpu.memory_space<vmem>>
        tpu.wait_dma2 semaphore(%run_scoped3A : memref<!tpu.dma_semaphore, #tpu.memory_space<semaphore_mem>>) src(%dma_wait3A_115 : memref<16xf32, #tpu.memory_space<vmem>>) dst(%dma_wait3A_113 : memref<16xf32, #tpu.memory_space<vmem_shared>>)
        tpu.yield
      }) : () -> ()
    } else {
    }
    %barrier3A = arith.constant 0 : index
    tpu.barrier barrier_id(%barrier3A)
    %scan3A_82 = arith.constant 0 : i32
    %scan3A_83 = arith.constant 0 : i32
    %scan3A_84 = arith.constant 80 : i32
    %scan3A_85 = arith.addi %scan3A_83, %scan3A_84 : i32
    %scan3A_86 = arith.constant 1 : i32
    scf.for %scan3A_104 = %scan3A_83 to %scan3A_85 step %scan3A_86  : i32 {
      "tpu.region"() ({
        %run_scoped3A = tpu.sem_alloc : memref<!tpu.dma_semaphore, #tpu.memory_space<semaphore_mem>>
        %dma_start3A = arith.constant 0 : i32
        %dma_start3A_105 = tpu.memref_slice %arg4[%scan3A_104, %dma_start3A] : memref<80x128xi32, #tpu.memory_space<vmem>> -> memref<1x128xi32, #tpu.memory_space<vmem>>
        %dma_start3A_106 = tpu.memref_squeeze %dma_start3A_105 : memref<1x128xi32, #tpu.memory_space<vmem>> -> memref<128xi32, #tpu.memory_space<vmem>>
        %dma_start3A_107 = arith.constant 0 : i32
        %dma_start3A_108 = tpu.memref_slice %arg8[%dma_start3A_107] : memref<10008xf32, #tpu.memory_space<vmem_shared>> -> memref<10008xf32, #tpu.memory_space<vmem_shared>>
        tpu.enqueue_indirect_dma source(%arg5 : memref<128xf32, #tpu.memory_space<vmem>>) target(%dma_start3A_108 : memref<10008xf32, #tpu.memory_space<vmem_shared>>) offsets(%dma_start3A_106 : memref<128xi32, #tpu.memory_space<vmem>>) semaphore(%run_scoped3A : memref<!tpu.dma_semaphore, #tpu.memory_space<semaphore_mem>>) {add = true}
        %dma_wait3A = arith.constant 0 : i32
        %dma_wait3A_109 = tpu.memref_slice %arg4[%scan3A_104, %dma_wait3A] : memref<80x128xi32, #tpu.memory_space<vmem>> -> memref<1x128xi32, #tpu.memory_space<vmem>>
        %dma_wait3A_110 = tpu.memref_squeeze %dma_wait3A_109 : memref<1x128xi32, #tpu.memory_space<vmem>> -> memref<128xi32, #tpu.memory_space<vmem>>
        %dma_wait3A_111 = arith.constant 0 : i32
        %dma_wait3A_112 = tpu.memref_slice %arg8[%dma_wait3A_111] : memref<10008xf32, #tpu.memory_space<vmem_shared>> -> memref<10008xf32, #tpu.memory_space<vmem_shared>>
        tpu.wait_indirect_dma semaphore(%run_scoped3A : memref<!tpu.dma_semaphore, #tpu.memory_space<semaphore_mem>>) src(%arg5 : memref<128xf32, #tpu.memory_space<vmem>>) dst(%dma_wait3A_112 : memref<10008xf32, #tpu.memory_space<vmem_shared>>)
        tpu.yield
      }) : () -> ()
    }
    %scan3A_87 = arith.constant 80 : i32
    %barrier3A_88 = arith.constant 0 : index
    tpu.barrier barrier_id(%barrier3A_88)
    %mul3A_89 = arith.constant 632 : i32
    %mul3A_90 = arith.muli %arg1, %mul3A_89 : i32
    %mul3A_91 = arith.constant 10000 : i32
    %mul3A_92 = arith.muli %arg0, %mul3A_91 : i32
    %add3A_93 = arith.addi %mul3A_92, %mul3A_90 : i32
    %lt3A_94 = arith.constant 15 : i32
    %lt3A_95 = arith.cmpi slt, %arg1, %lt3A_94 : i32
    %convert_element_type3A_96 = arith.extui %lt3A_95 : i1 to i32
    %cond3A_97 = arith.constant 0 : i32
    %cond3A_98 = arith.cmpi ne, %convert_element_type3A_96, %cond3A_97 : i32
    scf.if %cond3A_98 {
      "tpu.region"() ({
        %run_scoped3A = tpu.sem_alloc : memref<!tpu.dma_semaphore, #tpu.memory_space<semaphore_mem>>
        %dma_start3A = tpu.memref_slice %arg8[%mul3A_90] : memref<10008xf32, #tpu.memory_space<vmem_shared>> -> memref<632xf32, #tpu.memory_space<vmem_shared>>
        %dma_start3A_104 = tpu.memref_slice %arg8[%mul3A_90] : memref<10008xf32, #tpu.memory_space<vmem_shared>> -> memref<632xf32, #tpu.memory_space<vmem_shared>>
        tpu.enqueue_dma source(%dma_start3A_104 : memref<632xf32, #tpu.memory_space<vmem_shared>>) target(%arg7 : memref<632xf32, #tpu.memory_space<vmem>>) target_semaphore(%run_scoped3A : memref<!tpu.dma_semaphore, #tpu.memory_space<semaphore_mem>>)
        %dma_wait3A = tpu.memref_slice %arg8[%mul3A_90] : memref<10008xf32, #tpu.memory_space<vmem_shared>> -> memref<632xf32, #tpu.memory_space<vmem_shared>>
        %dma_wait3A_105 = tpu.memref_slice %arg8[%mul3A_90] : memref<10008xf32, #tpu.memory_space<vmem_shared>> -> memref<632xf32, #tpu.memory_space<vmem_shared>>
        tpu.wait_dma2 semaphore(%run_scoped3A : memref<!tpu.dma_semaphore, #tpu.memory_space<semaphore_mem>>) src(%dma_wait3A_105 : memref<632xf32, #tpu.memory_space<vmem_shared>>) dst(%arg7 : memref<632xf32, #tpu.memory_space<vmem>>)
        tpu.yield
      }) : () -> ()
      "tpu.region"() ({
        %run_scoped3A = tpu.sem_alloc : memref<!tpu.dma_semaphore, #tpu.memory_space<semaphore_mem>>
        %dma_start3A = tpu.memref_slice %arg3[%add3A_93] : memref<20000xf32, #tpu.memory_space<hbm>> -> memref<632xf32, #tpu.memory_space<hbm>>
        %dma_start3A_104 = tpu.memref_slice %arg3[%add3A_93] : memref<20000xf32, #tpu.memory_space<hbm>> -> memref<632xf32, #tpu.memory_space<hbm>>
        tpu.enqueue_dma source(%arg7 : memref<632xf32, #tpu.memory_space<vmem>>) target(%dma_start3A_104 : memref<632xf32, #tpu.memory_space<hbm>>) target_semaphore(%run_scoped3A : memref<!tpu.dma_semaphore, #tpu.memory_space<semaphore_mem>>)
        %dma_wait3A = tpu.memref_slice %arg3[%add3A_93] : memref<20000xf32, #tpu.memory_space<hbm>> -> memref<632xf32, #tpu.memory_space<hbm>>
        %dma_wait3A_105 = tpu.memref_slice %arg3[%add3A_93] : memref<20000xf32, #tpu.memory_space<hbm>> -> memref<632xf32, #tpu.memory_space<hbm>>
        tpu.wait_dma2 semaphore(%run_scoped3A : memref<!tpu.dma_semaphore, #tpu.memory_space<semaphore_mem>>) src(%arg7 : memref<632xf32, #tpu.memory_space<vmem>>) dst(%dma_wait3A_105 : memref<632xf32, #tpu.memory_space<hbm>>)
        tpu.yield
      }) : () -> ()
    } else {
    }
    %eq3A_99 = arith.constant 15 : i32
    %eq3A_100 = arith.cmpi eq, %arg1, %eq3A_99 : i32
    %convert_element_type3A_101 = arith.extui %eq3A_100 : i1 to i32
    %cond3A_102 = arith.constant 0 : i32
    %cond3A_103 = arith.cmpi ne, %convert_element_type3A_101, %cond3A_102 : i32
    scf.if %cond3A_103 {
      "tpu.region"() ({
        %run_scoped3A = tpu.sem_alloc : memref<!tpu.dma_semaphore, #tpu.memory_space<semaphore_mem>>
        %dma_start3A = arith.constant 0 : i32
        %dma_start3A_104 = tpu.memref_slice %arg7[%dma_start3A] : memref<632xf32, #tpu.memory_space<vmem>> -> memref<520xf32, #tpu.memory_space<vmem>>
        %dma_start3A_105 = tpu.memref_slice %arg8[%mul3A_90] : memref<10008xf32, #tpu.memory_space<vmem_shared>> -> memref<520xf32, #tpu.memory_space<vmem_shared>>
        %dma_start3A_106 = arith.constant 0 : i32
        %dma_start3A_107 = tpu.memref_slice %arg7[%dma_start3A_106] : memref<632xf32, #tpu.memory_space<vmem>> -> memref<520xf32, #tpu.memory_space<vmem>>
        %dma_start3A_108 = tpu.memref_slice %arg8[%mul3A_90] : memref<10008xf32, #tpu.memory_space<vmem_shared>> -> memref<520xf32, #tpu.memory_space<vmem_shared>>
        tpu.enqueue_dma source(%dma_start3A_108 : memref<520xf32, #tpu.memory_space<vmem_shared>>) target(%dma_start3A_107 : memref<520xf32, #tpu.memory_space<vmem>>) target_semaphore(%run_scoped3A : memref<!tpu.dma_semaphore, #tpu.memory_space<semaphore_mem>>)
        %dma_wait3A = arith.constant 0 : i32
        %dma_wait3A_109 = tpu.memref_slice %arg7[%dma_wait3A] : memref<632xf32, #tpu.memory_space<vmem>> -> memref<520xf32, #tpu.memory_space<vmem>>
        %dma_wait3A_110 = tpu.memref_slice %arg8[%mul3A_90] : memref<10008xf32, #tpu.memory_space<vmem_shared>> -> memref<520xf32, #tpu.memory_space<vmem_shared>>
        %dma_wait3A_111 = arith.constant 0 : i32
        %dma_wait3A_112 = tpu.memref_slice %arg7[%dma_wait3A_111] : memref<632xf32, #tpu.memory_space<vmem>> -> memref<520xf32, #tpu.memory_space<vmem>>
        %dma_wait3A_113 = tpu.memref_slice %arg8[%mul3A_90] : memref<10008xf32, #tpu.memory_space<vmem_shared>> -> memref<520xf32, #tpu.memory_space<vmem_shared>>
        tpu.wait_dma2 semaphore(%run_scoped3A : memref<!tpu.dma_semaphore, #tpu.memory_space<semaphore_mem>>) src(%dma_wait3A_113 : memref<520xf32, #tpu.memory_space<vmem_shared>>) dst(%dma_wait3A_112 : memref<520xf32, #tpu.memory_space<vmem>>)
        tpu.yield
      }) : () -> ()
      "tpu.region"() ({
        %run_scoped3A = tpu.sem_alloc : memref<!tpu.dma_semaphore, #tpu.memory_space<semaphore_mem>>
        %dma_start3A = arith.constant 0 : i32
        %dma_start3A_104 = tpu.memref_slice %arg7[%dma_start3A] : memref<632xf32, #tpu.memory_space<vmem>> -> memref<520xf32, #tpu.memory_space<vmem>>
        %dma_start3A_105 = tpu.memref_slice %arg3[%add3A_93] : memref<20000xf32, #tpu.memory_space<hbm>> -> memref<520xf32, #tpu.memory_space<hbm>>
        %dma_start3A_106 = tpu.memref_slice %arg3[%add3A_93] : memref<20000xf32, #tpu.memory_space<hbm>> -> memref<520xf32, #tpu.memory_space<hbm>>
        %dma_start3A_107 = arith.constant 0 : i32
        %dma_start3A_108 = tpu.memref_slice %arg7[%dma_start3A_107] : memref<632xf32, #tpu.memory_space<vmem>> -> memref<520xf32, #tpu.memory_space<vmem>>
        tpu.enqueue_dma source(%dma_start3A_108 : memref<520xf32, #tpu.memory_space<vmem>>) target(%dma_start3A_106 : memref<520xf32, #tpu.memory_space<hbm>>) target_semaphore(%run_scoped3A : memref<!tpu.dma_semaphore, #tpu.memory_space<semaphore_mem>>)
        %dma_wait3A = arith.constant 0 : i32
        %dma_wait3A_109 = tpu.memref_slice %arg7[%dma_wait3A] : memref<632xf32, #tpu.memory_space<vmem>> -> memref<520xf32, #tpu.memory_space<vmem>>
        %dma_wait3A_110 = tpu.memref_slice %arg3[%add3A_93] : memref<20000xf32, #tpu.memory_space<hbm>> -> memref<520xf32, #tpu.memory_space<hbm>>
        %dma_wait3A_111 = tpu.memref_slice %arg3[%add3A_93] : memref<20000xf32, #tpu.memory_space<hbm>> -> memref<520xf32, #tpu.memory_space<hbm>>
        %dma_wait3A_112 = arith.constant 0 : i32
        %dma_wait3A_113 = tpu.memref_slice %arg7[%dma_wait3A_112] : memref<632xf32, #tpu.memory_space<vmem>> -> memref<520xf32, #tpu.memory_space<vmem>>
        tpu.wait_dma2 semaphore(%run_scoped3A : memref<!tpu.dma_semaphore, #tpu.memory_space<semaphore_mem>>) src(%dma_wait3A_113 : memref<520xf32, #tpu.memory_space<vmem>>) dst(%dma_wait3A_111 : memref<520xf32, #tpu.memory_space<hbm>>)
        tpu.yield
      }) : () -> ()
    } else {
    }
    return
  }
}

#map = affine_map<(d0, d1) -> (0, 0)>
module attributes {stable_mosaic.version = 14 : i64} {
  func.func @k(%arg0: i32, %arg1: i32, %arg2: memref<10000x16xf32, #tpu.memory_space<hbm>>, %arg3: memref<2560x128xi32, #tpu.memory_space<hbm>>, %arg4: memref<2560x128xi32, #tpu.memory_space<hbm>>, %arg5: memref<20000x16xf32, #tpu.memory_space<hbm>>, %arg6: memref<152x128xi32, #tpu.memory_space<vmem>>, %arg7: memref<152x128xi32, #tpu.memory_space<vmem>>, %arg8: memref<4x128x16xf32, #tpu.memory_space<vmem>>, %arg9: memref<10008x16xf32, #tpu.memory_space<vmem_shared>>, %arg10: memref<4x!tpu.dma_semaphore, #tpu.memory_space<semaphore_mem>>, %arg11: memref<4x!tpu.dma_semaphore, #tpu.memory_space<semaphore_mem>>) attributes {dimension_semantics = [#tpu.dimension_semantics<core_parallel>, #tpu.dimension_semantics<subcore_parallel>], iteration_bounds = array<i64: 2, 16>, scalar_prefetch = 0 : i64, scratch_operands = 6 : i64, tpu.core_type = #tpu.core_type<sc_vector_subcore>, window_params = [{transform_indices = #map}, {transform_indices = #map}, {transform_indices = #map}, {transform_indices = #map}]} {
    %eq3A = arith.constant 0 : i32
    %eq3A_0 = arith.cmpi eq, %arg0, %eq3A : i32
    %mul3A = arith.constant 152 : i32
    %mul3A_1 = arith.muli %arg1, %mul3A : i32
    %mul3A_2 = arith.constant 8 : i32
    %mul3A_3 = arith.muli %arg1, %mul3A_2 : i32
    %add3A = arith.constant 2432 : i32
    %add3A_4 = arith.addi %add3A, %mul3A_3 : i32
    %select_n3A = arith.select %eq3A_0, %mul3A_1, %add3A_4 : i32
    %eq3A_5 = arith.constant 0 : i32
    %eq3A_6 = arith.cmpi eq, %arg0, %eq3A_5 : i32
    %jit3A = arith.constant 152 : i32
    %jit3A_7 = arith.constant 8 : i32
    %select_n3A_8 = arith.select %eq3A_6, %jit3A, %jit3A_7 : i32
    %eq3A_9 = arith.constant 0 : i32
    %eq3A_10 = arith.cmpi eq, %arg0, %eq3A_9 : i32
    %convert_element_type3A = arith.extui %eq3A_10 : i1 to i32
    %cond3A = arith.constant 0 : i32
    %cond3A_11 = arith.cmpi ne, %convert_element_type3A, %cond3A : i32
    scf.if %cond3A_11 {
      "tpu.region"() ({
        %run_scoped3A = tpu.sem_alloc : memref<!tpu.dma_semaphore, #tpu.memory_space<semaphore_mem>>
        %dma_start3A_204 = arith.constant 0 : i32
        %dma_start3A_205 = tpu.memref_slice %arg3[%select_n3A, %dma_start3A_204] : memref<2560x128xi32, #tpu.memory_space<hbm>> -> memref<152x128xi32, #tpu.memory_space<hbm>>
        %dma_start3A_206 = arith.constant 0 : i32
        %dma_start3A_207 = tpu.memref_slice %arg3[%select_n3A, %dma_start3A_206] : memref<2560x128xi32, #tpu.memory_space<hbm>> -> memref<152x128xi32, #tpu.memory_space<hbm>>
        tpu.enqueue_dma source(%dma_start3A_207 : memref<152x128xi32, #tpu.memory_space<hbm>>) target(%arg6 : memref<152x128xi32, #tpu.memory_space<vmem>>) target_semaphore(%run_scoped3A : memref<!tpu.dma_semaphore, #tpu.memory_space<semaphore_mem>>)
        %dma_wait3A_208 = arith.constant 0 : i32
        %dma_wait3A_209 = tpu.memref_slice %arg3[%select_n3A, %dma_wait3A_208] : memref<2560x128xi32, #tpu.memory_space<hbm>> -> memref<152x128xi32, #tpu.memory_space<hbm>>
        %dma_wait3A_210 = arith.constant 0 : i32
        %dma_wait3A_211 = tpu.memref_slice %arg3[%select_n3A, %dma_wait3A_210] : memref<2560x128xi32, #tpu.memory_space<hbm>> -> memref<152x128xi32, #tpu.memory_space<hbm>>
        tpu.wait_dma2 semaphore(%run_scoped3A : memref<!tpu.dma_semaphore, #tpu.memory_space<semaphore_mem>>) src(%dma_wait3A_211 : memref<152x128xi32, #tpu.memory_space<hbm>>) dst(%arg6 : memref<152x128xi32, #tpu.memory_space<vmem>>)
        tpu.yield
      }) : () -> ()
      "tpu.region"() ({
        %run_scoped3A = tpu.sem_alloc : memref<!tpu.dma_semaphore, #tpu.memory_space<semaphore_mem>>
        %dma_start3A_204 = arith.constant 0 : i32
        %dma_start3A_205 = tpu.memref_slice %arg4[%select_n3A, %dma_start3A_204] : memref<2560x128xi32, #tpu.memory_space<hbm>> -> memref<152x128xi32, #tpu.memory_space<hbm>>
        %dma_start3A_206 = arith.constant 0 : i32
        %dma_start3A_207 = tpu.memref_slice %arg4[%select_n3A, %dma_start3A_206] : memref<2560x128xi32, #tpu.memory_space<hbm>> -> memref<152x128xi32, #tpu.memory_space<hbm>>
        tpu.enqueue_dma source(%dma_start3A_207 : memref<152x128xi32, #tpu.memory_space<hbm>>) target(%arg7 : memref<152x128xi32, #tpu.memory_space<vmem>>) target_semaphore(%run_scoped3A : memref<!tpu.dma_semaphore, #tpu.memory_space<semaphore_mem>>)
        %dma_wait3A_208 = arith.constant 0 : i32
        %dma_wait3A_209 = tpu.memref_slice %arg4[%select_n3A, %dma_wait3A_208] : memref<2560x128xi32, #tpu.memory_space<hbm>> -> memref<152x128xi32, #tpu.memory_space<hbm>>
        %dma_wait3A_210 = arith.constant 0 : i32
        %dma_wait3A_211 = tpu.memref_slice %arg4[%select_n3A, %dma_wait3A_210] : memref<2560x128xi32, #tpu.memory_space<hbm>> -> memref<152x128xi32, #tpu.memory_space<hbm>>
        tpu.wait_dma2 semaphore(%run_scoped3A : memref<!tpu.dma_semaphore, #tpu.memory_space<semaphore_mem>>) src(%dma_wait3A_211 : memref<152x128xi32, #tpu.memory_space<hbm>>) dst(%arg7 : memref<152x128xi32, #tpu.memory_space<vmem>>)
        tpu.yield
      }) : () -> ()
    } else {
    }
    %ne3A = arith.constant 0 : i32
    %ne3A_12 = arith.cmpi ne, %arg0, %ne3A : i32
    %convert_element_type3A_13 = arith.extui %ne3A_12 : i1 to i32
    %cond3A_14 = arith.constant 0 : i32
    %cond3A_15 = arith.cmpi ne, %convert_element_type3A_13, %cond3A_14 : i32
    scf.if %cond3A_15 {
      "tpu.region"() ({
        %run_scoped3A = tpu.sem_alloc : memref<!tpu.dma_semaphore, #tpu.memory_space<semaphore_mem>>
        %dma_start3A_204 = arith.constant 0 : i32
        %dma_start3A_205 = arith.constant 0 : i32
        %dma_start3A_206 = tpu.memref_slice %arg6[%dma_start3A_204, %dma_start3A_205] : memref<152x128xi32, #tpu.memory_space<vmem>> -> memref<8x128xi32, #tpu.memory_space<vmem>>
        %dma_start3A_207 = arith.constant 0 : i32
        %dma_start3A_208 = tpu.memref_slice %arg3[%select_n3A, %dma_start3A_207] : memref<2560x128xi32, #tpu.memory_space<hbm>> -> memref<8x128xi32, #tpu.memory_space<hbm>>
        %dma_start3A_209 = arith.constant 0 : i32
        %dma_start3A_210 = arith.constant 0 : i32
        %dma_start3A_211 = tpu.memref_slice %arg6[%dma_start3A_209, %dma_start3A_210] : memref<152x128xi32, #tpu.memory_space<vmem>> -> memref<8x128xi32, #tpu.memory_space<vmem>>
        %dma_start3A_212 = arith.constant 0 : i32
        %dma_start3A_213 = tpu.memref_slice %arg3[%select_n3A, %dma_start3A_212] : memref<2560x128xi32, #tpu.memory_space<hbm>> -> memref<8x128xi32, #tpu.memory_space<hbm>>
        tpu.enqueue_dma source(%dma_start3A_213 : memref<8x128xi32, #tpu.memory_space<hbm>>) target(%dma_start3A_211 : memref<8x128xi32, #tpu.memory_space<vmem>>) target_semaphore(%run_scoped3A : memref<!tpu.dma_semaphore, #tpu.memory_space<semaphore_mem>>)
        %dma_wait3A_214 = arith.constant 0 : i32
        %dma_wait3A_215 = arith.constant 0 : i32
        %dma_wait3A_216 = tpu.memref_slice %arg6[%dma_wait3A_214, %dma_wait3A_215] : memref<152x128xi32, #tpu.memory_space<vmem>> -> memref<8x128xi32, #tpu.memory_space<vmem>>
        %dma_wait3A_217 = arith.constant 0 : i32
        %dma_wait3A_218 = tpu.memref_slice %arg3[%select_n3A, %dma_wait3A_217] : memref<2560x128xi32, #tpu.memory_space<hbm>> -> memref<8x128xi32, #tpu.memory_space<hbm>>
        %dma_wait3A_219 = arith.constant 0 : i32
        %dma_wait3A_220 = arith.constant 0 : i32
        %dma_wait3A_221 = tpu.memref_slice %arg6[%dma_wait3A_219, %dma_wait3A_220] : memref<152x128xi32, #tpu.memory_space<vmem>> -> memref<8x128xi32, #tpu.memory_space<vmem>>
        %dma_wait3A_222 = arith.constant 0 : i32
        %dma_wait3A_223 = tpu.memref_slice %arg3[%select_n3A, %dma_wait3A_222] : memref<2560x128xi32, #tpu.memory_space<hbm>> -> memref<8x128xi32, #tpu.memory_space<hbm>>
        tpu.wait_dma2 semaphore(%run_scoped3A : memref<!tpu.dma_semaphore, #tpu.memory_space<semaphore_mem>>) src(%dma_wait3A_223 : memref<8x128xi32, #tpu.memory_space<hbm>>) dst(%dma_wait3A_221 : memref<8x128xi32, #tpu.memory_space<vmem>>)
        tpu.yield
      }) : () -> ()
      "tpu.region"() ({
        %run_scoped3A = tpu.sem_alloc : memref<!tpu.dma_semaphore, #tpu.memory_space<semaphore_mem>>
        %dma_start3A_204 = arith.constant 0 : i32
        %dma_start3A_205 = arith.constant 0 : i32
        %dma_start3A_206 = tpu.memref_slice %arg7[%dma_start3A_204, %dma_start3A_205] : memref<152x128xi32, #tpu.memory_space<vmem>> -> memref<8x128xi32, #tpu.memory_space<vmem>>
        %dma_start3A_207 = arith.constant 0 : i32
        %dma_start3A_208 = tpu.memref_slice %arg4[%select_n3A, %dma_start3A_207] : memref<2560x128xi32, #tpu.memory_space<hbm>> -> memref<8x128xi32, #tpu.memory_space<hbm>>
        %dma_start3A_209 = arith.constant 0 : i32
        %dma_start3A_210 = arith.constant 0 : i32
        %dma_start3A_211 = tpu.memref_slice %arg7[%dma_start3A_209, %dma_start3A_210] : memref<152x128xi32, #tpu.memory_space<vmem>> -> memref<8x128xi32, #tpu.memory_space<vmem>>
        %dma_start3A_212 = arith.constant 0 : i32
        %dma_start3A_213 = tpu.memref_slice %arg4[%select_n3A, %dma_start3A_212] : memref<2560x128xi32, #tpu.memory_space<hbm>> -> memref<8x128xi32, #tpu.memory_space<hbm>>
        tpu.enqueue_dma source(%dma_start3A_213 : memref<8x128xi32, #tpu.memory_space<hbm>>) target(%dma_start3A_211 : memref<8x128xi32, #tpu.memory_space<vmem>>) target_semaphore(%run_scoped3A : memref<!tpu.dma_semaphore, #tpu.memory_space<semaphore_mem>>)
        %dma_wait3A_214 = arith.constant 0 : i32
        %dma_wait3A_215 = arith.constant 0 : i32
        %dma_wait3A_216 = tpu.memref_slice %arg7[%dma_wait3A_214, %dma_wait3A_215] : memref<152x128xi32, #tpu.memory_space<vmem>> -> memref<8x128xi32, #tpu.memory_space<vmem>>
        %dma_wait3A_217 = arith.constant 0 : i32
        %dma_wait3A_218 = tpu.memref_slice %arg4[%select_n3A, %dma_wait3A_217] : memref<2560x128xi32, #tpu.memory_space<hbm>> -> memref<8x128xi32, #tpu.memory_space<hbm>>
        %dma_wait3A_219 = arith.constant 0 : i32
        %dma_wait3A_220 = arith.constant 0 : i32
        %dma_wait3A_221 = tpu.memref_slice %arg7[%dma_wait3A_219, %dma_wait3A_220] : memref<152x128xi32, #tpu.memory_space<vmem>> -> memref<8x128xi32, #tpu.memory_space<vmem>>
        %dma_wait3A_222 = arith.constant 0 : i32
        %dma_wait3A_223 = tpu.memref_slice %arg4[%select_n3A, %dma_wait3A_222] : memref<2560x128xi32, #tpu.memory_space<hbm>> -> memref<8x128xi32, #tpu.memory_space<hbm>>
        tpu.wait_dma2 semaphore(%run_scoped3A : memref<!tpu.dma_semaphore, #tpu.memory_space<semaphore_mem>>) src(%dma_wait3A_223 : memref<8x128xi32, #tpu.memory_space<hbm>>) dst(%dma_wait3A_221 : memref<8x128xi32, #tpu.memory_space<vmem>>)
        tpu.yield
      }) : () -> ()
    } else {
    }
    %broadcast_in_dim3A = arith.constant 0.000000e+00 : f32
    %broadcast_in_dim3A_16 = vector.broadcast %broadcast_in_dim3A : f32 to vector<16xf32>
    %scan3A = arith.constant 0 : i32
    %scan3A_17 = arith.constant 0 : i32
    %scan3A_18 = arith.constant 128 : i32
    %scan3A_19 = arith.addi %scan3A_17, %scan3A_18 : i32
    %scan3A_20 = arith.constant 1 : i32
    scf.for %scan3A_204 = %scan3A_17 to %scan3A_19 step %scan3A_20  : i32 {
      %swap3A = arith.constant 0 : i32
      %swap3A_205 = arith.index_cast %swap3A : i32 to index
      %swap3A_206 = arith.index_cast %scan3A_204 : i32 to index
      %swap3A_207 = arith.constant 0 : index
      %swap3A_208 = tpu.vector_load %arg8[%swap3A_205, %swap3A_206, %swap3A_207] {strides = array<i32>} : memref<4x128x16xf32, #tpu.memory_space<vmem>>, vector<1x1x16xf32>,
      %swap3A_209 = vector.shape_cast %swap3A_208 : vector<1x1x16xf32> to vector<16xf32>
      %swap3A_210 = vector.shape_cast %broadcast_in_dim3A_16 : vector<16xf32> to vector<1x1x16xf32>
      tpu.vector_store %arg8[%swap3A_205, %swap3A_206, %swap3A_207], %swap3A_210 {strides = array<i32>} : memref<4x128x16xf32, #tpu.memory_space<vmem>>, vector<1x1x16xf32>,
    }
    %scan3A_21 = arith.constant 128 : i32
    %mul3A_22 = arith.constant 632 : i32
    %mul3A_23 = arith.muli %arg1, %mul3A_22 : i32
    %scan3A_24 = arith.constant 0 : i32
    %scan3A_25 = arith.constant 0 : i32
    %scan3A_26 = arith.constant 0 : i32
    %scan3A_27 = arith.constant 4 : i32
    %scan3A_28 = arith.addi %scan3A_26, %scan3A_27 : i32
    %scan3A_29 = arith.constant 1 : i32
    scf.for %scan3A_204 = %scan3A_26 to %scan3A_28 step %scan3A_29  : i32 {
      %mul3A_205 = arith.constant 128 : i32
      %mul3A_206 = arith.muli %scan3A_204, %mul3A_205 : i32
      %add3A_207 = arith.addi %mul3A_23, %mul3A_206 : i32
      "tpu.region"() ({
        %run_scoped3A = tpu.sem_alloc : memref<!tpu.dma_semaphore, #tpu.memory_space<semaphore_mem>>
        %dma_start3A_208 = arith.constant 0 : i32
        %dma_start3A_209 = arith.constant 0 : i32
        %dma_start3A_210 = tpu.memref_slice %arg8[%scan3A_25, %dma_start3A_208, %dma_start3A_209] : memref<4x128x16xf32, #tpu.memory_space<vmem>> -> memref<1x128x16xf32, #tpu.memory_space<vmem>>
        %dma_start3A_211 = tpu.memref_squeeze %dma_start3A_210 : memref<1x128x16xf32, #tpu.memory_space<vmem>> -> memref<128x16xf32, #tpu.memory_space<vmem>>
        %dma_start3A_212 = arith.constant 0 : i32
        %dma_start3A_213 = tpu.memref_slice %arg9[%add3A_207, %dma_start3A_212] : memref<10008x16xf32, #tpu.memory_space<vmem_shared>> -> memref<128x16xf32, #tpu.memory_space<vmem_shared>>
        %dma_start3A_214 = arith.constant 0 : i32
        %dma_start3A_215 = tpu.memref_slice %arg9[%add3A_207, %dma_start3A_214] : memref<10008x16xf32, #tpu.memory_space<vmem_shared>> -> memref<128x16xf32, #tpu.memory_space<vmem_shared>>
        %dma_start3A_216 = arith.constant 0 : i32
        %dma_start3A_217 = arith.constant 0 : i32
        %dma_start3A_218 = tpu.memref_slice %arg8[%scan3A_25, %dma_start3A_216, %dma_start3A_217] : memref<4x128x16xf32, #tpu.memory_space<vmem>> -> memref<1x128x16xf32, #tpu.memory_space<vmem>>
        %dma_start3A_219 = tpu.memref_squeeze %dma_start3A_218 : memref<1x128x16xf32, #tpu.memory_space<vmem>> -> memref<128x16xf32, #tpu.memory_space<vmem>>
        tpu.enqueue_dma source(%dma_start3A_219 : memref<128x16xf32, #tpu.memory_space<vmem>>) target(%dma_start3A_215 : memref<128x16xf32, #tpu.memory_space<vmem_shared>>) target_semaphore(%run_scoped3A : memref<!tpu.dma_semaphore, #tpu.memory_space<semaphore_mem>>)
        %dma_wait3A_220 = arith.constant 0 : i32
        %dma_wait3A_221 = arith.constant 0 : i32
        %dma_wait3A_222 = tpu.memref_slice %arg8[%scan3A_25, %dma_wait3A_220, %dma_wait3A_221] : memref<4x128x16xf32, #tpu.memory_space<vmem>> -> memref<1x128x16xf32, #tpu.memory_space<vmem>>
        %dma_wait3A_223 = tpu.memref_squeeze %dma_wait3A_222 : memref<1x128x16xf32, #tpu.memory_space<vmem>> -> memref<128x16xf32, #tpu.memory_space<vmem>>
        %dma_wait3A_224 = arith.constant 0 : i32
        %dma_wait3A_225 = tpu.memref_slice %arg9[%add3A_207, %dma_wait3A_224] : memref<10008x16xf32, #tpu.memory_space<vmem_shared>> -> memref<128x16xf32, #tpu.memory_space<vmem_shared>>
        %dma_wait3A_226 = arith.constant 0 : i32
        %dma_wait3A_227 = tpu.memref_slice %arg9[%add3A_207, %dma_wait3A_226] : memref<10008x16xf32, #tpu.memory_space<vmem_shared>> -> memref<128x16xf32, #tpu.memory_space<vmem_shared>>
        %dma_wait3A_228 = arith.constant 0 : i32
        %dma_wait3A_229 = arith.constant 0 : i32
        %dma_wait3A_230 = tpu.memref_slice %arg8[%scan3A_25, %dma_wait3A_228, %dma_wait3A_229] : memref<4x128x16xf32, #tpu.memory_space<vmem>> -> memref<1x128x16xf32, #tpu.memory_space<vmem>>
        %dma_wait3A_231 = tpu.memref_squeeze %dma_wait3A_230 : memref<1x128x16xf32, #tpu.memory_space<vmem>> -> memref<128x16xf32, #tpu.memory_space<vmem>>
        tpu.wait_dma2 semaphore(%run_scoped3A : memref<!tpu.dma_semaphore, #tpu.memory_space<semaphore_mem>>) src(%dma_wait3A_231 : memref<128x16xf32, #tpu.memory_space<vmem>>) dst(%dma_wait3A_227 : memref<128x16xf32, #tpu.memory_space<vmem_shared>>)
        tpu.yield
      }) : () -> ()
    }
    %scan3A_30 = arith.constant 4 : i32
    %lt3A = arith.constant 15 : i32
    %lt3A_31 = arith.cmpi slt, %arg1, %lt3A : i32
    %convert_element_type3A_32 = arith.extui %lt3A_31 : i1 to i32
    %cond3A_33 = arith.constant 0 : i32
    %cond3A_34 = arith.constant 0 : i32
    %cond3A_35 = arith.cmpi ne, %convert_element_type3A_32, %cond3A_34 : i32
    scf.if %cond3A_35 {
      %add3A_204 = arith.constant 512 : i32
      %add3A_205 = arith.addi %mul3A_23, %add3A_204 : i32
      "tpu.region"() ({
        %run_scoped3A = tpu.sem_alloc : memref<!tpu.dma_semaphore, #tpu.memory_space<semaphore_mem>>
        %dma_start3A_206 = arith.constant 0 : i32
        %dma_start3A_207 = arith.constant 0 : i32
        %dma_start3A_208 = tpu.memref_slice %arg8[%cond3A_33, %dma_start3A_206, %dma_start3A_207] : memref<4x128x16xf32, #tpu.memory_space<vmem>> -> memref<1x128x16xf32, #tpu.memory_space<vmem>>
        %dma_start3A_209 = tpu.memref_squeeze %dma_start3A_208 : memref<1x128x16xf32, #tpu.memory_space<vmem>> -> memref<128x16xf32, #tpu.memory_space<vmem>>
        %dma_start3A_210 = arith.constant 0 : i32
        %dma_start3A_211 = arith.constant 0 : i32
        %dma_start3A_212 = tpu.memref_slice %dma_start3A_209[%dma_start3A_210, %dma_start3A_211] : memref<128x16xf32, #tpu.memory_space<vmem>> -> memref<120x16xf32, #tpu.memory_space<vmem>>
        %dma_start3A_213 = arith.constant 0 : i32
        %dma_start3A_214 = tpu.memref_slice %arg9[%add3A_205, %dma_start3A_213] : memref<10008x16xf32, #tpu.memory_space<vmem_shared>> -> memref<120x16xf32, #tpu.memory_space<vmem_shared>>
        %dma_start3A_215 = arith.constant 0 : i32
        %dma_start3A_216 = tpu.memref_slice %arg9[%add3A_205, %dma_start3A_215] : memref<10008x16xf32, #tpu.memory_space<vmem_shared>> -> memref<120x16xf32, #tpu.memory_space<vmem_shared>>
        %dma_start3A_217 = arith.constant 0 : i32
        %dma_start3A_218 = arith.constant 0 : i32
        %dma_start3A_219 = tpu.memref_slice %arg8[%cond3A_33, %dma_start3A_217, %dma_start3A_218] : memref<4x128x16xf32, #tpu.memory_space<vmem>> -> memref<1x128x16xf32, #tpu.memory_space<vmem>>
        %dma_start3A_220 = tpu.memref_squeeze %dma_start3A_219 : memref<1x128x16xf32, #tpu.memory_space<vmem>> -> memref<128x16xf32, #tpu.memory_space<vmem>>
        %dma_start3A_221 = arith.constant 0 : i32
        %dma_start3A_222 = arith.constant 0 : i32
        %dma_start3A_223 = tpu.memref_slice %dma_start3A_220[%dma_start3A_221, %dma_start3A_222] : memref<128x16xf32, #tpu.memory_space<vmem>> -> memref<120x16xf32, #tpu.memory_space<vmem>>
        tpu.enqueue_dma source(%dma_start3A_223 : memref<120x16xf32, #tpu.memory_space<vmem>>) target(%dma_start3A_216 : memref<120x16xf32, #tpu.memory_space<vmem_shared>>) target_semaphore(%run_scoped3A : memref<!tpu.dma_semaphore, #tpu.memory_space<semaphore_mem>>)
        %dma_wait3A_224 = arith.constant 0 : i32
        %dma_wait3A_225 = arith.constant 0 : i32
        %dma_wait3A_226 = tpu.memref_slice %arg8[%cond3A_33, %dma_wait3A_224, %dma_wait3A_225] : memref<4x128x16xf32, #tpu.memory_space<vmem>> -> memref<1x128x16xf32, #tpu.memory_space<vmem>>
        %dma_wait3A_227 = tpu.memref_squeeze %dma_wait3A_226 : memref<1x128x16xf32, #tpu.memory_space<vmem>> -> memref<128x16xf32, #tpu.memory_space<vmem>>
        %dma_wait3A_228 = arith.constant 0 : i32
        %dma_wait3A_229 = arith.constant 0 : i32
        %dma_wait3A_230 = tpu.memref_slice %dma_wait3A_227[%dma_wait3A_228, %dma_wait3A_229] : memref<128x16xf32, #tpu.memory_space<vmem>> -> memref<120x16xf32, #tpu.memory_space<vmem>>
        %dma_wait3A_231 = arith.constant 0 : i32
        %dma_wait3A_232 = tpu.memref_slice %arg9[%add3A_205, %dma_wait3A_231] : memref<10008x16xf32, #tpu.memory_space<vmem_shared>> -> memref<120x16xf32, #tpu.memory_space<vmem_shared>>
        %dma_wait3A_233 = arith.constant 0 : i32
        %dma_wait3A_234 = tpu.memref_slice %arg9[%add3A_205, %dma_wait3A_233] : memref<10008x16xf32, #tpu.memory_space<vmem_shared>> -> memref<120x16xf32, #tpu.memory_space<vmem_shared>>
        %dma_wait3A_235 = arith.constant 0 : i32
        %dma_wait3A_236 = arith.constant 0 : i32
        %dma_wait3A_237 = tpu.memref_slice %arg8[%cond3A_33, %dma_wait3A_235, %dma_wait3A_236] : memref<4x128x16xf32, #tpu.memory_space<vmem>> -> memref<1x128x16xf32, #tpu.memory_space<vmem>>
        %dma_wait3A_238 = tpu.memref_squeeze %dma_wait3A_237 : memref<1x128x16xf32, #tpu.memory_space<vmem>> -> memref<128x16xf32, #tpu.memory_space<vmem>>
        %dma_wait3A_239 = arith.constant 0 : i32
        %dma_wait3A_240 = arith.constant 0 : i32
        %dma_wait3A_241 = tpu.memref_slice %dma_wait3A_238[%dma_wait3A_239, %dma_wait3A_240] : memref<128x16xf32, #tpu.memory_space<vmem>> -> memref<120x16xf32, #tpu.memory_space<vmem>>
        tpu.wait_dma2 semaphore(%run_scoped3A : memref<!tpu.dma_semaphore, #tpu.memory_space<semaphore_mem>>) src(%dma_wait3A_241 : memref<120x16xf32, #tpu.memory_space<vmem>>) dst(%dma_wait3A_234 : memref<120x16xf32, #tpu.memory_space<vmem_shared>>)
        tpu.yield
      }) : () -> ()
    } else {
    }
    %eq3A_36 = arith.constant 15 : i32
    %eq3A_37 = arith.cmpi eq, %arg1, %eq3A_36 : i32
    %convert_element_type3A_38 = arith.extui %eq3A_37 : i1 to i32
    %cond3A_39 = arith.constant 0 : i32
    %cond3A_40 = arith.constant 0 : i32
    %cond3A_41 = arith.cmpi ne, %convert_element_type3A_38, %cond3A_40 : i32
    scf.if %cond3A_41 {
      %add3A_204 = arith.constant 512 : i32
      %add3A_205 = arith.addi %mul3A_23, %add3A_204 : i32
      "tpu.region"() ({
        %run_scoped3A = tpu.sem_alloc : memref<!tpu.dma_semaphore, #tpu.memory_space<semaphore_mem>>
        %dma_start3A_206 = arith.constant 0 : i32
        %dma_start3A_207 = arith.constant 0 : i32
        %dma_start3A_208 = tpu.memref_slice %arg8[%cond3A_39, %dma_start3A_206, %dma_start3A_207] : memref<4x128x16xf32, #tpu.memory_space<vmem>> -> memref<1x128x16xf32, #tpu.memory_space<vmem>>
        %dma_start3A_209 = tpu.memref_squeeze %dma_start3A_208 : memref<1x128x16xf32, #tpu.memory_space<vmem>> -> memref<128x16xf32, #tpu.memory_space<vmem>>
        %dma_start3A_210 = arith.constant 0 : i32
        %dma_start3A_211 = arith.constant 0 : i32
        %dma_start3A_212 = tpu.memref_slice %dma_start3A_209[%dma_start3A_210, %dma_start3A_211] : memref<128x16xf32, #tpu.memory_space<vmem>> -> memref<16x16xf32, #tpu.memory_space<vmem>>
        %dma_start3A_213 = arith.constant 0 : i32
        %dma_start3A_214 = tpu.memref_slice %arg9[%add3A_205, %dma_start3A_213] : memref<10008x16xf32, #tpu.memory_space<vmem_shared>> -> memref<16x16xf32, #tpu.memory_space<vmem_shared>>
        %dma_start3A_215 = arith.constant 0 : i32
        %dma_start3A_216 = tpu.memref_slice %arg9[%add3A_205, %dma_start3A_215] : memref<10008x16xf32, #tpu.memory_space<vmem_shared>> -> memref<16x16xf32, #tpu.memory_space<vmem_shared>>
        %dma_start3A_217 = arith.constant 0 : i32
        %dma_start3A_218 = arith.constant 0 : i32
        %dma_start3A_219 = tpu.memref_slice %arg8[%cond3A_39, %dma_start3A_217, %dma_start3A_218] : memref<4x128x16xf32, #tpu.memory_space<vmem>> -> memref<1x128x16xf32, #tpu.memory_space<vmem>>
        %dma_start3A_220 = tpu.memref_squeeze %dma_start3A_219 : memref<1x128x16xf32, #tpu.memory_space<vmem>> -> memref<128x16xf32, #tpu.memory_space<vmem>>
        %dma_start3A_221 = arith.constant 0 : i32
        %dma_start3A_222 = arith.constant 0 : i32
        %dma_start3A_223 = tpu.memref_slice %dma_start3A_220[%dma_start3A_221, %dma_start3A_222] : memref<128x16xf32, #tpu.memory_space<vmem>> -> memref<16x16xf32, #tpu.memory_space<vmem>>
        tpu.enqueue_dma source(%dma_start3A_223 : memref<16x16xf32, #tpu.memory_space<vmem>>) target(%dma_start3A_216 : memref<16x16xf32, #tpu.memory_space<vmem_shared>>) target_semaphore(%run_scoped3A : memref<!tpu.dma_semaphore, #tpu.memory_space<semaphore_mem>>)
        %dma_wait3A_224 = arith.constant 0 : i32
        %dma_wait3A_225 = arith.constant 0 : i32
        %dma_wait3A_226 = tpu.memref_slice %arg8[%cond3A_39, %dma_wait3A_224, %dma_wait3A_225] : memref<4x128x16xf32, #tpu.memory_space<vmem>> -> memref<1x128x16xf32, #tpu.memory_space<vmem>>
        %dma_wait3A_227 = tpu.memref_squeeze %dma_wait3A_226 : memref<1x128x16xf32, #tpu.memory_space<vmem>> -> memref<128x16xf32, #tpu.memory_space<vmem>>
        %dma_wait3A_228 = arith.constant 0 : i32
        %dma_wait3A_229 = arith.constant 0 : i32
        %dma_wait3A_230 = tpu.memref_slice %dma_wait3A_227[%dma_wait3A_228, %dma_wait3A_229] : memref<128x16xf32, #tpu.memory_space<vmem>> -> memref<16x16xf32, #tpu.memory_space<vmem>>
        %dma_wait3A_231 = arith.constant 0 : i32
        %dma_wait3A_232 = tpu.memref_slice %arg9[%add3A_205, %dma_wait3A_231] : memref<10008x16xf32, #tpu.memory_space<vmem_shared>> -> memref<16x16xf32, #tpu.memory_space<vmem_shared>>
        %dma_wait3A_233 = arith.constant 0 : i32
        %dma_wait3A_234 = tpu.memref_slice %arg9[%add3A_205, %dma_wait3A_233] : memref<10008x16xf32, #tpu.memory_space<vmem_shared>> -> memref<16x16xf32, #tpu.memory_space<vmem_shared>>
        %dma_wait3A_235 = arith.constant 0 : i32
        %dma_wait3A_236 = arith.constant 0 : i32
        %dma_wait3A_237 = tpu.memref_slice %arg8[%cond3A_39, %dma_wait3A_235, %dma_wait3A_236] : memref<4x128x16xf32, #tpu.memory_space<vmem>> -> memref<1x128x16xf32, #tpu.memory_space<vmem>>
        %dma_wait3A_238 = tpu.memref_squeeze %dma_wait3A_237 : memref<1x128x16xf32, #tpu.memory_space<vmem>> -> memref<128x16xf32, #tpu.memory_space<vmem>>
        %dma_wait3A_239 = arith.constant 0 : i32
        %dma_wait3A_240 = arith.constant 0 : i32
        %dma_wait3A_241 = tpu.memref_slice %dma_wait3A_238[%dma_wait3A_239, %dma_wait3A_240] : memref<128x16xf32, #tpu.memory_space<vmem>> -> memref<16x16xf32, #tpu.memory_space<vmem>>
        tpu.wait_dma2 semaphore(%run_scoped3A : memref<!tpu.dma_semaphore, #tpu.memory_space<semaphore_mem>>) src(%dma_wait3A_241 : memref<16x16xf32, #tpu.memory_space<vmem>>) dst(%dma_wait3A_234 : memref<16x16xf32, #tpu.memory_space<vmem_shared>>)
        tpu.yield
      }) : () -> ()
    } else {
    }
    %barrier3A = arith.constant 0 : index
    tpu.barrier barrier_id(%barrier3A)
    %dma_start3A = arith.constant 0 : i32
    %dma_start3A_42 = arith.constant 0 : i32
    %dma_start3A_43 = arith.constant 0 : i32
    %dma_start3A_44 = arith.constant 0 : i32
    %dma_start3A_45 = arith.constant 0 : i32
    %dma_start3A_46 = tpu.memref_slice %arg8[%dma_start3A_42, %dma_start3A_44, %dma_start3A_45] : memref<4x128x16xf32, #tpu.memory_space<vmem>> -> memref<1x128x16xf32, #tpu.memory_space<vmem>>
    %dma_start3A_47 = tpu.memref_squeeze %dma_start3A_46 : memref<1x128x16xf32, #tpu.memory_space<vmem>> -> memref<128x16xf32, #tpu.memory_space<vmem>>
    %dma_start3A_48 = arith.constant 0 : i32
    %dma_start3A_49 = tpu.memref_slice %arg6[%dma_start3A, %dma_start3A_48] : memref<152x128xi32, #tpu.memory_space<vmem>> -> memref<1x128xi32, #tpu.memory_space<vmem>>
    %dma_start3A_50 = tpu.memref_squeeze %dma_start3A_49 : memref<1x128xi32, #tpu.memory_space<vmem>> -> memref<128xi32, #tpu.memory_space<vmem>>
    %dma_start3A_51 = arith.constant 0 : i32
    %dma_start3A_52 = arith.constant 0 : i32
    %dma_start3A_53 = tpu.memref_slice %arg2[%dma_start3A_51, %dma_start3A_52] : memref<10000x16xf32, #tpu.memory_space<hbm>> -> memref<10000x16xf32, #tpu.memory_space<hbm>>
    %dma_start3A_54 = tpu.memref_slice %arg10[%dma_start3A_43] : memref<4x!tpu.dma_semaphore, #tpu.memory_space<semaphore_mem>> -> memref<1x!tpu.dma_semaphore, #tpu.memory_space<semaphore_mem>>
    %dma_start3A_55 = tpu.memref_squeeze %dma_start3A_54 : memref<1x!tpu.dma_semaphore, #tpu.memory_space<semaphore_mem>> -> memref<!tpu.dma_semaphore, #tpu.memory_space<semaphore_mem>>
    tpu.enqueue_indirect_dma source(%dma_start3A_53 : memref<10000x16xf32, #tpu.memory_space<hbm>>) target(%dma_start3A_47 : memref<128x16xf32, #tpu.memory_space<vmem>>) offsets(%dma_start3A_50 : memref<128xi32, #tpu.memory_space<vmem>>) semaphore(%dma_start3A_55 : memref<!tpu.dma_semaphore, #tpu.memory_space<semaphore_mem>>)
    %dma_start3A_56 = arith.constant 1 : i32
    %dma_start3A_57 = arith.constant 1 : i32
    %dma_start3A_58 = arith.constant 1 : i32
    %dma_start3A_59 = arith.constant 0 : i32
    %dma_start3A_60 = arith.constant 0 : i32
    %dma_start3A_61 = tpu.memref_slice %arg8[%dma_start3A_57, %dma_start3A_59, %dma_start3A_60] : memref<4x128x16xf32, #tpu.memory_space<vmem>> -> memref<1x128x16xf32, #tpu.memory_space<vmem>>
    %dma_start3A_62 = tpu.memref_squeeze %dma_start3A_61 : memref<1x128x16xf32, #tpu.memory_space<vmem>> -> memref<128x16xf32, #tpu.memory_space<vmem>>
    %dma_start3A_63 = arith.constant 0 : i32
    %dma_start3A_64 = tpu.memref_slice %arg6[%dma_start3A_56, %dma_start3A_63] : memref<152x128xi32, #tpu.memory_space<vmem>> -> memref<1x128xi32, #tpu.memory_space<vmem>>
    %dma_start3A_65 = tpu.memref_squeeze %dma_start3A_64 : memref<1x128xi32, #tpu.memory_space<vmem>> -> memref<128xi32, #tpu.memory_space<vmem>>
    %dma_start3A_66 = arith.constant 0 : i32
    %dma_start3A_67 = arith.constant 0 : i32
    %dma_start3A_68 = tpu.memref_slice %arg2[%dma_start3A_66, %dma_start3A_67] : memref<10000x16xf32, #tpu.memory_space<hbm>> -> memref<10000x16xf32, #tpu.memory_space<hbm>>
    %dma_start3A_69 = tpu.memref_slice %arg10[%dma_start3A_58] : memref<4x!tpu.dma_semaphore, #tpu.memory_space<semaphore_mem>> -> memref<1x!tpu.dma_semaphore, #tpu.memory_space<semaphore_mem>>
    %dma_start3A_70 = tpu.memref_squeeze %dma_start3A_69 : memref<1x!tpu.dma_semaphore, #tpu.memory_space<semaphore_mem>> -> memref<!tpu.dma_semaphore, #tpu.memory_space<semaphore_mem>>
    tpu.enqueue_indirect_dma source(%dma_start3A_68 : memref<10000x16xf32, #tpu.memory_space<hbm>>) target(%dma_start3A_62 : memref<128x16xf32, #tpu.memory_space<vmem>>) offsets(%dma_start3A_65 : memref<128xi32, #tpu.memory_space<vmem>>) semaphore(%dma_start3A_70 : memref<!tpu.dma_semaphore, #tpu.memory_space<semaphore_mem>>)
    %dma_start3A_71 = arith.constant 2 : i32
    %dma_start3A_72 = arith.constant 2 : i32
    %dma_start3A_73 = arith.constant 2 : i32
    %dma_start3A_74 = arith.constant 0 : i32
    %dma_start3A_75 = arith.constant 0 : i32
    %dma_start3A_76 = tpu.memref_slice %arg8[%dma_start3A_72, %dma_start3A_74, %dma_start3A_75] : memref<4x128x16xf32, #tpu.memory_space<vmem>> -> memref<1x128x16xf32, #tpu.memory_space<vmem>>
    %dma_start3A_77 = tpu.memref_squeeze %dma_start3A_76 : memref<1x128x16xf32, #tpu.memory_space<vmem>> -> memref<128x16xf32, #tpu.memory_space<vmem>>
    %dma_start3A_78 = arith.constant 0 : i32
    %dma_start3A_79 = tpu.memref_slice %arg6[%dma_start3A_71, %dma_start3A_78] : memref<152x128xi32, #tpu.memory_space<vmem>> -> memref<1x128xi32, #tpu.memory_space<vmem>>
    %dma_start3A_80 = tpu.memref_squeeze %dma_start3A_79 : memref<1x128xi32, #tpu.memory_space<vmem>> -> memref<128xi32, #tpu.memory_space<vmem>>
    %dma_start3A_81 = arith.constant 0 : i32
    %dma_start3A_82 = arith.constant 0 : i32
    %dma_start3A_83 = tpu.memref_slice %arg2[%dma_start3A_81, %dma_start3A_82] : memref<10000x16xf32, #tpu.memory_space<hbm>> -> memref<10000x16xf32, #tpu.memory_space<hbm>>
    %dma_start3A_84 = tpu.memref_slice %arg10[%dma_start3A_73] : memref<4x!tpu.dma_semaphore, #tpu.memory_space<semaphore_mem>> -> memref<1x!tpu.dma_semaphore, #tpu.memory_space<semaphore_mem>>
    %dma_start3A_85 = tpu.memref_squeeze %dma_start3A_84 : memref<1x!tpu.dma_semaphore, #tpu.memory_space<semaphore_mem>> -> memref<!tpu.dma_semaphore, #tpu.memory_space<semaphore_mem>>
    tpu.enqueue_indirect_dma source(%dma_start3A_83 : memref<10000x16xf32, #tpu.memory_space<hbm>>) target(%dma_start3A_77 : memref<128x16xf32, #tpu.memory_space<vmem>>) offsets(%dma_start3A_80 : memref<128xi32, #tpu.memory_space<vmem>>) semaphore(%dma_start3A_85 : memref<!tpu.dma_semaphore, #tpu.memory_space<semaphore_mem>>)
    %dma_start3A_86 = arith.constant 3 : i32
    %dma_start3A_87 = arith.constant 3 : i32
    %dma_start3A_88 = arith.constant 3 : i32
    %dma_start3A_89 = arith.constant 0 : i32
    %dma_start3A_90 = arith.constant 0 : i32
    %dma_start3A_91 = tpu.memref_slice %arg8[%dma_start3A_87, %dma_start3A_89, %dma_start3A_90] : memref<4x128x16xf32, #tpu.memory_space<vmem>> -> memref<1x128x16xf32, #tpu.memory_space<vmem>>
    %dma_start3A_92 = tpu.memref_squeeze %dma_start3A_91 : memref<1x128x16xf32, #tpu.memory_space<vmem>> -> memref<128x16xf32, #tpu.memory_space<vmem>>
    %dma_start3A_93 = arith.constant 0 : i32
    %dma_start3A_94 = tpu.memref_slice %arg6[%dma_start3A_86, %dma_start3A_93] : memref<152x128xi32, #tpu.memory_space<vmem>> -> memref<1x128xi32, #tpu.memory_space<vmem>>
    %dma_start3A_95 = tpu.memref_squeeze %dma_start3A_94 : memref<1x128xi32, #tpu.memory_space<vmem>> -> memref<128xi32, #tpu.memory_space<vmem>>
    %dma_start3A_96 = arith.constant 0 : i32
    %dma_start3A_97 = arith.constant 0 : i32
    %dma_start3A_98 = tpu.memref_slice %arg2[%dma_start3A_96, %dma_start3A_97] : memref<10000x16xf32, #tpu.memory_space<hbm>> -> memref<10000x16xf32, #tpu.memory_space<hbm>>
    %dma_start3A_99 = tpu.memref_slice %arg10[%dma_start3A_88] : memref<4x!tpu.dma_semaphore, #tpu.memory_space<semaphore_mem>> -> memref<1x!tpu.dma_semaphore, #tpu.memory_space<semaphore_mem>>
    %dma_start3A_100 = tpu.memref_squeeze %dma_start3A_99 : memref<1x!tpu.dma_semaphore, #tpu.memory_space<semaphore_mem>> -> memref<!tpu.dma_semaphore, #tpu.memory_space<semaphore_mem>>
    tpu.enqueue_indirect_dma source(%dma_start3A_98 : memref<10000x16xf32, #tpu.memory_space<hbm>>) target(%dma_start3A_92 : memref<128x16xf32, #tpu.memory_space<vmem>>) offsets(%dma_start3A_95 : memref<128xi32, #tpu.memory_space<vmem>>) semaphore(%dma_start3A_100 : memref<!tpu.dma_semaphore, #tpu.memory_space<semaphore_mem>>)
    %jit3A_101 = arith.constant 4 : i32
    %div3A = arith.divsi %select_n3A_8, %jit3A_101 : i32
    %sign3A = arith.constant 0 : i32
    %sign3A_102 = arith.cmpi sgt, %select_n3A_8, %sign3A : i32
    %sign3A_103 = arith.extui %sign3A_102 : i1 to i32
    %sign3A_104 = arith.constant 0 : i32
    %sign3A_105 = arith.cmpi slt, %select_n3A_8, %sign3A_104 : i32
    %sign3A_106 = arith.extui %sign3A_105 : i1 to i32
    %sign3A_107 = arith.subi %sign3A_103, %sign3A_106 : i32
    %sign3A_108 = arith.constant 0 : i32
    %sign3A_109 = arith.cmpi sgt, %jit3A_101, %sign3A_108 : i32
    %sign3A_110 = arith.extui %sign3A_109 : i1 to i32
    %sign3A_111 = arith.constant 0 : i32
    %sign3A_112 = arith.cmpi slt, %jit3A_101, %sign3A_111 : i32
    %sign3A_113 = arith.extui %sign3A_112 : i1 to i32
    %sign3A_114 = arith.subi %sign3A_110, %sign3A_113 : i32
    %ne3A_115 = arith.cmpi ne, %sign3A_107, %sign3A_114 : i32
    %rem3A = arith.remsi %select_n3A_8, %jit3A_101 : i32
    %ne3A_116 = arith.constant 0 : i32
    %ne3A_117 = arith.cmpi ne, %rem3A, %ne3A_116 : i32
    %and3A = arith.andi %ne3A_115, %ne3A_117 : i1
    %sub3A = arith.constant 1 : i32
    %sub3A_118 = arith.subi %div3A, %sub3A : i32
    %select_n3A_119 = arith.select %and3A, %sub3A_118, %div3A : i32
    %while3A = arith.constant 0 : i32
    %while3A_120 = arith.constant 0 : i32
    %while3A_121 = arith.subi %select_n3A_119, %while3A_120 : i32
    %while3A_122 = arith.addi %while3A_120, %while3A_121 : i32
    %while3A_123 = arith.constant 1 : i32
    %while3A_124 = arith.divsi %while3A_121, %while3A_123 : i32
    %while3A_125 = arith.muli %while3A_124, %while3A_123 : i32
    %while3A_126 = arith.addi %while3A_120, %while3A_125 : i32
    %while3A_127 = arith.constant 1 : i32
    scf.for %while3A_204 = %while3A_120 to %while3A_126 step %while3A_127  : i32 {
      %mul3A_205 = arith.constant 4 : i32
      %mul3A_206 = arith.muli %while3A_204, %mul3A_205 : i32
      %dma_wait3A_207 = arith.constant 0 : i32
      %dma_wait3A_208 = arith.constant 0 : i32
      %dma_wait3A_209 = arith.constant 0 : i32
      %dma_wait3A_210 = arith.constant 0 : i32
      %dma_wait3A_211 = arith.constant 0 : i32
      %dma_wait3A_212 = tpu.memref_slice %arg8[%dma_wait3A_208, %dma_wait3A_210, %dma_wait3A_211] : memref<4x128x16xf32, #tpu.memory_space<vmem>> -> memref<1x128x16xf32, #tpu.memory_space<vmem>>
      %dma_wait3A_213 = tpu.memref_squeeze %dma_wait3A_212 : memref<1x128x16xf32, #tpu.memory_space<vmem>> -> memref<128x16xf32, #tpu.memory_space<vmem>>
      %dma_wait3A_214 = arith.constant 0 : i32
      %dma_wait3A_215 = tpu.memref_slice %arg6[%dma_wait3A_207, %dma_wait3A_214] : memref<152x128xi32, #tpu.memory_space<vmem>> -> memref<1x128xi32, #tpu.memory_space<vmem>>
      %dma_wait3A_216 = tpu.memref_squeeze %dma_wait3A_215 : memref<1x128xi32, #tpu.memory_space<vmem>> -> memref<128xi32, #tpu.memory_space<vmem>>
      %dma_wait3A_217 = arith.constant 0 : i32
      %dma_wait3A_218 = arith.constant 0 : i32
      %dma_wait3A_219 = tpu.memref_slice %arg2[%dma_wait3A_217, %dma_wait3A_218] : memref<10000x16xf32, #tpu.memory_space<hbm>> -> memref<10000x16xf32, #tpu.memory_space<hbm>>
      %dma_wait3A_220 = tpu.memref_slice %arg10[%dma_wait3A_209] : memref<4x!tpu.dma_semaphore, #tpu.memory_space<semaphore_mem>> -> memref<1x!tpu.dma_semaphore, #tpu.memory_space<semaphore_mem>>
      %dma_wait3A_221 = tpu.memref_squeeze %dma_wait3A_220 : memref<1x!tpu.dma_semaphore, #tpu.memory_space<semaphore_mem>> -> memref<!tpu.dma_semaphore, #tpu.memory_space<semaphore_mem>>
      tpu.wait_indirect_dma semaphore(%dma_wait3A_221 : memref<!tpu.dma_semaphore, #tpu.memory_space<semaphore_mem>>) src(%dma_wait3A_219 : memref<10000x16xf32, #tpu.memory_space<hbm>>) dst(%dma_wait3A_213 : memref<128x16xf32, #tpu.memory_space<vmem>>)
      %add3A_222 = arith.constant 0 : i32
      %add3A_223 = arith.addi %mul3A_206, %add3A_222 : i32
      %dma_start3A_224 = arith.constant 0 : i32
      %dma_start3A_225 = arith.constant 0 : i32
      %dma_start3A_226 = arith.constant 0 : i32
      %dma_start3A_227 = arith.constant 0 : i32
      %dma_start3A_228 = tpu.memref_slice %arg8[%dma_start3A_224, %dma_start3A_226, %dma_start3A_227] : memref<4x128x16xf32, #tpu.memory_space<vmem>> -> memref<1x128x16xf32, #tpu.memory_space<vmem>>
      %dma_start3A_229 = tpu.memref_squeeze %dma_start3A_228 : memref<1x128x16xf32, #tpu.memory_space<vmem>> -> memref<128x16xf32, #tpu.memory_space<vmem>>
      %dma_start3A_230 = arith.constant 0 : i32
      %dma_start3A_231 = tpu.memref_slice %arg7[%add3A_223, %dma_start3A_230] : memref<152x128xi32, #tpu.memory_space<vmem>> -> memref<1x128xi32, #tpu.memory_space<vmem>>
      %dma_start3A_232 = tpu.memref_squeeze %dma_start3A_231 : memref<1x128xi32, #tpu.memory_space<vmem>> -> memref<128xi32, #tpu.memory_space<vmem>>
      %dma_start3A_233 = arith.constant 0 : i32
      %dma_start3A_234 = arith.constant 0 : i32
      %dma_start3A_235 = tpu.memref_slice %arg9[%dma_start3A_233, %dma_start3A_234] : memref<10008x16xf32, #tpu.memory_space<vmem_shared>> -> memref<10008x16xf32, #tpu.memory_space<vmem_shared>>
      %dma_start3A_236 = tpu.memref_slice %arg11[%dma_start3A_225] : memref<4x!tpu.dma_semaphore, #tpu.memory_space<semaphore_mem>> -> memref<1x!tpu.dma_semaphore, #tpu.memory_space<semaphore_mem>>
      %dma_start3A_237 = tpu.memref_squeeze %dma_start3A_236 : memref<1x!tpu.dma_semaphore, #tpu.memory_space<semaphore_mem>> -> memref<!tpu.dma_semaphore, #tpu.memory_space<semaphore_mem>>
      tpu.enqueue_indirect_dma source(%dma_start3A_229 : memref<128x16xf32, #tpu.memory_space<vmem>>) target(%dma_start3A_235 : memref<10008x16xf32, #tpu.memory_space<vmem_shared>>) offsets(%dma_start3A_232 : memref<128xi32, #tpu.memory_space<vmem>>) semaphore(%dma_start3A_237 : memref<!tpu.dma_semaphore, #tpu.memory_space<semaphore_mem>>) {add = true}
      %dma_wait3A_238 = arith.constant 0 : i32
      %dma_wait3A_239 = arith.constant 1 : i32
      %dma_wait3A_240 = arith.constant 1 : i32
      %dma_wait3A_241 = arith.constant 0 : i32
      %dma_wait3A_242 = arith.constant 0 : i32
      %dma_wait3A_243 = tpu.memref_slice %arg8[%dma_wait3A_239, %dma_wait3A_241, %dma_wait3A_242] : memref<4x128x16xf32, #tpu.memory_space<vmem>> -> memref<1x128x16xf32, #tpu.memory_space<vmem>>
      %dma_wait3A_244 = tpu.memref_squeeze %dma_wait3A_243 : memref<1x128x16xf32, #tpu.memory_space<vmem>> -> memref<128x16xf32, #tpu.memory_space<vmem>>
      %dma_wait3A_245 = arith.constant 0 : i32
      %dma_wait3A_246 = tpu.memref_slice %arg6[%dma_wait3A_238, %dma_wait3A_245] : memref<152x128xi32, #tpu.memory_space<vmem>> -> memref<1x128xi32, #tpu.memory_space<vmem>>
      %dma_wait3A_247 = tpu.memref_squeeze %dma_wait3A_246 : memref<1x128xi32, #tpu.memory_space<vmem>> -> memref<128xi32, #tpu.memory_space<vmem>>
      %dma_wait3A_248 = arith.constant 0 : i32
      %dma_wait3A_249 = arith.constant 0 : i32
      %dma_wait3A_250 = tpu.memref_slice %arg2[%dma_wait3A_248, %dma_wait3A_249] : memref<10000x16xf32, #tpu.memory_space<hbm>> -> memref<10000x16xf32, #tpu.memory_space<hbm>>
      %dma_wait3A_251 = tpu.memref_slice %arg10[%dma_wait3A_240] : memref<4x!tpu.dma_semaphore, #tpu.memory_space<semaphore_mem>> -> memref<1x!tpu.dma_semaphore, #tpu.memory_space<semaphore_mem>>
      %dma_wait3A_252 = tpu.memref_squeeze %dma_wait3A_251 : memref<1x!tpu.dma_semaphore, #tpu.memory_space<semaphore_mem>> -> memref<!tpu.dma_semaphore, #tpu.memory_space<semaphore_mem>>
      tpu.wait_indirect_dma semaphore(%dma_wait3A_252 : memref<!tpu.dma_semaphore, #tpu.memory_space<semaphore_mem>>) src(%dma_wait3A_250 : memref<10000x16xf32, #tpu.memory_space<hbm>>) dst(%dma_wait3A_244 : memref<128x16xf32, #tpu.memory_space<vmem>>)
      %add3A_253 = arith.constant 1 : i32
      %add3A_254 = arith.addi %mul3A_206, %add3A_253 : i32
      %dma_start3A_255 = arith.constant 1 : i32
      %dma_start3A_256 = arith.constant 1 : i32
      %dma_start3A_257 = arith.constant 0 : i32
      %dma_start3A_258 = arith.constant 0 : i32
      %dma_start3A_259 = tpu.memref_slice %arg8[%dma_start3A_255, %dma_start3A_257, %dma_start3A_258] : memref<4x128x16xf32, #tpu.memory_space<vmem>> -> memref<1x128x16xf32, #tpu.memory_space<vmem>>
      %dma_start3A_260 = tpu.memref_squeeze %dma_start3A_259 : memref<1x128x16xf32, #tpu.memory_space<vmem>> -> memref<128x16xf32, #tpu.memory_space<vmem>>
      %dma_start3A_261 = arith.constant 0 : i32
      %dma_start3A_262 = tpu.memref_slice %arg7[%add3A_254, %dma_start3A_261] : memref<152x128xi32, #tpu.memory_space<vmem>> -> memref<1x128xi32, #tpu.memory_space<vmem>>
      %dma_start3A_263 = tpu.memref_squeeze %dma_start3A_262 : memref<1x128xi32, #tpu.memory_space<vmem>> -> memref<128xi32, #tpu.memory_space<vmem>>
      %dma_start3A_264 = arith.constant 0 : i32
      %dma_start3A_265 = arith.constant 0 : i32
      %dma_start3A_266 = tpu.memref_slice %arg9[%dma_start3A_264, %dma_start3A_265] : memref<10008x16xf32, #tpu.memory_space<vmem_shared>> -> memref<10008x16xf32, #tpu.memory_space<vmem_shared>>
      %dma_start3A_267 = tpu.memref_slice %arg11[%dma_start3A_256] : memref<4x!tpu.dma_semaphore, #tpu.memory_space<semaphore_mem>> -> memref<1x!tpu.dma_semaphore, #tpu.memory_space<semaphore_mem>>
      %dma_start3A_268 = tpu.memref_squeeze %dma_start3A_267 : memref<1x!tpu.dma_semaphore, #tpu.memory_space<semaphore_mem>> -> memref<!tpu.dma_semaphore, #tpu.memory_space<semaphore_mem>>
      tpu.enqueue_indirect_dma source(%dma_start3A_260 : memref<128x16xf32, #tpu.memory_space<vmem>>) target(%dma_start3A_266 : memref<10008x16xf32, #tpu.memory_space<vmem_shared>>) offsets(%dma_start3A_263 : memref<128xi32, #tpu.memory_space<vmem>>) semaphore(%dma_start3A_268 : memref<!tpu.dma_semaphore, #tpu.memory_space<semaphore_mem>>) {add = true}
      %dma_wait3A_269 = arith.constant 0 : i32
      %dma_wait3A_270 = arith.constant 2 : i32
      %dma_wait3A_271 = arith.constant 2 : i32
      %dma_wait3A_272 = arith.constant 0 : i32
      %dma_wait3A_273 = arith.constant 0 : i32
      %dma_wait3A_274 = tpu.memref_slice %arg8[%dma_wait3A_270, %dma_wait3A_272, %dma_wait3A_273] : memref<4x128x16xf32, #tpu.memory_space<vmem>> -> memref<1x128x16xf32, #tpu.memory_space<vmem>>
      %dma_wait3A_275 = tpu.memref_squeeze %dma_wait3A_274 : memref<1x128x16xf32, #tpu.memory_space<vmem>> -> memref<128x16xf32, #tpu.memory_space<vmem>>
      %dma_wait3A_276 = arith.constant 0 : i32
      %dma_wait3A_277 = tpu.memref_slice %arg6[%dma_wait3A_269, %dma_wait3A_276] : memref<152x128xi32, #tpu.memory_space<vmem>> -> memref<1x128xi32, #tpu.memory_space<vmem>>
      %dma_wait3A_278 = tpu.memref_squeeze %dma_wait3A_277 : memref<1x128xi32, #tpu.memory_space<vmem>> -> memref<128xi32, #tpu.memory_space<vmem>>
      %dma_wait3A_279 = arith.constant 0 : i32
      %dma_wait3A_280 = arith.constant 0 : i32
      %dma_wait3A_281 = tpu.memref_slice %arg2[%dma_wait3A_279, %dma_wait3A_280] : memref<10000x16xf32, #tpu.memory_space<hbm>> -> memref<10000x16xf32, #tpu.memory_space<hbm>>
      %dma_wait3A_282 = tpu.memref_slice %arg10[%dma_wait3A_271] : memref<4x!tpu.dma_semaphore, #tpu.memory_space<semaphore_mem>> -> memref<1x!tpu.dma_semaphore, #tpu.memory_space<semaphore_mem>>
      %dma_wait3A_283 = tpu.memref_squeeze %dma_wait3A_282 : memref<1x!tpu.dma_semaphore, #tpu.memory_space<semaphore_mem>> -> memref<!tpu.dma_semaphore, #tpu.memory_space<semaphore_mem>>
      tpu.wait_indirect_dma semaphore(%dma_wait3A_283 : memref<!tpu.dma_semaphore, #tpu.memory_space<semaphore_mem>>) src(%dma_wait3A_281 : memref<10000x16xf32, #tpu.memory_space<hbm>>) dst(%dma_wait3A_275 : memref<128x16xf32, #tpu.memory_space<vmem>>)
      %add3A_284 = arith.constant 2 : i32
      %add3A_285 = arith.addi %mul3A_206, %add3A_284 : i32
      %dma_start3A_286 = arith.constant 2 : i32
      %dma_start3A_287 = arith.constant 2 : i32
      %dma_start3A_288 = arith.constant 0 : i32
      %dma_start3A_289 = arith.constant 0 : i32
      %dma_start3A_290 = tpu.memref_slice %arg8[%dma_start3A_286, %dma_start3A_288, %dma_start3A_289] : memref<4x128x16xf32, #tpu.memory_space<vmem>> -> memref<1x128x16xf32, #tpu.memory_space<vmem>>
      %dma_start3A_291 = tpu.memref_squeeze %dma_start3A_290 : memref<1x128x16xf32, #tpu.memory_space<vmem>> -> memref<128x16xf32, #tpu.memory_space<vmem>>
      %dma_start3A_292 = arith.constant 0 : i32
      %dma_start3A_293 = tpu.memref_slice %arg7[%add3A_285, %dma_start3A_292] : memref<152x128xi32, #tpu.memory_space<vmem>> -> memref<1x128xi32, #tpu.memory_space<vmem>>
      %dma_start3A_294 = tpu.memref_squeeze %dma_start3A_293 : memref<1x128xi32, #tpu.memory_space<vmem>> -> memref<128xi32, #tpu.memory_space<vmem>>
      %dma_start3A_295 = arith.constant 0 : i32
      %dma_start3A_296 = arith.constant 0 : i32
      %dma_start3A_297 = tpu.memref_slice %arg9[%dma_start3A_295, %dma_start3A_296] : memref<10008x16xf32, #tpu.memory_space<vmem_shared>> -> memref<10008x16xf32, #tpu.memory_space<vmem_shared>>
      %dma_start3A_298 = tpu.memref_slice %arg11[%dma_start3A_287] : memref<4x!tpu.dma_semaphore, #tpu.memory_space<semaphore_mem>> -> memref<1x!tpu.dma_semaphore, #tpu.memory_space<semaphore_mem>>
      %dma_start3A_299 = tpu.memref_squeeze %dma_start3A_298 : memref<1x!tpu.dma_semaphore, #tpu.memory_space<semaphore_mem>> -> memref<!tpu.dma_semaphore, #tpu.memory_space<semaphore_mem>>
      tpu.enqueue_indirect_dma source(%dma_start3A_291 : memref<128x16xf32, #tpu.memory_space<vmem>>) target(%dma_start3A_297 : memref<10008x16xf32, #tpu.memory_space<vmem_shared>>) offsets(%dma_start3A_294 : memref<128xi32, #tpu.memory_space<vmem>>) semaphore(%dma_start3A_299 : memref<!tpu.dma_semaphore, #tpu.memory_space<semaphore_mem>>) {add = true}
      %dma_wait3A_300 = arith.constant 0 : i32
      %dma_wait3A_301 = arith.constant 3 : i32
      %dma_wait3A_302 = arith.constant 3 : i32
      %dma_wait3A_303 = arith.constant 0 : i32
      %dma_wait3A_304 = arith.constant 0 : i32
      %dma_wait3A_305 = tpu.memref_slice %arg8[%dma_wait3A_301, %dma_wait3A_303, %dma_wait3A_304] : memref<4x128x16xf32, #tpu.memory_space<vmem>> -> memref<1x128x16xf32, #tpu.memory_space<vmem>>
      %dma_wait3A_306 = tpu.memref_squeeze %dma_wait3A_305 : memref<1x128x16xf32, #tpu.memory_space<vmem>> -> memref<128x16xf32, #tpu.memory_space<vmem>>
      %dma_wait3A_307 = arith.constant 0 : i32
      %dma_wait3A_308 = tpu.memref_slice %arg6[%dma_wait3A_300, %dma_wait3A_307] : memref<152x128xi32, #tpu.memory_space<vmem>> -> memref<1x128xi32, #tpu.memory_space<vmem>>
      %dma_wait3A_309 = tpu.memref_squeeze %dma_wait3A_308 : memref<1x128xi32, #tpu.memory_space<vmem>> -> memref<128xi32, #tpu.memory_space<vmem>>
      %dma_wait3A_310 = arith.constant 0 : i32
      %dma_wait3A_311 = arith.constant 0 : i32
      %dma_wait3A_312 = tpu.memref_slice %arg2[%dma_wait3A_310, %dma_wait3A_311] : memref<10000x16xf32, #tpu.memory_space<hbm>> -> memref<10000x16xf32, #tpu.memory_space<hbm>>
      %dma_wait3A_313 = tpu.memref_slice %arg10[%dma_wait3A_302] : memref<4x!tpu.dma_semaphore, #tpu.memory_space<semaphore_mem>> -> memref<1x!tpu.dma_semaphore, #tpu.memory_space<semaphore_mem>>
      %dma_wait3A_314 = tpu.memref_squeeze %dma_wait3A_313 : memref<1x!tpu.dma_semaphore, #tpu.memory_space<semaphore_mem>> -> memref<!tpu.dma_semaphore, #tpu.memory_space<semaphore_mem>>
      tpu.wait_indirect_dma semaphore(%dma_wait3A_314 : memref<!tpu.dma_semaphore, #tpu.memory_space<semaphore_mem>>) src(%dma_wait3A_312 : memref<10000x16xf32, #tpu.memory_space<hbm>>) dst(%dma_wait3A_306 : memref<128x16xf32, #tpu.memory_space<vmem>>)
      %add3A_315 = arith.constant 3 : i32
      %add3A_316 = arith.addi %mul3A_206, %add3A_315 : i32
      %dma_start3A_317 = arith.constant 3 : i32
      %dma_start3A_318 = arith.constant 3 : i32
      %dma_start3A_319 = arith.constant 0 : i32
      %dma_start3A_320 = arith.constant 0 : i32
      %dma_start3A_321 = tpu.memref_slice %arg8[%dma_start3A_317, %dma_start3A_319, %dma_start3A_320] : memref<4x128x16xf32, #tpu.memory_space<vmem>> -> memref<1x128x16xf32, #tpu.memory_space<vmem>>
      %dma_start3A_322 = tpu.memref_squeeze %dma_start3A_321 : memref<1x128x16xf32, #tpu.memory_space<vmem>> -> memref<128x16xf32, #tpu.memory_space<vmem>>
      %dma_start3A_323 = arith.constant 0 : i32
      %dma_start3A_324 = tpu.memref_slice %arg7[%add3A_316, %dma_start3A_323] : memref<152x128xi32, #tpu.memory_space<vmem>> -> memref<1x128xi32, #tpu.memory_space<vmem>>
      %dma_start3A_325 = tpu.memref_squeeze %dma_start3A_324 : memref<1x128xi32, #tpu.memory_space<vmem>> -> memref<128xi32, #tpu.memory_space<vmem>>
      %dma_start3A_326 = arith.constant 0 : i32
      %dma_start3A_327 = arith.constant 0 : i32
      %dma_start3A_328 = tpu.memref_slice %arg9[%dma_start3A_326, %dma_start3A_327] : memref<10008x16xf32, #tpu.memory_space<vmem_shared>> -> memref<10008x16xf32, #tpu.memory_space<vmem_shared>>
      %dma_start3A_329 = tpu.memref_slice %arg11[%dma_start3A_318] : memref<4x!tpu.dma_semaphore, #tpu.memory_space<semaphore_mem>> -> memref<1x!tpu.dma_semaphore, #tpu.memory_space<semaphore_mem>>
      %dma_start3A_330 = tpu.memref_squeeze %dma_start3A_329 : memref<1x!tpu.dma_semaphore, #tpu.memory_space<semaphore_mem>> -> memref<!tpu.dma_semaphore, #tpu.memory_space<semaphore_mem>>
      tpu.enqueue_indirect_dma source(%dma_start3A_322 : memref<128x16xf32, #tpu.memory_space<vmem>>) target(%dma_start3A_328 : memref<10008x16xf32, #tpu.memory_space<vmem_shared>>) offsets(%dma_start3A_325 : memref<128xi32, #tpu.memory_space<vmem>>) semaphore(%dma_start3A_330 : memref<!tpu.dma_semaphore, #tpu.memory_space<semaphore_mem>>) {add = true}
      %add3A_331 = arith.constant 0 : i32
      %add3A_332 = arith.addi %mul3A_206, %add3A_331 : i32
      %add3A_333 = arith.constant 4 : i32
      %add3A_334 = arith.addi %add3A_332, %add3A_333 : i32
      %lt3A_335 = arith.cmpi slt, %add3A_334, %select_n3A_8 : i32
      %convert_element_type3A_336 = arith.extui %lt3A_335 : i1 to i32
      %cond3A_337 = arith.constant 0 : i32
      %cond3A_338 = arith.cmpi ne, %convert_element_type3A_336, %cond3A_337 : i32
      scf.if %cond3A_338 {
        %dma_wait3A_363 = arith.constant 0 : i32
        %dma_wait3A_364 = arith.constant 0 : i32
        %dma_wait3A_365 = arith.constant 0 : i32
        %dma_wait3A_366 = arith.constant 0 : i32
        %dma_wait3A_367 = arith.constant 0 : i32
        %dma_wait3A_368 = tpu.memref_slice %arg8[%dma_wait3A_363, %dma_wait3A_366, %dma_wait3A_367] : memref<4x128x16xf32, #tpu.memory_space<vmem>> -> memref<1x128x16xf32, #tpu.memory_space<vmem>>
        %dma_wait3A_369 = tpu.memref_squeeze %dma_wait3A_368 : memref<1x128x16xf32, #tpu.memory_space<vmem>> -> memref<128x16xf32, #tpu.memory_space<vmem>>
        %dma_wait3A_370 = arith.constant 0 : i32
        %dma_wait3A_371 = tpu.memref_slice %arg7[%dma_wait3A_364, %dma_wait3A_370] : memref<152x128xi32, #tpu.memory_space<vmem>> -> memref<1x128xi32, #tpu.memory_space<vmem>>
        %dma_wait3A_372 = tpu.memref_squeeze %dma_wait3A_371 : memref<1x128xi32, #tpu.memory_space<vmem>> -> memref<128xi32, #tpu.memory_space<vmem>>
        %dma_wait3A_373 = arith.constant 0 : i32
        %dma_wait3A_374 = arith.constant 0 : i32
        %dma_wait3A_375 = tpu.memref_slice %arg9[%dma_wait3A_373, %dma_wait3A_374] : memref<10008x16xf32, #tpu.memory_space<vmem_shared>> -> memref<10008x16xf32, #tpu.memory_space<vmem_shared>>
        %dma_wait3A_376 = tpu.memref_slice %arg11[%dma_wait3A_365] : memref<4x!tpu.dma_semaphore, #tpu.memory_space<semaphore_mem>> -> memref<1x!tpu.dma_semaphore, #tpu.memory_space<semaphore_mem>>
        %dma_wait3A_377 = tpu.memref_squeeze %dma_wait3A_376 : memref<1x!tpu.dma_semaphore, #tpu.memory_space<semaphore_mem>> -> memref<!tpu.dma_semaphore, #tpu.memory_space<semaphore_mem>>
        tpu.wait_indirect_dma semaphore(%dma_wait3A_377 : memref<!tpu.dma_semaphore, #tpu.memory_space<semaphore_mem>>) src(%dma_wait3A_369 : memref<128x16xf32, #tpu.memory_space<vmem>>) dst(%dma_wait3A_375 : memref<10008x16xf32, #tpu.memory_space<vmem_shared>>)
        %dma_start3A_378 = arith.constant 0 : i32
        %dma_start3A_379 = arith.constant 0 : i32
        %dma_start3A_380 = arith.constant 0 : i32
        %dma_start3A_381 = arith.constant 0 : i32
        %dma_start3A_382 = tpu.memref_slice %arg8[%dma_start3A_378, %dma_start3A_380, %dma_start3A_381] : memref<4x128x16xf32, #tpu.memory_space<vmem>> -> memref<1x128x16xf32, #tpu.memory_space<vmem>>
        %dma_start3A_383 = tpu.memref_squeeze %dma_start3A_382 : memref<1x128x16xf32, #tpu.memory_space<vmem>> -> memref<128x16xf32, #tpu.memory_space<vmem>>
        %dma_start3A_384 = arith.constant 0 : i32
        %dma_start3A_385 = tpu.memref_slice %arg6[%add3A_334, %dma_start3A_384] : memref<152x128xi32, #tpu.memory_space<vmem>> -> memref<1x128xi32, #tpu.memory_space<vmem>>
        %dma_start3A_386 = tpu.memref_squeeze %dma_start3A_385 : memref<1x128xi32, #tpu.memory_space<vmem>> -> memref<128xi32, #tpu.memory_space<vmem>>
        %dma_start3A_387 = arith.constant 0 : i32
        %dma_start3A_388 = arith.constant 0 : i32
        %dma_start3A_389 = tpu.memref_slice %arg2[%dma_start3A_387, %dma_start3A_388] : memref<10000x16xf32, #tpu.memory_space<hbm>> -> memref<10000x16xf32, #tpu.memory_space<hbm>>
        %dma_start3A_390 = tpu.memref_slice %arg10[%dma_start3A_379] : memref<4x!tpu.dma_semaphore, #tpu.memory_space<semaphore_mem>> -> memref<1x!tpu.dma_semaphore, #tpu.memory_space<semaphore_mem>>
        %dma_start3A_391 = tpu.memref_squeeze %dma_start3A_390 : memref<1x!tpu.dma_semaphore, #tpu.memory_space<semaphore_mem>> -> memref<!tpu.dma_semaphore, #tpu.memory_space<semaphore_mem>>
        tpu.enqueue_indirect_dma source(%dma_start3A_389 : memref<10000x16xf32, #tpu.memory_space<hbm>>) target(%dma_start3A_383 : memref<128x16xf32, #tpu.memory_space<vmem>>) offsets(%dma_start3A_386 : memref<128xi32, #tpu.memory_space<vmem>>) semaphore(%dma_start3A_391 : memref<!tpu.dma_semaphore, #tpu.memory_space<semaphore_mem>>)
      } else {
      }
      %add3A_339 = arith.constant 1 : i32
      %add3A_340 = arith.addi %mul3A_206, %add3A_339 : i32
      %add3A_341 = arith.constant 4 : i32
      %add3A_342 = arith.addi %add3A_340, %add3A_341 : i32
      %lt3A_343 = arith.cmpi slt, %add3A_342, %select_n3A_8 : i32
      %convert_element_type3A_344 = arith.extui %lt3A_343 : i1 to i32
      %cond3A_345 = arith.constant 0 : i32
      %cond3A_346 = arith.cmpi ne, %convert_element_type3A_344, %cond3A_345 : i32
      scf.if %cond3A_346 {
        %dma_wait3A_363 = arith.constant 1 : i32
        %dma_wait3A_364 = arith.constant 0 : i32
        %dma_wait3A_365 = arith.constant 1 : i32
        %dma_wait3A_366 = arith.constant 0 : i32
        %dma_wait3A_367 = arith.constant 0 : i32
        %dma_wait3A_368 = tpu.memref_slice %arg8[%dma_wait3A_363, %dma_wait3A_366, %dma_wait3A_367] : memref<4x128x16xf32, #tpu.memory_space<vmem>> -> memref<1x128x16xf32, #tpu.memory_space<vmem>>
        %dma_wait3A_369 = tpu.memref_squeeze %dma_wait3A_368 : memref<1x128x16xf32, #tpu.memory_space<vmem>> -> memref<128x16xf32, #tpu.memory_space<vmem>>
        %dma_wait3A_370 = arith.constant 0 : i32
        %dma_wait3A_371 = tpu.memref_slice %arg7[%dma_wait3A_364, %dma_wait3A_370] : memref<152x128xi32, #tpu.memory_space<vmem>> -> memref<1x128xi32, #tpu.memory_space<vmem>>
        %dma_wait3A_372 = tpu.memref_squeeze %dma_wait3A_371 : memref<1x128xi32, #tpu.memory_space<vmem>> -> memref<128xi32, #tpu.memory_space<vmem>>
        %dma_wait3A_373 = arith.constant 0 : i32
        %dma_wait3A_374 = arith.constant 0 : i32
        %dma_wait3A_375 = tpu.memref_slice %arg9[%dma_wait3A_373, %dma_wait3A_374] : memref<10008x16xf32, #tpu.memory_space<vmem_shared>> -> memref<10008x16xf32, #tpu.memory_space<vmem_shared>>
        %dma_wait3A_376 = tpu.memref_slice %arg11[%dma_wait3A_365] : memref<4x!tpu.dma_semaphore, #tpu.memory_space<semaphore_mem>> -> memref<1x!tpu.dma_semaphore, #tpu.memory_space<semaphore_mem>>
        %dma_wait3A_377 = tpu.memref_squeeze %dma_wait3A_376 : memref<1x!tpu.dma_semaphore, #tpu.memory_space<semaphore_mem>> -> memref<!tpu.dma_semaphore, #tpu.memory_space<semaphore_mem>>
        tpu.wait_indirect_dma semaphore(%dma_wait3A_377 : memref<!tpu.dma_semaphore, #tpu.memory_space<semaphore_mem>>) src(%dma_wait3A_369 : memref<128x16xf32, #tpu.memory_space<vmem>>) dst(%dma_wait3A_375 : memref<10008x16xf32, #tpu.memory_space<vmem_shared>>)
        %dma_start3A_378 = arith.constant 1 : i32
        %dma_start3A_379 = arith.constant 1 : i32
        %dma_start3A_380 = arith.constant 0 : i32
        %dma_start3A_381 = arith.constant 0 : i32
        %dma_start3A_382 = tpu.memref_slice %arg8[%dma_start3A_378, %dma_start3A_380, %dma_start3A_381] : memref<4x128x16xf32, #tpu.memory_space<vmem>> -> memref<1x128x16xf32, #tpu.memory_space<vmem>>
        %dma_start3A_383 = tpu.memref_squeeze %dma_start3A_382 : memref<1x128x16xf32, #tpu.memory_space<vmem>> -> memref<128x16xf32, #tpu.memory_space<vmem>>
        %dma_start3A_384 = arith.constant 0 : i32
        %dma_start3A_385 = tpu.memref_slice %arg6[%add3A_342, %dma_start3A_384] : memref<152x128xi32, #tpu.memory_space<vmem>> -> memref<1x128xi32, #tpu.memory_space<vmem>>
        %dma_start3A_386 = tpu.memref_squeeze %dma_start3A_385 : memref<1x128xi32, #tpu.memory_space<vmem>> -> memref<128xi32, #tpu.memory_space<vmem>>
        %dma_start3A_387 = arith.constant 0 : i32
        %dma_start3A_388 = arith.constant 0 : i32
        %dma_start3A_389 = tpu.memref_slice %arg2[%dma_start3A_387, %dma_start3A_388] : memref<10000x16xf32, #tpu.memory_space<hbm>> -> memref<10000x16xf32, #tpu.memory_space<hbm>>
        %dma_start3A_390 = tpu.memref_slice %arg10[%dma_start3A_379] : memref<4x!tpu.dma_semaphore, #tpu.memory_space<semaphore_mem>> -> memref<1x!tpu.dma_semaphore, #tpu.memory_space<semaphore_mem>>
        %dma_start3A_391 = tpu.memref_squeeze %dma_start3A_390 : memref<1x!tpu.dma_semaphore, #tpu.memory_space<semaphore_mem>> -> memref<!tpu.dma_semaphore, #tpu.memory_space<semaphore_mem>>
        tpu.enqueue_indirect_dma source(%dma_start3A_389 : memref<10000x16xf32, #tpu.memory_space<hbm>>) target(%dma_start3A_383 : memref<128x16xf32, #tpu.memory_space<vmem>>) offsets(%dma_start3A_386 : memref<128xi32, #tpu.memory_space<vmem>>) semaphore(%dma_start3A_391 : memref<!tpu.dma_semaphore, #tpu.memory_space<semaphore_mem>>)
      } else {
      }
      %add3A_347 = arith.constant 2 : i32
      %add3A_348 = arith.addi %mul3A_206, %add3A_347 : i32
      %add3A_349 = arith.constant 4 : i32
      %add3A_350 = arith.addi %add3A_348, %add3A_349 : i32
      %lt3A_351 = arith.cmpi slt, %add3A_350, %select_n3A_8 : i32
      %convert_element_type3A_352 = arith.extui %lt3A_351 : i1 to i32
      %cond3A_353 = arith.constant 0 : i32
      %cond3A_354 = arith.cmpi ne, %convert_element_type3A_352, %cond3A_353 : i32
      scf.if %cond3A_354 {
        %dma_wait3A_363 = arith.constant 2 : i32
        %dma_wait3A_364 = arith.constant 0 : i32
        %dma_wait3A_365 = arith.constant 2 : i32
        %dma_wait3A_366 = arith.constant 0 : i32
        %dma_wait3A_367 = arith.constant 0 : i32
        %dma_wait3A_368 = tpu.memref_slice %arg8[%dma_wait3A_363, %dma_wait3A_366, %dma_wait3A_367] : memref<4x128x16xf32, #tpu.memory_space<vmem>> -> memref<1x128x16xf32, #tpu.memory_space<vmem>>
        %dma_wait3A_369 = tpu.memref_squeeze %dma_wait3A_368 : memref<1x128x16xf32, #tpu.memory_space<vmem>> -> memref<128x16xf32, #tpu.memory_space<vmem>>
        %dma_wait3A_370 = arith.constant 0 : i32
        %dma_wait3A_371 = tpu.memref_slice %arg7[%dma_wait3A_364, %dma_wait3A_370] : memref<152x128xi32, #tpu.memory_space<vmem>> -> memref<1x128xi32, #tpu.memory_space<vmem>>
        %dma_wait3A_372 = tpu.memref_squeeze %dma_wait3A_371 : memref<1x128xi32, #tpu.memory_space<vmem>> -> memref<128xi32, #tpu.memory_space<vmem>>
        %dma_wait3A_373 = arith.constant 0 : i32
        %dma_wait3A_374 = arith.constant 0 : i32
        %dma_wait3A_375 = tpu.memref_slice %arg9[%dma_wait3A_373, %dma_wait3A_374] : memref<10008x16xf32, #tpu.memory_space<vmem_shared>> -> memref<10008x16xf32, #tpu.memory_space<vmem_shared>>
        %dma_wait3A_376 = tpu.memref_slice %arg11[%dma_wait3A_365] : memref<4x!tpu.dma_semaphore, #tpu.memory_space<semaphore_mem>> -> memref<1x!tpu.dma_semaphore, #tpu.memory_space<semaphore_mem>>
        %dma_wait3A_377 = tpu.memref_squeeze %dma_wait3A_376 : memref<1x!tpu.dma_semaphore, #tpu.memory_space<semaphore_mem>> -> memref<!tpu.dma_semaphore, #tpu.memory_space<semaphore_mem>>
        tpu.wait_indirect_dma semaphore(%dma_wait3A_377 : memref<!tpu.dma_semaphore, #tpu.memory_space<semaphore_mem>>) src(%dma_wait3A_369 : memref<128x16xf32, #tpu.memory_space<vmem>>) dst(%dma_wait3A_375 : memref<10008x16xf32, #tpu.memory_space<vmem_shared>>)
        %dma_start3A_378 = arith.constant 2 : i32
        %dma_start3A_379 = arith.constant 2 : i32
        %dma_start3A_380 = arith.constant 0 : i32
        %dma_start3A_381 = arith.constant 0 : i32
        %dma_start3A_382 = tpu.memref_slice %arg8[%dma_start3A_378, %dma_start3A_380, %dma_start3A_381] : memref<4x128x16xf32, #tpu.memory_space<vmem>> -> memref<1x128x16xf32, #tpu.memory_space<vmem>>
        %dma_start3A_383 = tpu.memref_squeeze %dma_start3A_382 : memref<1x128x16xf32, #tpu.memory_space<vmem>> -> memref<128x16xf32, #tpu.memory_space<vmem>>
        %dma_start3A_384 = arith.constant 0 : i32
        %dma_start3A_385 = tpu.memref_slice %arg6[%add3A_350, %dma_start3A_384] : memref<152x128xi32, #tpu.memory_space<vmem>> -> memref<1x128xi32, #tpu.memory_space<vmem>>
        %dma_start3A_386 = tpu.memref_squeeze %dma_start3A_385 : memref<1x128xi32, #tpu.memory_space<vmem>> -> memref<128xi32, #tpu.memory_space<vmem>>
        %dma_start3A_387 = arith.constant 0 : i32
        %dma_start3A_388 = arith.constant 0 : i32
        %dma_start3A_389 = tpu.memref_slice %arg2[%dma_start3A_387, %dma_start3A_388] : memref<10000x16xf32, #tpu.memory_space<hbm>> -> memref<10000x16xf32, #tpu.memory_space<hbm>>
        %dma_start3A_390 = tpu.memref_slice %arg10[%dma_start3A_379] : memref<4x!tpu.dma_semaphore, #tpu.memory_space<semaphore_mem>> -> memref<1x!tpu.dma_semaphore, #tpu.memory_space<semaphore_mem>>
        %dma_start3A_391 = tpu.memref_squeeze %dma_start3A_390 : memref<1x!tpu.dma_semaphore, #tpu.memory_space<semaphore_mem>> -> memref<!tpu.dma_semaphore, #tpu.memory_space<semaphore_mem>>
        tpu.enqueue_indirect_dma source(%dma_start3A_389 : memref<10000x16xf32, #tpu.memory_space<hbm>>) target(%dma_start3A_383 : memref<128x16xf32, #tpu.memory_space<vmem>>) offsets(%dma_start3A_386 : memref<128xi32, #tpu.memory_space<vmem>>) semaphore(%dma_start3A_391 : memref<!tpu.dma_semaphore, #tpu.memory_space<semaphore_mem>>)
      } else {
      }
      %add3A_355 = arith.constant 3 : i32
      %add3A_356 = arith.addi %mul3A_206, %add3A_355 : i32
      %add3A_357 = arith.constant 4 : i32
      %add3A_358 = arith.addi %add3A_356, %add3A_357 : i32
      %lt3A_359 = arith.cmpi slt, %add3A_358, %select_n3A_8 : i32
      %convert_element_type3A_360 = arith.extui %lt3A_359 : i1 to i32
      %cond3A_361 = arith.constant 0 : i32
      %cond3A_362 = arith.cmpi ne, %convert_element_type3A_360, %cond3A_361 : i32
      scf.if %cond3A_362 {
        %dma_wait3A_363 = arith.constant 3 : i32
        %dma_wait3A_364 = arith.constant 0 : i32
        %dma_wait3A_365 = arith.constant 3 : i32
        %dma_wait3A_366 = arith.constant 0 : i32
        %dma_wait3A_367 = arith.constant 0 : i32
        %dma_wait3A_368 = tpu.memref_slice %arg8[%dma_wait3A_363, %dma_wait3A_366, %dma_wait3A_367] : memref<4x128x16xf32, #tpu.memory_space<vmem>> -> memref<1x128x16xf32, #tpu.memory_space<vmem>>
        %dma_wait3A_369 = tpu.memref_squeeze %dma_wait3A_368 : memref<1x128x16xf32, #tpu.memory_space<vmem>> -> memref<128x16xf32, #tpu.memory_space<vmem>>
        %dma_wait3A_370 = arith.constant 0 : i32
        %dma_wait3A_371 = tpu.memref_slice %arg7[%dma_wait3A_364, %dma_wait3A_370] : memref<152x128xi32, #tpu.memory_space<vmem>> -> memref<1x128xi32, #tpu.memory_space<vmem>>
        %dma_wait3A_372 = tpu.memref_squeeze %dma_wait3A_371 : memref<1x128xi32, #tpu.memory_space<vmem>> -> memref<128xi32, #tpu.memory_space<vmem>>
        %dma_wait3A_373 = arith.constant 0 : i32
        %dma_wait3A_374 = arith.constant 0 : i32
        %dma_wait3A_375 = tpu.memref_slice %arg9[%dma_wait3A_373, %dma_wait3A_374] : memref<10008x16xf32, #tpu.memory_space<vmem_shared>> -> memref<10008x16xf32, #tpu.memory_space<vmem_shared>>
        %dma_wait3A_376 = tpu.memref_slice %arg11[%dma_wait3A_365] : memref<4x!tpu.dma_semaphore, #tpu.memory_space<semaphore_mem>> -> memref<1x!tpu.dma_semaphore, #tpu.memory_space<semaphore_mem>>
        %dma_wait3A_377 = tpu.memref_squeeze %dma_wait3A_376 : memref<1x!tpu.dma_semaphore, #tpu.memory_space<semaphore_mem>> -> memref<!tpu.dma_semaphore, #tpu.memory_space<semaphore_mem>>
        tpu.wait_indirect_dma semaphore(%dma_wait3A_377 : memref<!tpu.dma_semaphore, #tpu.memory_space<semaphore_mem>>) src(%dma_wait3A_369 : memref<128x16xf32, #tpu.memory_space<vmem>>) dst(%dma_wait3A_375 : memref<10008x16xf32, #tpu.memory_space<vmem_shared>>)
        %dma_start3A_378 = arith.constant 3 : i32
        %dma_start3A_379 = arith.constant 3 : i32
        %dma_start3A_380 = arith.constant 0 : i32
        %dma_start3A_381 = arith.constant 0 : i32
        %dma_start3A_382 = tpu.memref_slice %arg8[%dma_start3A_378, %dma_start3A_380, %dma_start3A_381] : memref<4x128x16xf32, #tpu.memory_space<vmem>> -> memref<1x128x16xf32, #tpu.memory_space<vmem>>
        %dma_start3A_383 = tpu.memref_squeeze %dma_start3A_382 : memref<1x128x16xf32, #tpu.memory_space<vmem>> -> memref<128x16xf32, #tpu.memory_space<vmem>>
        %dma_start3A_384 = arith.constant 0 : i32
        %dma_start3A_385 = tpu.memref_slice %arg6[%add3A_358, %dma_start3A_384] : memref<152x128xi32, #tpu.memory_space<vmem>> -> memref<1x128xi32, #tpu.memory_space<vmem>>
        %dma_start3A_386 = tpu.memref_squeeze %dma_start3A_385 : memref<1x128xi32, #tpu.memory_space<vmem>> -> memref<128xi32, #tpu.memory_space<vmem>>
        %dma_start3A_387 = arith.constant 0 : i32
        %dma_start3A_388 = arith.constant 0 : i32
        %dma_start3A_389 = tpu.memref_slice %arg2[%dma_start3A_387, %dma_start3A_388] : memref<10000x16xf32, #tpu.memory_space<hbm>> -> memref<10000x16xf32, #tpu.memory_space<hbm>>
        %dma_start3A_390 = tpu.memref_slice %arg10[%dma_start3A_379] : memref<4x!tpu.dma_semaphore, #tpu.memory_space<semaphore_mem>> -> memref<1x!tpu.dma_semaphore, #tpu.memory_space<semaphore_mem>>
        %dma_start3A_391 = tpu.memref_squeeze %dma_start3A_390 : memref<1x!tpu.dma_semaphore, #tpu.memory_space<semaphore_mem>> -> memref<!tpu.dma_semaphore, #tpu.memory_space<semaphore_mem>>
        tpu.enqueue_indirect_dma source(%dma_start3A_389 : memref<10000x16xf32, #tpu.memory_space<hbm>>) target(%dma_start3A_383 : memref<128x16xf32, #tpu.memory_space<vmem>>) offsets(%dma_start3A_386 : memref<128xi32, #tpu.memory_space<vmem>>) semaphore(%dma_start3A_391 : memref<!tpu.dma_semaphore, #tpu.memory_space<semaphore_mem>>)
      } else {
      }
    }
    %while3A_128 = arith.constant 1 : i32
    scf.for %while3A_204 = %while3A_126 to %while3A_122 step %while3A_128  : i32 {
      %mul3A_205 = arith.constant 4 : i32
      %mul3A_206 = arith.muli %while3A_204, %mul3A_205 : i32
      %dma_wait3A_207 = arith.constant 0 : i32
      %dma_wait3A_208 = arith.constant 0 : i32
      %dma_wait3A_209 = arith.constant 0 : i32
      %dma_wait3A_210 = arith.constant 0 : i32
      %dma_wait3A_211 = arith.constant 0 : i32
      %dma_wait3A_212 = tpu.memref_slice %arg8[%dma_wait3A_208, %dma_wait3A_210, %dma_wait3A_211] : memref<4x128x16xf32, #tpu.memory_space<vmem>> -> memref<1x128x16xf32, #tpu.memory_space<vmem>>
      %dma_wait3A_213 = tpu.memref_squeeze %dma_wait3A_212 : memref<1x128x16xf32, #tpu.memory_space<vmem>> -> memref<128x16xf32, #tpu.memory_space<vmem>>
      %dma_wait3A_214 = arith.constant 0 : i32
      %dma_wait3A_215 = tpu.memref_slice %arg6[%dma_wait3A_207, %dma_wait3A_214] : memref<152x128xi32, #tpu.memory_space<vmem>> -> memref<1x128xi32, #tpu.memory_space<vmem>>
      %dma_wait3A_216 = tpu.memref_squeeze %dma_wait3A_215 : memref<1x128xi32, #tpu.memory_space<vmem>> -> memref<128xi32, #tpu.memory_space<vmem>>
      %dma_wait3A_217 = arith.constant 0 : i32
      %dma_wait3A_218 = arith.constant 0 : i32
      %dma_wait3A_219 = tpu.memref_slice %arg2[%dma_wait3A_217, %dma_wait3A_218] : memref<10000x16xf32, #tpu.memory_space<hbm>> -> memref<10000x16xf32, #tpu.memory_space<hbm>>
      %dma_wait3A_220 = tpu.memref_slice %arg10[%dma_wait3A_209] : memref<4x!tpu.dma_semaphore, #tpu.memory_space<semaphore_mem>> -> memref<1x!tpu.dma_semaphore, #tpu.memory_space<semaphore_mem>>
      %dma_wait3A_221 = tpu.memref_squeeze %dma_wait3A_220 : memref<1x!tpu.dma_semaphore, #tpu.memory_space<semaphore_mem>> -> memref<!tpu.dma_semaphore, #tpu.memory_space<semaphore_mem>>
      tpu.wait_indirect_dma semaphore(%dma_wait3A_221 : memref<!tpu.dma_semaphore, #tpu.memory_space<semaphore_mem>>) src(%dma_wait3A_219 : memref<10000x16xf32, #tpu.memory_space<hbm>>) dst(%dma_wait3A_213 : memref<128x16xf32, #tpu.memory_space<vmem>>)
      %add3A_222 = arith.constant 0 : i32
      %add3A_223 = arith.addi %mul3A_206, %add3A_222 : i32
      %dma_start3A_224 = arith.constant 0 : i32
      %dma_start3A_225 = arith.constant 0 : i32
      %dma_start3A_226 = arith.constant 0 : i32
      %dma_start3A_227 = arith.constant 0 : i32
      %dma_start3A_228 = tpu.memref_slice %arg8[%dma_start3A_224, %dma_start3A_226, %dma_start3A_227] : memref<4x128x16xf32, #tpu.memory_space<vmem>> -> memref<1x128x16xf32, #tpu.memory_space<vmem>>
      %dma_start3A_229 = tpu.memref_squeeze %dma_start3A_228 : memref<1x128x16xf32, #tpu.memory_space<vmem>> -> memref<128x16xf32, #tpu.memory_space<vmem>>
      %dma_start3A_230 = arith.constant 0 : i32
      %dma_start3A_231 = tpu.memref_slice %arg7[%add3A_223, %dma_start3A_230] : memref<152x128xi32, #tpu.memory_space<vmem>> -> memref<1x128xi32, #tpu.memory_space<vmem>>
      %dma_start3A_232 = tpu.memref_squeeze %dma_start3A_231 : memref<1x128xi32, #tpu.memory_space<vmem>> -> memref<128xi32, #tpu.memory_space<vmem>>
      %dma_start3A_233 = arith.constant 0 : i32
      %dma_start3A_234 = arith.constant 0 : i32
      %dma_start3A_235 = tpu.memref_slice %arg9[%dma_start3A_233, %dma_start3A_234] : memref<10008x16xf32, #tpu.memory_space<vmem_shared>> -> memref<10008x16xf32, #tpu.memory_space<vmem_shared>>
      %dma_start3A_236 = tpu.memref_slice %arg11[%dma_start3A_225] : memref<4x!tpu.dma_semaphore, #tpu.memory_space<semaphore_mem>> -> memref<1x!tpu.dma_semaphore, #tpu.memory_space<semaphore_mem>>
      %dma_start3A_237 = tpu.memref_squeeze %dma_start3A_236 : memref<1x!tpu.dma_semaphore, #tpu.memory_space<semaphore_mem>> -> memref<!tpu.dma_semaphore, #tpu.memory_space<semaphore_mem>>
      tpu.enqueue_indirect_dma source(%dma_start3A_229 : memref<128x16xf32, #tpu.memory_space<vmem>>) target(%dma_start3A_235 : memref<10008x16xf32, #tpu.memory_space<vmem_shared>>) offsets(%dma_start3A_232 : memref<128xi32, #tpu.memory_space<vmem>>) semaphore(%dma_start3A_237 : memref<!tpu.dma_semaphore, #tpu.memory_space<semaphore_mem>>) {add = true}
      %dma_wait3A_238 = arith.constant 0 : i32
      %dma_wait3A_239 = arith.constant 1 : i32
      %dma_wait3A_240 = arith.constant 1 : i32
      %dma_wait3A_241 = arith.constant 0 : i32
      %dma_wait3A_242 = arith.constant 0 : i32
      %dma_wait3A_243 = tpu.memref_slice %arg8[%dma_wait3A_239, %dma_wait3A_241, %dma_wait3A_242] : memref<4x128x16xf32, #tpu.memory_space<vmem>> -> memref<1x128x16xf32, #tpu.memory_space<vmem>>
      %dma_wait3A_244 = tpu.memref_squeeze %dma_wait3A_243 : memref<1x128x16xf32, #tpu.memory_space<vmem>> -> memref<128x16xf32, #tpu.memory_space<vmem>>
      %dma_wait3A_245 = arith.constant 0 : i32
      %dma_wait3A_246 = tpu.memref_slice %arg6[%dma_wait3A_238, %dma_wait3A_245] : memref<152x128xi32, #tpu.memory_space<vmem>> -> memref<1x128xi32, #tpu.memory_space<vmem>>
      %dma_wait3A_247 = tpu.memref_squeeze %dma_wait3A_246 : memref<1x128xi32, #tpu.memory_space<vmem>> -> memref<128xi32, #tpu.memory_space<vmem>>
      %dma_wait3A_248 = arith.constant 0 : i32
      %dma_wait3A_249 = arith.constant 0 : i32
      %dma_wait3A_250 = tpu.memref_slice %arg2[%dma_wait3A_248, %dma_wait3A_249] : memref<10000x16xf32, #tpu.memory_space<hbm>> -> memref<10000x16xf32, #tpu.memory_space<hbm>>
      %dma_wait3A_251 = tpu.memref_slice %arg10[%dma_wait3A_240] : memref<4x!tpu.dma_semaphore, #tpu.memory_space<semaphore_mem>> -> memref<1x!tpu.dma_semaphore, #tpu.memory_space<semaphore_mem>>
      %dma_wait3A_252 = tpu.memref_squeeze %dma_wait3A_251 : memref<1x!tpu.dma_semaphore, #tpu.memory_space<semaphore_mem>> -> memref<!tpu.dma_semaphore, #tpu.memory_space<semaphore_mem>>
      tpu.wait_indirect_dma semaphore(%dma_wait3A_252 : memref<!tpu.dma_semaphore, #tpu.memory_space<semaphore_mem>>) src(%dma_wait3A_250 : memref<10000x16xf32, #tpu.memory_space<hbm>>) dst(%dma_wait3A_244 : memref<128x16xf32, #tpu.memory_space<vmem>>)
      %add3A_253 = arith.constant 1 : i32
      %add3A_254 = arith.addi %mul3A_206, %add3A_253 : i32
      %dma_start3A_255 = arith.constant 1 : i32
      %dma_start3A_256 = arith.constant 1 : i32
      %dma_start3A_257 = arith.constant 0 : i32
      %dma_start3A_258 = arith.constant 0 : i32
      %dma_start3A_259 = tpu.memref_slice %arg8[%dma_start3A_255, %dma_start3A_257, %dma_start3A_258] : memref<4x128x16xf32, #tpu.memory_space<vmem>> -> memref<1x128x16xf32, #tpu.memory_space<vmem>>
      %dma_start3A_260 = tpu.memref_squeeze %dma_start3A_259 : memref<1x128x16xf32, #tpu.memory_space<vmem>> -> memref<128x16xf32, #tpu.memory_space<vmem>>
      %dma_start3A_261 = arith.constant 0 : i32
      %dma_start3A_262 = tpu.memref_slice %arg7[%add3A_254, %dma_start3A_261] : memref<152x128xi32, #tpu.memory_space<vmem>> -> memref<1x128xi32, #tpu.memory_space<vmem>>
      %dma_start3A_263 = tpu.memref_squeeze %dma_start3A_262 : memref<1x128xi32, #tpu.memory_space<vmem>> -> memref<128xi32, #tpu.memory_space<vmem>>
      %dma_start3A_264 = arith.constant 0 : i32
      %dma_start3A_265 = arith.constant 0 : i32
      %dma_start3A_266 = tpu.memref_slice %arg9[%dma_start3A_264, %dma_start3A_265] : memref<10008x16xf32, #tpu.memory_space<vmem_shared>> -> memref<10008x16xf32, #tpu.memory_space<vmem_shared>>
      %dma_start3A_267 = tpu.memref_slice %arg11[%dma_start3A_256] : memref<4x!tpu.dma_semaphore, #tpu.memory_space<semaphore_mem>> -> memref<1x!tpu.dma_semaphore, #tpu.memory_space<semaphore_mem>>
      %dma_start3A_268 = tpu.memref_squeeze %dma_start3A_267 : memref<1x!tpu.dma_semaphore, #tpu.memory_space<semaphore_mem>> -> memref<!tpu.dma_semaphore, #tpu.memory_space<semaphore_mem>>
      tpu.enqueue_indirect_dma source(%dma_start3A_260 : memref<128x16xf32, #tpu.memory_space<vmem>>) target(%dma_start3A_266 : memref<10008x16xf32, #tpu.memory_space<vmem_shared>>) offsets(%dma_start3A_263 : memref<128xi32, #tpu.memory_space<vmem>>) semaphore(%dma_start3A_268 : memref<!tpu.dma_semaphore, #tpu.memory_space<semaphore_mem>>) {add = true}
      %dma_wait3A_269 = arith.constant 0 : i32
      %dma_wait3A_270 = arith.constant 2 : i32
      %dma_wait3A_271 = arith.constant 2 : i32
      %dma_wait3A_272 = arith.constant 0 : i32
      %dma_wait3A_273 = arith.constant 0 : i32
      %dma_wait3A_274 = tpu.memref_slice %arg8[%dma_wait3A_270, %dma_wait3A_272, %dma_wait3A_273] : memref<4x128x16xf32, #tpu.memory_space<vmem>> -> memref<1x128x16xf32, #tpu.memory_space<vmem>>
      %dma_wait3A_275 = tpu.memref_squeeze %dma_wait3A_274 : memref<1x128x16xf32, #tpu.memory_space<vmem>> -> memref<128x16xf32, #tpu.memory_space<vmem>>
      %dma_wait3A_276 = arith.constant 0 : i32
      %dma_wait3A_277 = tpu.memref_slice %arg6[%dma_wait3A_269, %dma_wait3A_276] : memref<152x128xi32, #tpu.memory_space<vmem>> -> memref<1x128xi32, #tpu.memory_space<vmem>>
      %dma_wait3A_278 = tpu.memref_squeeze %dma_wait3A_277 : memref<1x128xi32, #tpu.memory_space<vmem>> -> memref<128xi32, #tpu.memory_space<vmem>>
      %dma_wait3A_279 = arith.constant 0 : i32
      %dma_wait3A_280 = arith.constant 0 : i32
      %dma_wait3A_281 = tpu.memref_slice %arg2[%dma_wait3A_279, %dma_wait3A_280] : memref<10000x16xf32, #tpu.memory_space<hbm>> -> memref<10000x16xf32, #tpu.memory_space<hbm>>
      %dma_wait3A_282 = tpu.memref_slice %arg10[%dma_wait3A_271] : memref<4x!tpu.dma_semaphore, #tpu.memory_space<semaphore_mem>> -> memref<1x!tpu.dma_semaphore, #tpu.memory_space<semaphore_mem>>
      %dma_wait3A_283 = tpu.memref_squeeze %dma_wait3A_282 : memref<1x!tpu.dma_semaphore, #tpu.memory_space<semaphore_mem>> -> memref<!tpu.dma_semaphore, #tpu.memory_space<semaphore_mem>>
      tpu.wait_indirect_dma semaphore(%dma_wait3A_283 : memref<!tpu.dma_semaphore, #tpu.memory_space<semaphore_mem>>) src(%dma_wait3A_281 : memref<10000x16xf32, #tpu.memory_space<hbm>>) dst(%dma_wait3A_275 : memref<128x16xf32, #tpu.memory_space<vmem>>)
      %add3A_284 = arith.constant 2 : i32
      %add3A_285 = arith.addi %mul3A_206, %add3A_284 : i32
      %dma_start3A_286 = arith.constant 2 : i32
      %dma_start3A_287 = arith.constant 2 : i32
      %dma_start3A_288 = arith.constant 0 : i32
      %dma_start3A_289 = arith.constant 0 : i32
      %dma_start3A_290 = tpu.memref_slice %arg8[%dma_start3A_286, %dma_start3A_288, %dma_start3A_289] : memref<4x128x16xf32, #tpu.memory_space<vmem>> -> memref<1x128x16xf32, #tpu.memory_space<vmem>>
      %dma_start3A_291 = tpu.memref_squeeze %dma_start3A_290 : memref<1x128x16xf32, #tpu.memory_space<vmem>> -> memref<128x16xf32, #tpu.memory_space<vmem>>
      %dma_start3A_292 = arith.constant 0 : i32
      %dma_start3A_293 = tpu.memref_slice %arg7[%add3A_285, %dma_start3A_292] : memref<152x128xi32, #tpu.memory_space<vmem>> -> memref<1x128xi32, #tpu.memory_space<vmem>>
      %dma_start3A_294 = tpu.memref_squeeze %dma_start3A_293 : memref<1x128xi32, #tpu.memory_space<vmem>> -> memref<128xi32, #tpu.memory_space<vmem>>
      %dma_start3A_295 = arith.constant 0 : i32
      %dma_start3A_296 = arith.constant 0 : i32
      %dma_start3A_297 = tpu.memref_slice %arg9[%dma_start3A_295, %dma_start3A_296] : memref<10008x16xf32, #tpu.memory_space<vmem_shared>> -> memref<10008x16xf32, #tpu.memory_space<vmem_shared>>
      %dma_start3A_298 = tpu.memref_slice %arg11[%dma_start3A_287] : memref<4x!tpu.dma_semaphore, #tpu.memory_space<semaphore_mem>> -> memref<1x!tpu.dma_semaphore, #tpu.memory_space<semaphore_mem>>
      %dma_start3A_299 = tpu.memref_squeeze %dma_start3A_298 : memref<1x!tpu.dma_semaphore, #tpu.memory_space<semaphore_mem>> -> memref<!tpu.dma_semaphore, #tpu.memory_space<semaphore_mem>>
      tpu.enqueue_indirect_dma source(%dma_start3A_291 : memref<128x16xf32, #tpu.memory_space<vmem>>) target(%dma_start3A_297 : memref<10008x16xf32, #tpu.memory_space<vmem_shared>>) offsets(%dma_start3A_294 : memref<128xi32, #tpu.memory_space<vmem>>) semaphore(%dma_start3A_299 : memref<!tpu.dma_semaphore, #tpu.memory_space<semaphore_mem>>) {add = true}
      %dma_wait3A_300 = arith.constant 0 : i32
      %dma_wait3A_301 = arith.constant 3 : i32
      %dma_wait3A_302 = arith.constant 3 : i32
      %dma_wait3A_303 = arith.constant 0 : i32
      %dma_wait3A_304 = arith.constant 0 : i32
      %dma_wait3A_305 = tpu.memref_slice %arg8[%dma_wait3A_301, %dma_wait3A_303, %dma_wait3A_304] : memref<4x128x16xf32, #tpu.memory_space<vmem>> -> memref<1x128x16xf32, #tpu.memory_space<vmem>>
      %dma_wait3A_306 = tpu.memref_squeeze %dma_wait3A_305 : memref<1x128x16xf32, #tpu.memory_space<vmem>> -> memref<128x16xf32, #tpu.memory_space<vmem>>
      %dma_wait3A_307 = arith.constant 0 : i32
      %dma_wait3A_308 = tpu.memref_slice %arg6[%dma_wait3A_300, %dma_wait3A_307] : memref<152x128xi32, #tpu.memory_space<vmem>> -> memref<1x128xi32, #tpu.memory_space<vmem>>
      %dma_wait3A_309 = tpu.memref_squeeze %dma_wait3A_308 : memref<1x128xi32, #tpu.memory_space<vmem>> -> memref<128xi32, #tpu.memory_space<vmem>>
      %dma_wait3A_310 = arith.constant 0 : i32
      %dma_wait3A_311 = arith.constant 0 : i32
      %dma_wait3A_312 = tpu.memref_slice %arg2[%dma_wait3A_310, %dma_wait3A_311] : memref<10000x16xf32, #tpu.memory_space<hbm>> -> memref<10000x16xf32, #tpu.memory_space<hbm>>
      %dma_wait3A_313 = tpu.memref_slice %arg10[%dma_wait3A_302] : memref<4x!tpu.dma_semaphore, #tpu.memory_space<semaphore_mem>> -> memref<1x!tpu.dma_semaphore, #tpu.memory_space<semaphore_mem>>
      %dma_wait3A_314 = tpu.memref_squeeze %dma_wait3A_313 : memref<1x!tpu.dma_semaphore, #tpu.memory_space<semaphore_mem>> -> memref<!tpu.dma_semaphore, #tpu.memory_space<semaphore_mem>>
      tpu.wait_indirect_dma semaphore(%dma_wait3A_314 : memref<!tpu.dma_semaphore, #tpu.memory_space<semaphore_mem>>) src(%dma_wait3A_312 : memref<10000x16xf32, #tpu.memory_space<hbm>>) dst(%dma_wait3A_306 : memref<128x16xf32, #tpu.memory_space<vmem>>)
      %add3A_315 = arith.constant 3 : i32
      %add3A_316 = arith.addi %mul3A_206, %add3A_315 : i32
      %dma_start3A_317 = arith.constant 3 : i32
      %dma_start3A_318 = arith.constant 3 : i32
      %dma_start3A_319 = arith.constant 0 : i32
      %dma_start3A_320 = arith.constant 0 : i32
      %dma_start3A_321 = tpu.memref_slice %arg8[%dma_start3A_317, %dma_start3A_319, %dma_start3A_320] : memref<4x128x16xf32, #tpu.memory_space<vmem>> -> memref<1x128x16xf32, #tpu.memory_space<vmem>>
      %dma_start3A_322 = tpu.memref_squeeze %dma_start3A_321 : memref<1x128x16xf32, #tpu.memory_space<vmem>> -> memref<128x16xf32, #tpu.memory_space<vmem>>
      %dma_start3A_323 = arith.constant 0 : i32
      %dma_start3A_324 = tpu.memref_slice %arg7[%add3A_316, %dma_start3A_323] : memref<152x128xi32, #tpu.memory_space<vmem>> -> memref<1x128xi32, #tpu.memory_space<vmem>>
      %dma_start3A_325 = tpu.memref_squeeze %dma_start3A_324 : memref<1x128xi32, #tpu.memory_space<vmem>> -> memref<128xi32, #tpu.memory_space<vmem>>
      %dma_start3A_326 = arith.constant 0 : i32
      %dma_start3A_327 = arith.constant 0 : i32
      %dma_start3A_328 = tpu.memref_slice %arg9[%dma_start3A_326, %dma_start3A_327] : memref<10008x16xf32, #tpu.memory_space<vmem_shared>> -> memref<10008x16xf32, #tpu.memory_space<vmem_shared>>
      %dma_start3A_329 = tpu.memref_slice %arg11[%dma_start3A_318] : memref<4x!tpu.dma_semaphore, #tpu.memory_space<semaphore_mem>> -> memref<1x!tpu.dma_semaphore, #tpu.memory_space<semaphore_mem>>
      %dma_start3A_330 = tpu.memref_squeeze %dma_start3A_329 : memref<1x!tpu.dma_semaphore, #tpu.memory_space<semaphore_mem>> -> memref<!tpu.dma_semaphore, #tpu.memory_space<semaphore_mem>>
      tpu.enqueue_indirect_dma source(%dma_start3A_322 : memref<128x16xf32, #tpu.memory_space<vmem>>) target(%dma_start3A_328 : memref<10008x16xf32, #tpu.memory_space<vmem_shared>>) offsets(%dma_start3A_325 : memref<128xi32, #tpu.memory_space<vmem>>) semaphore(%dma_start3A_330 : memref<!tpu.dma_semaphore, #tpu.memory_space<semaphore_mem>>) {add = true}
      %add3A_331 = arith.constant 0 : i32
      %add3A_332 = arith.addi %mul3A_206, %add3A_331 : i32
      %add3A_333 = arith.constant 4 : i32
      %add3A_334 = arith.addi %add3A_332, %add3A_333 : i32
      %lt3A_335 = arith.cmpi slt, %add3A_334, %select_n3A_8 : i32
      %convert_element_type3A_336 = arith.extui %lt3A_335 : i1 to i32
      %cond3A_337 = arith.constant 0 : i32
      %cond3A_338 = arith.cmpi ne, %convert_element_type3A_336, %cond3A_337 : i32
      scf.if %cond3A_338 {
        %dma_wait3A_363 = arith.constant 0 : i32
        %dma_wait3A_364 = arith.constant 0 : i32
        %dma_wait3A_365 = arith.constant 0 : i32
        %dma_wait3A_366 = arith.constant 0 : i32
        %dma_wait3A_367 = arith.constant 0 : i32
        %dma_wait3A_368 = tpu.memref_slice %arg8[%dma_wait3A_363, %dma_wait3A_366, %dma_wait3A_367] : memref<4x128x16xf32, #tpu.memory_space<vmem>> -> memref<1x128x16xf32, #tpu.memory_space<vmem>>
        %dma_wait3A_369 = tpu.memref_squeeze %dma_wait3A_368 : memref<1x128x16xf32, #tpu.memory_space<vmem>> -> memref<128x16xf32, #tpu.memory_space<vmem>>
        %dma_wait3A_370 = arith.constant 0 : i32
        %dma_wait3A_371 = tpu.memref_slice %arg7[%dma_wait3A_364, %dma_wait3A_370] : memref<152x128xi32, #tpu.memory_space<vmem>> -> memref<1x128xi32, #tpu.memory_space<vmem>>
        %dma_wait3A_372 = tpu.memref_squeeze %dma_wait3A_371 : memref<1x128xi32, #tpu.memory_space<vmem>> -> memref<128xi32, #tpu.memory_space<vmem>>
        %dma_wait3A_373 = arith.constant 0 : i32
        %dma_wait3A_374 = arith.constant 0 : i32
        %dma_wait3A_375 = tpu.memref_slice %arg9[%dma_wait3A_373, %dma_wait3A_374] : memref<10008x16xf32, #tpu.memory_space<vmem_shared>> -> memref<10008x16xf32, #tpu.memory_space<vmem_shared>>
        %dma_wait3A_376 = tpu.memref_slice %arg11[%dma_wait3A_365] : memref<4x!tpu.dma_semaphore, #tpu.memory_space<semaphore_mem>> -> memref<1x!tpu.dma_semaphore, #tpu.memory_space<semaphore_mem>>
        %dma_wait3A_377 = tpu.memref_squeeze %dma_wait3A_376 : memref<1x!tpu.dma_semaphore, #tpu.memory_space<semaphore_mem>> -> memref<!tpu.dma_semaphore, #tpu.memory_space<semaphore_mem>>
        tpu.wait_indirect_dma semaphore(%dma_wait3A_377 : memref<!tpu.dma_semaphore, #tpu.memory_space<semaphore_mem>>) src(%dma_wait3A_369 : memref<128x16xf32, #tpu.memory_space<vmem>>) dst(%dma_wait3A_375 : memref<10008x16xf32, #tpu.memory_space<vmem_shared>>)
        %dma_start3A_378 = arith.constant 0 : i32
        %dma_start3A_379 = arith.constant 0 : i32
        %dma_start3A_380 = arith.constant 0 : i32
        %dma_start3A_381 = arith.constant 0 : i32
        %dma_start3A_382 = tpu.memref_slice %arg8[%dma_start3A_378, %dma_start3A_380, %dma_start3A_381] : memref<4x128x16xf32, #tpu.memory_space<vmem>> -> memref<1x128x16xf32, #tpu.memory_space<vmem>>
        %dma_start3A_383 = tpu.memref_squeeze %dma_start3A_382 : memref<1x128x16xf32, #tpu.memory_space<vmem>> -> memref<128x16xf32, #tpu.memory_space<vmem>>
        %dma_start3A_384 = arith.constant 0 : i32
        %dma_start3A_385 = tpu.memref_slice %arg6[%add3A_334, %dma_start3A_384] : memref<152x128xi32, #tpu.memory_space<vmem>> -> memref<1x128xi32, #tpu.memory_space<vmem>>
        %dma_start3A_386 = tpu.memref_squeeze %dma_start3A_385 : memref<1x128xi32, #tpu.memory_space<vmem>> -> memref<128xi32, #tpu.memory_space<vmem>>
        %dma_start3A_387 = arith.constant 0 : i32
        %dma_start3A_388 = arith.constant 0 : i32
        %dma_start3A_389 = tpu.memref_slice %arg2[%dma_start3A_387, %dma_start3A_388] : memref<10000x16xf32, #tpu.memory_space<hbm>> -> memref<10000x16xf32, #tpu.memory_space<hbm>>
        %dma_start3A_390 = tpu.memref_slice %arg10[%dma_start3A_379] : memref<4x!tpu.dma_semaphore, #tpu.memory_space<semaphore_mem>> -> memref<1x!tpu.dma_semaphore, #tpu.memory_space<semaphore_mem>>
        %dma_start3A_391 = tpu.memref_squeeze %dma_start3A_390 : memref<1x!tpu.dma_semaphore, #tpu.memory_space<semaphore_mem>> -> memref<!tpu.dma_semaphore, #tpu.memory_space<semaphore_mem>>
        tpu.enqueue_indirect_dma source(%dma_start3A_389 : memref<10000x16xf32, #tpu.memory_space<hbm>>) target(%dma_start3A_383 : memref<128x16xf32, #tpu.memory_space<vmem>>) offsets(%dma_start3A_386 : memref<128xi32, #tpu.memory_space<vmem>>) semaphore(%dma_start3A_391 : memref<!tpu.dma_semaphore, #tpu.memory_space<semaphore_mem>>)
      } else {
      }
      %add3A_339 = arith.constant 1 : i32
      %add3A_340 = arith.addi %mul3A_206, %add3A_339 : i32
      %add3A_341 = arith.constant 4 : i32
      %add3A_342 = arith.addi %add3A_340, %add3A_341 : i32
      %lt3A_343 = arith.cmpi slt, %add3A_342, %select_n3A_8 : i32
      %convert_element_type3A_344 = arith.extui %lt3A_343 : i1 to i32
      %cond3A_345 = arith.constant 0 : i32
      %cond3A_346 = arith.cmpi ne, %convert_element_type3A_344, %cond3A_345 : i32
      scf.if %cond3A_346 {
        %dma_wait3A_363 = arith.constant 1 : i32
        %dma_wait3A_364 = arith.constant 0 : i32
        %dma_wait3A_365 = arith.constant 1 : i32
        %dma_wait3A_366 = arith.constant 0 : i32
        %dma_wait3A_367 = arith.constant 0 : i32
        %dma_wait3A_368 = tpu.memref_slice %arg8[%dma_wait3A_363, %dma_wait3A_366, %dma_wait3A_367] : memref<4x128x16xf32, #tpu.memory_space<vmem>> -> memref<1x128x16xf32, #tpu.memory_space<vmem>>
        %dma_wait3A_369 = tpu.memref_squeeze %dma_wait3A_368 : memref<1x128x16xf32, #tpu.memory_space<vmem>> -> memref<128x16xf32, #tpu.memory_space<vmem>>
        %dma_wait3A_370 = arith.constant 0 : i32
        %dma_wait3A_371 = tpu.memref_slice %arg7[%dma_wait3A_364, %dma_wait3A_370] : memref<152x128xi32, #tpu.memory_space<vmem>> -> memref<1x128xi32, #tpu.memory_space<vmem>>
        %dma_wait3A_372 = tpu.memref_squeeze %dma_wait3A_371 : memref<1x128xi32, #tpu.memory_space<vmem>> -> memref<128xi32, #tpu.memory_space<vmem>>
        %dma_wait3A_373 = arith.constant 0 : i32
        %dma_wait3A_374 = arith.constant 0 : i32
        %dma_wait3A_375 = tpu.memref_slice %arg9[%dma_wait3A_373, %dma_wait3A_374] : memref<10008x16xf32, #tpu.memory_space<vmem_shared>> -> memref<10008x16xf32, #tpu.memory_space<vmem_shared>>
        %dma_wait3A_376 = tpu.memref_slice %arg11[%dma_wait3A_365] : memref<4x!tpu.dma_semaphore, #tpu.memory_space<semaphore_mem>> -> memref<1x!tpu.dma_semaphore, #tpu.memory_space<semaphore_mem>>
        %dma_wait3A_377 = tpu.memref_squeeze %dma_wait3A_376 : memref<1x!tpu.dma_semaphore, #tpu.memory_space<semaphore_mem>> -> memref<!tpu.dma_semaphore, #tpu.memory_space<semaphore_mem>>
        tpu.wait_indirect_dma semaphore(%dma_wait3A_377 : memref<!tpu.dma_semaphore, #tpu.memory_space<semaphore_mem>>) src(%dma_wait3A_369 : memref<128x16xf32, #tpu.memory_space<vmem>>) dst(%dma_wait3A_375 : memref<10008x16xf32, #tpu.memory_space<vmem_shared>>)
        %dma_start3A_378 = arith.constant 1 : i32
        %dma_start3A_379 = arith.constant 1 : i32
        %dma_start3A_380 = arith.constant 0 : i32
        %dma_start3A_381 = arith.constant 0 : i32
        %dma_start3A_382 = tpu.memref_slice %arg8[%dma_start3A_378, %dma_start3A_380, %dma_start3A_381] : memref<4x128x16xf32, #tpu.memory_space<vmem>> -> memref<1x128x16xf32, #tpu.memory_space<vmem>>
        %dma_start3A_383 = tpu.memref_squeeze %dma_start3A_382 : memref<1x128x16xf32, #tpu.memory_space<vmem>> -> memref<128x16xf32, #tpu.memory_space<vmem>>
        %dma_start3A_384 = arith.constant 0 : i32
        %dma_start3A_385 = tpu.memref_slice %arg6[%add3A_342, %dma_start3A_384] : memref<152x128xi32, #tpu.memory_space<vmem>> -> memref<1x128xi32, #tpu.memory_space<vmem>>
        %dma_start3A_386 = tpu.memref_squeeze %dma_start3A_385 : memref<1x128xi32, #tpu.memory_space<vmem>> -> memref<128xi32, #tpu.memory_space<vmem>>
        %dma_start3A_387 = arith.constant 0 : i32
        %dma_start3A_388 = arith.constant 0 : i32
        %dma_start3A_389 = tpu.memref_slice %arg2[%dma_start3A_387, %dma_start3A_388] : memref<10000x16xf32, #tpu.memory_space<hbm>> -> memref<10000x16xf32, #tpu.memory_space<hbm>>
        %dma_start3A_390 = tpu.memref_slice %arg10[%dma_start3A_379] : memref<4x!tpu.dma_semaphore, #tpu.memory_space<semaphore_mem>> -> memref<1x!tpu.dma_semaphore, #tpu.memory_space<semaphore_mem>>
        %dma_start3A_391 = tpu.memref_squeeze %dma_start3A_390 : memref<1x!tpu.dma_semaphore, #tpu.memory_space<semaphore_mem>> -> memref<!tpu.dma_semaphore, #tpu.memory_space<semaphore_mem>>
        tpu.enqueue_indirect_dma source(%dma_start3A_389 : memref<10000x16xf32, #tpu.memory_space<hbm>>) target(%dma_start3A_383 : memref<128x16xf32, #tpu.memory_space<vmem>>) offsets(%dma_start3A_386 : memref<128xi32, #tpu.memory_space<vmem>>) semaphore(%dma_start3A_391 : memref<!tpu.dma_semaphore, #tpu.memory_space<semaphore_mem>>)
      } else {
      }
      %add3A_347 = arith.constant 2 : i32
      %add3A_348 = arith.addi %mul3A_206, %add3A_347 : i32
      %add3A_349 = arith.constant 4 : i32
      %add3A_350 = arith.addi %add3A_348, %add3A_349 : i32
      %lt3A_351 = arith.cmpi slt, %add3A_350, %select_n3A_8 : i32
      %convert_element_type3A_352 = arith.extui %lt3A_351 : i1 to i32
      %cond3A_353 = arith.constant 0 : i32
      %cond3A_354 = arith.cmpi ne, %convert_element_type3A_352, %cond3A_353 : i32
      scf.if %cond3A_354 {
        %dma_wait3A_363 = arith.constant 2 : i32
        %dma_wait3A_364 = arith.constant 0 : i32
        %dma_wait3A_365 = arith.constant 2 : i32
        %dma_wait3A_366 = arith.constant 0 : i32
        %dma_wait3A_367 = arith.constant 0 : i32
        %dma_wait3A_368 = tpu.memref_slice %arg8[%dma_wait3A_363, %dma_wait3A_366, %dma_wait3A_367] : memref<4x128x16xf32, #tpu.memory_space<vmem>> -> memref<1x128x16xf32, #tpu.memory_space<vmem>>
        %dma_wait3A_369 = tpu.memref_squeeze %dma_wait3A_368 : memref<1x128x16xf32, #tpu.memory_space<vmem>> -> memref<128x16xf32, #tpu.memory_space<vmem>>
        %dma_wait3A_370 = arith.constant 0 : i32
        %dma_wait3A_371 = tpu.memref_slice %arg7[%dma_wait3A_364, %dma_wait3A_370] : memref<152x128xi32, #tpu.memory_space<vmem>> -> memref<1x128xi32, #tpu.memory_space<vmem>>
        %dma_wait3A_372 = tpu.memref_squeeze %dma_wait3A_371 : memref<1x128xi32, #tpu.memory_space<vmem>> -> memref<128xi32, #tpu.memory_space<vmem>>
        %dma_wait3A_373 = arith.constant 0 : i32
        %dma_wait3A_374 = arith.constant 0 : i32
        %dma_wait3A_375 = tpu.memref_slice %arg9[%dma_wait3A_373, %dma_wait3A_374] : memref<10008x16xf32, #tpu.memory_space<vmem_shared>> -> memref<10008x16xf32, #tpu.memory_space<vmem_shared>>
        %dma_wait3A_376 = tpu.memref_slice %arg11[%dma_wait3A_365] : memref<4x!tpu.dma_semaphore, #tpu.memory_space<semaphore_mem>> -> memref<1x!tpu.dma_semaphore, #tpu.memory_space<semaphore_mem>>
        %dma_wait3A_377 = tpu.memref_squeeze %dma_wait3A_376 : memref<1x!tpu.dma_semaphore, #tpu.memory_space<semaphore_mem>> -> memref<!tpu.dma_semaphore, #tpu.memory_space<semaphore_mem>>
        tpu.wait_indirect_dma semaphore(%dma_wait3A_377 : memref<!tpu.dma_semaphore, #tpu.memory_space<semaphore_mem>>) src(%dma_wait3A_369 : memref<128x16xf32, #tpu.memory_space<vmem>>) dst(%dma_wait3A_375 : memref<10008x16xf32, #tpu.memory_space<vmem_shared>>)
        %dma_start3A_378 = arith.constant 2 : i32
        %dma_start3A_379 = arith.constant 2 : i32
        %dma_start3A_380 = arith.constant 0 : i32
        %dma_start3A_381 = arith.constant 0 : i32
        %dma_start3A_382 = tpu.memref_slice %arg8[%dma_start3A_378, %dma_start3A_380, %dma_start3A_381] : memref<4x128x16xf32, #tpu.memory_space<vmem>> -> memref<1x128x16xf32, #tpu.memory_space<vmem>>
        %dma_start3A_383 = tpu.memref_squeeze %dma_start3A_382 : memref<1x128x16xf32, #tpu.memory_space<vmem>> -> memref<128x16xf32, #tpu.memory_space<vmem>>
        %dma_start3A_384 = arith.constant 0 : i32
        %dma_start3A_385 = tpu.memref_slice %arg6[%add3A_350, %dma_start3A_384] : memref<152x128xi32, #tpu.memory_space<vmem>> -> memref<1x128xi32, #tpu.memory_space<vmem>>
        %dma_start3A_386 = tpu.memref_squeeze %dma_start3A_385 : memref<1x128xi32, #tpu.memory_space<vmem>> -> memref<128xi32, #tpu.memory_space<vmem>>
        %dma_start3A_387 = arith.constant 0 : i32
        %dma_start3A_388 = arith.constant 0 : i32
        %dma_start3A_389 = tpu.memref_slice %arg2[%dma_start3A_387, %dma_start3A_388] : memref<10000x16xf32, #tpu.memory_space<hbm>> -> memref<10000x16xf32, #tpu.memory_space<hbm>>
        %dma_start3A_390 = tpu.memref_slice %arg10[%dma_start3A_379] : memref<4x!tpu.dma_semaphore, #tpu.memory_space<semaphore_mem>> -> memref<1x!tpu.dma_semaphore, #tpu.memory_space<semaphore_mem>>
        %dma_start3A_391 = tpu.memref_squeeze %dma_start3A_390 : memref<1x!tpu.dma_semaphore, #tpu.memory_space<semaphore_mem>> -> memref<!tpu.dma_semaphore, #tpu.memory_space<semaphore_mem>>
        tpu.enqueue_indirect_dma source(%dma_start3A_389 : memref<10000x16xf32, #tpu.memory_space<hbm>>) target(%dma_start3A_383 : memref<128x16xf32, #tpu.memory_space<vmem>>) offsets(%dma_start3A_386 : memref<128xi32, #tpu.memory_space<vmem>>) semaphore(%dma_start3A_391 : memref<!tpu.dma_semaphore, #tpu.memory_space<semaphore_mem>>)
      } else {
      }
      %add3A_355 = arith.constant 3 : i32
      %add3A_356 = arith.addi %mul3A_206, %add3A_355 : i32
      %add3A_357 = arith.constant 4 : i32
      %add3A_358 = arith.addi %add3A_356, %add3A_357 : i32
      %lt3A_359 = arith.cmpi slt, %add3A_358, %select_n3A_8 : i32
      %convert_element_type3A_360 = arith.extui %lt3A_359 : i1 to i32
      %cond3A_361 = arith.constant 0 : i32
      %cond3A_362 = arith.cmpi ne, %convert_element_type3A_360, %cond3A_361 : i32
      scf.if %cond3A_362 {
        %dma_wait3A_363 = arith.constant 3 : i32
        %dma_wait3A_364 = arith.constant 0 : i32
        %dma_wait3A_365 = arith.constant 3 : i32
        %dma_wait3A_366 = arith.constant 0 : i32
        %dma_wait3A_367 = arith.constant 0 : i32
        %dma_wait3A_368 = tpu.memref_slice %arg8[%dma_wait3A_363, %dma_wait3A_366, %dma_wait3A_367] : memref<4x128x16xf32, #tpu.memory_space<vmem>> -> memref<1x128x16xf32, #tpu.memory_space<vmem>>
        %dma_wait3A_369 = tpu.memref_squeeze %dma_wait3A_368 : memref<1x128x16xf32, #tpu.memory_space<vmem>> -> memref<128x16xf32, #tpu.memory_space<vmem>>
        %dma_wait3A_370 = arith.constant 0 : i32
        %dma_wait3A_371 = tpu.memref_slice %arg7[%dma_wait3A_364, %dma_wait3A_370] : memref<152x128xi32, #tpu.memory_space<vmem>> -> memref<1x128xi32, #tpu.memory_space<vmem>>
        %dma_wait3A_372 = tpu.memref_squeeze %dma_wait3A_371 : memref<1x128xi32, #tpu.memory_space<vmem>> -> memref<128xi32, #tpu.memory_space<vmem>>
        %dma_wait3A_373 = arith.constant 0 : i32
        %dma_wait3A_374 = arith.constant 0 : i32
        %dma_wait3A_375 = tpu.memref_slice %arg9[%dma_wait3A_373, %dma_wait3A_374] : memref<10008x16xf32, #tpu.memory_space<vmem_shared>> -> memref<10008x16xf32, #tpu.memory_space<vmem_shared>>
        %dma_wait3A_376 = tpu.memref_slice %arg11[%dma_wait3A_365] : memref<4x!tpu.dma_semaphore, #tpu.memory_space<semaphore_mem>> -> memref<1x!tpu.dma_semaphore, #tpu.memory_space<semaphore_mem>>
        %dma_wait3A_377 = tpu.memref_squeeze %dma_wait3A_376 : memref<1x!tpu.dma_semaphore, #tpu.memory_space<semaphore_mem>> -> memref<!tpu.dma_semaphore, #tpu.memory_space<semaphore_mem>>
        tpu.wait_indirect_dma semaphore(%dma_wait3A_377 : memref<!tpu.dma_semaphore, #tpu.memory_space<semaphore_mem>>) src(%dma_wait3A_369 : memref<128x16xf32, #tpu.memory_space<vmem>>) dst(%dma_wait3A_375 : memref<10008x16xf32, #tpu.memory_space<vmem_shared>>)
        %dma_start3A_378 = arith.constant 3 : i32
        %dma_start3A_379 = arith.constant 3 : i32
        %dma_start3A_380 = arith.constant 0 : i32
        %dma_start3A_381 = arith.constant 0 : i32
        %dma_start3A_382 = tpu.memref_slice %arg8[%dma_start3A_378, %dma_start3A_380, %dma_start3A_381] : memref<4x128x16xf32, #tpu.memory_space<vmem>> -> memref<1x128x16xf32, #tpu.memory_space<vmem>>
        %dma_start3A_383 = tpu.memref_squeeze %dma_start3A_382 : memref<1x128x16xf32, #tpu.memory_space<vmem>> -> memref<128x16xf32, #tpu.memory_space<vmem>>
        %dma_start3A_384 = arith.constant 0 : i32
        %dma_start3A_385 = tpu.memref_slice %arg6[%add3A_358, %dma_start3A_384] : memref<152x128xi32, #tpu.memory_space<vmem>> -> memref<1x128xi32, #tpu.memory_space<vmem>>
        %dma_start3A_386 = tpu.memref_squeeze %dma_start3A_385 : memref<1x128xi32, #tpu.memory_space<vmem>> -> memref<128xi32, #tpu.memory_space<vmem>>
        %dma_start3A_387 = arith.constant 0 : i32
        %dma_start3A_388 = arith.constant 0 : i32
        %dma_start3A_389 = tpu.memref_slice %arg2[%dma_start3A_387, %dma_start3A_388] : memref<10000x16xf32, #tpu.memory_space<hbm>> -> memref<10000x16xf32, #tpu.memory_space<hbm>>
        %dma_start3A_390 = tpu.memref_slice %arg10[%dma_start3A_379] : memref<4x!tpu.dma_semaphore, #tpu.memory_space<semaphore_mem>> -> memref<1x!tpu.dma_semaphore, #tpu.memory_space<semaphore_mem>>
        %dma_start3A_391 = tpu.memref_squeeze %dma_start3A_390 : memref<1x!tpu.dma_semaphore, #tpu.memory_space<semaphore_mem>> -> memref<!tpu.dma_semaphore, #tpu.memory_space<semaphore_mem>>
        tpu.enqueue_indirect_dma source(%dma_start3A_389 : memref<10000x16xf32, #tpu.memory_space<hbm>>) target(%dma_start3A_383 : memref<128x16xf32, #tpu.memory_space<vmem>>) offsets(%dma_start3A_386 : memref<128xi32, #tpu.memory_space<vmem>>) semaphore(%dma_start3A_391 : memref<!tpu.dma_semaphore, #tpu.memory_space<semaphore_mem>>)
      } else {
      }
    }
    %dma_wait3A = arith.constant 0 : i32
    %dma_wait3A_129 = arith.constant 0 : i32
    %dma_wait3A_130 = arith.constant 0 : i32
    %dma_wait3A_131 = arith.constant 0 : i32
    %dma_wait3A_132 = arith.constant 0 : i32
    %dma_wait3A_133 = tpu.memref_slice %arg8[%dma_wait3A, %dma_wait3A_131, %dma_wait3A_132] : memref<4x128x16xf32, #tpu.memory_space<vmem>> -> memref<1x128x16xf32, #tpu.memory_space<vmem>>
    %dma_wait3A_134 = tpu.memref_squeeze %dma_wait3A_133 : memref<1x128x16xf32, #tpu.memory_space<vmem>> -> memref<128x16xf32, #tpu.memory_space<vmem>>
    %dma_wait3A_135 = arith.constant 0 : i32
    %dma_wait3A_136 = tpu.memref_slice %arg7[%dma_wait3A_129, %dma_wait3A_135] : memref<152x128xi32, #tpu.memory_space<vmem>> -> memref<1x128xi32, #tpu.memory_space<vmem>>
    %dma_wait3A_137 = tpu.memref_squeeze %dma_wait3A_136 : memref<1x128xi32, #tpu.memory_space<vmem>> -> memref<128xi32, #tpu.memory_space<vmem>>
    %dma_wait3A_138 = arith.constant 0 : i32
    %dma_wait3A_139 = arith.constant 0 : i32
    %dma_wait3A_140 = tpu.memref_slice %arg9[%dma_wait3A_138, %dma_wait3A_139] : memref<10008x16xf32, #tpu.memory_space<vmem_shared>> -> memref<10008x16xf32, #tpu.memory_space<vmem_shared>>
    %dma_wait3A_141 = tpu.memref_slice %arg11[%dma_wait3A_130] : memref<4x!tpu.dma_semaphore, #tpu.memory_space<semaphore_mem>> -> memref<1x!tpu.dma_semaphore, #tpu.memory_space<semaphore_mem>>
    %dma_wait3A_142 = tpu.memref_squeeze %dma_wait3A_141 : memref<1x!tpu.dma_semaphore, #tpu.memory_space<semaphore_mem>> -> memref<!tpu.dma_semaphore, #tpu.memory_space<semaphore_mem>>
    tpu.wait_indirect_dma semaphore(%dma_wait3A_142 : memref<!tpu.dma_semaphore, #tpu.memory_space<semaphore_mem>>) src(%dma_wait3A_134 : memref<128x16xf32, #tpu.memory_space<vmem>>) dst(%dma_wait3A_140 : memref<10008x16xf32, #tpu.memory_space<vmem_shared>>)
    %dma_wait3A_143 = arith.constant 1 : i32
    %dma_wait3A_144 = arith.constant 0 : i32
    %dma_wait3A_145 = arith.constant 1 : i32
    %dma_wait3A_146 = arith.constant 0 : i32
    %dma_wait3A_147 = arith.constant 0 : i32
    %dma_wait3A_148 = tpu.memref_slice %arg8[%dma_wait3A_143, %dma_wait3A_146, %dma_wait3A_147] : memref<4x128x16xf32, #tpu.memory_space<vmem>> -> memref<1x128x16xf32, #tpu.memory_space<vmem>>
    %dma_wait3A_149 = tpu.memref_squeeze %dma_wait3A_148 : memref<1x128x16xf32, #tpu.memory_space<vmem>> -> memref<128x16xf32, #tpu.memory_space<vmem>>
    %dma_wait3A_150 = arith.constant 0 : i32
    %dma_wait3A_151 = tpu.memref_slice %arg7[%dma_wait3A_144, %dma_wait3A_150] : memref<152x128xi32, #tpu.memory_space<vmem>> -> memref<1x128xi32, #tpu.memory_space<vmem>>
    %dma_wait3A_152 = tpu.memref_squeeze %dma_wait3A_151 : memref<1x128xi32, #tpu.memory_space<vmem>> -> memref<128xi32, #tpu.memory_space<vmem>>
    %dma_wait3A_153 = arith.constant 0 : i32
    %dma_wait3A_154 = arith.constant 0 : i32
    %dma_wait3A_155 = tpu.memref_slice %arg9[%dma_wait3A_153, %dma_wait3A_154] : memref<10008x16xf32, #tpu.memory_space<vmem_shared>> -> memref<10008x16xf32, #tpu.memory_space<vmem_shared>>
    %dma_wait3A_156 = tpu.memref_slice %arg11[%dma_wait3A_145] : memref<4x!tpu.dma_semaphore, #tpu.memory_space<semaphore_mem>> -> memref<1x!tpu.dma_semaphore, #tpu.memory_space<semaphore_mem>>
    %dma_wait3A_157 = tpu.memref_squeeze %dma_wait3A_156 : memref<1x!tpu.dma_semaphore, #tpu.memory_space<semaphore_mem>> -> memref<!tpu.dma_semaphore, #tpu.memory_space<semaphore_mem>>
    tpu.wait_indirect_dma semaphore(%dma_wait3A_157 : memref<!tpu.dma_semaphore, #tpu.memory_space<semaphore_mem>>) src(%dma_wait3A_149 : memref<128x16xf32, #tpu.memory_space<vmem>>) dst(%dma_wait3A_155 : memref<10008x16xf32, #tpu.memory_space<vmem_shared>>)
    %dma_wait3A_158 = arith.constant 2 : i32
    %dma_wait3A_159 = arith.constant 0 : i32
    %dma_wait3A_160 = arith.constant 2 : i32
    %dma_wait3A_161 = arith.constant 0 : i32
    %dma_wait3A_162 = arith.constant 0 : i32
    %dma_wait3A_163 = tpu.memref_slice %arg8[%dma_wait3A_158, %dma_wait3A_161, %dma_wait3A_162] : memref<4x128x16xf32, #tpu.memory_space<vmem>> -> memref<1x128x16xf32, #tpu.memory_space<vmem>>
    %dma_wait3A_164 = tpu.memref_squeeze %dma_wait3A_163 : memref<1x128x16xf32, #tpu.memory_space<vmem>> -> memref<128x16xf32, #tpu.memory_space<vmem>>
    %dma_wait3A_165 = arith.constant 0 : i32
    %dma_wait3A_166 = tpu.memref_slice %arg7[%dma_wait3A_159, %dma_wait3A_165] : memref<152x128xi32, #tpu.memory_space<vmem>> -> memref<1x128xi32, #tpu.memory_space<vmem>>
    %dma_wait3A_167 = tpu.memref_squeeze %dma_wait3A_166 : memref<1x128xi32, #tpu.memory_space<vmem>> -> memref<128xi32, #tpu.memory_space<vmem>>
    %dma_wait3A_168 = arith.constant 0 : i32
    %dma_wait3A_169 = arith.constant 0 : i32
    %dma_wait3A_170 = tpu.memref_slice %arg9[%dma_wait3A_168, %dma_wait3A_169] : memref<10008x16xf32, #tpu.memory_space<vmem_shared>> -> memref<10008x16xf32, #tpu.memory_space<vmem_shared>>
    %dma_wait3A_171 = tpu.memref_slice %arg11[%dma_wait3A_160] : memref<4x!tpu.dma_semaphore, #tpu.memory_space<semaphore_mem>> -> memref<1x!tpu.dma_semaphore, #tpu.memory_space<semaphore_mem>>
    %dma_wait3A_172 = tpu.memref_squeeze %dma_wait3A_171 : memref<1x!tpu.dma_semaphore, #tpu.memory_space<semaphore_mem>> -> memref<!tpu.dma_semaphore, #tpu.memory_space<semaphore_mem>>
    tpu.wait_indirect_dma semaphore(%dma_wait3A_172 : memref<!tpu.dma_semaphore, #tpu.memory_space<semaphore_mem>>) src(%dma_wait3A_164 : memref<128x16xf32, #tpu.memory_space<vmem>>) dst(%dma_wait3A_170 : memref<10008x16xf32, #tpu.memory_space<vmem_shared>>)
    %dma_wait3A_173 = arith.constant 3 : i32
    %dma_wait3A_174 = arith.constant 0 : i32
    %dma_wait3A_175 = arith.constant 3 : i32
    %dma_wait3A_176 = arith.constant 0 : i32
    %dma_wait3A_177 = arith.constant 0 : i32
    %dma_wait3A_178 = tpu.memref_slice %arg8[%dma_wait3A_173, %dma_wait3A_176, %dma_wait3A_177] : memref<4x128x16xf32, #tpu.memory_space<vmem>> -> memref<1x128x16xf32, #tpu.memory_space<vmem>>
    %dma_wait3A_179 = tpu.memref_squeeze %dma_wait3A_178 : memref<1x128x16xf32, #tpu.memory_space<vmem>> -> memref<128x16xf32, #tpu.memory_space<vmem>>
    %dma_wait3A_180 = arith.constant 0 : i32
    %dma_wait3A_181 = tpu.memref_slice %arg7[%dma_wait3A_174, %dma_wait3A_180] : memref<152x128xi32, #tpu.memory_space<vmem>> -> memref<1x128xi32, #tpu.memory_space<vmem>>
    %dma_wait3A_182 = tpu.memref_squeeze %dma_wait3A_181 : memref<1x128xi32, #tpu.memory_space<vmem>> -> memref<128xi32, #tpu.memory_space<vmem>>
    %dma_wait3A_183 = arith.constant 0 : i32
    %dma_wait3A_184 = arith.constant 0 : i32
    %dma_wait3A_185 = tpu.memref_slice %arg9[%dma_wait3A_183, %dma_wait3A_184] : memref<10008x16xf32, #tpu.memory_space<vmem_shared>> -> memref<10008x16xf32, #tpu.memory_space<vmem_shared>>
    %dma_wait3A_186 = tpu.memref_slice %arg11[%dma_wait3A_175] : memref<4x!tpu.dma_semaphore, #tpu.memory_space<semaphore_mem>> -> memref<1x!tpu.dma_semaphore, #tpu.memory_space<semaphore_mem>>
    %dma_wait3A_187 = tpu.memref_squeeze %dma_wait3A_186 : memref<1x!tpu.dma_semaphore, #tpu.memory_space<semaphore_mem>> -> memref<!tpu.dma_semaphore, #tpu.memory_space<semaphore_mem>>
    tpu.wait_indirect_dma semaphore(%dma_wait3A_187 : memref<!tpu.dma_semaphore, #tpu.memory_space<semaphore_mem>>) src(%dma_wait3A_179 : memref<128x16xf32, #tpu.memory_space<vmem>>) dst(%dma_wait3A_185 : memref<10008x16xf32, #tpu.memory_space<vmem_shared>>)
    %barrier3A_188 = arith.constant 0 : index
    tpu.barrier barrier_id(%barrier3A_188)
    %mul3A_189 = arith.constant 632 : i32
    %mul3A_190 = arith.muli %arg1, %mul3A_189 : i32
    %mul3A_191 = arith.constant 10000 : i32
    %mul3A_192 = arith.muli %arg0, %mul3A_191 : i32
    %add3A_193 = arith.addi %mul3A_192, %mul3A_190 : i32
    %lt3A_194 = arith.constant 15 : i32
    %lt3A_195 = arith.cmpi slt, %arg1, %lt3A_194 : i32
    %convert_element_type3A_196 = arith.extui %lt3A_195 : i1 to i32
    %cond3A_197 = arith.constant 0 : i32
    %cond3A_198 = arith.cmpi ne, %convert_element_type3A_196, %cond3A_197 : i32
    scf.if %cond3A_198 {
      "tpu.region"() ({
        %run_scoped3A = tpu.sem_alloc : memref<!tpu.dma_semaphore, #tpu.memory_space<semaphore_mem>>
        %dma_start3A_204 = arith.constant 0 : i32
        %dma_start3A_205 = tpu.memref_slice %arg5[%add3A_193, %dma_start3A_204] : memref<20000x16xf32, #tpu.memory_space<hbm>> -> memref<632x16xf32, #tpu.memory_space<hbm>>
        %dma_start3A_206 = arith.constant 0 : i32
        %dma_start3A_207 = tpu.memref_slice %arg9[%mul3A_190, %dma_start3A_206] : memref<10008x16xf32, #tpu.memory_space<vmem_shared>> -> memref<632x16xf32, #tpu.memory_space<vmem_shared>>
        tpu.enqueue_dma source(%dma_start3A_207 : memref<632x16xf32, #tpu.memory_space<vmem_shared>>) target(%dma_start3A_205 : memref<632x16xf32, #tpu.memory_space<hbm>>) target_semaphore(%run_scoped3A : memref<!tpu.dma_semaphore, #tpu.memory_space<semaphore_mem>>)
        %dma_wait3A_208 = arith.constant 0 : i32
        %dma_wait3A_209 = tpu.memref_slice %arg5[%add3A_193, %dma_wait3A_208] : memref<20000x16xf32, #tpu.memory_space<hbm>> -> memref<632x16xf32, #tpu.memory_space<hbm>>
        %dma_wait3A_210 = arith.constant 0 : i32
        %dma_wait3A_211 = tpu.memref_slice %arg9[%mul3A_190, %dma_wait3A_210] : memref<10008x16xf32, #tpu.memory_space<vmem_shared>> -> memref<632x16xf32, #tpu.memory_space<vmem_shared>>
        tpu.wait_dma2 semaphore(%run_scoped3A : memref<!tpu.dma_semaphore, #tpu.memory_space<semaphore_mem>>) src(%dma_wait3A_211 : memref<632x16xf32, #tpu.memory_space<vmem_shared>>) dst(%dma_wait3A_209 : memref<632x16xf32, #tpu.memory_space<hbm>>)
        tpu.yield
      }) : () -> ()
    } else {
    }
    %eq3A_199 = arith.constant 15 : i32
    %eq3A_200 = arith.cmpi eq, %arg1, %eq3A_199 : i32
    %convert_element_type3A_201 = arith.extui %eq3A_200 : i1 to i32
    %cond3A_202 = arith.constant 0 : i32
    %cond3A_203 = arith.cmpi ne, %convert_element_type3A_201, %cond3A_202 : i32
    scf.if %cond3A_203 {
      "tpu.region"() ({
        %run_scoped3A = tpu.sem_alloc : memref<!tpu.dma_semaphore, #tpu.memory_space<semaphore_mem>>
        %dma_start3A_204 = arith.constant 0 : i32
        %dma_start3A_205 = tpu.memref_slice %arg5[%add3A_193, %dma_start3A_204] : memref<20000x16xf32, #tpu.memory_space<hbm>> -> memref<520x16xf32, #tpu.memory_space<hbm>>
        %dma_start3A_206 = arith.constant 0 : i32
        %dma_start3A_207 = tpu.memref_slice %arg9[%mul3A_190, %dma_start3A_206] : memref<10008x16xf32, #tpu.memory_space<vmem_shared>> -> memref<520x16xf32, #tpu.memory_space<vmem_shared>>
        tpu.enqueue_dma source(%dma_start3A_207 : memref<520x16xf32, #tpu.memory_space<vmem_shared>>) target(%dma_start3A_205 : memref<520x16xf32, #tpu.memory_space<hbm>>) target_semaphore(%run_scoped3A : memref<!tpu.dma_semaphore, #tpu.memory_space<semaphore_mem>>)
        %dma_wait3A_208 = arith.constant 0 : i32
        %dma_wait3A_209 = tpu.memref_slice %arg5[%add3A_193, %dma_wait3A_208] : memref<20000x16xf32, #tpu.memory_space<hbm>> -> memref<520x16xf32, #tpu.memory_space<hbm>>
        %dma_wait3A_210 = arith.constant 0 : i32
        %dma_wait3A_211 = tpu.memref_slice %arg9[%mul3A_190, %dma_wait3A_210] : memref<10008x16xf32, #tpu.memory_space<vmem_shared>> -> memref<520x16xf32, #tpu.memory_space<vmem_shared>>
        tpu.wait_dma2 semaphore(%run_scoped3A : memref<!tpu.dma_semaphore, #tpu.memory_space<semaphore_mem>>) src(%dma_wait3A_211 : memref<520x16xf32, #tpu.memory_space<vmem_shared>>) dst(%dma_wait3A_209 : memref<520x16xf32, #tpu.memory_space<hbm>>)
        tpu.yield
      }) : () -> ()
    } else {
    }
    return
  }
}

#map = affine_map<(d0, d1) -> (0, 0)>
module attributes {stable_mosaic.version = 14 : i64} {
  func.func @k(%arg0: i32, %arg1: i32, %arg2: memref<10000x64xf32, #tpu.memory_space<hbm>>, %arg3: memref<2560x128xi32, #tpu.memory_space<hbm>>, %arg4: memref<2560x128xi32, #tpu.memory_space<hbm>>, %arg5: memref<20000x64xf32, #tpu.memory_space<hbm>>, %arg6: memref<152x128xi32, #tpu.memory_space<vmem>>, %arg7: memref<152x128xi32, #tpu.memory_space<vmem>>, %arg8: memref<4x128x64xf32, #tpu.memory_space<vmem>>, %arg9: memref<10008x64xf32, #tpu.memory_space<vmem_shared>>, %arg10: memref<4x!tpu.dma_semaphore, #tpu.memory_space<semaphore_mem>>, %arg11: memref<4x!tpu.dma_semaphore, #tpu.memory_space<semaphore_mem>>) attributes {dimension_semantics = [#tpu.dimension_semantics<core_parallel>, #tpu.dimension_semantics<subcore_parallel>], iteration_bounds = array<i64: 2, 16>, scalar_prefetch = 0 : i64, scratch_operands = 6 : i64, tpu.core_type = #tpu.core_type<sc_vector_subcore>, window_params = [{transform_indices = #map}, {transform_indices = #map}, {transform_indices = #map}, {transform_indices = #map}]} {
    %eq3A = arith.constant 0 : i32
    %eq3A_0 = arith.cmpi eq, %arg0, %eq3A : i32
    %mul3A = arith.constant 152 : i32
    %mul3A_1 = arith.muli %arg1, %mul3A : i32
    %mul3A_2 = arith.constant 8 : i32
    %mul3A_3 = arith.muli %arg1, %mul3A_2 : i32
    %add3A = arith.constant 2432 : i32
    %add3A_4 = arith.addi %add3A, %mul3A_3 : i32
    %select_n3A = arith.select %eq3A_0, %mul3A_1, %add3A_4 : i32
    %eq3A_5 = arith.constant 0 : i32
    %eq3A_6 = arith.cmpi eq, %arg0, %eq3A_5 : i32
    %jit3A = arith.constant 152 : i32
    %jit3A_7 = arith.constant 8 : i32
    %select_n3A_8 = arith.select %eq3A_6, %jit3A, %jit3A_7 : i32
    %eq3A_9 = arith.constant 0 : i32
    %eq3A_10 = arith.cmpi eq, %arg0, %eq3A_9 : i32
    %convert_element_type3A = arith.extui %eq3A_10 : i1 to i32
    %cond3A = arith.constant 0 : i32
    %cond3A_11 = arith.cmpi ne, %convert_element_type3A, %cond3A : i32
    scf.if %cond3A_11 {
      "tpu.region"() ({
        %run_scoped3A = tpu.sem_alloc : memref<!tpu.dma_semaphore, #tpu.memory_space<semaphore_mem>>
        %dma_start3A_204 = arith.constant 0 : i32
        %dma_start3A_205 = tpu.memref_slice %arg3[%select_n3A, %dma_start3A_204] : memref<2560x128xi32, #tpu.memory_space<hbm>> -> memref<152x128xi32, #tpu.memory_space<hbm>>
        %dma_start3A_206 = arith.constant 0 : i32
        %dma_start3A_207 = tpu.memref_slice %arg3[%select_n3A, %dma_start3A_206] : memref<2560x128xi32, #tpu.memory_space<hbm>> -> memref<152x128xi32, #tpu.memory_space<hbm>>
        tpu.enqueue_dma source(%dma_start3A_207 : memref<152x128xi32, #tpu.memory_space<hbm>>) target(%arg6 : memref<152x128xi32, #tpu.memory_space<vmem>>) target_semaphore(%run_scoped3A : memref<!tpu.dma_semaphore, #tpu.memory_space<semaphore_mem>>)
        %dma_wait3A_208 = arith.constant 0 : i32
        %dma_wait3A_209 = tpu.memref_slice %arg3[%select_n3A, %dma_wait3A_208] : memref<2560x128xi32, #tpu.memory_space<hbm>> -> memref<152x128xi32, #tpu.memory_space<hbm>>
        %dma_wait3A_210 = arith.constant 0 : i32
        %dma_wait3A_211 = tpu.memref_slice %arg3[%select_n3A, %dma_wait3A_210] : memref<2560x128xi32, #tpu.memory_space<hbm>> -> memref<152x128xi32, #tpu.memory_space<hbm>>
        tpu.wait_dma2 semaphore(%run_scoped3A : memref<!tpu.dma_semaphore, #tpu.memory_space<semaphore_mem>>) src(%dma_wait3A_211 : memref<152x128xi32, #tpu.memory_space<hbm>>) dst(%arg6 : memref<152x128xi32, #tpu.memory_space<vmem>>)
        tpu.yield
      }) : () -> ()
      "tpu.region"() ({
        %run_scoped3A = tpu.sem_alloc : memref<!tpu.dma_semaphore, #tpu.memory_space<semaphore_mem>>
        %dma_start3A_204 = arith.constant 0 : i32
        %dma_start3A_205 = tpu.memref_slice %arg4[%select_n3A, %dma_start3A_204] : memref<2560x128xi32, #tpu.memory_space<hbm>> -> memref<152x128xi32, #tpu.memory_space<hbm>>
        %dma_start3A_206 = arith.constant 0 : i32
        %dma_start3A_207 = tpu.memref_slice %arg4[%select_n3A, %dma_start3A_206] : memref<2560x128xi32, #tpu.memory_space<hbm>> -> memref<152x128xi32, #tpu.memory_space<hbm>>
        tpu.enqueue_dma source(%dma_start3A_207 : memref<152x128xi32, #tpu.memory_space<hbm>>) target(%arg7 : memref<152x128xi32, #tpu.memory_space<vmem>>) target_semaphore(%run_scoped3A : memref<!tpu.dma_semaphore, #tpu.memory_space<semaphore_mem>>)
        %dma_wait3A_208 = arith.constant 0 : i32
        %dma_wait3A_209 = tpu.memref_slice %arg4[%select_n3A, %dma_wait3A_208] : memref<2560x128xi32, #tpu.memory_space<hbm>> -> memref<152x128xi32, #tpu.memory_space<hbm>>
        %dma_wait3A_210 = arith.constant 0 : i32
        %dma_wait3A_211 = tpu.memref_slice %arg4[%select_n3A, %dma_wait3A_210] : memref<2560x128xi32, #tpu.memory_space<hbm>> -> memref<152x128xi32, #tpu.memory_space<hbm>>
        tpu.wait_dma2 semaphore(%run_scoped3A : memref<!tpu.dma_semaphore, #tpu.memory_space<semaphore_mem>>) src(%dma_wait3A_211 : memref<152x128xi32, #tpu.memory_space<hbm>>) dst(%arg7 : memref<152x128xi32, #tpu.memory_space<vmem>>)
        tpu.yield
      }) : () -> ()
    } else {
    }
    %ne3A = arith.constant 0 : i32
    %ne3A_12 = arith.cmpi ne, %arg0, %ne3A : i32
    %convert_element_type3A_13 = arith.extui %ne3A_12 : i1 to i32
    %cond3A_14 = arith.constant 0 : i32
    %cond3A_15 = arith.cmpi ne, %convert_element_type3A_13, %cond3A_14 : i32
    scf.if %cond3A_15 {
      "tpu.region"() ({
        %run_scoped3A = tpu.sem_alloc : memref<!tpu.dma_semaphore, #tpu.memory_space<semaphore_mem>>
        %dma_start3A_204 = arith.constant 0 : i32
        %dma_start3A_205 = arith.constant 0 : i32
        %dma_start3A_206 = tpu.memref_slice %arg6[%dma_start3A_204, %dma_start3A_205] : memref<152x128xi32, #tpu.memory_space<vmem>> -> memref<8x128xi32, #tpu.memory_space<vmem>>
        %dma_start3A_207 = arith.constant 0 : i32
        %dma_start3A_208 = tpu.memref_slice %arg3[%select_n3A, %dma_start3A_207] : memref<2560x128xi32, #tpu.memory_space<hbm>> -> memref<8x128xi32, #tpu.memory_space<hbm>>
        %dma_start3A_209 = arith.constant 0 : i32
        %dma_start3A_210 = arith.constant 0 : i32
        %dma_start3A_211 = tpu.memref_slice %arg6[%dma_start3A_209, %dma_start3A_210] : memref<152x128xi32, #tpu.memory_space<vmem>> -> memref<8x128xi32, #tpu.memory_space<vmem>>
        %dma_start3A_212 = arith.constant 0 : i32
        %dma_start3A_213 = tpu.memref_slice %arg3[%select_n3A, %dma_start3A_212] : memref<2560x128xi32, #tpu.memory_space<hbm>> -> memref<8x128xi32, #tpu.memory_space<hbm>>
        tpu.enqueue_dma source(%dma_start3A_213 : memref<8x128xi32, #tpu.memory_space<hbm>>) target(%dma_start3A_211 : memref<8x128xi32, #tpu.memory_space<vmem>>) target_semaphore(%run_scoped3A : memref<!tpu.dma_semaphore, #tpu.memory_space<semaphore_mem>>)
        %dma_wait3A_214 = arith.constant 0 : i32
        %dma_wait3A_215 = arith.constant 0 : i32
        %dma_wait3A_216 = tpu.memref_slice %arg6[%dma_wait3A_214, %dma_wait3A_215] : memref<152x128xi32, #tpu.memory_space<vmem>> -> memref<8x128xi32, #tpu.memory_space<vmem>>
        %dma_wait3A_217 = arith.constant 0 : i32
        %dma_wait3A_218 = tpu.memref_slice %arg3[%select_n3A, %dma_wait3A_217] : memref<2560x128xi32, #tpu.memory_space<hbm>> -> memref<8x128xi32, #tpu.memory_space<hbm>>
        %dma_wait3A_219 = arith.constant 0 : i32
        %dma_wait3A_220 = arith.constant 0 : i32
        %dma_wait3A_221 = tpu.memref_slice %arg6[%dma_wait3A_219, %dma_wait3A_220] : memref<152x128xi32, #tpu.memory_space<vmem>> -> memref<8x128xi32, #tpu.memory_space<vmem>>
        %dma_wait3A_222 = arith.constant 0 : i32
        %dma_wait3A_223 = tpu.memref_slice %arg3[%select_n3A, %dma_wait3A_222] : memref<2560x128xi32, #tpu.memory_space<hbm>> -> memref<8x128xi32, #tpu.memory_space<hbm>>
        tpu.wait_dma2 semaphore(%run_scoped3A : memref<!tpu.dma_semaphore, #tpu.memory_space<semaphore_mem>>) src(%dma_wait3A_223 : memref<8x128xi32, #tpu.memory_space<hbm>>) dst(%dma_wait3A_221 : memref<8x128xi32, #tpu.memory_space<vmem>>)
        tpu.yield
      }) : () -> ()
      "tpu.region"() ({
        %run_scoped3A = tpu.sem_alloc : memref<!tpu.dma_semaphore, #tpu.memory_space<semaphore_mem>>
        %dma_start3A_204 = arith.constant 0 : i32
        %dma_start3A_205 = arith.constant 0 : i32
        %dma_start3A_206 = tpu.memref_slice %arg7[%dma_start3A_204, %dma_start3A_205] : memref<152x128xi32, #tpu.memory_space<vmem>> -> memref<8x128xi32, #tpu.memory_space<vmem>>
        %dma_start3A_207 = arith.constant 0 : i32
        %dma_start3A_208 = tpu.memref_slice %arg4[%select_n3A, %dma_start3A_207] : memref<2560x128xi32, #tpu.memory_space<hbm>> -> memref<8x128xi32, #tpu.memory_space<hbm>>
        %dma_start3A_209 = arith.constant 0 : i32
        %dma_start3A_210 = arith.constant 0 : i32
        %dma_start3A_211 = tpu.memref_slice %arg7[%dma_start3A_209, %dma_start3A_210] : memref<152x128xi32, #tpu.memory_space<vmem>> -> memref<8x128xi32, #tpu.memory_space<vmem>>
        %dma_start3A_212 = arith.constant 0 : i32
        %dma_start3A_213 = tpu.memref_slice %arg4[%select_n3A, %dma_start3A_212] : memref<2560x128xi32, #tpu.memory_space<hbm>> -> memref<8x128xi32, #tpu.memory_space<hbm>>
        tpu.enqueue_dma source(%dma_start3A_213 : memref<8x128xi32, #tpu.memory_space<hbm>>) target(%dma_start3A_211 : memref<8x128xi32, #tpu.memory_space<vmem>>) target_semaphore(%run_scoped3A : memref<!tpu.dma_semaphore, #tpu.memory_space<semaphore_mem>>)
        %dma_wait3A_214 = arith.constant 0 : i32
        %dma_wait3A_215 = arith.constant 0 : i32
        %dma_wait3A_216 = tpu.memref_slice %arg7[%dma_wait3A_214, %dma_wait3A_215] : memref<152x128xi32, #tpu.memory_space<vmem>> -> memref<8x128xi32, #tpu.memory_space<vmem>>
        %dma_wait3A_217 = arith.constant 0 : i32
        %dma_wait3A_218 = tpu.memref_slice %arg4[%select_n3A, %dma_wait3A_217] : memref<2560x128xi32, #tpu.memory_space<hbm>> -> memref<8x128xi32, #tpu.memory_space<hbm>>
        %dma_wait3A_219 = arith.constant 0 : i32
        %dma_wait3A_220 = arith.constant 0 : i32
        %dma_wait3A_221 = tpu.memref_slice %arg7[%dma_wait3A_219, %dma_wait3A_220] : memref<152x128xi32, #tpu.memory_space<vmem>> -> memref<8x128xi32, #tpu.memory_space<vmem>>
        %dma_wait3A_222 = arith.constant 0 : i32
        %dma_wait3A_223 = tpu.memref_slice %arg4[%select_n3A, %dma_wait3A_222] : memref<2560x128xi32, #tpu.memory_space<hbm>> -> memref<8x128xi32, #tpu.memory_space<hbm>>
        tpu.wait_dma2 semaphore(%run_scoped3A : memref<!tpu.dma_semaphore, #tpu.memory_space<semaphore_mem>>) src(%dma_wait3A_223 : memref<8x128xi32, #tpu.memory_space<hbm>>) dst(%dma_wait3A_221 : memref<8x128xi32, #tpu.memory_space<vmem>>)
        tpu.yield
      }) : () -> ()
    } else {
    }
    %broadcast_in_dim3A = arith.constant 0.000000e+00 : f32
    %broadcast_in_dim3A_16 = vector.broadcast %broadcast_in_dim3A : f32 to vector<16xf32>
    %scan3A = arith.constant 0 : i32
    %scan3A_17 = arith.constant 0 : i32
    %scan3A_18 = arith.constant 128 : i32
    %scan3A_19 = arith.addi %scan3A_17, %scan3A_18 : i32
    %scan3A_20 = arith.constant 1 : i32
    scf.for %scan3A_204 = %scan3A_17 to %scan3A_19 step %scan3A_20  : i32 {
      %swap3A = arith.constant 0 : i32
      %swap3A_205 = arith.index_cast %swap3A : i32 to index
      %swap3A_206 = arith.index_cast %scan3A_204 : i32 to index
      %swap3A_207 = arith.constant 0 : index
      %swap3A_208 = tpu.vector_load %arg8[%swap3A_205, %swap3A_206, %swap3A_207] {strides = array<i32>} : memref<4x128x64xf32, #tpu.memory_space<vmem>>, vector<1x1x16xf32>,
      %swap3A_209 = vector.shape_cast %swap3A_208 : vector<1x1x16xf32> to vector<16xf32>
      %swap3A_210 = vector.shape_cast %broadcast_in_dim3A_16 : vector<16xf32> to vector<1x1x16xf32>
      tpu.vector_store %arg8[%swap3A_205, %swap3A_206, %swap3A_207], %swap3A_210 {strides = array<i32>} : memref<4x128x64xf32, #tpu.memory_space<vmem>>, vector<1x1x16xf32>,
      %swap3A_211 = arith.constant 0 : i32
      %swap3A_212 = arith.index_cast %swap3A_211 : i32 to index
      %swap3A_213 = arith.index_cast %scan3A_204 : i32 to index
      %swap3A_214 = arith.constant 16 : index
      %swap3A_215 = tpu.vector_load %arg8[%swap3A_212, %swap3A_213, %swap3A_214] {strides = array<i32>} : memref<4x128x64xf32, #tpu.memory_space<vmem>>, vector<1x1x16xf32>,
      %swap3A_216 = vector.shape_cast %swap3A_215 : vector<1x1x16xf32> to vector<16xf32>
      %swap3A_217 = vector.shape_cast %broadcast_in_dim3A_16 : vector<16xf32> to vector<1x1x16xf32>
      tpu.vector_store %arg8[%swap3A_212, %swap3A_213, %swap3A_214], %swap3A_217 {strides = array<i32>} : memref<4x128x64xf32, #tpu.memory_space<vmem>>, vector<1x1x16xf32>,
      %swap3A_218 = arith.constant 0 : i32
      %swap3A_219 = arith.index_cast %swap3A_218 : i32 to index
      %swap3A_220 = arith.index_cast %scan3A_204 : i32 to index
      %swap3A_221 = arith.constant 32 : index
      %swap3A_222 = tpu.vector_load %arg8[%swap3A_219, %swap3A_220, %swap3A_221] {strides = array<i32>} : memref<4x128x64xf32, #tpu.memory_space<vmem>>, vector<1x1x16xf32>,
      %swap3A_223 = vector.shape_cast %swap3A_222 : vector<1x1x16xf32> to vector<16xf32>
      %swap3A_224 = vector.shape_cast %broadcast_in_dim3A_16 : vector<16xf32> to vector<1x1x16xf32>
      tpu.vector_store %arg8[%swap3A_219, %swap3A_220, %swap3A_221], %swap3A_224 {strides = array<i32>} : memref<4x128x64xf32, #tpu.memory_space<vmem>>, vector<1x1x16xf32>,
      %swap3A_225 = arith.constant 0 : i32
      %swap3A_226 = arith.index_cast %swap3A_225 : i32 to index
      %swap3A_227 = arith.index_cast %scan3A_204 : i32 to index
      %swap3A_228 = arith.constant 48 : index
      %swap3A_229 = tpu.vector_load %arg8[%swap3A_226, %swap3A_227, %swap3A_228] {strides = array<i32>} : memref<4x128x64xf32, #tpu.memory_space<vmem>>, vector<1x1x16xf32>,
      %swap3A_230 = vector.shape_cast %swap3A_229 : vector<1x1x16xf32> to vector<16xf32>
      %swap3A_231 = vector.shape_cast %broadcast_in_dim3A_16 : vector<16xf32> to vector<1x1x16xf32>
      tpu.vector_store %arg8[%swap3A_226, %swap3A_227, %swap3A_228], %swap3A_231 {strides = array<i32>} : memref<4x128x64xf32, #tpu.memory_space<vmem>>, vector<1x1x16xf32>,
    }
    %scan3A_21 = arith.constant 128 : i32
    %mul3A_22 = arith.constant 632 : i32
    %mul3A_23 = arith.muli %arg1, %mul3A_22 : i32
    %scan3A_24 = arith.constant 0 : i32
    %scan3A_25 = arith.constant 0 : i32
    %scan3A_26 = arith.constant 0 : i32
    %scan3A_27 = arith.constant 4 : i32
    %scan3A_28 = arith.addi %scan3A_26, %scan3A_27 : i32
    %scan3A_29 = arith.constant 1 : i32
    scf.for %scan3A_204 = %scan3A_26 to %scan3A_28 step %scan3A_29  : i32 {
      %mul3A_205 = arith.constant 128 : i32
      %mul3A_206 = arith.muli %scan3A_204, %mul3A_205 : i32
      %add3A_207 = arith.addi %mul3A_23, %mul3A_206 : i32
      "tpu.region"() ({
        %run_scoped3A = tpu.sem_alloc : memref<!tpu.dma_semaphore, #tpu.memory_space<semaphore_mem>>
        %dma_start3A_208 = arith.constant 0 : i32
        %dma_start3A_209 = arith.constant 0 : i32
        %dma_start3A_210 = tpu.memref_slice %arg8[%scan3A_25, %dma_start3A_208, %dma_start3A_209] : memref<4x128x64xf32, #tpu.memory_space<vmem>> -> memref<1x128x64xf32, #tpu.memory_space<vmem>>
        %dma_start3A_211 = tpu.memref_squeeze %dma_start3A_210 : memref<1x128x64xf32, #tpu.memory_space<vmem>> -> memref<128x64xf32, #tpu.memory_space<vmem>>
        %dma_start3A_212 = arith.constant 0 : i32
        %dma_start3A_213 = tpu.memref_slice %arg9[%add3A_207, %dma_start3A_212] : memref<10008x64xf32, #tpu.memory_space<vmem_shared>> -> memref<128x64xf32, #tpu.memory_space<vmem_shared>>
        %dma_start3A_214 = arith.constant 0 : i32
        %dma_start3A_215 = tpu.memref_slice %arg9[%add3A_207, %dma_start3A_214] : memref<10008x64xf32, #tpu.memory_space<vmem_shared>> -> memref<128x64xf32, #tpu.memory_space<vmem_shared>>
        %dma_start3A_216 = arith.constant 0 : i32
        %dma_start3A_217 = arith.constant 0 : i32
        %dma_start3A_218 = tpu.memref_slice %arg8[%scan3A_25, %dma_start3A_216, %dma_start3A_217] : memref<4x128x64xf32, #tpu.memory_space<vmem>> -> memref<1x128x64xf32, #tpu.memory_space<vmem>>
        %dma_start3A_219 = tpu.memref_squeeze %dma_start3A_218 : memref<1x128x64xf32, #tpu.memory_space<vmem>> -> memref<128x64xf32, #tpu.memory_space<vmem>>
        tpu.enqueue_dma source(%dma_start3A_219 : memref<128x64xf32, #tpu.memory_space<vmem>>) target(%dma_start3A_215 : memref<128x64xf32, #tpu.memory_space<vmem_shared>>) target_semaphore(%run_scoped3A : memref<!tpu.dma_semaphore, #tpu.memory_space<semaphore_mem>>)
        %dma_wait3A_220 = arith.constant 0 : i32
        %dma_wait3A_221 = arith.constant 0 : i32
        %dma_wait3A_222 = tpu.memref_slice %arg8[%scan3A_25, %dma_wait3A_220, %dma_wait3A_221] : memref<4x128x64xf32, #tpu.memory_space<vmem>> -> memref<1x128x64xf32, #tpu.memory_space<vmem>>
        %dma_wait3A_223 = tpu.memref_squeeze %dma_wait3A_222 : memref<1x128x64xf32, #tpu.memory_space<vmem>> -> memref<128x64xf32, #tpu.memory_space<vmem>>
        %dma_wait3A_224 = arith.constant 0 : i32
        %dma_wait3A_225 = tpu.memref_slice %arg9[%add3A_207, %dma_wait3A_224] : memref<10008x64xf32, #tpu.memory_space<vmem_shared>> -> memref<128x64xf32, #tpu.memory_space<vmem_shared>>
        %dma_wait3A_226 = arith.constant 0 : i32
        %dma_wait3A_227 = tpu.memref_slice %arg9[%add3A_207, %dma_wait3A_226] : memref<10008x64xf32, #tpu.memory_space<vmem_shared>> -> memref<128x64xf32, #tpu.memory_space<vmem_shared>>
        %dma_wait3A_228 = arith.constant 0 : i32
        %dma_wait3A_229 = arith.constant 0 : i32
        %dma_wait3A_230 = tpu.memref_slice %arg8[%scan3A_25, %dma_wait3A_228, %dma_wait3A_229] : memref<4x128x64xf32, #tpu.memory_space<vmem>> -> memref<1x128x64xf32, #tpu.memory_space<vmem>>
        %dma_wait3A_231 = tpu.memref_squeeze %dma_wait3A_230 : memref<1x128x64xf32, #tpu.memory_space<vmem>> -> memref<128x64xf32, #tpu.memory_space<vmem>>
        tpu.wait_dma2 semaphore(%run_scoped3A : memref<!tpu.dma_semaphore, #tpu.memory_space<semaphore_mem>>) src(%dma_wait3A_231 : memref<128x64xf32, #tpu.memory_space<vmem>>) dst(%dma_wait3A_227 : memref<128x64xf32, #tpu.memory_space<vmem_shared>>)
        tpu.yield
      }) : () -> ()
    }
    %scan3A_30 = arith.constant 4 : i32
    %lt3A = arith.constant 15 : i32
    %lt3A_31 = arith.cmpi slt, %arg1, %lt3A : i32
    %convert_element_type3A_32 = arith.extui %lt3A_31 : i1 to i32
    %cond3A_33 = arith.constant 0 : i32
    %cond3A_34 = arith.constant 0 : i32
    %cond3A_35 = arith.cmpi ne, %convert_element_type3A_32, %cond3A_34 : i32
    scf.if %cond3A_35 {
      %add3A_204 = arith.constant 512 : i32
      %add3A_205 = arith.addi %mul3A_23, %add3A_204 : i32
      "tpu.region"() ({
        %run_scoped3A = tpu.sem_alloc : memref<!tpu.dma_semaphore, #tpu.memory_space<semaphore_mem>>
        %dma_start3A_206 = arith.constant 0 : i32
        %dma_start3A_207 = arith.constant 0 : i32
        %dma_start3A_208 = tpu.memref_slice %arg8[%cond3A_33, %dma_start3A_206, %dma_start3A_207] : memref<4x128x64xf32, #tpu.memory_space<vmem>> -> memref<1x128x64xf32, #tpu.memory_space<vmem>>
        %dma_start3A_209 = tpu.memref_squeeze %dma_start3A_208 : memref<1x128x64xf32, #tpu.memory_space<vmem>> -> memref<128x64xf32, #tpu.memory_space<vmem>>
        %dma_start3A_210 = arith.constant 0 : i32
        %dma_start3A_211 = arith.constant 0 : i32
        %dma_start3A_212 = tpu.memref_slice %dma_start3A_209[%dma_start3A_210, %dma_start3A_211] : memref<128x64xf32, #tpu.memory_space<vmem>> -> memref<120x64xf32, #tpu.memory_space<vmem>>
        %dma_start3A_213 = arith.constant 0 : i32
        %dma_start3A_214 = tpu.memref_slice %arg9[%add3A_205, %dma_start3A_213] : memref<10008x64xf32, #tpu.memory_space<vmem_shared>> -> memref<120x64xf32, #tpu.memory_space<vmem_shared>>
        %dma_start3A_215 = arith.constant 0 : i32
        %dma_start3A_216 = tpu.memref_slice %arg9[%add3A_205, %dma_start3A_215] : memref<10008x64xf32, #tpu.memory_space<vmem_shared>> -> memref<120x64xf32, #tpu.memory_space<vmem_shared>>
        %dma_start3A_217 = arith.constant 0 : i32
        %dma_start3A_218 = arith.constant 0 : i32
        %dma_start3A_219 = tpu.memref_slice %arg8[%cond3A_33, %dma_start3A_217, %dma_start3A_218] : memref<4x128x64xf32, #tpu.memory_space<vmem>> -> memref<1x128x64xf32, #tpu.memory_space<vmem>>
        %dma_start3A_220 = tpu.memref_squeeze %dma_start3A_219 : memref<1x128x64xf32, #tpu.memory_space<vmem>> -> memref<128x64xf32, #tpu.memory_space<vmem>>
        %dma_start3A_221 = arith.constant 0 : i32
        %dma_start3A_222 = arith.constant 0 : i32
        %dma_start3A_223 = tpu.memref_slice %dma_start3A_220[%dma_start3A_221, %dma_start3A_222] : memref<128x64xf32, #tpu.memory_space<vmem>> -> memref<120x64xf32, #tpu.memory_space<vmem>>
        tpu.enqueue_dma source(%dma_start3A_223 : memref<120x64xf32, #tpu.memory_space<vmem>>) target(%dma_start3A_216 : memref<120x64xf32, #tpu.memory_space<vmem_shared>>) target_semaphore(%run_scoped3A : memref<!tpu.dma_semaphore, #tpu.memory_space<semaphore_mem>>)
        %dma_wait3A_224 = arith.constant 0 : i32
        %dma_wait3A_225 = arith.constant 0 : i32
        %dma_wait3A_226 = tpu.memref_slice %arg8[%cond3A_33, %dma_wait3A_224, %dma_wait3A_225] : memref<4x128x64xf32, #tpu.memory_space<vmem>> -> memref<1x128x64xf32, #tpu.memory_space<vmem>>
        %dma_wait3A_227 = tpu.memref_squeeze %dma_wait3A_226 : memref<1x128x64xf32, #tpu.memory_space<vmem>> -> memref<128x64xf32, #tpu.memory_space<vmem>>
        %dma_wait3A_228 = arith.constant 0 : i32
        %dma_wait3A_229 = arith.constant 0 : i32
        %dma_wait3A_230 = tpu.memref_slice %dma_wait3A_227[%dma_wait3A_228, %dma_wait3A_229] : memref<128x64xf32, #tpu.memory_space<vmem>> -> memref<120x64xf32, #tpu.memory_space<vmem>>
        %dma_wait3A_231 = arith.constant 0 : i32
        %dma_wait3A_232 = tpu.memref_slice %arg9[%add3A_205, %dma_wait3A_231] : memref<10008x64xf32, #tpu.memory_space<vmem_shared>> -> memref<120x64xf32, #tpu.memory_space<vmem_shared>>
        %dma_wait3A_233 = arith.constant 0 : i32
        %dma_wait3A_234 = tpu.memref_slice %arg9[%add3A_205, %dma_wait3A_233] : memref<10008x64xf32, #tpu.memory_space<vmem_shared>> -> memref<120x64xf32, #tpu.memory_space<vmem_shared>>
        %dma_wait3A_235 = arith.constant 0 : i32
        %dma_wait3A_236 = arith.constant 0 : i32
        %dma_wait3A_237 = tpu.memref_slice %arg8[%cond3A_33, %dma_wait3A_235, %dma_wait3A_236] : memref<4x128x64xf32, #tpu.memory_space<vmem>> -> memref<1x128x64xf32, #tpu.memory_space<vmem>>
        %dma_wait3A_238 = tpu.memref_squeeze %dma_wait3A_237 : memref<1x128x64xf32, #tpu.memory_space<vmem>> -> memref<128x64xf32, #tpu.memory_space<vmem>>
        %dma_wait3A_239 = arith.constant 0 : i32
        %dma_wait3A_240 = arith.constant 0 : i32
        %dma_wait3A_241 = tpu.memref_slice %dma_wait3A_238[%dma_wait3A_239, %dma_wait3A_240] : memref<128x64xf32, #tpu.memory_space<vmem>> -> memref<120x64xf32, #tpu.memory_space<vmem>>
        tpu.wait_dma2 semaphore(%run_scoped3A : memref<!tpu.dma_semaphore, #tpu.memory_space<semaphore_mem>>) src(%dma_wait3A_241 : memref<120x64xf32, #tpu.memory_space<vmem>>) dst(%dma_wait3A_234 : memref<120x64xf32, #tpu.memory_space<vmem_shared>>)
        tpu.yield
      }) : () -> ()
    } else {
    }
    %eq3A_36 = arith.constant 15 : i32
    %eq3A_37 = arith.cmpi eq, %arg1, %eq3A_36 : i32
    %convert_element_type3A_38 = arith.extui %eq3A_37 : i1 to i32
    %cond3A_39 = arith.constant 0 : i32
    %cond3A_40 = arith.constant 0 : i32
    %cond3A_41 = arith.cmpi ne, %convert_element_type3A_38, %cond3A_40 : i32
    scf.if %cond3A_41 {
      %add3A_204 = arith.constant 512 : i32
      %add3A_205 = arith.addi %mul3A_23, %add3A_204 : i32
      "tpu.region"() ({
        %run_scoped3A = tpu.sem_alloc : memref<!tpu.dma_semaphore, #tpu.memory_space<semaphore_mem>>
        %dma_start3A_206 = arith.constant 0 : i32
        %dma_start3A_207 = arith.constant 0 : i32
        %dma_start3A_208 = tpu.memref_slice %arg8[%cond3A_39, %dma_start3A_206, %dma_start3A_207] : memref<4x128x64xf32, #tpu.memory_space<vmem>> -> memref<1x128x64xf32, #tpu.memory_space<vmem>>
        %dma_start3A_209 = tpu.memref_squeeze %dma_start3A_208 : memref<1x128x64xf32, #tpu.memory_space<vmem>> -> memref<128x64xf32, #tpu.memory_space<vmem>>
        %dma_start3A_210 = arith.constant 0 : i32
        %dma_start3A_211 = arith.constant 0 : i32
        %dma_start3A_212 = tpu.memref_slice %dma_start3A_209[%dma_start3A_210, %dma_start3A_211] : memref<128x64xf32, #tpu.memory_space<vmem>> -> memref<16x64xf32, #tpu.memory_space<vmem>>
        %dma_start3A_213 = arith.constant 0 : i32
        %dma_start3A_214 = tpu.memref_slice %arg9[%add3A_205, %dma_start3A_213] : memref<10008x64xf32, #tpu.memory_space<vmem_shared>> -> memref<16x64xf32, #tpu.memory_space<vmem_shared>>
        %dma_start3A_215 = arith.constant 0 : i32
        %dma_start3A_216 = tpu.memref_slice %arg9[%add3A_205, %dma_start3A_215] : memref<10008x64xf32, #tpu.memory_space<vmem_shared>> -> memref<16x64xf32, #tpu.memory_space<vmem_shared>>
        %dma_start3A_217 = arith.constant 0 : i32
        %dma_start3A_218 = arith.constant 0 : i32
        %dma_start3A_219 = tpu.memref_slice %arg8[%cond3A_39, %dma_start3A_217, %dma_start3A_218] : memref<4x128x64xf32, #tpu.memory_space<vmem>> -> memref<1x128x64xf32, #tpu.memory_space<vmem>>
        %dma_start3A_220 = tpu.memref_squeeze %dma_start3A_219 : memref<1x128x64xf32, #tpu.memory_space<vmem>> -> memref<128x64xf32, #tpu.memory_space<vmem>>
        %dma_start3A_221 = arith.constant 0 : i32
        %dma_start3A_222 = arith.constant 0 : i32
        %dma_start3A_223 = tpu.memref_slice %dma_start3A_220[%dma_start3A_221, %dma_start3A_222] : memref<128x64xf32, #tpu.memory_space<vmem>> -> memref<16x64xf32, #tpu.memory_space<vmem>>
        tpu.enqueue_dma source(%dma_start3A_223 : memref<16x64xf32, #tpu.memory_space<vmem>>) target(%dma_start3A_216 : memref<16x64xf32, #tpu.memory_space<vmem_shared>>) target_semaphore(%run_scoped3A : memref<!tpu.dma_semaphore, #tpu.memory_space<semaphore_mem>>)
        %dma_wait3A_224 = arith.constant 0 : i32
        %dma_wait3A_225 = arith.constant 0 : i32
        %dma_wait3A_226 = tpu.memref_slice %arg8[%cond3A_39, %dma_wait3A_224, %dma_wait3A_225] : memref<4x128x64xf32, #tpu.memory_space<vmem>> -> memref<1x128x64xf32, #tpu.memory_space<vmem>>
        %dma_wait3A_227 = tpu.memref_squeeze %dma_wait3A_226 : memref<1x128x64xf32, #tpu.memory_space<vmem>> -> memref<128x64xf32, #tpu.memory_space<vmem>>
        %dma_wait3A_228 = arith.constant 0 : i32
        %dma_wait3A_229 = arith.constant 0 : i32
        %dma_wait3A_230 = tpu.memref_slice %dma_wait3A_227[%dma_wait3A_228, %dma_wait3A_229] : memref<128x64xf32, #tpu.memory_space<vmem>> -> memref<16x64xf32, #tpu.memory_space<vmem>>
        %dma_wait3A_231 = arith.constant 0 : i32
        %dma_wait3A_232 = tpu.memref_slice %arg9[%add3A_205, %dma_wait3A_231] : memref<10008x64xf32, #tpu.memory_space<vmem_shared>> -> memref<16x64xf32, #tpu.memory_space<vmem_shared>>
        %dma_wait3A_233 = arith.constant 0 : i32
        %dma_wait3A_234 = tpu.memref_slice %arg9[%add3A_205, %dma_wait3A_233] : memref<10008x64xf32, #tpu.memory_space<vmem_shared>> -> memref<16x64xf32, #tpu.memory_space<vmem_shared>>
        %dma_wait3A_235 = arith.constant 0 : i32
        %dma_wait3A_236 = arith.constant 0 : i32
        %dma_wait3A_237 = tpu.memref_slice %arg8[%cond3A_39, %dma_wait3A_235, %dma_wait3A_236] : memref<4x128x64xf32, #tpu.memory_space<vmem>> -> memref<1x128x64xf32, #tpu.memory_space<vmem>>
        %dma_wait3A_238 = tpu.memref_squeeze %dma_wait3A_237 : memref<1x128x64xf32, #tpu.memory_space<vmem>> -> memref<128x64xf32, #tpu.memory_space<vmem>>
        %dma_wait3A_239 = arith.constant 0 : i32
        %dma_wait3A_240 = arith.constant 0 : i32
        %dma_wait3A_241 = tpu.memref_slice %dma_wait3A_238[%dma_wait3A_239, %dma_wait3A_240] : memref<128x64xf32, #tpu.memory_space<vmem>> -> memref<16x64xf32, #tpu.memory_space<vmem>>
        tpu.wait_dma2 semaphore(%run_scoped3A : memref<!tpu.dma_semaphore, #tpu.memory_space<semaphore_mem>>) src(%dma_wait3A_241 : memref<16x64xf32, #tpu.memory_space<vmem>>) dst(%dma_wait3A_234 : memref<16x64xf32, #tpu.memory_space<vmem_shared>>)
        tpu.yield
      }) : () -> ()
    } else {
    }
    %barrier3A = arith.constant 0 : index
    tpu.barrier barrier_id(%barrier3A)
    %dma_start3A = arith.constant 0 : i32
    %dma_start3A_42 = arith.constant 0 : i32
    %dma_start3A_43 = arith.constant 0 : i32
    %dma_start3A_44 = arith.constant 0 : i32
    %dma_start3A_45 = arith.constant 0 : i32
    %dma_start3A_46 = tpu.memref_slice %arg8[%dma_start3A_42, %dma_start3A_44, %dma_start3A_45] : memref<4x128x64xf32, #tpu.memory_space<vmem>> -> memref<1x128x64xf32, #tpu.memory_space<vmem>>
    %dma_start3A_47 = tpu.memref_squeeze %dma_start3A_46 : memref<1x128x64xf32, #tpu.memory_space<vmem>> -> memref<128x64xf32, #tpu.memory_space<vmem>>
    %dma_start3A_48 = arith.constant 0 : i32
    %dma_start3A_49 = tpu.memref_slice %arg6[%dma_start3A, %dma_start3A_48] : memref<152x128xi32, #tpu.memory_space<vmem>> -> memref<1x128xi32, #tpu.memory_space<vmem>>
    %dma_start3A_50 = tpu.memref_squeeze %dma_start3A_49 : memref<1x128xi32, #tpu.memory_space<vmem>> -> memref<128xi32, #tpu.memory_space<vmem>>
    %dma_start3A_51 = arith.constant 0 : i32
    %dma_start3A_52 = arith.constant 0 : i32
    %dma_start3A_53 = tpu.memref_slice %arg2[%dma_start3A_51, %dma_start3A_52] : memref<10000x64xf32, #tpu.memory_space<hbm>> -> memref<10000x64xf32, #tpu.memory_space<hbm>>
    %dma_start3A_54 = tpu.memref_slice %arg10[%dma_start3A_43] : memref<4x!tpu.dma_semaphore, #tpu.memory_space<semaphore_mem>> -> memref<1x!tpu.dma_semaphore, #tpu.memory_space<semaphore_mem>>
    %dma_start3A_55 = tpu.memref_squeeze %dma_start3A_54 : memref<1x!tpu.dma_semaphore, #tpu.memory_space<semaphore_mem>> -> memref<!tpu.dma_semaphore, #tpu.memory_space<semaphore_mem>>
    tpu.enqueue_indirect_dma source(%dma_start3A_53 : memref<10000x64xf32, #tpu.memory_space<hbm>>) target(%dma_start3A_47 : memref<128x64xf32, #tpu.memory_space<vmem>>) offsets(%dma_start3A_50 : memref<128xi32, #tpu.memory_space<vmem>>) semaphore(%dma_start3A_55 : memref<!tpu.dma_semaphore, #tpu.memory_space<semaphore_mem>>)
    %dma_start3A_56 = arith.constant 1 : i32
    %dma_start3A_57 = arith.constant 1 : i32
    %dma_start3A_58 = arith.constant 1 : i32
    %dma_start3A_59 = arith.constant 0 : i32
    %dma_start3A_60 = arith.constant 0 : i32
    %dma_start3A_61 = tpu.memref_slice %arg8[%dma_start3A_57, %dma_start3A_59, %dma_start3A_60] : memref<4x128x64xf32, #tpu.memory_space<vmem>> -> memref<1x128x64xf32, #tpu.memory_space<vmem>>
    %dma_start3A_62 = tpu.memref_squeeze %dma_start3A_61 : memref<1x128x64xf32, #tpu.memory_space<vmem>> -> memref<128x64xf32, #tpu.memory_space<vmem>>
    %dma_start3A_63 = arith.constant 0 : i32
    %dma_start3A_64 = tpu.memref_slice %arg6[%dma_start3A_56, %dma_start3A_63] : memref<152x128xi32, #tpu.memory_space<vmem>> -> memref<1x128xi32, #tpu.memory_space<vmem>>
    %dma_start3A_65 = tpu.memref_squeeze %dma_start3A_64 : memref<1x128xi32, #tpu.memory_space<vmem>> -> memref<128xi32, #tpu.memory_space<vmem>>
    %dma_start3A_66 = arith.constant 0 : i32
    %dma_start3A_67 = arith.constant 0 : i32
    %dma_start3A_68 = tpu.memref_slice %arg2[%dma_start3A_66, %dma_start3A_67] : memref<10000x64xf32, #tpu.memory_space<hbm>> -> memref<10000x64xf32, #tpu.memory_space<hbm>>
    %dma_start3A_69 = tpu.memref_slice %arg10[%dma_start3A_58] : memref<4x!tpu.dma_semaphore, #tpu.memory_space<semaphore_mem>> -> memref<1x!tpu.dma_semaphore, #tpu.memory_space<semaphore_mem>>
    %dma_start3A_70 = tpu.memref_squeeze %dma_start3A_69 : memref<1x!tpu.dma_semaphore, #tpu.memory_space<semaphore_mem>> -> memref<!tpu.dma_semaphore, #tpu.memory_space<semaphore_mem>>
    tpu.enqueue_indirect_dma source(%dma_start3A_68 : memref<10000x64xf32, #tpu.memory_space<hbm>>) target(%dma_start3A_62 : memref<128x64xf32, #tpu.memory_space<vmem>>) offsets(%dma_start3A_65 : memref<128xi32, #tpu.memory_space<vmem>>) semaphore(%dma_start3A_70 : memref<!tpu.dma_semaphore, #tpu.memory_space<semaphore_mem>>)
    %dma_start3A_71 = arith.constant 2 : i32
    %dma_start3A_72 = arith.constant 2 : i32
    %dma_start3A_73 = arith.constant 2 : i32
    %dma_start3A_74 = arith.constant 0 : i32
    %dma_start3A_75 = arith.constant 0 : i32
    %dma_start3A_76 = tpu.memref_slice %arg8[%dma_start3A_72, %dma_start3A_74, %dma_start3A_75] : memref<4x128x64xf32, #tpu.memory_space<vmem>> -> memref<1x128x64xf32, #tpu.memory_space<vmem>>
    %dma_start3A_77 = tpu.memref_squeeze %dma_start3A_76 : memref<1x128x64xf32, #tpu.memory_space<vmem>> -> memref<128x64xf32, #tpu.memory_space<vmem>>
    %dma_start3A_78 = arith.constant 0 : i32
    %dma_start3A_79 = tpu.memref_slice %arg6[%dma_start3A_71, %dma_start3A_78] : memref<152x128xi32, #tpu.memory_space<vmem>> -> memref<1x128xi32, #tpu.memory_space<vmem>>
    %dma_start3A_80 = tpu.memref_squeeze %dma_start3A_79 : memref<1x128xi32, #tpu.memory_space<vmem>> -> memref<128xi32, #tpu.memory_space<vmem>>
    %dma_start3A_81 = arith.constant 0 : i32
    %dma_start3A_82 = arith.constant 0 : i32
    %dma_start3A_83 = tpu.memref_slice %arg2[%dma_start3A_81, %dma_start3A_82] : memref<10000x64xf32, #tpu.memory_space<hbm>> -> memref<10000x64xf32, #tpu.memory_space<hbm>>
    %dma_start3A_84 = tpu.memref_slice %arg10[%dma_start3A_73] : memref<4x!tpu.dma_semaphore, #tpu.memory_space<semaphore_mem>> -> memref<1x!tpu.dma_semaphore, #tpu.memory_space<semaphore_mem>>
    %dma_start3A_85 = tpu.memref_squeeze %dma_start3A_84 : memref<1x!tpu.dma_semaphore, #tpu.memory_space<semaphore_mem>> -> memref<!tpu.dma_semaphore, #tpu.memory_space<semaphore_mem>>
    tpu.enqueue_indirect_dma source(%dma_start3A_83 : memref<10000x64xf32, #tpu.memory_space<hbm>>) target(%dma_start3A_77 : memref<128x64xf32, #tpu.memory_space<vmem>>) offsets(%dma_start3A_80 : memref<128xi32, #tpu.memory_space<vmem>>) semaphore(%dma_start3A_85 : memref<!tpu.dma_semaphore, #tpu.memory_space<semaphore_mem>>)
    %dma_start3A_86 = arith.constant 3 : i32
    %dma_start3A_87 = arith.constant 3 : i32
    %dma_start3A_88 = arith.constant 3 : i32
    %dma_start3A_89 = arith.constant 0 : i32
    %dma_start3A_90 = arith.constant 0 : i32
    %dma_start3A_91 = tpu.memref_slice %arg8[%dma_start3A_87, %dma_start3A_89, %dma_start3A_90] : memref<4x128x64xf32, #tpu.memory_space<vmem>> -> memref<1x128x64xf32, #tpu.memory_space<vmem>>
    %dma_start3A_92 = tpu.memref_squeeze %dma_start3A_91 : memref<1x128x64xf32, #tpu.memory_space<vmem>> -> memref<128x64xf32, #tpu.memory_space<vmem>>
    %dma_start3A_93 = arith.constant 0 : i32
    %dma_start3A_94 = tpu.memref_slice %arg6[%dma_start3A_86, %dma_start3A_93] : memref<152x128xi32, #tpu.memory_space<vmem>> -> memref<1x128xi32, #tpu.memory_space<vmem>>
    %dma_start3A_95 = tpu.memref_squeeze %dma_start3A_94 : memref<1x128xi32, #tpu.memory_space<vmem>> -> memref<128xi32, #tpu.memory_space<vmem>>
    %dma_start3A_96 = arith.constant 0 : i32
    %dma_start3A_97 = arith.constant 0 : i32
    %dma_start3A_98 = tpu.memref_slice %arg2[%dma_start3A_96, %dma_start3A_97] : memref<10000x64xf32, #tpu.memory_space<hbm>> -> memref<10000x64xf32, #tpu.memory_space<hbm>>
    %dma_start3A_99 = tpu.memref_slice %arg10[%dma_start3A_88] : memref<4x!tpu.dma_semaphore, #tpu.memory_space<semaphore_mem>> -> memref<1x!tpu.dma_semaphore, #tpu.memory_space<semaphore_mem>>
    %dma_start3A_100 = tpu.memref_squeeze %dma_start3A_99 : memref<1x!tpu.dma_semaphore, #tpu.memory_space<semaphore_mem>> -> memref<!tpu.dma_semaphore, #tpu.memory_space<semaphore_mem>>
    tpu.enqueue_indirect_dma source(%dma_start3A_98 : memref<10000x64xf32, #tpu.memory_space<hbm>>) target(%dma_start3A_92 : memref<128x64xf32, #tpu.memory_space<vmem>>) offsets(%dma_start3A_95 : memref<128xi32, #tpu.memory_space<vmem>>) semaphore(%dma_start3A_100 : memref<!tpu.dma_semaphore, #tpu.memory_space<semaphore_mem>>)
    %jit3A_101 = arith.constant 4 : i32
    %div3A = arith.divsi %select_n3A_8, %jit3A_101 : i32
    %sign3A = arith.constant 0 : i32
    %sign3A_102 = arith.cmpi sgt, %select_n3A_8, %sign3A : i32
    %sign3A_103 = arith.extui %sign3A_102 : i1 to i32
    %sign3A_104 = arith.constant 0 : i32
    %sign3A_105 = arith.cmpi slt, %select_n3A_8, %sign3A_104 : i32
    %sign3A_106 = arith.extui %sign3A_105 : i1 to i32
    %sign3A_107 = arith.subi %sign3A_103, %sign3A_106 : i32
    %sign3A_108 = arith.constant 0 : i32
    %sign3A_109 = arith.cmpi sgt, %jit3A_101, %sign3A_108 : i32
    %sign3A_110 = arith.extui %sign3A_109 : i1 to i32
    %sign3A_111 = arith.constant 0 : i32
    %sign3A_112 = arith.cmpi slt, %jit3A_101, %sign3A_111 : i32
    %sign3A_113 = arith.extui %sign3A_112 : i1 to i32
    %sign3A_114 = arith.subi %sign3A_110, %sign3A_113 : i32
    %ne3A_115 = arith.cmpi ne, %sign3A_107, %sign3A_114 : i32
    %rem3A = arith.remsi %select_n3A_8, %jit3A_101 : i32
    %ne3A_116 = arith.constant 0 : i32
    %ne3A_117 = arith.cmpi ne, %rem3A, %ne3A_116 : i32
    %and3A = arith.andi %ne3A_115, %ne3A_117 : i1
    %sub3A = arith.constant 1 : i32
    %sub3A_118 = arith.subi %div3A, %sub3A : i32
    %select_n3A_119 = arith.select %and3A, %sub3A_118, %div3A : i32
    %while3A = arith.constant 0 : i32
    %while3A_120 = arith.constant 0 : i32
    %while3A_121 = arith.subi %select_n3A_119, %while3A_120 : i32
    %while3A_122 = arith.addi %while3A_120, %while3A_121 : i32
    %while3A_123 = arith.constant 1 : i32
    %while3A_124 = arith.divsi %while3A_121, %while3A_123 : i32
    %while3A_125 = arith.muli %while3A_124, %while3A_123 : i32
    %while3A_126 = arith.addi %while3A_120, %while3A_125 : i32
    %while3A_127 = arith.constant 1 : i32
    scf.for %while3A_204 = %while3A_120 to %while3A_126 step %while3A_127  : i32 {
      %mul3A_205 = arith.constant 4 : i32
      %mul3A_206 = arith.muli %while3A_204, %mul3A_205 : i32
      %dma_wait3A_207 = arith.constant 0 : i32
      %dma_wait3A_208 = arith.constant 0 : i32
      %dma_wait3A_209 = arith.constant 0 : i32
      %dma_wait3A_210 = arith.constant 0 : i32
      %dma_wait3A_211 = arith.constant 0 : i32
      %dma_wait3A_212 = tpu.memref_slice %arg8[%dma_wait3A_208, %dma_wait3A_210, %dma_wait3A_211] : memref<4x128x64xf32, #tpu.memory_space<vmem>> -> memref<1x128x64xf32, #tpu.memory_space<vmem>>
      %dma_wait3A_213 = tpu.memref_squeeze %dma_wait3A_212 : memref<1x128x64xf32, #tpu.memory_space<vmem>> -> memref<128x64xf32, #tpu.memory_space<vmem>>
      %dma_wait3A_214 = arith.constant 0 : i32
      %dma_wait3A_215 = tpu.memref_slice %arg6[%dma_wait3A_207, %dma_wait3A_214] : memref<152x128xi32, #tpu.memory_space<vmem>> -> memref<1x128xi32, #tpu.memory_space<vmem>>
      %dma_wait3A_216 = tpu.memref_squeeze %dma_wait3A_215 : memref<1x128xi32, #tpu.memory_space<vmem>> -> memref<128xi32, #tpu.memory_space<vmem>>
      %dma_wait3A_217 = arith.constant 0 : i32
      %dma_wait3A_218 = arith.constant 0 : i32
      %dma_wait3A_219 = tpu.memref_slice %arg2[%dma_wait3A_217, %dma_wait3A_218] : memref<10000x64xf32, #tpu.memory_space<hbm>> -> memref<10000x64xf32, #tpu.memory_space<hbm>>
      %dma_wait3A_220 = tpu.memref_slice %arg10[%dma_wait3A_209] : memref<4x!tpu.dma_semaphore, #tpu.memory_space<semaphore_mem>> -> memref<1x!tpu.dma_semaphore, #tpu.memory_space<semaphore_mem>>
      %dma_wait3A_221 = tpu.memref_squeeze %dma_wait3A_220 : memref<1x!tpu.dma_semaphore, #tpu.memory_space<semaphore_mem>> -> memref<!tpu.dma_semaphore, #tpu.memory_space<semaphore_mem>>
      tpu.wait_indirect_dma semaphore(%dma_wait3A_221 : memref<!tpu.dma_semaphore, #tpu.memory_space<semaphore_mem>>) src(%dma_wait3A_219 : memref<10000x64xf32, #tpu.memory_space<hbm>>) dst(%dma_wait3A_213 : memref<128x64xf32, #tpu.memory_space<vmem>>)
      %add3A_222 = arith.constant 0 : i32
      %add3A_223 = arith.addi %mul3A_206, %add3A_222 : i32
      %dma_start3A_224 = arith.constant 0 : i32
      %dma_start3A_225 = arith.constant 0 : i32
      %dma_start3A_226 = arith.constant 0 : i32
      %dma_start3A_227 = arith.constant 0 : i32
      %dma_start3A_228 = tpu.memref_slice %arg8[%dma_start3A_224, %dma_start3A_226, %dma_start3A_227] : memref<4x128x64xf32, #tpu.memory_space<vmem>> -> memref<1x128x64xf32, #tpu.memory_space<vmem>>
      %dma_start3A_229 = tpu.memref_squeeze %dma_start3A_228 : memref<1x128x64xf32, #tpu.memory_space<vmem>> -> memref<128x64xf32, #tpu.memory_space<vmem>>
      %dma_start3A_230 = arith.constant 0 : i32
      %dma_start3A_231 = tpu.memref_slice %arg7[%add3A_223, %dma_start3A_230] : memref<152x128xi32, #tpu.memory_space<vmem>> -> memref<1x128xi32, #tpu.memory_space<vmem>>
      %dma_start3A_232 = tpu.memref_squeeze %dma_start3A_231 : memref<1x128xi32, #tpu.memory_space<vmem>> -> memref<128xi32, #tpu.memory_space<vmem>>
      %dma_start3A_233 = arith.constant 0 : i32
      %dma_start3A_234 = arith.constant 0 : i32
      %dma_start3A_235 = tpu.memref_slice %arg9[%dma_start3A_233, %dma_start3A_234] : memref<10008x64xf32, #tpu.memory_space<vmem_shared>> -> memref<10008x64xf32, #tpu.memory_space<vmem_shared>>
      %dma_start3A_236 = tpu.memref_slice %arg11[%dma_start3A_225] : memref<4x!tpu.dma_semaphore, #tpu.memory_space<semaphore_mem>> -> memref<1x!tpu.dma_semaphore, #tpu.memory_space<semaphore_mem>>
      %dma_start3A_237 = tpu.memref_squeeze %dma_start3A_236 : memref<1x!tpu.dma_semaphore, #tpu.memory_space<semaphore_mem>> -> memref<!tpu.dma_semaphore, #tpu.memory_space<semaphore_mem>>
      tpu.enqueue_indirect_dma source(%dma_start3A_229 : memref<128x64xf32, #tpu.memory_space<vmem>>) target(%dma_start3A_235 : memref<10008x64xf32, #tpu.memory_space<vmem_shared>>) offsets(%dma_start3A_232 : memref<128xi32, #tpu.memory_space<vmem>>) semaphore(%dma_start3A_237 : memref<!tpu.dma_semaphore, #tpu.memory_space<semaphore_mem>>) {add = true}
      %dma_wait3A_238 = arith.constant 0 : i32
      %dma_wait3A_239 = arith.constant 1 : i32
      %dma_wait3A_240 = arith.constant 1 : i32
      %dma_wait3A_241 = arith.constant 0 : i32
      %dma_wait3A_242 = arith.constant 0 : i32
      %dma_wait3A_243 = tpu.memref_slice %arg8[%dma_wait3A_239, %dma_wait3A_241, %dma_wait3A_242] : memref<4x128x64xf32, #tpu.memory_space<vmem>> -> memref<1x128x64xf32, #tpu.memory_space<vmem>>
      %dma_wait3A_244 = tpu.memref_squeeze %dma_wait3A_243 : memref<1x128x64xf32, #tpu.memory_space<vmem>> -> memref<128x64xf32, #tpu.memory_space<vmem>>
      %dma_wait3A_245 = arith.constant 0 : i32
      %dma_wait3A_246 = tpu.memref_slice %arg6[%dma_wait3A_238, %dma_wait3A_245] : memref<152x128xi32, #tpu.memory_space<vmem>> -> memref<1x128xi32, #tpu.memory_space<vmem>>
      %dma_wait3A_247 = tpu.memref_squeeze %dma_wait3A_246 : memref<1x128xi32, #tpu.memory_space<vmem>> -> memref<128xi32, #tpu.memory_space<vmem>>
      %dma_wait3A_248 = arith.constant 0 : i32
      %dma_wait3A_249 = arith.constant 0 : i32
      %dma_wait3A_250 = tpu.memref_slice %arg2[%dma_wait3A_248, %dma_wait3A_249] : memref<10000x64xf32, #tpu.memory_space<hbm>> -> memref<10000x64xf32, #tpu.memory_space<hbm>>
      %dma_wait3A_251 = tpu.memref_slice %arg10[%dma_wait3A_240] : memref<4x!tpu.dma_semaphore, #tpu.memory_space<semaphore_mem>> -> memref<1x!tpu.dma_semaphore, #tpu.memory_space<semaphore_mem>>
      %dma_wait3A_252 = tpu.memref_squeeze %dma_wait3A_251 : memref<1x!tpu.dma_semaphore, #tpu.memory_space<semaphore_mem>> -> memref<!tpu.dma_semaphore, #tpu.memory_space<semaphore_mem>>
      tpu.wait_indirect_dma semaphore(%dma_wait3A_252 : memref<!tpu.dma_semaphore, #tpu.memory_space<semaphore_mem>>) src(%dma_wait3A_250 : memref<10000x64xf32, #tpu.memory_space<hbm>>) dst(%dma_wait3A_244 : memref<128x64xf32, #tpu.memory_space<vmem>>)
      %add3A_253 = arith.constant 1 : i32
      %add3A_254 = arith.addi %mul3A_206, %add3A_253 : i32
      %dma_start3A_255 = arith.constant 1 : i32
      %dma_start3A_256 = arith.constant 1 : i32
      %dma_start3A_257 = arith.constant 0 : i32
      %dma_start3A_258 = arith.constant 0 : i32
      %dma_start3A_259 = tpu.memref_slice %arg8[%dma_start3A_255, %dma_start3A_257, %dma_start3A_258] : memref<4x128x64xf32, #tpu.memory_space<vmem>> -> memref<1x128x64xf32, #tpu.memory_space<vmem>>
      %dma_start3A_260 = tpu.memref_squeeze %dma_start3A_259 : memref<1x128x64xf32, #tpu.memory_space<vmem>> -> memref<128x64xf32, #tpu.memory_space<vmem>>
      %dma_start3A_261 = arith.constant 0 : i32
      %dma_start3A_262 = tpu.memref_slice %arg7[%add3A_254, %dma_start3A_261] : memref<152x128xi32, #tpu.memory_space<vmem>> -> memref<1x128xi32, #tpu.memory_space<vmem>>
      %dma_start3A_263 = tpu.memref_squeeze %dma_start3A_262 : memref<1x128xi32, #tpu.memory_space<vmem>> -> memref<128xi32, #tpu.memory_space<vmem>>
      %dma_start3A_264 = arith.constant 0 : i32
      %dma_start3A_265 = arith.constant 0 : i32
      %dma_start3A_266 = tpu.memref_slice %arg9[%dma_start3A_264, %dma_start3A_265] : memref<10008x64xf32, #tpu.memory_space<vmem_shared>> -> memref<10008x64xf32, #tpu.memory_space<vmem_shared>>
      %dma_start3A_267 = tpu.memref_slice %arg11[%dma_start3A_256] : memref<4x!tpu.dma_semaphore, #tpu.memory_space<semaphore_mem>> -> memref<1x!tpu.dma_semaphore, #tpu.memory_space<semaphore_mem>>
      %dma_start3A_268 = tpu.memref_squeeze %dma_start3A_267 : memref<1x!tpu.dma_semaphore, #tpu.memory_space<semaphore_mem>> -> memref<!tpu.dma_semaphore, #tpu.memory_space<semaphore_mem>>
      tpu.enqueue_indirect_dma source(%dma_start3A_260 : memref<128x64xf32, #tpu.memory_space<vmem>>) target(%dma_start3A_266 : memref<10008x64xf32, #tpu.memory_space<vmem_shared>>) offsets(%dma_start3A_263 : memref<128xi32, #tpu.memory_space<vmem>>) semaphore(%dma_start3A_268 : memref<!tpu.dma_semaphore, #tpu.memory_space<semaphore_mem>>) {add = true}
      %dma_wait3A_269 = arith.constant 0 : i32
      %dma_wait3A_270 = arith.constant 2 : i32
      %dma_wait3A_271 = arith.constant 2 : i32
      %dma_wait3A_272 = arith.constant 0 : i32
      %dma_wait3A_273 = arith.constant 0 : i32
      %dma_wait3A_274 = tpu.memref_slice %arg8[%dma_wait3A_270, %dma_wait3A_272, %dma_wait3A_273] : memref<4x128x64xf32, #tpu.memory_space<vmem>> -> memref<1x128x64xf32, #tpu.memory_space<vmem>>
      %dma_wait3A_275 = tpu.memref_squeeze %dma_wait3A_274 : memref<1x128x64xf32, #tpu.memory_space<vmem>> -> memref<128x64xf32, #tpu.memory_space<vmem>>
      %dma_wait3A_276 = arith.constant 0 : i32
      %dma_wait3A_277 = tpu.memref_slice %arg6[%dma_wait3A_269, %dma_wait3A_276] : memref<152x128xi32, #tpu.memory_space<vmem>> -> memref<1x128xi32, #tpu.memory_space<vmem>>
      %dma_wait3A_278 = tpu.memref_squeeze %dma_wait3A_277 : memref<1x128xi32, #tpu.memory_space<vmem>> -> memref<128xi32, #tpu.memory_space<vmem>>
      %dma_wait3A_279 = arith.constant 0 : i32
      %dma_wait3A_280 = arith.constant 0 : i32
      %dma_wait3A_281 = tpu.memref_slice %arg2[%dma_wait3A_279, %dma_wait3A_280] : memref<10000x64xf32, #tpu.memory_space<hbm>> -> memref<10000x64xf32, #tpu.memory_space<hbm>>
      %dma_wait3A_282 = tpu.memref_slice %arg10[%dma_wait3A_271] : memref<4x!tpu.dma_semaphore, #tpu.memory_space<semaphore_mem>> -> memref<1x!tpu.dma_semaphore, #tpu.memory_space<semaphore_mem>>
      %dma_wait3A_283 = tpu.memref_squeeze %dma_wait3A_282 : memref<1x!tpu.dma_semaphore, #tpu.memory_space<semaphore_mem>> -> memref<!tpu.dma_semaphore, #tpu.memory_space<semaphore_mem>>
      tpu.wait_indirect_dma semaphore(%dma_wait3A_283 : memref<!tpu.dma_semaphore, #tpu.memory_space<semaphore_mem>>) src(%dma_wait3A_281 : memref<10000x64xf32, #tpu.memory_space<hbm>>) dst(%dma_wait3A_275 : memref<128x64xf32, #tpu.memory_space<vmem>>)
      %add3A_284 = arith.constant 2 : i32
      %add3A_285 = arith.addi %mul3A_206, %add3A_284 : i32
      %dma_start3A_286 = arith.constant 2 : i32
      %dma_start3A_287 = arith.constant 2 : i32
      %dma_start3A_288 = arith.constant 0 : i32
      %dma_start3A_289 = arith.constant 0 : i32
      %dma_start3A_290 = tpu.memref_slice %arg8[%dma_start3A_286, %dma_start3A_288, %dma_start3A_289] : memref<4x128x64xf32, #tpu.memory_space<vmem>> -> memref<1x128x64xf32, #tpu.memory_space<vmem>>
      %dma_start3A_291 = tpu.memref_squeeze %dma_start3A_290 : memref<1x128x64xf32, #tpu.memory_space<vmem>> -> memref<128x64xf32, #tpu.memory_space<vmem>>
      %dma_start3A_292 = arith.constant 0 : i32
      %dma_start3A_293 = tpu.memref_slice %arg7[%add3A_285, %dma_start3A_292] : memref<152x128xi32, #tpu.memory_space<vmem>> -> memref<1x128xi32, #tpu.memory_space<vmem>>
      %dma_start3A_294 = tpu.memref_squeeze %dma_start3A_293 : memref<1x128xi32, #tpu.memory_space<vmem>> -> memref<128xi32, #tpu.memory_space<vmem>>
      %dma_start3A_295 = arith.constant 0 : i32
      %dma_start3A_296 = arith.constant 0 : i32
      %dma_start3A_297 = tpu.memref_slice %arg9[%dma_start3A_295, %dma_start3A_296] : memref<10008x64xf32, #tpu.memory_space<vmem_shared>> -> memref<10008x64xf32, #tpu.memory_space<vmem_shared>>
      %dma_start3A_298 = tpu.memref_slice %arg11[%dma_start3A_287] : memref<4x!tpu.dma_semaphore, #tpu.memory_space<semaphore_mem>> -> memref<1x!tpu.dma_semaphore, #tpu.memory_space<semaphore_mem>>
      %dma_start3A_299 = tpu.memref_squeeze %dma_start3A_298 : memref<1x!tpu.dma_semaphore, #tpu.memory_space<semaphore_mem>> -> memref<!tpu.dma_semaphore, #tpu.memory_space<semaphore_mem>>
      tpu.enqueue_indirect_dma source(%dma_start3A_291 : memref<128x64xf32, #tpu.memory_space<vmem>>) target(%dma_start3A_297 : memref<10008x64xf32, #tpu.memory_space<vmem_shared>>) offsets(%dma_start3A_294 : memref<128xi32, #tpu.memory_space<vmem>>) semaphore(%dma_start3A_299 : memref<!tpu.dma_semaphore, #tpu.memory_space<semaphore_mem>>) {add = true}
      %dma_wait3A_300 = arith.constant 0 : i32
      %dma_wait3A_301 = arith.constant 3 : i32
      %dma_wait3A_302 = arith.constant 3 : i32
      %dma_wait3A_303 = arith.constant 0 : i32
      %dma_wait3A_304 = arith.constant 0 : i32
      %dma_wait3A_305 = tpu.memref_slice %arg8[%dma_wait3A_301, %dma_wait3A_303, %dma_wait3A_304] : memref<4x128x64xf32, #tpu.memory_space<vmem>> -> memref<1x128x64xf32, #tpu.memory_space<vmem>>
      %dma_wait3A_306 = tpu.memref_squeeze %dma_wait3A_305 : memref<1x128x64xf32, #tpu.memory_space<vmem>> -> memref<128x64xf32, #tpu.memory_space<vmem>>
      %dma_wait3A_307 = arith.constant 0 : i32
      %dma_wait3A_308 = tpu.memref_slice %arg6[%dma_wait3A_300, %dma_wait3A_307] : memref<152x128xi32, #tpu.memory_space<vmem>> -> memref<1x128xi32, #tpu.memory_space<vmem>>
      %dma_wait3A_309 = tpu.memref_squeeze %dma_wait3A_308 : memref<1x128xi32, #tpu.memory_space<vmem>> -> memref<128xi32, #tpu.memory_space<vmem>>
      %dma_wait3A_310 = arith.constant 0 : i32
      %dma_wait3A_311 = arith.constant 0 : i32
      %dma_wait3A_312 = tpu.memref_slice %arg2[%dma_wait3A_310, %dma_wait3A_311] : memref<10000x64xf32, #tpu.memory_space<hbm>> -> memref<10000x64xf32, #tpu.memory_space<hbm>>
      %dma_wait3A_313 = tpu.memref_slice %arg10[%dma_wait3A_302] : memref<4x!tpu.dma_semaphore, #tpu.memory_space<semaphore_mem>> -> memref<1x!tpu.dma_semaphore, #tpu.memory_space<semaphore_mem>>
      %dma_wait3A_314 = tpu.memref_squeeze %dma_wait3A_313 : memref<1x!tpu.dma_semaphore, #tpu.memory_space<semaphore_mem>> -> memref<!tpu.dma_semaphore, #tpu.memory_space<semaphore_mem>>
      tpu.wait_indirect_dma semaphore(%dma_wait3A_314 : memref<!tpu.dma_semaphore, #tpu.memory_space<semaphore_mem>>) src(%dma_wait3A_312 : memref<10000x64xf32, #tpu.memory_space<hbm>>) dst(%dma_wait3A_306 : memref<128x64xf32, #tpu.memory_space<vmem>>)
      %add3A_315 = arith.constant 3 : i32
      %add3A_316 = arith.addi %mul3A_206, %add3A_315 : i32
      %dma_start3A_317 = arith.constant 3 : i32
      %dma_start3A_318 = arith.constant 3 : i32
      %dma_start3A_319 = arith.constant 0 : i32
      %dma_start3A_320 = arith.constant 0 : i32
      %dma_start3A_321 = tpu.memref_slice %arg8[%dma_start3A_317, %dma_start3A_319, %dma_start3A_320] : memref<4x128x64xf32, #tpu.memory_space<vmem>> -> memref<1x128x64xf32, #tpu.memory_space<vmem>>
      %dma_start3A_322 = tpu.memref_squeeze %dma_start3A_321 : memref<1x128x64xf32, #tpu.memory_space<vmem>> -> memref<128x64xf32, #tpu.memory_space<vmem>>
      %dma_start3A_323 = arith.constant 0 : i32
      %dma_start3A_324 = tpu.memref_slice %arg7[%add3A_316, %dma_start3A_323] : memref<152x128xi32, #tpu.memory_space<vmem>> -> memref<1x128xi32, #tpu.memory_space<vmem>>
      %dma_start3A_325 = tpu.memref_squeeze %dma_start3A_324 : memref<1x128xi32, #tpu.memory_space<vmem>> -> memref<128xi32, #tpu.memory_space<vmem>>
      %dma_start3A_326 = arith.constant 0 : i32
      %dma_start3A_327 = arith.constant 0 : i32
      %dma_start3A_328 = tpu.memref_slice %arg9[%dma_start3A_326, %dma_start3A_327] : memref<10008x64xf32, #tpu.memory_space<vmem_shared>> -> memref<10008x64xf32, #tpu.memory_space<vmem_shared>>
      %dma_start3A_329 = tpu.memref_slice %arg11[%dma_start3A_318] : memref<4x!tpu.dma_semaphore, #tpu.memory_space<semaphore_mem>> -> memref<1x!tpu.dma_semaphore, #tpu.memory_space<semaphore_mem>>
      %dma_start3A_330 = tpu.memref_squeeze %dma_start3A_329 : memref<1x!tpu.dma_semaphore, #tpu.memory_space<semaphore_mem>> -> memref<!tpu.dma_semaphore, #tpu.memory_space<semaphore_mem>>
      tpu.enqueue_indirect_dma source(%dma_start3A_322 : memref<128x64xf32, #tpu.memory_space<vmem>>) target(%dma_start3A_328 : memref<10008x64xf32, #tpu.memory_space<vmem_shared>>) offsets(%dma_start3A_325 : memref<128xi32, #tpu.memory_space<vmem>>) semaphore(%dma_start3A_330 : memref<!tpu.dma_semaphore, #tpu.memory_space<semaphore_mem>>) {add = true}
      %add3A_331 = arith.constant 0 : i32
      %add3A_332 = arith.addi %mul3A_206, %add3A_331 : i32
      %add3A_333 = arith.constant 4 : i32
      %add3A_334 = arith.addi %add3A_332, %add3A_333 : i32
      %lt3A_335 = arith.cmpi slt, %add3A_334, %select_n3A_8 : i32
      %convert_element_type3A_336 = arith.extui %lt3A_335 : i1 to i32
      %cond3A_337 = arith.constant 0 : i32
      %cond3A_338 = arith.cmpi ne, %convert_element_type3A_336, %cond3A_337 : i32
      scf.if %cond3A_338 {
        %dma_wait3A_363 = arith.constant 0 : i32
        %dma_wait3A_364 = arith.constant 0 : i32
        %dma_wait3A_365 = arith.constant 0 : i32
        %dma_wait3A_366 = arith.constant 0 : i32
        %dma_wait3A_367 = arith.constant 0 : i32
        %dma_wait3A_368 = tpu.memref_slice %arg8[%dma_wait3A_363, %dma_wait3A_366, %dma_wait3A_367] : memref<4x128x64xf32, #tpu.memory_space<vmem>> -> memref<1x128x64xf32, #tpu.memory_space<vmem>>
        %dma_wait3A_369 = tpu.memref_squeeze %dma_wait3A_368 : memref<1x128x64xf32, #tpu.memory_space<vmem>> -> memref<128x64xf32, #tpu.memory_space<vmem>>
        %dma_wait3A_370 = arith.constant 0 : i32
        %dma_wait3A_371 = tpu.memref_slice %arg7[%dma_wait3A_364, %dma_wait3A_370] : memref<152x128xi32, #tpu.memory_space<vmem>> -> memref<1x128xi32, #tpu.memory_space<vmem>>
        %dma_wait3A_372 = tpu.memref_squeeze %dma_wait3A_371 : memref<1x128xi32, #tpu.memory_space<vmem>> -> memref<128xi32, #tpu.memory_space<vmem>>
        %dma_wait3A_373 = arith.constant 0 : i32
        %dma_wait3A_374 = arith.constant 0 : i32
        %dma_wait3A_375 = tpu.memref_slice %arg9[%dma_wait3A_373, %dma_wait3A_374] : memref<10008x64xf32, #tpu.memory_space<vmem_shared>> -> memref<10008x64xf32, #tpu.memory_space<vmem_shared>>
        %dma_wait3A_376 = tpu.memref_slice %arg11[%dma_wait3A_365] : memref<4x!tpu.dma_semaphore, #tpu.memory_space<semaphore_mem>> -> memref<1x!tpu.dma_semaphore, #tpu.memory_space<semaphore_mem>>
        %dma_wait3A_377 = tpu.memref_squeeze %dma_wait3A_376 : memref<1x!tpu.dma_semaphore, #tpu.memory_space<semaphore_mem>> -> memref<!tpu.dma_semaphore, #tpu.memory_space<semaphore_mem>>
        tpu.wait_indirect_dma semaphore(%dma_wait3A_377 : memref<!tpu.dma_semaphore, #tpu.memory_space<semaphore_mem>>) src(%dma_wait3A_369 : memref<128x64xf32, #tpu.memory_space<vmem>>) dst(%dma_wait3A_375 : memref<10008x64xf32, #tpu.memory_space<vmem_shared>>)
        %dma_start3A_378 = arith.constant 0 : i32
        %dma_start3A_379 = arith.constant 0 : i32
        %dma_start3A_380 = arith.constant 0 : i32
        %dma_start3A_381 = arith.constant 0 : i32
        %dma_start3A_382 = tpu.memref_slice %arg8[%dma_start3A_378, %dma_start3A_380, %dma_start3A_381] : memref<4x128x64xf32, #tpu.memory_space<vmem>> -> memref<1x128x64xf32, #tpu.memory_space<vmem>>
        %dma_start3A_383 = tpu.memref_squeeze %dma_start3A_382 : memref<1x128x64xf32, #tpu.memory_space<vmem>> -> memref<128x64xf32, #tpu.memory_space<vmem>>
        %dma_start3A_384 = arith.constant 0 : i32
        %dma_start3A_385 = tpu.memref_slice %arg6[%add3A_334, %dma_start3A_384] : memref<152x128xi32, #tpu.memory_space<vmem>> -> memref<1x128xi32, #tpu.memory_space<vmem>>
        %dma_start3A_386 = tpu.memref_squeeze %dma_start3A_385 : memref<1x128xi32, #tpu.memory_space<vmem>> -> memref<128xi32, #tpu.memory_space<vmem>>
        %dma_start3A_387 = arith.constant 0 : i32
        %dma_start3A_388 = arith.constant 0 : i32
        %dma_start3A_389 = tpu.memref_slice %arg2[%dma_start3A_387, %dma_start3A_388] : memref<10000x64xf32, #tpu.memory_space<hbm>> -> memref<10000x64xf32, #tpu.memory_space<hbm>>
        %dma_start3A_390 = tpu.memref_slice %arg10[%dma_start3A_379] : memref<4x!tpu.dma_semaphore, #tpu.memory_space<semaphore_mem>> -> memref<1x!tpu.dma_semaphore, #tpu.memory_space<semaphore_mem>>
        %dma_start3A_391 = tpu.memref_squeeze %dma_start3A_390 : memref<1x!tpu.dma_semaphore, #tpu.memory_space<semaphore_mem>> -> memref<!tpu.dma_semaphore, #tpu.memory_space<semaphore_mem>>
        tpu.enqueue_indirect_dma source(%dma_start3A_389 : memref<10000x64xf32, #tpu.memory_space<hbm>>) target(%dma_start3A_383 : memref<128x64xf32, #tpu.memory_space<vmem>>) offsets(%dma_start3A_386 : memref<128xi32, #tpu.memory_space<vmem>>) semaphore(%dma_start3A_391 : memref<!tpu.dma_semaphore, #tpu.memory_space<semaphore_mem>>)
      } else {
      }
      %add3A_339 = arith.constant 1 : i32
      %add3A_340 = arith.addi %mul3A_206, %add3A_339 : i32
      %add3A_341 = arith.constant 4 : i32
      %add3A_342 = arith.addi %add3A_340, %add3A_341 : i32
      %lt3A_343 = arith.cmpi slt, %add3A_342, %select_n3A_8 : i32
      %convert_element_type3A_344 = arith.extui %lt3A_343 : i1 to i32
      %cond3A_345 = arith.constant 0 : i32
      %cond3A_346 = arith.cmpi ne, %convert_element_type3A_344, %cond3A_345 : i32
      scf.if %cond3A_346 {
        %dma_wait3A_363 = arith.constant 1 : i32
        %dma_wait3A_364 = arith.constant 0 : i32
        %dma_wait3A_365 = arith.constant 1 : i32
        %dma_wait3A_366 = arith.constant 0 : i32
        %dma_wait3A_367 = arith.constant 0 : i32
        %dma_wait3A_368 = tpu.memref_slice %arg8[%dma_wait3A_363, %dma_wait3A_366, %dma_wait3A_367] : memref<4x128x64xf32, #tpu.memory_space<vmem>> -> memref<1x128x64xf32, #tpu.memory_space<vmem>>
        %dma_wait3A_369 = tpu.memref_squeeze %dma_wait3A_368 : memref<1x128x64xf32, #tpu.memory_space<vmem>> -> memref<128x64xf32, #tpu.memory_space<vmem>>
        %dma_wait3A_370 = arith.constant 0 : i32
        %dma_wait3A_371 = tpu.memref_slice %arg7[%dma_wait3A_364, %dma_wait3A_370] : memref<152x128xi32, #tpu.memory_space<vmem>> -> memref<1x128xi32, #tpu.memory_space<vmem>>
        %dma_wait3A_372 = tpu.memref_squeeze %dma_wait3A_371 : memref<1x128xi32, #tpu.memory_space<vmem>> -> memref<128xi32, #tpu.memory_space<vmem>>
        %dma_wait3A_373 = arith.constant 0 : i32
        %dma_wait3A_374 = arith.constant 0 : i32
        %dma_wait3A_375 = tpu.memref_slice %arg9[%dma_wait3A_373, %dma_wait3A_374] : memref<10008x64xf32, #tpu.memory_space<vmem_shared>> -> memref<10008x64xf32, #tpu.memory_space<vmem_shared>>
        %dma_wait3A_376 = tpu.memref_slice %arg11[%dma_wait3A_365] : memref<4x!tpu.dma_semaphore, #tpu.memory_space<semaphore_mem>> -> memref<1x!tpu.dma_semaphore, #tpu.memory_space<semaphore_mem>>
        %dma_wait3A_377 = tpu.memref_squeeze %dma_wait3A_376 : memref<1x!tpu.dma_semaphore, #tpu.memory_space<semaphore_mem>> -> memref<!tpu.dma_semaphore, #tpu.memory_space<semaphore_mem>>
        tpu.wait_indirect_dma semaphore(%dma_wait3A_377 : memref<!tpu.dma_semaphore, #tpu.memory_space<semaphore_mem>>) src(%dma_wait3A_369 : memref<128x64xf32, #tpu.memory_space<vmem>>) dst(%dma_wait3A_375 : memref<10008x64xf32, #tpu.memory_space<vmem_shared>>)
        %dma_start3A_378 = arith.constant 1 : i32
        %dma_start3A_379 = arith.constant 1 : i32
        %dma_start3A_380 = arith.constant 0 : i32
        %dma_start3A_381 = arith.constant 0 : i32
        %dma_start3A_382 = tpu.memref_slice %arg8[%dma_start3A_378, %dma_start3A_380, %dma_start3A_381] : memref<4x128x64xf32, #tpu.memory_space<vmem>> -> memref<1x128x64xf32, #tpu.memory_space<vmem>>
        %dma_start3A_383 = tpu.memref_squeeze %dma_start3A_382 : memref<1x128x64xf32, #tpu.memory_space<vmem>> -> memref<128x64xf32, #tpu.memory_space<vmem>>
        %dma_start3A_384 = arith.constant 0 : i32
        %dma_start3A_385 = tpu.memref_slice %arg6[%add3A_342, %dma_start3A_384] : memref<152x128xi32, #tpu.memory_space<vmem>> -> memref<1x128xi32, #tpu.memory_space<vmem>>
        %dma_start3A_386 = tpu.memref_squeeze %dma_start3A_385 : memref<1x128xi32, #tpu.memory_space<vmem>> -> memref<128xi32, #tpu.memory_space<vmem>>
        %dma_start3A_387 = arith.constant 0 : i32
        %dma_start3A_388 = arith.constant 0 : i32
        %dma_start3A_389 = tpu.memref_slice %arg2[%dma_start3A_387, %dma_start3A_388] : memref<10000x64xf32, #tpu.memory_space<hbm>> -> memref<10000x64xf32, #tpu.memory_space<hbm>>
        %dma_start3A_390 = tpu.memref_slice %arg10[%dma_start3A_379] : memref<4x!tpu.dma_semaphore, #tpu.memory_space<semaphore_mem>> -> memref<1x!tpu.dma_semaphore, #tpu.memory_space<semaphore_mem>>
        %dma_start3A_391 = tpu.memref_squeeze %dma_start3A_390 : memref<1x!tpu.dma_semaphore, #tpu.memory_space<semaphore_mem>> -> memref<!tpu.dma_semaphore, #tpu.memory_space<semaphore_mem>>
        tpu.enqueue_indirect_dma source(%dma_start3A_389 : memref<10000x64xf32, #tpu.memory_space<hbm>>) target(%dma_start3A_383 : memref<128x64xf32, #tpu.memory_space<vmem>>) offsets(%dma_start3A_386 : memref<128xi32, #tpu.memory_space<vmem>>) semaphore(%dma_start3A_391 : memref<!tpu.dma_semaphore, #tpu.memory_space<semaphore_mem>>)
      } else {
      }
      %add3A_347 = arith.constant 2 : i32
      %add3A_348 = arith.addi %mul3A_206, %add3A_347 : i32
      %add3A_349 = arith.constant 4 : i32
      %add3A_350 = arith.addi %add3A_348, %add3A_349 : i32
      %lt3A_351 = arith.cmpi slt, %add3A_350, %select_n3A_8 : i32
      %convert_element_type3A_352 = arith.extui %lt3A_351 : i1 to i32
      %cond3A_353 = arith.constant 0 : i32
      %cond3A_354 = arith.cmpi ne, %convert_element_type3A_352, %cond3A_353 : i32
      scf.if %cond3A_354 {
        %dma_wait3A_363 = arith.constant 2 : i32
        %dma_wait3A_364 = arith.constant 0 : i32
        %dma_wait3A_365 = arith.constant 2 : i32
        %dma_wait3A_366 = arith.constant 0 : i32
        %dma_wait3A_367 = arith.constant 0 : i32
        %dma_wait3A_368 = tpu.memref_slice %arg8[%dma_wait3A_363, %dma_wait3A_366, %dma_wait3A_367] : memref<4x128x64xf32, #tpu.memory_space<vmem>> -> memref<1x128x64xf32, #tpu.memory_space<vmem>>
        %dma_wait3A_369 = tpu.memref_squeeze %dma_wait3A_368 : memref<1x128x64xf32, #tpu.memory_space<vmem>> -> memref<128x64xf32, #tpu.memory_space<vmem>>
        %dma_wait3A_370 = arith.constant 0 : i32
        %dma_wait3A_371 = tpu.memref_slice %arg7[%dma_wait3A_364, %dma_wait3A_370] : memref<152x128xi32, #tpu.memory_space<vmem>> -> memref<1x128xi32, #tpu.memory_space<vmem>>
        %dma_wait3A_372 = tpu.memref_squeeze %dma_wait3A_371 : memref<1x128xi32, #tpu.memory_space<vmem>> -> memref<128xi32, #tpu.memory_space<vmem>>
        %dma_wait3A_373 = arith.constant 0 : i32
        %dma_wait3A_374 = arith.constant 0 : i32
        %dma_wait3A_375 = tpu.memref_slice %arg9[%dma_wait3A_373, %dma_wait3A_374] : memref<10008x64xf32, #tpu.memory_space<vmem_shared>> -> memref<10008x64xf32, #tpu.memory_space<vmem_shared>>
        %dma_wait3A_376 = tpu.memref_slice %arg11[%dma_wait3A_365] : memref<4x!tpu.dma_semaphore, #tpu.memory_space<semaphore_mem>> -> memref<1x!tpu.dma_semaphore, #tpu.memory_space<semaphore_mem>>
        %dma_wait3A_377 = tpu.memref_squeeze %dma_wait3A_376 : memref<1x!tpu.dma_semaphore, #tpu.memory_space<semaphore_mem>> -> memref<!tpu.dma_semaphore, #tpu.memory_space<semaphore_mem>>
        tpu.wait_indirect_dma semaphore(%dma_wait3A_377 : memref<!tpu.dma_semaphore, #tpu.memory_space<semaphore_mem>>) src(%dma_wait3A_369 : memref<128x64xf32, #tpu.memory_space<vmem>>) dst(%dma_wait3A_375 : memref<10008x64xf32, #tpu.memory_space<vmem_shared>>)
        %dma_start3A_378 = arith.constant 2 : i32
        %dma_start3A_379 = arith.constant 2 : i32
        %dma_start3A_380 = arith.constant 0 : i32
        %dma_start3A_381 = arith.constant 0 : i32
        %dma_start3A_382 = tpu.memref_slice %arg8[%dma_start3A_378, %dma_start3A_380, %dma_start3A_381] : memref<4x128x64xf32, #tpu.memory_space<vmem>> -> memref<1x128x64xf32, #tpu.memory_space<vmem>>
        %dma_start3A_383 = tpu.memref_squeeze %dma_start3A_382 : memref<1x128x64xf32, #tpu.memory_space<vmem>> -> memref<128x64xf32, #tpu.memory_space<vmem>>
        %dma_start3A_384 = arith.constant 0 : i32
        %dma_start3A_385 = tpu.memref_slice %arg6[%add3A_350, %dma_start3A_384] : memref<152x128xi32, #tpu.memory_space<vmem>> -> memref<1x128xi32, #tpu.memory_space<vmem>>
        %dma_start3A_386 = tpu.memref_squeeze %dma_start3A_385 : memref<1x128xi32, #tpu.memory_space<vmem>> -> memref<128xi32, #tpu.memory_space<vmem>>
        %dma_start3A_387 = arith.constant 0 : i32
        %dma_start3A_388 = arith.constant 0 : i32
        %dma_start3A_389 = tpu.memref_slice %arg2[%dma_start3A_387, %dma_start3A_388] : memref<10000x64xf32, #tpu.memory_space<hbm>> -> memref<10000x64xf32, #tpu.memory_space<hbm>>
        %dma_start3A_390 = tpu.memref_slice %arg10[%dma_start3A_379] : memref<4x!tpu.dma_semaphore, #tpu.memory_space<semaphore_mem>> -> memref<1x!tpu.dma_semaphore, #tpu.memory_space<semaphore_mem>>
        %dma_start3A_391 = tpu.memref_squeeze %dma_start3A_390 : memref<1x!tpu.dma_semaphore, #tpu.memory_space<semaphore_mem>> -> memref<!tpu.dma_semaphore, #tpu.memory_space<semaphore_mem>>
        tpu.enqueue_indirect_dma source(%dma_start3A_389 : memref<10000x64xf32, #tpu.memory_space<hbm>>) target(%dma_start3A_383 : memref<128x64xf32, #tpu.memory_space<vmem>>) offsets(%dma_start3A_386 : memref<128xi32, #tpu.memory_space<vmem>>) semaphore(%dma_start3A_391 : memref<!tpu.dma_semaphore, #tpu.memory_space<semaphore_mem>>)
      } else {
      }
      %add3A_355 = arith.constant 3 : i32
      %add3A_356 = arith.addi %mul3A_206, %add3A_355 : i32
      %add3A_357 = arith.constant 4 : i32
      %add3A_358 = arith.addi %add3A_356, %add3A_357 : i32
      %lt3A_359 = arith.cmpi slt, %add3A_358, %select_n3A_8 : i32
      %convert_element_type3A_360 = arith.extui %lt3A_359 : i1 to i32
      %cond3A_361 = arith.constant 0 : i32
      %cond3A_362 = arith.cmpi ne, %convert_element_type3A_360, %cond3A_361 : i32
      scf.if %cond3A_362 {
        %dma_wait3A_363 = arith.constant 3 : i32
        %dma_wait3A_364 = arith.constant 0 : i32
        %dma_wait3A_365 = arith.constant 3 : i32
        %dma_wait3A_366 = arith.constant 0 : i32
        %dma_wait3A_367 = arith.constant 0 : i32
        %dma_wait3A_368 = tpu.memref_slice %arg8[%dma_wait3A_363, %dma_wait3A_366, %dma_wait3A_367] : memref<4x128x64xf32, #tpu.memory_space<vmem>> -> memref<1x128x64xf32, #tpu.memory_space<vmem>>
        %dma_wait3A_369 = tpu.memref_squeeze %dma_wait3A_368 : memref<1x128x64xf32, #tpu.memory_space<vmem>> -> memref<128x64xf32, #tpu.memory_space<vmem>>
        %dma_wait3A_370 = arith.constant 0 : i32
        %dma_wait3A_371 = tpu.memref_slice %arg7[%dma_wait3A_364, %dma_wait3A_370] : memref<152x128xi32, #tpu.memory_space<vmem>> -> memref<1x128xi32, #tpu.memory_space<vmem>>
        %dma_wait3A_372 = tpu.memref_squeeze %dma_wait3A_371 : memref<1x128xi32, #tpu.memory_space<vmem>> -> memref<128xi32, #tpu.memory_space<vmem>>
        %dma_wait3A_373 = arith.constant 0 : i32
        %dma_wait3A_374 = arith.constant 0 : i32
        %dma_wait3A_375 = tpu.memref_slice %arg9[%dma_wait3A_373, %dma_wait3A_374] : memref<10008x64xf32, #tpu.memory_space<vmem_shared>> -> memref<10008x64xf32, #tpu.memory_space<vmem_shared>>
        %dma_wait3A_376 = tpu.memref_slice %arg11[%dma_wait3A_365] : memref<4x!tpu.dma_semaphore, #tpu.memory_space<semaphore_mem>> -> memref<1x!tpu.dma_semaphore, #tpu.memory_space<semaphore_mem>>
        %dma_wait3A_377 = tpu.memref_squeeze %dma_wait3A_376 : memref<1x!tpu.dma_semaphore, #tpu.memory_space<semaphore_mem>> -> memref<!tpu.dma_semaphore, #tpu.memory_space<semaphore_mem>>
        tpu.wait_indirect_dma semaphore(%dma_wait3A_377 : memref<!tpu.dma_semaphore, #tpu.memory_space<semaphore_mem>>) src(%dma_wait3A_369 : memref<128x64xf32, #tpu.memory_space<vmem>>) dst(%dma_wait3A_375 : memref<10008x64xf32, #tpu.memory_space<vmem_shared>>)
        %dma_start3A_378 = arith.constant 3 : i32
        %dma_start3A_379 = arith.constant 3 : i32
        %dma_start3A_380 = arith.constant 0 : i32
        %dma_start3A_381 = arith.constant 0 : i32
        %dma_start3A_382 = tpu.memref_slice %arg8[%dma_start3A_378, %dma_start3A_380, %dma_start3A_381] : memref<4x128x64xf32, #tpu.memory_space<vmem>> -> memref<1x128x64xf32, #tpu.memory_space<vmem>>
        %dma_start3A_383 = tpu.memref_squeeze %dma_start3A_382 : memref<1x128x64xf32, #tpu.memory_space<vmem>> -> memref<128x64xf32, #tpu.memory_space<vmem>>
        %dma_start3A_384 = arith.constant 0 : i32
        %dma_start3A_385 = tpu.memref_slice %arg6[%add3A_358, %dma_start3A_384] : memref<152x128xi32, #tpu.memory_space<vmem>> -> memref<1x128xi32, #tpu.memory_space<vmem>>
        %dma_start3A_386 = tpu.memref_squeeze %dma_start3A_385 : memref<1x128xi32, #tpu.memory_space<vmem>> -> memref<128xi32, #tpu.memory_space<vmem>>
        %dma_start3A_387 = arith.constant 0 : i32
        %dma_start3A_388 = arith.constant 0 : i32
        %dma_start3A_389 = tpu.memref_slice %arg2[%dma_start3A_387, %dma_start3A_388] : memref<10000x64xf32, #tpu.memory_space<hbm>> -> memref<10000x64xf32, #tpu.memory_space<hbm>>
        %dma_start3A_390 = tpu.memref_slice %arg10[%dma_start3A_379] : memref<4x!tpu.dma_semaphore, #tpu.memory_space<semaphore_mem>> -> memref<1x!tpu.dma_semaphore, #tpu.memory_space<semaphore_mem>>
        %dma_start3A_391 = tpu.memref_squeeze %dma_start3A_390 : memref<1x!tpu.dma_semaphore, #tpu.memory_space<semaphore_mem>> -> memref<!tpu.dma_semaphore, #tpu.memory_space<semaphore_mem>>
        tpu.enqueue_indirect_dma source(%dma_start3A_389 : memref<10000x64xf32, #tpu.memory_space<hbm>>) target(%dma_start3A_383 : memref<128x64xf32, #tpu.memory_space<vmem>>) offsets(%dma_start3A_386 : memref<128xi32, #tpu.memory_space<vmem>>) semaphore(%dma_start3A_391 : memref<!tpu.dma_semaphore, #tpu.memory_space<semaphore_mem>>)
      } else {
      }
    }
    %while3A_128 = arith.constant 1 : i32
    scf.for %while3A_204 = %while3A_126 to %while3A_122 step %while3A_128  : i32 {
      %mul3A_205 = arith.constant 4 : i32
      %mul3A_206 = arith.muli %while3A_204, %mul3A_205 : i32
      %dma_wait3A_207 = arith.constant 0 : i32
      %dma_wait3A_208 = arith.constant 0 : i32
      %dma_wait3A_209 = arith.constant 0 : i32
      %dma_wait3A_210 = arith.constant 0 : i32
      %dma_wait3A_211 = arith.constant 0 : i32
      %dma_wait3A_212 = tpu.memref_slice %arg8[%dma_wait3A_208, %dma_wait3A_210, %dma_wait3A_211] : memref<4x128x64xf32, #tpu.memory_space<vmem>> -> memref<1x128x64xf32, #tpu.memory_space<vmem>>
      %dma_wait3A_213 = tpu.memref_squeeze %dma_wait3A_212 : memref<1x128x64xf32, #tpu.memory_space<vmem>> -> memref<128x64xf32, #tpu.memory_space<vmem>>
      %dma_wait3A_214 = arith.constant 0 : i32
      %dma_wait3A_215 = tpu.memref_slice %arg6[%dma_wait3A_207, %dma_wait3A_214] : memref<152x128xi32, #tpu.memory_space<vmem>> -> memref<1x128xi32, #tpu.memory_space<vmem>>
      %dma_wait3A_216 = tpu.memref_squeeze %dma_wait3A_215 : memref<1x128xi32, #tpu.memory_space<vmem>> -> memref<128xi32, #tpu.memory_space<vmem>>
      %dma_wait3A_217 = arith.constant 0 : i32
      %dma_wait3A_218 = arith.constant 0 : i32
      %dma_wait3A_219 = tpu.memref_slice %arg2[%dma_wait3A_217, %dma_wait3A_218] : memref<10000x64xf32, #tpu.memory_space<hbm>> -> memref<10000x64xf32, #tpu.memory_space<hbm>>
      %dma_wait3A_220 = tpu.memref_slice %arg10[%dma_wait3A_209] : memref<4x!tpu.dma_semaphore, #tpu.memory_space<semaphore_mem>> -> memref<1x!tpu.dma_semaphore, #tpu.memory_space<semaphore_mem>>
      %dma_wait3A_221 = tpu.memref_squeeze %dma_wait3A_220 : memref<1x!tpu.dma_semaphore, #tpu.memory_space<semaphore_mem>> -> memref<!tpu.dma_semaphore, #tpu.memory_space<semaphore_mem>>
      tpu.wait_indirect_dma semaphore(%dma_wait3A_221 : memref<!tpu.dma_semaphore, #tpu.memory_space<semaphore_mem>>) src(%dma_wait3A_219 : memref<10000x64xf32, #tpu.memory_space<hbm>>) dst(%dma_wait3A_213 : memref<128x64xf32, #tpu.memory_space<vmem>>)
      %add3A_222 = arith.constant 0 : i32
      %add3A_223 = arith.addi %mul3A_206, %add3A_222 : i32
      %dma_start3A_224 = arith.constant 0 : i32
      %dma_start3A_225 = arith.constant 0 : i32
      %dma_start3A_226 = arith.constant 0 : i32
      %dma_start3A_227 = arith.constant 0 : i32
      %dma_start3A_228 = tpu.memref_slice %arg8[%dma_start3A_224, %dma_start3A_226, %dma_start3A_227] : memref<4x128x64xf32, #tpu.memory_space<vmem>> -> memref<1x128x64xf32, #tpu.memory_space<vmem>>
      %dma_start3A_229 = tpu.memref_squeeze %dma_start3A_228 : memref<1x128x64xf32, #tpu.memory_space<vmem>> -> memref<128x64xf32, #tpu.memory_space<vmem>>
      %dma_start3A_230 = arith.constant 0 : i32
      %dma_start3A_231 = tpu.memref_slice %arg7[%add3A_223, %dma_start3A_230] : memref<152x128xi32, #tpu.memory_space<vmem>> -> memref<1x128xi32, #tpu.memory_space<vmem>>
      %dma_start3A_232 = tpu.memref_squeeze %dma_start3A_231 : memref<1x128xi32, #tpu.memory_space<vmem>> -> memref<128xi32, #tpu.memory_space<vmem>>
      %dma_start3A_233 = arith.constant 0 : i32
      %dma_start3A_234 = arith.constant 0 : i32
      %dma_start3A_235 = tpu.memref_slice %arg9[%dma_start3A_233, %dma_start3A_234] : memref<10008x64xf32, #tpu.memory_space<vmem_shared>> -> memref<10008x64xf32, #tpu.memory_space<vmem_shared>>
      %dma_start3A_236 = tpu.memref_slice %arg11[%dma_start3A_225] : memref<4x!tpu.dma_semaphore, #tpu.memory_space<semaphore_mem>> -> memref<1x!tpu.dma_semaphore, #tpu.memory_space<semaphore_mem>>
      %dma_start3A_237 = tpu.memref_squeeze %dma_start3A_236 : memref<1x!tpu.dma_semaphore, #tpu.memory_space<semaphore_mem>> -> memref<!tpu.dma_semaphore, #tpu.memory_space<semaphore_mem>>
      tpu.enqueue_indirect_dma source(%dma_start3A_229 : memref<128x64xf32, #tpu.memory_space<vmem>>) target(%dma_start3A_235 : memref<10008x64xf32, #tpu.memory_space<vmem_shared>>) offsets(%dma_start3A_232 : memref<128xi32, #tpu.memory_space<vmem>>) semaphore(%dma_start3A_237 : memref<!tpu.dma_semaphore, #tpu.memory_space<semaphore_mem>>) {add = true}
      %dma_wait3A_238 = arith.constant 0 : i32
      %dma_wait3A_239 = arith.constant 1 : i32
      %dma_wait3A_240 = arith.constant 1 : i32
      %dma_wait3A_241 = arith.constant 0 : i32
      %dma_wait3A_242 = arith.constant 0 : i32
      %dma_wait3A_243 = tpu.memref_slice %arg8[%dma_wait3A_239, %dma_wait3A_241, %dma_wait3A_242] : memref<4x128x64xf32, #tpu.memory_space<vmem>> -> memref<1x128x64xf32, #tpu.memory_space<vmem>>
      %dma_wait3A_244 = tpu.memref_squeeze %dma_wait3A_243 : memref<1x128x64xf32, #tpu.memory_space<vmem>> -> memref<128x64xf32, #tpu.memory_space<vmem>>
      %dma_wait3A_245 = arith.constant 0 : i32
      %dma_wait3A_246 = tpu.memref_slice %arg6[%dma_wait3A_238, %dma_wait3A_245] : memref<152x128xi32, #tpu.memory_space<vmem>> -> memref<1x128xi32, #tpu.memory_space<vmem>>
      %dma_wait3A_247 = tpu.memref_squeeze %dma_wait3A_246 : memref<1x128xi32, #tpu.memory_space<vmem>> -> memref<128xi32, #tpu.memory_space<vmem>>
      %dma_wait3A_248 = arith.constant 0 : i32
      %dma_wait3A_249 = arith.constant 0 : i32
      %dma_wait3A_250 = tpu.memref_slice %arg2[%dma_wait3A_248, %dma_wait3A_249] : memref<10000x64xf32, #tpu.memory_space<hbm>> -> memref<10000x64xf32, #tpu.memory_space<hbm>>
      %dma_wait3A_251 = tpu.memref_slice %arg10[%dma_wait3A_240] : memref<4x!tpu.dma_semaphore, #tpu.memory_space<semaphore_mem>> -> memref<1x!tpu.dma_semaphore, #tpu.memory_space<semaphore_mem>>
      %dma_wait3A_252 = tpu.memref_squeeze %dma_wait3A_251 : memref<1x!tpu.dma_semaphore, #tpu.memory_space<semaphore_mem>> -> memref<!tpu.dma_semaphore, #tpu.memory_space<semaphore_mem>>
      tpu.wait_indirect_dma semaphore(%dma_wait3A_252 : memref<!tpu.dma_semaphore, #tpu.memory_space<semaphore_mem>>) src(%dma_wait3A_250 : memref<10000x64xf32, #tpu.memory_space<hbm>>) dst(%dma_wait3A_244 : memref<128x64xf32, #tpu.memory_space<vmem>>)
      %add3A_253 = arith.constant 1 : i32
      %add3A_254 = arith.addi %mul3A_206, %add3A_253 : i32
      %dma_start3A_255 = arith.constant 1 : i32
      %dma_start3A_256 = arith.constant 1 : i32
      %dma_start3A_257 = arith.constant 0 : i32
      %dma_start3A_258 = arith.constant 0 : i32
      %dma_start3A_259 = tpu.memref_slice %arg8[%dma_start3A_255, %dma_start3A_257, %dma_start3A_258] : memref<4x128x64xf32, #tpu.memory_space<vmem>> -> memref<1x128x64xf32, #tpu.memory_space<vmem>>
      %dma_start3A_260 = tpu.memref_squeeze %dma_start3A_259 : memref<1x128x64xf32, #tpu.memory_space<vmem>> -> memref<128x64xf32, #tpu.memory_space<vmem>>
      %dma_start3A_261 = arith.constant 0 : i32
      %dma_start3A_262 = tpu.memref_slice %arg7[%add3A_254, %dma_start3A_261] : memref<152x128xi32, #tpu.memory_space<vmem>> -> memref<1x128xi32, #tpu.memory_space<vmem>>
      %dma_start3A_263 = tpu.memref_squeeze %dma_start3A_262 : memref<1x128xi32, #tpu.memory_space<vmem>> -> memref<128xi32, #tpu.memory_space<vmem>>
      %dma_start3A_264 = arith.constant 0 : i32
      %dma_start3A_265 = arith.constant 0 : i32
      %dma_start3A_266 = tpu.memref_slice %arg9[%dma_start3A_264, %dma_start3A_265] : memref<10008x64xf32, #tpu.memory_space<vmem_shared>> -> memref<10008x64xf32, #tpu.memory_space<vmem_shared>>
      %dma_start3A_267 = tpu.memref_slice %arg11[%dma_start3A_256] : memref<4x!tpu.dma_semaphore, #tpu.memory_space<semaphore_mem>> -> memref<1x!tpu.dma_semaphore, #tpu.memory_space<semaphore_mem>>
      %dma_start3A_268 = tpu.memref_squeeze %dma_start3A_267 : memref<1x!tpu.dma_semaphore, #tpu.memory_space<semaphore_mem>> -> memref<!tpu.dma_semaphore, #tpu.memory_space<semaphore_mem>>
      tpu.enqueue_indirect_dma source(%dma_start3A_260 : memref<128x64xf32, #tpu.memory_space<vmem>>) target(%dma_start3A_266 : memref<10008x64xf32, #tpu.memory_space<vmem_shared>>) offsets(%dma_start3A_263 : memref<128xi32, #tpu.memory_space<vmem>>) semaphore(%dma_start3A_268 : memref<!tpu.dma_semaphore, #tpu.memory_space<semaphore_mem>>) {add = true}
      %dma_wait3A_269 = arith.constant 0 : i32
      %dma_wait3A_270 = arith.constant 2 : i32
      %dma_wait3A_271 = arith.constant 2 : i32
      %dma_wait3A_272 = arith.constant 0 : i32
      %dma_wait3A_273 = arith.constant 0 : i32
      %dma_wait3A_274 = tpu.memref_slice %arg8[%dma_wait3A_270, %dma_wait3A_272, %dma_wait3A_273] : memref<4x128x64xf32, #tpu.memory_space<vmem>> -> memref<1x128x64xf32, #tpu.memory_space<vmem>>
      %dma_wait3A_275 = tpu.memref_squeeze %dma_wait3A_274 : memref<1x128x64xf32, #tpu.memory_space<vmem>> -> memref<128x64xf32, #tpu.memory_space<vmem>>
      %dma_wait3A_276 = arith.constant 0 : i32
      %dma_wait3A_277 = tpu.memref_slice %arg6[%dma_wait3A_269, %dma_wait3A_276] : memref<152x128xi32, #tpu.memory_space<vmem>> -> memref<1x128xi32, #tpu.memory_space<vmem>>
      %dma_wait3A_278 = tpu.memref_squeeze %dma_wait3A_277 : memref<1x128xi32, #tpu.memory_space<vmem>> -> memref<128xi32, #tpu.memory_space<vmem>>
      %dma_wait3A_279 = arith.constant 0 : i32
      %dma_wait3A_280 = arith.constant 0 : i32
      %dma_wait3A_281 = tpu.memref_slice %arg2[%dma_wait3A_279, %dma_wait3A_280] : memref<10000x64xf32, #tpu.memory_space<hbm>> -> memref<10000x64xf32, #tpu.memory_space<hbm>>
      %dma_wait3A_282 = tpu.memref_slice %arg10[%dma_wait3A_271] : memref<4x!tpu.dma_semaphore, #tpu.memory_space<semaphore_mem>> -> memref<1x!tpu.dma_semaphore, #tpu.memory_space<semaphore_mem>>
      %dma_wait3A_283 = tpu.memref_squeeze %dma_wait3A_282 : memref<1x!tpu.dma_semaphore, #tpu.memory_space<semaphore_mem>> -> memref<!tpu.dma_semaphore, #tpu.memory_space<semaphore_mem>>
      tpu.wait_indirect_dma semaphore(%dma_wait3A_283 : memref<!tpu.dma_semaphore, #tpu.memory_space<semaphore_mem>>) src(%dma_wait3A_281 : memref<10000x64xf32, #tpu.memory_space<hbm>>) dst(%dma_wait3A_275 : memref<128x64xf32, #tpu.memory_space<vmem>>)
      %add3A_284 = arith.constant 2 : i32
      %add3A_285 = arith.addi %mul3A_206, %add3A_284 : i32
      %dma_start3A_286 = arith.constant 2 : i32
      %dma_start3A_287 = arith.constant 2 : i32
      %dma_start3A_288 = arith.constant 0 : i32
      %dma_start3A_289 = arith.constant 0 : i32
      %dma_start3A_290 = tpu.memref_slice %arg8[%dma_start3A_286, %dma_start3A_288, %dma_start3A_289] : memref<4x128x64xf32, #tpu.memory_space<vmem>> -> memref<1x128x64xf32, #tpu.memory_space<vmem>>
      %dma_start3A_291 = tpu.memref_squeeze %dma_start3A_290 : memref<1x128x64xf32, #tpu.memory_space<vmem>> -> memref<128x64xf32, #tpu.memory_space<vmem>>
      %dma_start3A_292 = arith.constant 0 : i32
      %dma_start3A_293 = tpu.memref_slice %arg7[%add3A_285, %dma_start3A_292] : memref<152x128xi32, #tpu.memory_space<vmem>> -> memref<1x128xi32, #tpu.memory_space<vmem>>
      %dma_start3A_294 = tpu.memref_squeeze %dma_start3A_293 : memref<1x128xi32, #tpu.memory_space<vmem>> -> memref<128xi32, #tpu.memory_space<vmem>>
      %dma_start3A_295 = arith.constant 0 : i32
      %dma_start3A_296 = arith.constant 0 : i32
      %dma_start3A_297 = tpu.memref_slice %arg9[%dma_start3A_295, %dma_start3A_296] : memref<10008x64xf32, #tpu.memory_space<vmem_shared>> -> memref<10008x64xf32, #tpu.memory_space<vmem_shared>>
      %dma_start3A_298 = tpu.memref_slice %arg11[%dma_start3A_287] : memref<4x!tpu.dma_semaphore, #tpu.memory_space<semaphore_mem>> -> memref<1x!tpu.dma_semaphore, #tpu.memory_space<semaphore_mem>>
      %dma_start3A_299 = tpu.memref_squeeze %dma_start3A_298 : memref<1x!tpu.dma_semaphore, #tpu.memory_space<semaphore_mem>> -> memref<!tpu.dma_semaphore, #tpu.memory_space<semaphore_mem>>
      tpu.enqueue_indirect_dma source(%dma_start3A_291 : memref<128x64xf32, #tpu.memory_space<vmem>>) target(%dma_start3A_297 : memref<10008x64xf32, #tpu.memory_space<vmem_shared>>) offsets(%dma_start3A_294 : memref<128xi32, #tpu.memory_space<vmem>>) semaphore(%dma_start3A_299 : memref<!tpu.dma_semaphore, #tpu.memory_space<semaphore_mem>>) {add = true}
      %dma_wait3A_300 = arith.constant 0 : i32
      %dma_wait3A_301 = arith.constant 3 : i32
      %dma_wait3A_302 = arith.constant 3 : i32
      %dma_wait3A_303 = arith.constant 0 : i32
      %dma_wait3A_304 = arith.constant 0 : i32
      %dma_wait3A_305 = tpu.memref_slice %arg8[%dma_wait3A_301, %dma_wait3A_303, %dma_wait3A_304] : memref<4x128x64xf32, #tpu.memory_space<vmem>> -> memref<1x128x64xf32, #tpu.memory_space<vmem>>
      %dma_wait3A_306 = tpu.memref_squeeze %dma_wait3A_305 : memref<1x128x64xf32, #tpu.memory_space<vmem>> -> memref<128x64xf32, #tpu.memory_space<vmem>>
      %dma_wait3A_307 = arith.constant 0 : i32
      %dma_wait3A_308 = tpu.memref_slice %arg6[%dma_wait3A_300, %dma_wait3A_307] : memref<152x128xi32, #tpu.memory_space<vmem>> -> memref<1x128xi32, #tpu.memory_space<vmem>>
      %dma_wait3A_309 = tpu.memref_squeeze %dma_wait3A_308 : memref<1x128xi32, #tpu.memory_space<vmem>> -> memref<128xi32, #tpu.memory_space<vmem>>
      %dma_wait3A_310 = arith.constant 0 : i32
      %dma_wait3A_311 = arith.constant 0 : i32
      %dma_wait3A_312 = tpu.memref_slice %arg2[%dma_wait3A_310, %dma_wait3A_311] : memref<10000x64xf32, #tpu.memory_space<hbm>> -> memref<10000x64xf32, #tpu.memory_space<hbm>>
      %dma_wait3A_313 = tpu.memref_slice %arg10[%dma_wait3A_302] : memref<4x!tpu.dma_semaphore, #tpu.memory_space<semaphore_mem>> -> memref<1x!tpu.dma_semaphore, #tpu.memory_space<semaphore_mem>>
      %dma_wait3A_314 = tpu.memref_squeeze %dma_wait3A_313 : memref<1x!tpu.dma_semaphore, #tpu.memory_space<semaphore_mem>> -> memref<!tpu.dma_semaphore, #tpu.memory_space<semaphore_mem>>
      tpu.wait_indirect_dma semaphore(%dma_wait3A_314 : memref<!tpu.dma_semaphore, #tpu.memory_space<semaphore_mem>>) src(%dma_wait3A_312 : memref<10000x64xf32, #tpu.memory_space<hbm>>) dst(%dma_wait3A_306 : memref<128x64xf32, #tpu.memory_space<vmem>>)
      %add3A_315 = arith.constant 3 : i32
      %add3A_316 = arith.addi %mul3A_206, %add3A_315 : i32
      %dma_start3A_317 = arith.constant 3 : i32
      %dma_start3A_318 = arith.constant 3 : i32
      %dma_start3A_319 = arith.constant 0 : i32
      %dma_start3A_320 = arith.constant 0 : i32
      %dma_start3A_321 = tpu.memref_slice %arg8[%dma_start3A_317, %dma_start3A_319, %dma_start3A_320] : memref<4x128x64xf32, #tpu.memory_space<vmem>> -> memref<1x128x64xf32, #tpu.memory_space<vmem>>
      %dma_start3A_322 = tpu.memref_squeeze %dma_start3A_321 : memref<1x128x64xf32, #tpu.memory_space<vmem>> -> memref<128x64xf32, #tpu.memory_space<vmem>>
      %dma_start3A_323 = arith.constant 0 : i32
      %dma_start3A_324 = tpu.memref_slice %arg7[%add3A_316, %dma_start3A_323] : memref<152x128xi32, #tpu.memory_space<vmem>> -> memref<1x128xi32, #tpu.memory_space<vmem>>
      %dma_start3A_325 = tpu.memref_squeeze %dma_start3A_324 : memref<1x128xi32, #tpu.memory_space<vmem>> -> memref<128xi32, #tpu.memory_space<vmem>>
      %dma_start3A_326 = arith.constant 0 : i32
      %dma_start3A_327 = arith.constant 0 : i32
      %dma_start3A_328 = tpu.memref_slice %arg9[%dma_start3A_326, %dma_start3A_327] : memref<10008x64xf32, #tpu.memory_space<vmem_shared>> -> memref<10008x64xf32, #tpu.memory_space<vmem_shared>>
      %dma_start3A_329 = tpu.memref_slice %arg11[%dma_start3A_318] : memref<4x!tpu.dma_semaphore, #tpu.memory_space<semaphore_mem>> -> memref<1x!tpu.dma_semaphore, #tpu.memory_space<semaphore_mem>>
      %dma_start3A_330 = tpu.memref_squeeze %dma_start3A_329 : memref<1x!tpu.dma_semaphore, #tpu.memory_space<semaphore_mem>> -> memref<!tpu.dma_semaphore, #tpu.memory_space<semaphore_mem>>
      tpu.enqueue_indirect_dma source(%dma_start3A_322 : memref<128x64xf32, #tpu.memory_space<vmem>>) target(%dma_start3A_328 : memref<10008x64xf32, #tpu.memory_space<vmem_shared>>) offsets(%dma_start3A_325 : memref<128xi32, #tpu.memory_space<vmem>>) semaphore(%dma_start3A_330 : memref<!tpu.dma_semaphore, #tpu.memory_space<semaphore_mem>>) {add = true}
      %add3A_331 = arith.constant 0 : i32
      %add3A_332 = arith.addi %mul3A_206, %add3A_331 : i32
      %add3A_333 = arith.constant 4 : i32
      %add3A_334 = arith.addi %add3A_332, %add3A_333 : i32
      %lt3A_335 = arith.cmpi slt, %add3A_334, %select_n3A_8 : i32
      %convert_element_type3A_336 = arith.extui %lt3A_335 : i1 to i32
      %cond3A_337 = arith.constant 0 : i32
      %cond3A_338 = arith.cmpi ne, %convert_element_type3A_336, %cond3A_337 : i32
      scf.if %cond3A_338 {
        %dma_wait3A_363 = arith.constant 0 : i32
        %dma_wait3A_364 = arith.constant 0 : i32
        %dma_wait3A_365 = arith.constant 0 : i32
        %dma_wait3A_366 = arith.constant 0 : i32
        %dma_wait3A_367 = arith.constant 0 : i32
        %dma_wait3A_368 = tpu.memref_slice %arg8[%dma_wait3A_363, %dma_wait3A_366, %dma_wait3A_367] : memref<4x128x64xf32, #tpu.memory_space<vmem>> -> memref<1x128x64xf32, #tpu.memory_space<vmem>>
        %dma_wait3A_369 = tpu.memref_squeeze %dma_wait3A_368 : memref<1x128x64xf32, #tpu.memory_space<vmem>> -> memref<128x64xf32, #tpu.memory_space<vmem>>
        %dma_wait3A_370 = arith.constant 0 : i32
        %dma_wait3A_371 = tpu.memref_slice %arg7[%dma_wait3A_364, %dma_wait3A_370] : memref<152x128xi32, #tpu.memory_space<vmem>> -> memref<1x128xi32, #tpu.memory_space<vmem>>
        %dma_wait3A_372 = tpu.memref_squeeze %dma_wait3A_371 : memref<1x128xi32, #tpu.memory_space<vmem>> -> memref<128xi32, #tpu.memory_space<vmem>>
        %dma_wait3A_373 = arith.constant 0 : i32
        %dma_wait3A_374 = arith.constant 0 : i32
        %dma_wait3A_375 = tpu.memref_slice %arg9[%dma_wait3A_373, %dma_wait3A_374] : memref<10008x64xf32, #tpu.memory_space<vmem_shared>> -> memref<10008x64xf32, #tpu.memory_space<vmem_shared>>
        %dma_wait3A_376 = tpu.memref_slice %arg11[%dma_wait3A_365] : memref<4x!tpu.dma_semaphore, #tpu.memory_space<semaphore_mem>> -> memref<1x!tpu.dma_semaphore, #tpu.memory_space<semaphore_mem>>
        %dma_wait3A_377 = tpu.memref_squeeze %dma_wait3A_376 : memref<1x!tpu.dma_semaphore, #tpu.memory_space<semaphore_mem>> -> memref<!tpu.dma_semaphore, #tpu.memory_space<semaphore_mem>>
        tpu.wait_indirect_dma semaphore(%dma_wait3A_377 : memref<!tpu.dma_semaphore, #tpu.memory_space<semaphore_mem>>) src(%dma_wait3A_369 : memref<128x64xf32, #tpu.memory_space<vmem>>) dst(%dma_wait3A_375 : memref<10008x64xf32, #tpu.memory_space<vmem_shared>>)
        %dma_start3A_378 = arith.constant 0 : i32
        %dma_start3A_379 = arith.constant 0 : i32
        %dma_start3A_380 = arith.constant 0 : i32
        %dma_start3A_381 = arith.constant 0 : i32
        %dma_start3A_382 = tpu.memref_slice %arg8[%dma_start3A_378, %dma_start3A_380, %dma_start3A_381] : memref<4x128x64xf32, #tpu.memory_space<vmem>> -> memref<1x128x64xf32, #tpu.memory_space<vmem>>
        %dma_start3A_383 = tpu.memref_squeeze %dma_start3A_382 : memref<1x128x64xf32, #tpu.memory_space<vmem>> -> memref<128x64xf32, #tpu.memory_space<vmem>>
        %dma_start3A_384 = arith.constant 0 : i32
        %dma_start3A_385 = tpu.memref_slice %arg6[%add3A_334, %dma_start3A_384] : memref<152x128xi32, #tpu.memory_space<vmem>> -> memref<1x128xi32, #tpu.memory_space<vmem>>
        %dma_start3A_386 = tpu.memref_squeeze %dma_start3A_385 : memref<1x128xi32, #tpu.memory_space<vmem>> -> memref<128xi32, #tpu.memory_space<vmem>>
        %dma_start3A_387 = arith.constant 0 : i32
        %dma_start3A_388 = arith.constant 0 : i32
        %dma_start3A_389 = tpu.memref_slice %arg2[%dma_start3A_387, %dma_start3A_388] : memref<10000x64xf32, #tpu.memory_space<hbm>> -> memref<10000x64xf32, #tpu.memory_space<hbm>>
        %dma_start3A_390 = tpu.memref_slice %arg10[%dma_start3A_379] : memref<4x!tpu.dma_semaphore, #tpu.memory_space<semaphore_mem>> -> memref<1x!tpu.dma_semaphore, #tpu.memory_space<semaphore_mem>>
        %dma_start3A_391 = tpu.memref_squeeze %dma_start3A_390 : memref<1x!tpu.dma_semaphore, #tpu.memory_space<semaphore_mem>> -> memref<!tpu.dma_semaphore, #tpu.memory_space<semaphore_mem>>
        tpu.enqueue_indirect_dma source(%dma_start3A_389 : memref<10000x64xf32, #tpu.memory_space<hbm>>) target(%dma_start3A_383 : memref<128x64xf32, #tpu.memory_space<vmem>>) offsets(%dma_start3A_386 : memref<128xi32, #tpu.memory_space<vmem>>) semaphore(%dma_start3A_391 : memref<!tpu.dma_semaphore, #tpu.memory_space<semaphore_mem>>)
      } else {
      }
      %add3A_339 = arith.constant 1 : i32
      %add3A_340 = arith.addi %mul3A_206, %add3A_339 : i32
      %add3A_341 = arith.constant 4 : i32
      %add3A_342 = arith.addi %add3A_340, %add3A_341 : i32
      %lt3A_343 = arith.cmpi slt, %add3A_342, %select_n3A_8 : i32
      %convert_element_type3A_344 = arith.extui %lt3A_343 : i1 to i32
      %cond3A_345 = arith.constant 0 : i32
      %cond3A_346 = arith.cmpi ne, %convert_element_type3A_344, %cond3A_345 : i32
      scf.if %cond3A_346 {
        %dma_wait3A_363 = arith.constant 1 : i32
        %dma_wait3A_364 = arith.constant 0 : i32
        %dma_wait3A_365 = arith.constant 1 : i32
        %dma_wait3A_366 = arith.constant 0 : i32
        %dma_wait3A_367 = arith.constant 0 : i32
        %dma_wait3A_368 = tpu.memref_slice %arg8[%dma_wait3A_363, %dma_wait3A_366, %dma_wait3A_367] : memref<4x128x64xf32, #tpu.memory_space<vmem>> -> memref<1x128x64xf32, #tpu.memory_space<vmem>>
        %dma_wait3A_369 = tpu.memref_squeeze %dma_wait3A_368 : memref<1x128x64xf32, #tpu.memory_space<vmem>> -> memref<128x64xf32, #tpu.memory_space<vmem>>
        %dma_wait3A_370 = arith.constant 0 : i32
        %dma_wait3A_371 = tpu.memref_slice %arg7[%dma_wait3A_364, %dma_wait3A_370] : memref<152x128xi32, #tpu.memory_space<vmem>> -> memref<1x128xi32, #tpu.memory_space<vmem>>
        %dma_wait3A_372 = tpu.memref_squeeze %dma_wait3A_371 : memref<1x128xi32, #tpu.memory_space<vmem>> -> memref<128xi32, #tpu.memory_space<vmem>>
        %dma_wait3A_373 = arith.constant 0 : i32
        %dma_wait3A_374 = arith.constant 0 : i32
        %dma_wait3A_375 = tpu.memref_slice %arg9[%dma_wait3A_373, %dma_wait3A_374] : memref<10008x64xf32, #tpu.memory_space<vmem_shared>> -> memref<10008x64xf32, #tpu.memory_space<vmem_shared>>
        %dma_wait3A_376 = tpu.memref_slice %arg11[%dma_wait3A_365] : memref<4x!tpu.dma_semaphore, #tpu.memory_space<semaphore_mem>> -> memref<1x!tpu.dma_semaphore, #tpu.memory_space<semaphore_mem>>
        %dma_wait3A_377 = tpu.memref_squeeze %dma_wait3A_376 : memref<1x!tpu.dma_semaphore, #tpu.memory_space<semaphore_mem>> -> memref<!tpu.dma_semaphore, #tpu.memory_space<semaphore_mem>>
        tpu.wait_indirect_dma semaphore(%dma_wait3A_377 : memref<!tpu.dma_semaphore, #tpu.memory_space<semaphore_mem>>) src(%dma_wait3A_369 : memref<128x64xf32, #tpu.memory_space<vmem>>) dst(%dma_wait3A_375 : memref<10008x64xf32, #tpu.memory_space<vmem_shared>>)
        %dma_start3A_378 = arith.constant 1 : i32
        %dma_start3A_379 = arith.constant 1 : i32
        %dma_start3A_380 = arith.constant 0 : i32
        %dma_start3A_381 = arith.constant 0 : i32
        %dma_start3A_382 = tpu.memref_slice %arg8[%dma_start3A_378, %dma_start3A_380, %dma_start3A_381] : memref<4x128x64xf32, #tpu.memory_space<vmem>> -> memref<1x128x64xf32, #tpu.memory_space<vmem>>
        %dma_start3A_383 = tpu.memref_squeeze %dma_start3A_382 : memref<1x128x64xf32, #tpu.memory_space<vmem>> -> memref<128x64xf32, #tpu.memory_space<vmem>>
        %dma_start3A_384 = arith.constant 0 : i32
        %dma_start3A_385 = tpu.memref_slice %arg6[%add3A_342, %dma_start3A_384] : memref<152x128xi32, #tpu.memory_space<vmem>> -> memref<1x128xi32, #tpu.memory_space<vmem>>
        %dma_start3A_386 = tpu.memref_squeeze %dma_start3A_385 : memref<1x128xi32, #tpu.memory_space<vmem>> -> memref<128xi32, #tpu.memory_space<vmem>>
        %dma_start3A_387 = arith.constant 0 : i32
        %dma_start3A_388 = arith.constant 0 : i32
        %dma_start3A_389 = tpu.memref_slice %arg2[%dma_start3A_387, %dma_start3A_388] : memref<10000x64xf32, #tpu.memory_space<hbm>> -> memref<10000x64xf32, #tpu.memory_space<hbm>>
        %dma_start3A_390 = tpu.memref_slice %arg10[%dma_start3A_379] : memref<4x!tpu.dma_semaphore, #tpu.memory_space<semaphore_mem>> -> memref<1x!tpu.dma_semaphore, #tpu.memory_space<semaphore_mem>>
        %dma_start3A_391 = tpu.memref_squeeze %dma_start3A_390 : memref<1x!tpu.dma_semaphore, #tpu.memory_space<semaphore_mem>> -> memref<!tpu.dma_semaphore, #tpu.memory_space<semaphore_mem>>
        tpu.enqueue_indirect_dma source(%dma_start3A_389 : memref<10000x64xf32, #tpu.memory_space<hbm>>) target(%dma_start3A_383 : memref<128x64xf32, #tpu.memory_space<vmem>>) offsets(%dma_start3A_386 : memref<128xi32, #tpu.memory_space<vmem>>) semaphore(%dma_start3A_391 : memref<!tpu.dma_semaphore, #tpu.memory_space<semaphore_mem>>)
      } else {
      }
      %add3A_347 = arith.constant 2 : i32
      %add3A_348 = arith.addi %mul3A_206, %add3A_347 : i32
      %add3A_349 = arith.constant 4 : i32
      %add3A_350 = arith.addi %add3A_348, %add3A_349 : i32
      %lt3A_351 = arith.cmpi slt, %add3A_350, %select_n3A_8 : i32
      %convert_element_type3A_352 = arith.extui %lt3A_351 : i1 to i32
      %cond3A_353 = arith.constant 0 : i32
      %cond3A_354 = arith.cmpi ne, %convert_element_type3A_352, %cond3A_353 : i32
      scf.if %cond3A_354 {
        %dma_wait3A_363 = arith.constant 2 : i32
        %dma_wait3A_364 = arith.constant 0 : i32
        %dma_wait3A_365 = arith.constant 2 : i32
        %dma_wait3A_366 = arith.constant 0 : i32
        %dma_wait3A_367 = arith.constant 0 : i32
        %dma_wait3A_368 = tpu.memref_slice %arg8[%dma_wait3A_363, %dma_wait3A_366, %dma_wait3A_367] : memref<4x128x64xf32, #tpu.memory_space<vmem>> -> memref<1x128x64xf32, #tpu.memory_space<vmem>>
        %dma_wait3A_369 = tpu.memref_squeeze %dma_wait3A_368 : memref<1x128x64xf32, #tpu.memory_space<vmem>> -> memref<128x64xf32, #tpu.memory_space<vmem>>
        %dma_wait3A_370 = arith.constant 0 : i32
        %dma_wait3A_371 = tpu.memref_slice %arg7[%dma_wait3A_364, %dma_wait3A_370] : memref<152x128xi32, #tpu.memory_space<vmem>> -> memref<1x128xi32, #tpu.memory_space<vmem>>
        %dma_wait3A_372 = tpu.memref_squeeze %dma_wait3A_371 : memref<1x128xi32, #tpu.memory_space<vmem>> -> memref<128xi32, #tpu.memory_space<vmem>>
        %dma_wait3A_373 = arith.constant 0 : i32
        %dma_wait3A_374 = arith.constant 0 : i32
        %dma_wait3A_375 = tpu.memref_slice %arg9[%dma_wait3A_373, %dma_wait3A_374] : memref<10008x64xf32, #tpu.memory_space<vmem_shared>> -> memref<10008x64xf32, #tpu.memory_space<vmem_shared>>
        %dma_wait3A_376 = tpu.memref_slice %arg11[%dma_wait3A_365] : memref<4x!tpu.dma_semaphore, #tpu.memory_space<semaphore_mem>> -> memref<1x!tpu.dma_semaphore, #tpu.memory_space<semaphore_mem>>
        %dma_wait3A_377 = tpu.memref_squeeze %dma_wait3A_376 : memref<1x!tpu.dma_semaphore, #tpu.memory_space<semaphore_mem>> -> memref<!tpu.dma_semaphore, #tpu.memory_space<semaphore_mem>>
        tpu.wait_indirect_dma semaphore(%dma_wait3A_377 : memref<!tpu.dma_semaphore, #tpu.memory_space<semaphore_mem>>) src(%dma_wait3A_369 : memref<128x64xf32, #tpu.memory_space<vmem>>) dst(%dma_wait3A_375 : memref<10008x64xf32, #tpu.memory_space<vmem_shared>>)
        %dma_start3A_378 = arith.constant 2 : i32
        %dma_start3A_379 = arith.constant 2 : i32
        %dma_start3A_380 = arith.constant 0 : i32
        %dma_start3A_381 = arith.constant 0 : i32
        %dma_start3A_382 = tpu.memref_slice %arg8[%dma_start3A_378, %dma_start3A_380, %dma_start3A_381] : memref<4x128x64xf32, #tpu.memory_space<vmem>> -> memref<1x128x64xf32, #tpu.memory_space<vmem>>
        %dma_start3A_383 = tpu.memref_squeeze %dma_start3A_382 : memref<1x128x64xf32, #tpu.memory_space<vmem>> -> memref<128x64xf32, #tpu.memory_space<vmem>>
        %dma_start3A_384 = arith.constant 0 : i32
        %dma_start3A_385 = tpu.memref_slice %arg6[%add3A_350, %dma_start3A_384] : memref<152x128xi32, #tpu.memory_space<vmem>> -> memref<1x128xi32, #tpu.memory_space<vmem>>
        %dma_start3A_386 = tpu.memref_squeeze %dma_start3A_385 : memref<1x128xi32, #tpu.memory_space<vmem>> -> memref<128xi32, #tpu.memory_space<vmem>>
        %dma_start3A_387 = arith.constant 0 : i32
        %dma_start3A_388 = arith.constant 0 : i32
        %dma_start3A_389 = tpu.memref_slice %arg2[%dma_start3A_387, %dma_start3A_388] : memref<10000x64xf32, #tpu.memory_space<hbm>> -> memref<10000x64xf32, #tpu.memory_space<hbm>>
        %dma_start3A_390 = tpu.memref_slice %arg10[%dma_start3A_379] : memref<4x!tpu.dma_semaphore, #tpu.memory_space<semaphore_mem>> -> memref<1x!tpu.dma_semaphore, #tpu.memory_space<semaphore_mem>>
        %dma_start3A_391 = tpu.memref_squeeze %dma_start3A_390 : memref<1x!tpu.dma_semaphore, #tpu.memory_space<semaphore_mem>> -> memref<!tpu.dma_semaphore, #tpu.memory_space<semaphore_mem>>
        tpu.enqueue_indirect_dma source(%dma_start3A_389 : memref<10000x64xf32, #tpu.memory_space<hbm>>) target(%dma_start3A_383 : memref<128x64xf32, #tpu.memory_space<vmem>>) offsets(%dma_start3A_386 : memref<128xi32, #tpu.memory_space<vmem>>) semaphore(%dma_start3A_391 : memref<!tpu.dma_semaphore, #tpu.memory_space<semaphore_mem>>)
      } else {
      }
      %add3A_355 = arith.constant 3 : i32
      %add3A_356 = arith.addi %mul3A_206, %add3A_355 : i32
      %add3A_357 = arith.constant 4 : i32
      %add3A_358 = arith.addi %add3A_356, %add3A_357 : i32
      %lt3A_359 = arith.cmpi slt, %add3A_358, %select_n3A_8 : i32
      %convert_element_type3A_360 = arith.extui %lt3A_359 : i1 to i32
      %cond3A_361 = arith.constant 0 : i32
      %cond3A_362 = arith.cmpi ne, %convert_element_type3A_360, %cond3A_361 : i32
      scf.if %cond3A_362 {
        %dma_wait3A_363 = arith.constant 3 : i32
        %dma_wait3A_364 = arith.constant 0 : i32
        %dma_wait3A_365 = arith.constant 3 : i32
        %dma_wait3A_366 = arith.constant 0 : i32
        %dma_wait3A_367 = arith.constant 0 : i32
        %dma_wait3A_368 = tpu.memref_slice %arg8[%dma_wait3A_363, %dma_wait3A_366, %dma_wait3A_367] : memref<4x128x64xf32, #tpu.memory_space<vmem>> -> memref<1x128x64xf32, #tpu.memory_space<vmem>>
        %dma_wait3A_369 = tpu.memref_squeeze %dma_wait3A_368 : memref<1x128x64xf32, #tpu.memory_space<vmem>> -> memref<128x64xf32, #tpu.memory_space<vmem>>
        %dma_wait3A_370 = arith.constant 0 : i32
        %dma_wait3A_371 = tpu.memref_slice %arg7[%dma_wait3A_364, %dma_wait3A_370] : memref<152x128xi32, #tpu.memory_space<vmem>> -> memref<1x128xi32, #tpu.memory_space<vmem>>
        %dma_wait3A_372 = tpu.memref_squeeze %dma_wait3A_371 : memref<1x128xi32, #tpu.memory_space<vmem>> -> memref<128xi32, #tpu.memory_space<vmem>>
        %dma_wait3A_373 = arith.constant 0 : i32
        %dma_wait3A_374 = arith.constant 0 : i32
        %dma_wait3A_375 = tpu.memref_slice %arg9[%dma_wait3A_373, %dma_wait3A_374] : memref<10008x64xf32, #tpu.memory_space<vmem_shared>> -> memref<10008x64xf32, #tpu.memory_space<vmem_shared>>
        %dma_wait3A_376 = tpu.memref_slice %arg11[%dma_wait3A_365] : memref<4x!tpu.dma_semaphore, #tpu.memory_space<semaphore_mem>> -> memref<1x!tpu.dma_semaphore, #tpu.memory_space<semaphore_mem>>
        %dma_wait3A_377 = tpu.memref_squeeze %dma_wait3A_376 : memref<1x!tpu.dma_semaphore, #tpu.memory_space<semaphore_mem>> -> memref<!tpu.dma_semaphore, #tpu.memory_space<semaphore_mem>>
        tpu.wait_indirect_dma semaphore(%dma_wait3A_377 : memref<!tpu.dma_semaphore, #tpu.memory_space<semaphore_mem>>) src(%dma_wait3A_369 : memref<128x64xf32, #tpu.memory_space<vmem>>) dst(%dma_wait3A_375 : memref<10008x64xf32, #tpu.memory_space<vmem_shared>>)
        %dma_start3A_378 = arith.constant 3 : i32
        %dma_start3A_379 = arith.constant 3 : i32
        %dma_start3A_380 = arith.constant 0 : i32
        %dma_start3A_381 = arith.constant 0 : i32
        %dma_start3A_382 = tpu.memref_slice %arg8[%dma_start3A_378, %dma_start3A_380, %dma_start3A_381] : memref<4x128x64xf32, #tpu.memory_space<vmem>> -> memref<1x128x64xf32, #tpu.memory_space<vmem>>
        %dma_start3A_383 = tpu.memref_squeeze %dma_start3A_382 : memref<1x128x64xf32, #tpu.memory_space<vmem>> -> memref<128x64xf32, #tpu.memory_space<vmem>>
        %dma_start3A_384 = arith.constant 0 : i32
        %dma_start3A_385 = tpu.memref_slice %arg6[%add3A_358, %dma_start3A_384] : memref<152x128xi32, #tpu.memory_space<vmem>> -> memref<1x128xi32, #tpu.memory_space<vmem>>
        %dma_start3A_386 = tpu.memref_squeeze %dma_start3A_385 : memref<1x128xi32, #tpu.memory_space<vmem>> -> memref<128xi32, #tpu.memory_space<vmem>>
        %dma_start3A_387 = arith.constant 0 : i32
        %dma_start3A_388 = arith.constant 0 : i32
        %dma_start3A_389 = tpu.memref_slice %arg2[%dma_start3A_387, %dma_start3A_388] : memref<10000x64xf32, #tpu.memory_space<hbm>> -> memref<10000x64xf32, #tpu.memory_space<hbm>>
        %dma_start3A_390 = tpu.memref_slice %arg10[%dma_start3A_379] : memref<4x!tpu.dma_semaphore, #tpu.memory_space<semaphore_mem>> -> memref<1x!tpu.dma_semaphore, #tpu.memory_space<semaphore_mem>>
        %dma_start3A_391 = tpu.memref_squeeze %dma_start3A_390 : memref<1x!tpu.dma_semaphore, #tpu.memory_space<semaphore_mem>> -> memref<!tpu.dma_semaphore, #tpu.memory_space<semaphore_mem>>
        tpu.enqueue_indirect_dma source(%dma_start3A_389 : memref<10000x64xf32, #tpu.memory_space<hbm>>) target(%dma_start3A_383 : memref<128x64xf32, #tpu.memory_space<vmem>>) offsets(%dma_start3A_386 : memref<128xi32, #tpu.memory_space<vmem>>) semaphore(%dma_start3A_391 : memref<!tpu.dma_semaphore, #tpu.memory_space<semaphore_mem>>)
      } else {
      }
    }
    %dma_wait3A = arith.constant 0 : i32
    %dma_wait3A_129 = arith.constant 0 : i32
    %dma_wait3A_130 = arith.constant 0 : i32
    %dma_wait3A_131 = arith.constant 0 : i32
    %dma_wait3A_132 = arith.constant 0 : i32
    %dma_wait3A_133 = tpu.memref_slice %arg8[%dma_wait3A, %dma_wait3A_131, %dma_wait3A_132] : memref<4x128x64xf32, #tpu.memory_space<vmem>> -> memref<1x128x64xf32, #tpu.memory_space<vmem>>
    %dma_wait3A_134 = tpu.memref_squeeze %dma_wait3A_133 : memref<1x128x64xf32, #tpu.memory_space<vmem>> -> memref<128x64xf32, #tpu.memory_space<vmem>>
    %dma_wait3A_135 = arith.constant 0 : i32
    %dma_wait3A_136 = tpu.memref_slice %arg7[%dma_wait3A_129, %dma_wait3A_135] : memref<152x128xi32, #tpu.memory_space<vmem>> -> memref<1x128xi32, #tpu.memory_space<vmem>>
    %dma_wait3A_137 = tpu.memref_squeeze %dma_wait3A_136 : memref<1x128xi32, #tpu.memory_space<vmem>> -> memref<128xi32, #tpu.memory_space<vmem>>
    %dma_wait3A_138 = arith.constant 0 : i32
    %dma_wait3A_139 = arith.constant 0 : i32
    %dma_wait3A_140 = tpu.memref_slice %arg9[%dma_wait3A_138, %dma_wait3A_139] : memref<10008x64xf32, #tpu.memory_space<vmem_shared>> -> memref<10008x64xf32, #tpu.memory_space<vmem_shared>>
    %dma_wait3A_141 = tpu.memref_slice %arg11[%dma_wait3A_130] : memref<4x!tpu.dma_semaphore, #tpu.memory_space<semaphore_mem>> -> memref<1x!tpu.dma_semaphore, #tpu.memory_space<semaphore_mem>>
    %dma_wait3A_142 = tpu.memref_squeeze %dma_wait3A_141 : memref<1x!tpu.dma_semaphore, #tpu.memory_space<semaphore_mem>> -> memref<!tpu.dma_semaphore, #tpu.memory_space<semaphore_mem>>
    tpu.wait_indirect_dma semaphore(%dma_wait3A_142 : memref<!tpu.dma_semaphore, #tpu.memory_space<semaphore_mem>>) src(%dma_wait3A_134 : memref<128x64xf32, #tpu.memory_space<vmem>>) dst(%dma_wait3A_140 : memref<10008x64xf32, #tpu.memory_space<vmem_shared>>)
    %dma_wait3A_143 = arith.constant 1 : i32
    %dma_wait3A_144 = arith.constant 0 : i32
    %dma_wait3A_145 = arith.constant 1 : i32
    %dma_wait3A_146 = arith.constant 0 : i32
    %dma_wait3A_147 = arith.constant 0 : i32
    %dma_wait3A_148 = tpu.memref_slice %arg8[%dma_wait3A_143, %dma_wait3A_146, %dma_wait3A_147] : memref<4x128x64xf32, #tpu.memory_space<vmem>> -> memref<1x128x64xf32, #tpu.memory_space<vmem>>
    %dma_wait3A_149 = tpu.memref_squeeze %dma_wait3A_148 : memref<1x128x64xf32, #tpu.memory_space<vmem>> -> memref<128x64xf32, #tpu.memory_space<vmem>>
    %dma_wait3A_150 = arith.constant 0 : i32
    %dma_wait3A_151 = tpu.memref_slice %arg7[%dma_wait3A_144, %dma_wait3A_150] : memref<152x128xi32, #tpu.memory_space<vmem>> -> memref<1x128xi32, #tpu.memory_space<vmem>>
    %dma_wait3A_152 = tpu.memref_squeeze %dma_wait3A_151 : memref<1x128xi32, #tpu.memory_space<vmem>> -> memref<128xi32, #tpu.memory_space<vmem>>
    %dma_wait3A_153 = arith.constant 0 : i32
    %dma_wait3A_154 = arith.constant 0 : i32
    %dma_wait3A_155 = tpu.memref_slice %arg9[%dma_wait3A_153, %dma_wait3A_154] : memref<10008x64xf32, #tpu.memory_space<vmem_shared>> -> memref<10008x64xf32, #tpu.memory_space<vmem_shared>>
    %dma_wait3A_156 = tpu.memref_slice %arg11[%dma_wait3A_145] : memref<4x!tpu.dma_semaphore, #tpu.memory_space<semaphore_mem>> -> memref<1x!tpu.dma_semaphore, #tpu.memory_space<semaphore_mem>>
    %dma_wait3A_157 = tpu.memref_squeeze %dma_wait3A_156 : memref<1x!tpu.dma_semaphore, #tpu.memory_space<semaphore_mem>> -> memref<!tpu.dma_semaphore, #tpu.memory_space<semaphore_mem>>
    tpu.wait_indirect_dma semaphore(%dma_wait3A_157 : memref<!tpu.dma_semaphore, #tpu.memory_space<semaphore_mem>>) src(%dma_wait3A_149 : memref<128x64xf32, #tpu.memory_space<vmem>>) dst(%dma_wait3A_155 : memref<10008x64xf32, #tpu.memory_space<vmem_shared>>)
    %dma_wait3A_158 = arith.constant 2 : i32
    %dma_wait3A_159 = arith.constant 0 : i32
    %dma_wait3A_160 = arith.constant 2 : i32
    %dma_wait3A_161 = arith.constant 0 : i32
    %dma_wait3A_162 = arith.constant 0 : i32
    %dma_wait3A_163 = tpu.memref_slice %arg8[%dma_wait3A_158, %dma_wait3A_161, %dma_wait3A_162] : memref<4x128x64xf32, #tpu.memory_space<vmem>> -> memref<1x128x64xf32, #tpu.memory_space<vmem>>
    %dma_wait3A_164 = tpu.memref_squeeze %dma_wait3A_163 : memref<1x128x64xf32, #tpu.memory_space<vmem>> -> memref<128x64xf32, #tpu.memory_space<vmem>>
    %dma_wait3A_165 = arith.constant 0 : i32
    %dma_wait3A_166 = tpu.memref_slice %arg7[%dma_wait3A_159, %dma_wait3A_165] : memref<152x128xi32, #tpu.memory_space<vmem>> -> memref<1x128xi32, #tpu.memory_space<vmem>>
    %dma_wait3A_167 = tpu.memref_squeeze %dma_wait3A_166 : memref<1x128xi32, #tpu.memory_space<vmem>> -> memref<128xi32, #tpu.memory_space<vmem>>
    %dma_wait3A_168 = arith.constant 0 : i32
    %dma_wait3A_169 = arith.constant 0 : i32
    %dma_wait3A_170 = tpu.memref_slice %arg9[%dma_wait3A_168, %dma_wait3A_169] : memref<10008x64xf32, #tpu.memory_space<vmem_shared>> -> memref<10008x64xf32, #tpu.memory_space<vmem_shared>>
    %dma_wait3A_171 = tpu.memref_slice %arg11[%dma_wait3A_160] : memref<4x!tpu.dma_semaphore, #tpu.memory_space<semaphore_mem>> -> memref<1x!tpu.dma_semaphore, #tpu.memory_space<semaphore_mem>>
    %dma_wait3A_172 = tpu.memref_squeeze %dma_wait3A_171 : memref<1x!tpu.dma_semaphore, #tpu.memory_space<semaphore_mem>> -> memref<!tpu.dma_semaphore, #tpu.memory_space<semaphore_mem>>
    tpu.wait_indirect_dma semaphore(%dma_wait3A_172 : memref<!tpu.dma_semaphore, #tpu.memory_space<semaphore_mem>>) src(%dma_wait3A_164 : memref<128x64xf32, #tpu.memory_space<vmem>>) dst(%dma_wait3A_170 : memref<10008x64xf32, #tpu.memory_space<vmem_shared>>)
    %dma_wait3A_173 = arith.constant 3 : i32
    %dma_wait3A_174 = arith.constant 0 : i32
    %dma_wait3A_175 = arith.constant 3 : i32
    %dma_wait3A_176 = arith.constant 0 : i32
    %dma_wait3A_177 = arith.constant 0 : i32
    %dma_wait3A_178 = tpu.memref_slice %arg8[%dma_wait3A_173, %dma_wait3A_176, %dma_wait3A_177] : memref<4x128x64xf32, #tpu.memory_space<vmem>> -> memref<1x128x64xf32, #tpu.memory_space<vmem>>
    %dma_wait3A_179 = tpu.memref_squeeze %dma_wait3A_178 : memref<1x128x64xf32, #tpu.memory_space<vmem>> -> memref<128x64xf32, #tpu.memory_space<vmem>>
    %dma_wait3A_180 = arith.constant 0 : i32
    %dma_wait3A_181 = tpu.memref_slice %arg7[%dma_wait3A_174, %dma_wait3A_180] : memref<152x128xi32, #tpu.memory_space<vmem>> -> memref<1x128xi32, #tpu.memory_space<vmem>>
    %dma_wait3A_182 = tpu.memref_squeeze %dma_wait3A_181 : memref<1x128xi32, #tpu.memory_space<vmem>> -> memref<128xi32, #tpu.memory_space<vmem>>
    %dma_wait3A_183 = arith.constant 0 : i32
    %dma_wait3A_184 = arith.constant 0 : i32
    %dma_wait3A_185 = tpu.memref_slice %arg9[%dma_wait3A_183, %dma_wait3A_184] : memref<10008x64xf32, #tpu.memory_space<vmem_shared>> -> memref<10008x64xf32, #tpu.memory_space<vmem_shared>>
    %dma_wait3A_186 = tpu.memref_slice %arg11[%dma_wait3A_175] : memref<4x!tpu.dma_semaphore, #tpu.memory_space<semaphore_mem>> -> memref<1x!tpu.dma_semaphore, #tpu.memory_space<semaphore_mem>>
    %dma_wait3A_187 = tpu.memref_squeeze %dma_wait3A_186 : memref<1x!tpu.dma_semaphore, #tpu.memory_space<semaphore_mem>> -> memref<!tpu.dma_semaphore, #tpu.memory_space<semaphore_mem>>
    tpu.wait_indirect_dma semaphore(%dma_wait3A_187 : memref<!tpu.dma_semaphore, #tpu.memory_space<semaphore_mem>>) src(%dma_wait3A_179 : memref<128x64xf32, #tpu.memory_space<vmem>>) dst(%dma_wait3A_185 : memref<10008x64xf32, #tpu.memory_space<vmem_shared>>)
    %barrier3A_188 = arith.constant 0 : index
    tpu.barrier barrier_id(%barrier3A_188)
    %mul3A_189 = arith.constant 632 : i32
    %mul3A_190 = arith.muli %arg1, %mul3A_189 : i32
    %mul3A_191 = arith.constant 10000 : i32
    %mul3A_192 = arith.muli %arg0, %mul3A_191 : i32
    %add3A_193 = arith.addi %mul3A_192, %mul3A_190 : i32
    %lt3A_194 = arith.constant 15 : i32
    %lt3A_195 = arith.cmpi slt, %arg1, %lt3A_194 : i32
    %convert_element_type3A_196 = arith.extui %lt3A_195 : i1 to i32
    %cond3A_197 = arith.constant 0 : i32
    %cond3A_198 = arith.cmpi ne, %convert_element_type3A_196, %cond3A_197 : i32
    scf.if %cond3A_198 {
      "tpu.region"() ({
        %run_scoped3A = tpu.sem_alloc : memref<!tpu.dma_semaphore, #tpu.memory_space<semaphore_mem>>
        %dma_start3A_204 = arith.constant 0 : i32
        %dma_start3A_205 = tpu.memref_slice %arg5[%add3A_193, %dma_start3A_204] : memref<20000x64xf32, #tpu.memory_space<hbm>> -> memref<632x64xf32, #tpu.memory_space<hbm>>
        %dma_start3A_206 = arith.constant 0 : i32
        %dma_start3A_207 = tpu.memref_slice %arg9[%mul3A_190, %dma_start3A_206] : memref<10008x64xf32, #tpu.memory_space<vmem_shared>> -> memref<632x64xf32, #tpu.memory_space<vmem_shared>>
        tpu.enqueue_dma source(%dma_start3A_207 : memref<632x64xf32, #tpu.memory_space<vmem_shared>>) target(%dma_start3A_205 : memref<632x64xf32, #tpu.memory_space<hbm>>) target_semaphore(%run_scoped3A : memref<!tpu.dma_semaphore, #tpu.memory_space<semaphore_mem>>)
        %dma_wait3A_208 = arith.constant 0 : i32
        %dma_wait3A_209 = tpu.memref_slice %arg5[%add3A_193, %dma_wait3A_208] : memref<20000x64xf32, #tpu.memory_space<hbm>> -> memref<632x64xf32, #tpu.memory_space<hbm>>
        %dma_wait3A_210 = arith.constant 0 : i32
        %dma_wait3A_211 = tpu.memref_slice %arg9[%mul3A_190, %dma_wait3A_210] : memref<10008x64xf32, #tpu.memory_space<vmem_shared>> -> memref<632x64xf32, #tpu.memory_space<vmem_shared>>
        tpu.wait_dma2 semaphore(%run_scoped3A : memref<!tpu.dma_semaphore, #tpu.memory_space<semaphore_mem>>) src(%dma_wait3A_211 : memref<632x64xf32, #tpu.memory_space<vmem_shared>>) dst(%dma_wait3A_209 : memref<632x64xf32, #tpu.memory_space<hbm>>)
        tpu.yield
      }) : () -> ()
    } else {
    }
    %eq3A_199 = arith.constant 15 : i32
    %eq3A_200 = arith.cmpi eq, %arg1, %eq3A_199 : i32
    %convert_element_type3A_201 = arith.extui %eq3A_200 : i1 to i32
    %cond3A_202 = arith.constant 0 : i32
    %cond3A_203 = arith.cmpi ne, %convert_element_type3A_201, %cond3A_202 : i32
    scf.if %cond3A_203 {
      "tpu.region"() ({
        %run_scoped3A = tpu.sem_alloc : memref<!tpu.dma_semaphore, #tpu.memory_space<semaphore_mem>>
        %dma_start3A_204 = arith.constant 0 : i32
        %dma_start3A_205 = tpu.memref_slice %arg5[%add3A_193, %dma_start3A_204] : memref<20000x64xf32, #tpu.memory_space<hbm>> -> memref<520x64xf32, #tpu.memory_space<hbm>>
        %dma_start3A_206 = arith.constant 0 : i32
        %dma_start3A_207 = tpu.memref_slice %arg9[%mul3A_190, %dma_start3A_206] : memref<10008x64xf32, #tpu.memory_space<vmem_shared>> -> memref<520x64xf32, #tpu.memory_space<vmem_shared>>
        tpu.enqueue_dma source(%dma_start3A_207 : memref<520x64xf32, #tpu.memory_space<vmem_shared>>) target(%dma_start3A_205 : memref<520x64xf32, #tpu.memory_space<hbm>>) target_semaphore(%run_scoped3A : memref<!tpu.dma_semaphore, #tpu.memory_space<semaphore_mem>>)
        %dma_wait3A_208 = arith.constant 0 : i32
        %dma_wait3A_209 = tpu.memref_slice %arg5[%add3A_193, %dma_wait3A_208] : memref<20000x64xf32, #tpu.memory_space<hbm>> -> memref<520x64xf32, #tpu.memory_space<hbm>>
        %dma_wait3A_210 = arith.constant 0 : i32
        %dma_wait3A_211 = tpu.memref_slice %arg9[%mul3A_190, %dma_wait3A_210] : memref<10008x64xf32, #tpu.memory_space<vmem_shared>> -> memref<520x64xf32, #tpu.memory_space<vmem_shared>>
        tpu.wait_dma2 semaphore(%run_scoped3A : memref<!tpu.dma_semaphore, #tpu.memory_space<semaphore_mem>>) src(%dma_wait3A_211 : memref<520x64xf32, #tpu.memory_space<vmem_shared>>) dst(%dma_wait3A_209 : memref<520x64xf32, #tpu.memory_space<hbm>>)
        tpu.yield
      }) : () -> ()
    } else {
    }
    return
  }
}

module attributes {stable_mosaic.version = 14 : i64} {
  func.func @body(%arg0: i32, %arg1: memref<1000x128xf32, #tpu.memory_space<vmem>>, %arg2: memref<128x64xf32, #tpu.memory_space<vmem>>, %arg3: memref<1000x1xf32, #tpu.memory_space<vmem>>, %arg4: memref<1000x1xf32, #tpu.memory_space<vmem>>, %arg5: memref<1000x64xf32, #tpu.memory_space<vmem>>, %arg6: memref<1000x1xf32, #tpu.memory_space<vmem>>) attributes {dimension_semantics = [#tpu.dimension_semantics<arbitrary>], iteration_bounds = array<i64: 10>, scalar_prefetch = 0 : i64, scratch_operands = 0 : i64, tpu.core_type = #tpu.core_type<tc>, window_params = [{transform_indices = @transform_0, window_bounds = array<i64: 1000, 128>}, {pipeline_mode = #tpu.pipeline_mode<synchronous>, transform_indices = @transform_1, window_bounds = array<i64: 128, 64>}, {transform_indices = @transform_2, window_bounds = array<i64: 1000, 1>}, {transform_indices = @transform_3, window_bounds = array<i64: 1000, 1>}, {transform_indices = @transform_4, window_bounds = array<i64: 1000, 64>}, {transform_indices = @transform_5, window_bounds = array<i64: 1000, 1>}]} {
    %get3A = arith.constant 0 : index
    %get3A_0 = arith.constant 0 : index
    %get3A_1 = vector.load %arg3[%get3A, %get3A_0] : memref<1000x1xf32, #tpu.memory_space<vmem>>, vector<1000x1xf32>
    %get3A_2 = arith.constant 0 : index
    %get3A_3 = arith.constant 0 : index
    %get3A_4 = vector.load %arg4[%get3A_2, %get3A_3] : memref<1000x1xf32, #tpu.memory_space<vmem>>, vector<1000x1xf32>
    %add3A = arith.addf %get3A_1, %get3A_4 : vector<1000x1xf32>
    %add3A_5 = arith.constant 1.000000e+00 : f32
    %add3A_6 = vector.broadcast %add3A_5 : f32 to vector<1000x1xf32>
    %add3A_7 = arith.addf %add3A, %add3A_6 : vector<1000x1xf32>
    %rsqrt3A = math.rsqrt %add3A_7 : vector<1000x1xf32>
    %swap3A = arith.constant 0 : index
    %swap3A_8 = arith.constant 0 : index
    %swap3A_9 = vector.load %arg6[%swap3A, %swap3A_8] : memref<1000x1xf32, #tpu.memory_space<vmem>>, vector<1000x1xf32>
    tpu.vector_store %arg6[%swap3A, %swap3A_8], %rsqrt3A {strides = array<i32>} : memref<1000x1xf32, #tpu.memory_space<vmem>>, vector<1000x1xf32>,
    %get3A_10 = arith.constant 0 : index
    %get3A_11 = arith.constant 0 : index
    %get3A_12 = vector.load %arg1[%get3A_10, %get3A_11] : memref<1000x128xf32, #tpu.memory_space<vmem>>, vector<1000x128xf32>
    %get3A_13 = arith.constant 0 : index
    %get3A_14 = arith.constant 0 : index
    %get3A_15 = vector.load %arg2[%get3A_13, %get3A_14] : memref<128x64xf32, #tpu.memory_space<vmem>>, vector<128x64xf32>
    %dot_general3A = arith.constant dense<0.000000e+00> : vector<1000x64xf32>
    %dot_general3A_16 = tpu.matmul %get3A_12, %get3A_15, %dot_general3A {dimension_numbers = #tpu.dot_dimension_numbers<[1], [0], [0], [1], [0, 0, 1, 1], [], []>, transpose_lhs_hint = false} : vector<1000x128xf32>, vector<128x64xf32>, vector<1000x64xf32> -> vector<1000x64xf32>
    %mul3A = vector.broadcast %rsqrt3A : vector<1000x1xf32> to vector<1000x64xf32>
    %mul3A_17 = arith.mulf %dot_general3A_16, %mul3A : vector<1000x64xf32>
    %swap3A_18 = arith.constant 0 : index
    %swap3A_19 = arith.constant 0 : index
    %swap3A_20 = vector.load %arg5[%swap3A_18, %swap3A_19] : memref<1000x64xf32, #tpu.memory_space<vmem>>, vector<1000x64xf32>
    tpu.vector_store %arg5[%swap3A_18, %swap3A_19], %mul3A_17 {strides = array<i32>} : memref<1000x64xf32, #tpu.memory_space<vmem>>, vector<1000x64xf32>,
    return
  }
  func.func @transform_0(%arg0: i32) -> (i32, i32) {
    %c0_i32 = arith.constant 0 : i32
    %c0_i32_0 = arith.constant 0 : i32
    return %arg0, %c0_i32 : i32, i32
  }
  func.func @transform_1(%arg0: i32) -> (i32, i32) {
    %c0_i32 = arith.constant 0 : i32
    %c0_i32_0 = arith.constant 0 : i32
    %c0_i32_1 = arith.constant 0 : i32
    return %c0_i32, %c0_i32_0 : i32, i32
  }
  func.func @transform_2(%arg0: i32) -> (i32, i32) {
    %c0_i32 = arith.constant 0 : i32
    %c0_i32_0 = arith.constant 0 : i32
    return %arg0, %c0_i32 : i32, i32
  }
  func.func @transform_3(%arg0: i32) -> (i32, i32) {
    %add3A = arith.constant 10 : i32
    %add3A_0 = arith.addi %arg0, %add3A : i32
    %c0_i32 = arith.constant 0 : i32
    %c0_i32_1 = arith.constant 0 : i32
    return %add3A_0, %c0_i32 : i32, i32
  }
  func.func @transform_4(%arg0: i32) -> (i32, i32) {
    %c0_i32 = arith.constant 0 : i32
    %c0_i32_0 = arith.constant 0 : i32
    return %arg0, %c0_i32 : i32, i32
  }
  func.func @transform_5(%arg0: i32) -> (i32, i32) {
    %c0_i32 = arith.constant 0 : i32
    %c0_i32_0 = arith.constant 0 : i32
    return %arg0, %c0_i32 : i32, i32
  }
}

module attributes {stable_mosaic.version = 14 : i64} {
  func.func @body(%arg0: i32, %arg1: memref<1000x64xf32, #tpu.memory_space<vmem>>, %arg2: memref<1000x64xf32, #tpu.memory_space<vmem>>, %arg3: memref<1000x64xf32, #tpu.memory_space<vmem>>, %arg4: memref<1000x1xf32, #tpu.memory_space<vmem>>, %arg5: memref<1x64xf32, #tpu.memory_space<vmem>>, %arg6: memref<1x64xf32, #tpu.memory_space<vmem>>, %arg7: memref<64x32xf32, #tpu.memory_space<vmem>>, %arg8: memref<1000x32xf32, #tpu.memory_space<vmem>>) attributes {dimension_semantics = [#tpu.dimension_semantics<arbitrary>], iteration_bounds = array<i64: 10>, scalar_prefetch = 0 : i64, scratch_operands = 0 : i64, tpu.core_type = #tpu.core_type<tc>, window_params = [{transform_indices = @transform_0, window_bounds = array<i64: 1000, 64>}, {transform_indices = @transform_1, window_bounds = array<i64: 1000, 64>}, {transform_indices = @transform_2, window_bounds = array<i64: 1000, 64>}, {transform_indices = @transform_3, window_bounds = array<i64: 1000, 1>}, {pipeline_mode = #tpu.pipeline_mode<synchronous>, transform_indices = @transform_4, window_bounds = array<i64: 1, 64>}, {pipeline_mode = #tpu.pipeline_mode<synchronous>, transform_indices = @transform_5, window_bounds = array<i64: 1, 64>}, {pipeline_mode = #tpu.pipeline_mode<synchronous>, transform_indices = @transform_6, window_bounds = array<i64: 64, 32>}, {transform_indices = @transform_7, window_bounds = array<i64: 1000, 32>}]} {
    %get3A = arith.constant 0 : index
    %get3A_0 = arith.constant 0 : index
    %get3A_1 = vector.load %arg4[%get3A, %get3A_0] : memref<1000x1xf32, #tpu.memory_space<vmem>>, vector<1000x1xf32>
    %get3A_2 = arith.constant 0 : index
    %get3A_3 = arith.constant 0 : index
    %get3A_4 = vector.load %arg1[%get3A_2, %get3A_3] : memref<1000x64xf32, #tpu.memory_space<vmem>>, vector<1000x64xf32>
    %get3A_5 = arith.constant 0 : index
    %get3A_6 = arith.constant 0 : index
    %get3A_7 = vector.load %arg2[%get3A_5, %get3A_6] : memref<1000x64xf32, #tpu.memory_space<vmem>>, vector<1000x64xf32>
    %add3A = arith.addf %get3A_4, %get3A_7 : vector<1000x64xf32>
    %get3A_8 = arith.constant 0 : index
    %get3A_9 = arith.constant 0 : index
    %get3A_10 = vector.load %arg3[%get3A_8, %get3A_9] : memref<1000x64xf32, #tpu.memory_space<vmem>>, vector<1000x64xf32>
    %add3A_11 = arith.addf %add3A, %get3A_10 : vector<1000x64xf32>
    %mul3A = vector.broadcast %get3A_1 : vector<1000x1xf32> to vector<1000x64xf32>
    %mul3A_12 = arith.mulf %add3A_11, %mul3A : vector<1000x64xf32>
    %get3A_13 = arith.constant 0 : index
    %get3A_14 = arith.constant 0 : index
    %get3A_15 = vector.load %arg5[%get3A_13, %get3A_14] : memref<1x64xf32, #tpu.memory_space<vmem>>, vector<1x64xf32>
    %mul3A_16 = vector.broadcast %get3A_15 : vector<1x64xf32> to vector<1000x64xf32>
    %mul3A_17 = arith.mulf %mul3A_12, %mul3A_16 : vector<1000x64xf32>
    %get3A_18 = arith.constant 0 : index
    %get3A_19 = arith.constant 0 : index
    %get3A_20 = vector.load %arg6[%get3A_18, %get3A_19] : memref<1x64xf32, #tpu.memory_space<vmem>>, vector<1x64xf32>
    %add3A_21 = vector.broadcast %get3A_20 : vector<1x64xf32> to vector<1000x64xf32>
    %add3A_22 = arith.addf %mul3A_17, %add3A_21 : vector<1000x64xf32>
    %max3A = arith.constant 0.000000e+00 : f32
    %max3A_23 = vector.broadcast %max3A : f32 to vector<1000x64xf32>
    %max3A_24 = arith.maximumf %add3A_22, %max3A_23 : vector<1000x64xf32>
    %get3A_25 = arith.constant 0 : index
    %get3A_26 = arith.constant 0 : index
    %get3A_27 = vector.load %arg7[%get3A_25, %get3A_26] : memref<64x32xf32, #tpu.memory_space<vmem>>, vector<64x32xf32>
    %dot_general3A = arith.constant dense<0.000000e+00> : vector<1000x32xf32>
    %dot_general3A_28 = tpu.matmul %max3A_24, %get3A_27, %dot_general3A {dimension_numbers = #tpu.dot_dimension_numbers<[1], [0], [0], [1], [0, 0, 1, 1], [], []>, transpose_lhs_hint = false} : vector<1000x64xf32>, vector<64x32xf32>, vector<1000x32xf32> -> vector<1000x32xf32>
    %mul3A_29 = vector.broadcast %get3A_1 : vector<1000x1xf32> to vector<1000x32xf32>
    %mul3A_30 = arith.mulf %dot_general3A_28, %mul3A_29 : vector<1000x32xf32>
    %swap3A = arith.constant 0 : index
    %swap3A_31 = arith.constant 0 : index
    %swap3A_32 = vector.load %arg8[%swap3A, %swap3A_31] : memref<1000x32xf32, #tpu.memory_space<vmem>>, vector<1000x32xf32>
    tpu.vector_store %arg8[%swap3A, %swap3A_31], %mul3A_30 {strides = array<i32>} : memref<1000x32xf32, #tpu.memory_space<vmem>>, vector<1000x32xf32>,
    return
  }
  func.func @transform_0(%arg0: i32) -> (i32, i32) {
    %c0_i32 = arith.constant 0 : i32
    %c0_i32_0 = arith.constant 0 : i32
    return %arg0, %c0_i32 : i32, i32
  }
  func.func @transform_1(%arg0: i32) -> (i32, i32) {
    %add3A = arith.constant 10 : i32
    %add3A_0 = arith.addi %arg0, %add3A : i32
    %c0_i32 = arith.constant 0 : i32
    %c0_i32_1 = arith.constant 0 : i32
    return %add3A_0, %c0_i32 : i32, i32
  }
  func.func @transform_2(%arg0: i32) -> (i32, i32) {
    %c0_i32 = arith.constant 0 : i32
    %c0_i32_0 = arith.constant 0 : i32
    return %arg0, %c0_i32 : i32, i32
  }
  func.func @transform_3(%arg0: i32) -> (i32, i32) {
    %c0_i32 = arith.constant 0 : i32
    %c0_i32_0 = arith.constant 0 : i32
    return %arg0, %c0_i32 : i32, i32
  }
  func.func @transform_4(%arg0: i32) -> (i32, i32) {
    %c0_i32 = arith.constant 0 : i32
    %c0_i32_0 = arith.constant 0 : i32
    %c0_i32_1 = arith.constant 0 : i32
    return %c0_i32, %c0_i32_0 : i32, i32
  }
  func.func @transform_5(%arg0: i32) -> (i32, i32) {
    %c0_i32 = arith.constant 0 : i32
    %c0_i32_0 = arith.constant 0 : i32
    %c0_i32_1 = arith.constant 0 : i32
    return %c0_i32, %c0_i32_0 : i32, i32
  }
  func.func @transform_6(%arg0: i32) -> (i32, i32) {
    %c0_i32 = arith.constant 0 : i32
    %c0_i32_0 = arith.constant 0 : i32
    %c0_i32_1 = arith.constant 0 : i32
    return %c0_i32, %c0_i32_0 : i32, i32
  }
  func.func @transform_7(%arg0: i32) -> (i32, i32) {
    %c0_i32 = arith.constant 0 : i32
    %c0_i32_0 = arith.constant 0 : i32
    return %arg0, %c0_i32 : i32, i32
  }
}

module attributes {stable_mosaic.version = 14 : i64} {
  func.func @body(%arg0: i32, %arg1: memref<1000x32xf32, #tpu.memory_space<vmem>>, %arg2: memref<1000x32xf32, #tpu.memory_space<vmem>>, %arg3: memref<1000x32xf32, #tpu.memory_space<vmem>>, %arg4: memref<1000x1xf32, #tpu.memory_space<vmem>>, %arg5: memref<1x32xf32, #tpu.memory_space<vmem>>, %arg6: memref<1x32xf32, #tpu.memory_space<vmem>>, %arg7: memref<32x16xf32, #tpu.memory_space<vmem>>, %arg8: memref<1000x16xf32, #tpu.memory_space<vmem>>) attributes {dimension_semantics = [#tpu.dimension_semantics<arbitrary>], iteration_bounds = array<i64: 10>, scalar_prefetch = 0 : i64, scratch_operands = 0 : i64, tpu.core_type = #tpu.core_type<tc>, window_params = [{transform_indices = @transform_0, window_bounds = array<i64: 1000, 32>}, {transform_indices = @transform_1, window_bounds = array<i64: 1000, 32>}, {transform_indices = @transform_2, window_bounds = array<i64: 1000, 32>}, {transform_indices = @transform_3, window_bounds = array<i64: 1000, 1>}, {pipeline_mode = #tpu.pipeline_mode<synchronous>, transform_indices = @transform_4, window_bounds = array<i64: 1, 32>}, {pipeline_mode = #tpu.pipeline_mode<synchronous>, transform_indices = @transform_5, window_bounds = array<i64: 1, 32>}, {pipeline_mode = #tpu.pipeline_mode<synchronous>, transform_indices = @transform_6, window_bounds = array<i64: 32, 16>}, {transform_indices = @transform_7, window_bounds = array<i64: 1000, 16>}]} {
    %get3A = arith.constant 0 : index
    %get3A_0 = arith.constant 0 : index
    %get3A_1 = vector.load %arg4[%get3A, %get3A_0] : memref<1000x1xf32, #tpu.memory_space<vmem>>, vector<1000x1xf32>
    %get3A_2 = arith.constant 0 : index
    %get3A_3 = arith.constant 0 : index
    %get3A_4 = vector.load %arg1[%get3A_2, %get3A_3] : memref<1000x32xf32, #tpu.memory_space<vmem>>, vector<1000x32xf32>
    %get3A_5 = arith.constant 0 : index
    %get3A_6 = arith.constant 0 : index
    %get3A_7 = vector.load %arg2[%get3A_5, %get3A_6] : memref<1000x32xf32, #tpu.memory_space<vmem>>, vector<1000x32xf32>
    %add3A = arith.addf %get3A_4, %get3A_7 : vector<1000x32xf32>
    %get3A_8 = arith.constant 0 : index
    %get3A_9 = arith.constant 0 : index
    %get3A_10 = vector.load %arg3[%get3A_8, %get3A_9] : memref<1000x32xf32, #tpu.memory_space<vmem>>, vector<1000x32xf32>
    %add3A_11 = arith.addf %add3A, %get3A_10 : vector<1000x32xf32>
    %mul3A = vector.broadcast %get3A_1 : vector<1000x1xf32> to vector<1000x32xf32>
    %mul3A_12 = arith.mulf %add3A_11, %mul3A : vector<1000x32xf32>
    %get3A_13 = arith.constant 0 : index
    %get3A_14 = arith.constant 0 : index
    %get3A_15 = vector.load %arg5[%get3A_13, %get3A_14] : memref<1x32xf32, #tpu.memory_space<vmem>>, vector<1x32xf32>
    %mul3A_16 = vector.broadcast %get3A_15 : vector<1x32xf32> to vector<1000x32xf32>
    %mul3A_17 = arith.mulf %mul3A_12, %mul3A_16 : vector<1000x32xf32>
    %get3A_18 = arith.constant 0 : index
    %get3A_19 = arith.constant 0 : index
    %get3A_20 = vector.load %arg6[%get3A_18, %get3A_19] : memref<1x32xf32, #tpu.memory_space<vmem>>, vector<1x32xf32>
    %add3A_21 = vector.broadcast %get3A_20 : vector<1x32xf32> to vector<1000x32xf32>
    %add3A_22 = arith.addf %mul3A_17, %add3A_21 : vector<1000x32xf32>
    %max3A = arith.constant 0.000000e+00 : f32
    %max3A_23 = vector.broadcast %max3A : f32 to vector<1000x32xf32>
    %max3A_24 = arith.maximumf %add3A_22, %max3A_23 : vector<1000x32xf32>
    %get3A_25 = arith.constant 0 : index
    %get3A_26 = arith.constant 0 : index
    %get3A_27 = vector.load %arg7[%get3A_25, %get3A_26] : memref<32x16xf32, #tpu.memory_space<vmem>>, vector<32x16xf32>
    %dot_general3A = arith.constant dense<0.000000e+00> : vector<1000x16xf32>
    %dot_general3A_28 = tpu.matmul %max3A_24, %get3A_27, %dot_general3A {dimension_numbers = #tpu.dot_dimension_numbers<[1], [0], [0], [1], [0, 0, 1, 1], [], []>, transpose_lhs_hint = false} : vector<1000x32xf32>, vector<32x16xf32>, vector<1000x16xf32> -> vector<1000x16xf32>
    %mul3A_29 = vector.broadcast %get3A_1 : vector<1000x1xf32> to vector<1000x16xf32>
    %mul3A_30 = arith.mulf %dot_general3A_28, %mul3A_29 : vector<1000x16xf32>
    %swap3A = arith.constant 0 : index
    %swap3A_31 = arith.constant 0 : index
    %swap3A_32 = vector.load %arg8[%swap3A, %swap3A_31] : memref<1000x16xf32, #tpu.memory_space<vmem>>, vector<1000x16xf32>
    tpu.vector_store %arg8[%swap3A, %swap3A_31], %mul3A_30 {strides = array<i32>} : memref<1000x16xf32, #tpu.memory_space<vmem>>, vector<1000x16xf32>,
    return
  }
  func.func @transform_0(%arg0: i32) -> (i32, i32) {
    %c0_i32 = arith.constant 0 : i32
    %c0_i32_0 = arith.constant 0 : i32
    return %arg0, %c0_i32 : i32, i32
  }
  func.func @transform_1(%arg0: i32) -> (i32, i32) {
    %add3A = arith.constant 10 : i32
    %add3A_0 = arith.addi %arg0, %add3A : i32
    %c0_i32 = arith.constant 0 : i32
    %c0_i32_1 = arith.constant 0 : i32
    return %add3A_0, %c0_i32 : i32, i32
  }
  func.func @transform_2(%arg0: i32) -> (i32, i32) {
    %c0_i32 = arith.constant 0 : i32
    %c0_i32_0 = arith.constant 0 : i32
    return %arg0, %c0_i32 : i32, i32
  }
  func.func @transform_3(%arg0: i32) -> (i32, i32) {
    %c0_i32 = arith.constant 0 : i32
    %c0_i32_0 = arith.constant 0 : i32
    return %arg0, %c0_i32 : i32, i32
  }
  func.func @transform_4(%arg0: i32) -> (i32, i32) {
    %c0_i32 = arith.constant 0 : i32
    %c0_i32_0 = arith.constant 0 : i32
    %c0_i32_1 = arith.constant 0 : i32
    return %c0_i32, %c0_i32_0 : i32, i32
  }
  func.func @transform_5(%arg0: i32) -> (i32, i32) {
    %c0_i32 = arith.constant 0 : i32
    %c0_i32_0 = arith.constant 0 : i32
    %c0_i32_1 = arith.constant 0 : i32
    return %c0_i32, %c0_i32_0 : i32, i32
  }
  func.func @transform_6(%arg0: i32) -> (i32, i32) {
    %c0_i32 = arith.constant 0 : i32
    %c0_i32_0 = arith.constant 0 : i32
    %c0_i32_1 = arith.constant 0 : i32
    return %c0_i32, %c0_i32_0 : i32, i32
  }
  func.func @transform_7(%arg0: i32) -> (i32, i32) {
    %c0_i32 = arith.constant 0 : i32
    %c0_i32_0 = arith.constant 0 : i32
    return %arg0, %c0_i32 : i32, i32
  }
}

module attributes {stable_mosaic.version = 14 : i64} {
  func.func @body(%arg0: i32, %arg1: memref<1000x16xf32, #tpu.memory_space<vmem>>, %arg2: memref<1000x16xf32, #tpu.memory_space<vmem>>, %arg3: memref<1000x16xf32, #tpu.memory_space<vmem>>, %arg4: memref<1000x1xf32, #tpu.memory_space<vmem>>, %arg5: memref<1x16xf32, #tpu.memory_space<vmem>>, %arg6: memref<1x16xf32, #tpu.memory_space<vmem>>, %arg7: memref<16x16xf32, #tpu.memory_space<vmem>>, %arg8: memref<1x16xf32, #tpu.memory_space<vmem>>, %arg9: memref<1000x16xf32, #tpu.memory_space<vmem>>) attributes {dimension_semantics = [#tpu.dimension_semantics<arbitrary>], iteration_bounds = array<i64: 10>, scalar_prefetch = 0 : i64, scratch_operands = 0 : i64, tpu.core_type = #tpu.core_type<tc>, window_params = [{transform_indices = @transform_0, window_bounds = array<i64: 1000, 16>}, {transform_indices = @transform_1, window_bounds = array<i64: 1000, 16>}, {transform_indices = @transform_2, window_bounds = array<i64: 1000, 16>}, {transform_indices = @transform_3, window_bounds = array<i64: 1000, 1>}, {pipeline_mode = #tpu.pipeline_mode<synchronous>, transform_indices = @transform_4, window_bounds = array<i64: 1, 16>}, {pipeline_mode = #tpu.pipeline_mode<synchronous>, transform_indices = @transform_5, window_bounds = array<i64: 1, 16>}, {pipeline_mode = #tpu.pipeline_mode<synchronous>, transform_indices = @transform_6, window_bounds = array<i64: 16, 16>}, {pipeline_mode = #tpu.pipeline_mode<synchronous>, transform_indices = @transform_7, window_bounds = array<i64: 1, 16>}, {transform_indices = @transform_8, window_bounds = array<i64: 1000, 16>}]} {
    %get3A = arith.constant 0 : index
    %get3A_0 = arith.constant 0 : index
    %get3A_1 = vector.load %arg4[%get3A, %get3A_0] : memref<1000x1xf32, #tpu.memory_space<vmem>>, vector<1000x1xf32>
    %get3A_2 = arith.constant 0 : index
    %get3A_3 = arith.constant 0 : index
    %get3A_4 = vector.load %arg1[%get3A_2, %get3A_3] : memref<1000x16xf32, #tpu.memory_space<vmem>>, vector<1000x16xf32>
    %get3A_5 = arith.constant 0 : index
    %get3A_6 = arith.constant 0 : index
    %get3A_7 = vector.load %arg2[%get3A_5, %get3A_6] : memref<1000x16xf32, #tpu.memory_space<vmem>>, vector<1000x16xf32>
    %add3A = arith.addf %get3A_4, %get3A_7 : vector<1000x16xf32>
    %get3A_8 = arith.constant 0 : index
    %get3A_9 = arith.constant 0 : index
    %get3A_10 = vector.load %arg3[%get3A_8, %get3A_9] : memref<1000x16xf32, #tpu.memory_space<vmem>>, vector<1000x16xf32>
    %add3A_11 = arith.addf %add3A, %get3A_10 : vector<1000x16xf32>
    %mul3A = vector.broadcast %get3A_1 : vector<1000x1xf32> to vector<1000x16xf32>
    %mul3A_12 = arith.mulf %add3A_11, %mul3A : vector<1000x16xf32>
    %get3A_13 = arith.constant 0 : index
    %get3A_14 = arith.constant 0 : index
    %get3A_15 = vector.load %arg5[%get3A_13, %get3A_14] : memref<1x16xf32, #tpu.memory_space<vmem>>, vector<1x16xf32>
    %mul3A_16 = vector.broadcast %get3A_15 : vector<1x16xf32> to vector<1000x16xf32>
    %mul3A_17 = arith.mulf %mul3A_12, %mul3A_16 : vector<1000x16xf32>
    %get3A_18 = arith.constant 0 : index
    %get3A_19 = arith.constant 0 : index
    %get3A_20 = vector.load %arg6[%get3A_18, %get3A_19] : memref<1x16xf32, #tpu.memory_space<vmem>>, vector<1x16xf32>
    %add3A_21 = vector.broadcast %get3A_20 : vector<1x16xf32> to vector<1000x16xf32>
    %add3A_22 = arith.addf %mul3A_17, %add3A_21 : vector<1000x16xf32>
    %max3A = arith.constant 0.000000e+00 : f32
    %max3A_23 = vector.broadcast %max3A : f32 to vector<1000x16xf32>
    %max3A_24 = arith.maximumf %add3A_22, %max3A_23 : vector<1000x16xf32>
    %get3A_25 = arith.constant 0 : index
    %get3A_26 = arith.constant 0 : index
    %get3A_27 = vector.load %arg7[%get3A_25, %get3A_26] : memref<16x16xf32, #tpu.memory_space<vmem>>, vector<16x16xf32>
    %dot_general3A = arith.constant dense<0.000000e+00> : vector<1000x16xf32>
    %dot_general3A_28 = tpu.matmul %max3A_24, %get3A_27, %dot_general3A {dimension_numbers = #tpu.dot_dimension_numbers<[1], [0], [0], [1], [0, 0, 1, 1], [], []>, transpose_lhs_hint = false} : vector<1000x16xf32>, vector<16x16xf32>, vector<1000x16xf32> -> vector<1000x16xf32>
    %get3A_29 = arith.constant 0 : index
    %get3A_30 = arith.constant 0 : index
    %get3A_31 = vector.load %arg8[%get3A_29, %get3A_30] : memref<1x16xf32, #tpu.memory_space<vmem>>, vector<1x16xf32>
    %add3A_32 = vector.broadcast %get3A_31 : vector<1x16xf32> to vector<1000x16xf32>
    %add3A_33 = arith.addf %dot_general3A_28, %add3A_32 : vector<1000x16xf32>
    %logistic3A = arith.negf %add3A_33 : vector<1000x16xf32>
    %logistic3A_34 = math.exp %logistic3A : vector<1000x16xf32>
    %logistic3A_35 = arith.constant 1.000000e+00 : f32
    %logistic3A_36 = vector.broadcast %logistic3A_35 : f32 to vector<1000x16xf32>
    %logistic3A_37 = arith.addf %logistic3A_36, %logistic3A_34 : vector<1000x16xf32>
    %logistic3A_38 = arith.divf %logistic3A_36, %logistic3A_37 : vector<1000x16xf32>
    %swap3A = arith.constant 0 : index
    %swap3A_39 = arith.constant 0 : index
    %swap3A_40 = vector.load %arg9[%swap3A, %swap3A_39] : memref<1000x16xf32, #tpu.memory_space<vmem>>, vector<1000x16xf32>
    tpu.vector_store %arg9[%swap3A, %swap3A_39], %logistic3A_38 {strides = array<i32>} : memref<1000x16xf32, #tpu.memory_space<vmem>>, vector<1000x16xf32>,
    return
  }
  func.func @transform_0(%arg0: i32) -> (i32, i32) {
    %c0_i32 = arith.constant 0 : i32
    %c0_i32_0 = arith.constant 0 : i32
    return %arg0, %c0_i32 : i32, i32
  }
  func.func @transform_1(%arg0: i32) -> (i32, i32) {
    %add3A = arith.constant 10 : i32
    %add3A_0 = arith.addi %arg0, %add3A : i32
    %c0_i32 = arith.constant 0 : i32
    %c0_i32_1 = arith.constant 0 : i32
    return %add3A_0, %c0_i32 : i32, i32
  }
  func.func @transform_2(%arg0: i32) -> (i32, i32) {
    %c0_i32 = arith.constant 0 : i32
    %c0_i32_0 = arith.constant 0 : i32
    return %arg0, %c0_i32 : i32, i32
  }
  func.func @transform_3(%arg0: i32) -> (i32, i32) {
    %c0_i32 = arith.constant 0 : i32
    %c0_i32_0 = arith.constant 0 : i32
    return %arg0, %c0_i32 : i32, i32
  }
  func.func @transform_4(%arg0: i32) -> (i32, i32) {
    %c0_i32 = arith.constant 0 : i32
    %c0_i32_0 = arith.constant 0 : i32
    %c0_i32_1 = arith.constant 0 : i32
    return %c0_i32, %c0_i32_0 : i32, i32
  }
  func.func @transform_5(%arg0: i32) -> (i32, i32) {
    %c0_i32 = arith.constant 0 : i32
    %c0_i32_0 = arith.constant 0 : i32
    %c0_i32_1 = arith.constant 0 : i32
    return %c0_i32, %c0_i32_0 : i32, i32
  }
  func.func @transform_6(%arg0: i32) -> (i32, i32) {
    %c0_i32 = arith.constant 0 : i32
    %c0_i32_0 = arith.constant 0 : i32
    %c0_i32_1 = arith.constant 0 : i32
    return %c0_i32, %c0_i32_0 : i32, i32
  }
  func.func @transform_7(%arg0: i32) -> (i32, i32) {
    %c0_i32 = arith.constant 0 : i32
    %c0_i32_0 = arith.constant 0 : i32
    %c0_i32_1 = arith.constant 0 : i32
    return %c0_i32, %c0_i32_0 : i32, i32
  }
  func.func @transform_8(%arg0: i32) -> (i32, i32) {
    %c0_i32 = arith.constant 0 : i32
    %c0_i32_0 = arith.constant 0 : i32
    return %arg0, %c0_i32 : i32, i32
  }
}

</mosaic_0001>

<sc_bundles>
// kernel: kernel.10.cloned.1.call-start
scs
__scs_entry_jumppad:
0x0: {  	(pc) =	sbr.rel $0x88, $3  }
0x1: {  	(tag) =	ssettag $0x0;
	lr =	simm.s32 $0x1  }
0x2: {  	[smem:$0x3F8B] =	sst lr;
	_ =	strace $0xD0000000  }
0x3: {  	_ = 	snop  }
0x4: {  	_ = 	snop  }
0x5: {  	_ = 	snop  }
0x6: {  	_ = 	snop  }
0x7: {  	_ = 	snop  }
__scs_overlays_trampoline_lowered:
0x8: {  	[smem:$0x3F9A] =	sst s0  }
0x9: {  	[smem:$0x3F9B] =	sst s1  }
0xa: {  	[smem:$0x3F9C] =	sst s2  }
0xb: {  	[smem:$0x3F9D] =	sst s3  }
0xc: {  	[smem:$0x3F9E] =	sst s4  }
0xd: {  	[smem:$0x3F9F] =	sst s5  }
0xe: {  	[smem:$0x3FA0] =	sst s6  }
0xf: {  	[smem:$0x3FA1] =	sst s7  }
0x10: {  	[smem:$0x3FA2] =	sst s8  }
0x11: {  	[smem:$0x3FA3] =	sst s9;
	s0 =	simm.s32 @!p0 $0x0  }
0x12: {  	s1 =	sld [smem:$0x3F89];
	s0 =	simm.s32 @p0 $0x1  }
0x13: {  	[smem:$0x3FA4] =	sst s0;
	s0 =	simm.s32 @!p1 $0x0  }
0x14: {  	s2 =	sld [smem:$0x3F88];
	s0 =	simm.s32 @p1 $0x1  }
0x15: {  	[smem:$0x3FA5] =	sst s0;
	s0 =	simm.s32 @!p2 $0x0  }
0x16: {  	s3 =	sld [smem:$0x3FDB];
	s0 =	simm.s32 @p2 $0x1  }
0x17: {  	s4 =	simm.s32 $0x1BF5;
	[smem:$0x3FA7] =	sst s0  }
0x18: {  	s0 =	sld [smem:$0x3F8A];
	_ =	swait.ge [sflag:s4], $0x0  }
0x19: {  	s7 =	sld [smem:$0x3F8B]  }
0x1a: {  	s8 =	sadd.s32 $0xFFFFE003, lr  }
0x1b: {  	s9 =	sadd.s32 $0xFFFFFEF7, lr;
	s5 =	simm.s32 $0xFFFFFFFF;
	p2 =	slt.u32 s8, $0xFFFFF086  }
0x1c: {  	p1 =	slt.u32 s9, $0xF7A;
	s5 =	simm.s32 @!p2 $0x0  }
0x1d: {  	s5 =	simm.s32 @p1 $0x1;
	p0 =	seq.s32 s7, s2  }
0x1e: {  	s7 =	smul.u32 @!p0 $0xF7A, s2;
	p2 =	seq.s32 @!p0 s5, $0x0  }
0x1f: {  	s9 =	smul.u32 $0xF7A, s1;
	s8 =	simm.s32 @!p0 $0x1BF5;
	p2 =	por !p2, p0  }
0x20: {  	[sflag:s8] =	ssyncset.s32 @!p0 $0xFFFFF086;
	s6 =	sadd.s32 @!p0 s3, s7;
	s7 =	simm.s32 @!p0 $0x108  }
0x21: {  	s3 =	sadd.s32 s3, s9;
	s6 =	sadd.s32 @!p0 $0x88, s6;
	s7 =	simm.s32 @p2 $0x1082  }
0x22: {  	[simem:s7], [sflag:s8] =	dma.local @!p0 [hbm:s6], $0xF7A  }
0x23: {  	s9 =	sor.u32 $0xD0000000, s2;
	s6 =	simm.s32 $0x108;
	_ =	swait.ge @!p0 [sflag:s8], $0x0  }
0x24: {  	s3 =	sadd.s32 $0x88, s3;
	s6 =	simm.s32 @!p1 $0x1082;
	[sflag:s4] =	ssyncset.s32 $0xFFFFF086  }
0x25: {  	[simem:s6], [sflag:s4] =	dma.local [hbm:s3], $0xF7A  }
0x26: {  	[smem:$0x3F8B] =	sst s1;
	(tag) =	ssettag s2;
	_ =	strace s9  }
0x27: {  	s1 =	sld [smem:$0x3F9B]  }
0x28: {  	s2 =	sld [smem:$0x3F9C]  }
0x29: {  	s4 =	sld [smem:$0x3F9E]  }
0x2a: {  	p0 =	seq.s32 s5, $0x0;
	s5 =	sld [smem:$0x3F9F]  }
0x2b: {  	s6 =	sld [smem:$0x3FA0]  }
0x2c: {  	s7 =	sld [smem:$0x3FA1]  }
0x2d: {  	s3 =	simm.s32 $0x108;
	s8 =	sld [smem:$0x3FA2]  }
0x2e: {  	s3 =	simm.s32 @!p0 $0x1082;
	s9 =	sld [smem:$0x3FA3]  }
0x2f: {  	lr =	sadd.s32 s0, s3;
	s0 =	sld [smem:$0x3F9A]  }
0x30: {  	s3 =	sld [smem:$0x3F9D]  }
0x31: {  	[smem:$0x3FA6] =	sst s10  }
0x32: {  	s10 =	sld [smem:$0x3FA4];
	_ =	sdelay $0x3  }
0x33: {  	p0 =	seq.s32 s10, $0x1;
	s10 =	sld [smem:$0x3FA6];
	_ =	sdelay $0x3  }
0x34: {  	[smem:$0x3FA6] =	sst s10  }
0x35: {  	s10 =	sld [smem:$0x3FA5];
	_ =	sdelay $0x3  }
0x36: {  	p1 =	seq.s32 s10, $0x1;
	s10 =	sld [smem:$0x3FA6];
	_ =	sdelay $0x3  }
0x37: {  	[smem:$0x3FA6] =	sst s10  }
0x38: {  	s10 =	sld [smem:$0x3FA7]  }
0x39: {  	_ = 	snop;
	(pc) =	sbr.ind lr, $3  }
0x3a: {  	_ = 	snop  }
0x3b: {  	_ = 	snop  }
0x3c: {  	p2 =	seq.s32 s10, $0x1;
	s10 =	sld [smem:$0x3FA6]  }
0x3d: {  	_ =	shalt  }
0x3e: {  	_ =	shalt  }
0x3f: {  	_ =	shalt  }
0x40: {  	_ =	shalt  }
0x41: {  	_ =	shalt  }
0x42: {  	_ =	shalt  }
0x43: {  	_ =	shalt  }
0x44: {  	_ =	shalt  }
0x45: {  	_ =	shalt  }
0x46: {  	_ =	shalt  }
0x47: {  	_ =	shalt  }
0x48: {  	_ =	shalt  }
0x49: {  	_ =	shalt  }
0x4a: {  	_ =	shalt  }
0x4b: {  	_ =	shalt  }
0x4c: {  	_ =	shalt  }
0x4d: {  	_ =	shalt  }
0x4e: {  	_ =	shalt  }
0x4f: {  	_ =	shalt  }
0x50: {  	_ =	shalt  }
0x51: {  	_ =	shalt  }
0x52: {  	_ =	shalt  }
0x53: {  	_ =	shalt  }
0x54: {  	_ =	shalt  }
0x55: {  	_ =	shalt  }
0x56: {  	_ =	shalt  }
0x57: {  	_ =	shalt  }
0x58: {  	_ =	shalt  }
0x59: {  	_ =	shalt  }
0x5a: {  	_ =	shalt  }
0x5b: {  	_ =	shalt  }
0x5c: {  	_ =	shalt  }
0x5d: {  	_ =	shalt  }
0x5e: {  	_ =	shalt  }
0x5f: {  	_ =	shalt  }
0x60: {  	_ =	shalt  }
0x61: {  	_ =	shalt  }
0x62: {  	_ =	shalt  }
0x63: {  	_ =	shalt  }
0x64: {  	_ =	shalt  }
0x65: {  	_ =	shalt  }
0x66: {  	_ =	shalt  }
0x67: {  	_ =	shalt  }
0x68: {  	_ =	shalt  }
0x69: {  	_ =	shalt  }
0x6a: {  	_ =	shalt  }
0x6b: {  	_ =	shalt  }
0x6c: {  	_ =	shalt  }
0x6d: {  	_ =	shalt  }
0x6e: {  	_ =	shalt  }
0x6f: {  	_ =	shalt  }
0x70: {  	_ =	shalt  }
0x71: {  	_ =	shalt  }
0x72: {  	_ =	shalt  }
0x73: {  	_ =	shalt  }
0x74: {  	_ =	shalt  }
0x75: {  	_ =	shalt  }
0x76: {  	_ =	shalt  }
0x77: {  	_ =	shalt  }
0x78: {  	_ =	shalt  }
0x79: {  	_ =	shalt  }
0x7a: {  	_ =	shalt  }
0x7b: {  	_ =	shalt  }
0x7c: {  	_ =	shalt  }
0x7d: {  	_ =	shalt  }
0x7e: {  	_ =	shalt  }
0x7f: {  	_ =	shalt  }
0x80: {  	_ =	shalt  }
0x81: {  	_ =	shalt  }
0x82: {  	_ =	shalt  }
0x83: {  	_ =	shalt  }
0x84: {  	_ =	shalt  }
0x85: {  	_ =	shalt  }
0x86: {  	_ =	shalt  }
0x87: {  	_ =	shalt  }
.Lfunc_end0:
.L_simem_size_0:
called_computation_lowered:
.L_overlay_start_0:
0x88: {  	s2 =	sld [smem:$0x3FD9]  }
0x89: {  	s3 =	sld [smem:$0x3FFE];
	_ =	sdelay $0x1  }
0x8a: {  	s1 =	srdreg.scid  }
0x8b: {  	s0 =	sand.u32 $0x1, s1  }
0x8c: {  	s17 =	sshll.u32 s0, $0xA;
	s2 =	sadd.s32 s3, s2  }
0x8d: {  	s2 =	sadd.s32 s2, s17  }
0x8e: {  	[smem:$0x3FB2] =	sst s2  }
0x8f: {  	_ = 	snop  }
0x90: {  	s2 =	sld [smem:$0x3FD0];
	(tm) =	ssettm $0x1  }
0x91: {  	s18 =	sld [smem:$0x3FFB];
	_ =	sdelay $0x3  }
0x92: {  	_ =	strace s18  }
0x93: {  	s3 =	sld [smem:$0x3FFC];
	_ =	sdelay $0x3  }
0x94: {  	_ =	strace s3  }
0x95: {  	s3 =	sld [smem:$0x3FFD];
	_ =	sdelay $0x3  }
0x96: {  	_ =	strace s3  }
0x97: {  	_ =	strace $0x8FFFFFFF  }
0x98: {  	s19 =	sld [smem:$0x3FDB];
	_ =	sdelay $0x1  }
0x99: {  	s4 =	simm.s32 $_scs_section_size  }
0x9a: {  	s5 =	simm.s32 $_size__tile_overlayer_lowered;
	s6 =	simm.s32 $_tile_overlayer_lowered  }
0x9b: {  	s22 =	simm.s32 $0x1BFF;
	s21 =	sshll.u32 s6, $0x1;
	s3 =	sadd.s32 s4, s19  }
0x9c: {  	s7 =	simm.s32 $0x0;
	s20 =	sshll.u32 s5, $0x1;
	s5 =	sadd.s32 s21, s3  }
0x9d: {  	[timem:s7], [sflag:s22] =	dma.local [hbm:s5], s20  }
0x9e: {  	_ =	swait.ge [sflag:s22], s20  }
0x9f: {  	s4 =	ssub.s32 $0x0, s20;
	[sflag:s22] =	ssyncset.done $0x0  }
0xa0: {  	[sflag:s22] =	ssyncadd.s32 s4;
	_ =	sdelay $0x1  }
0xa1: {  	s23 =	simm.s32 $0x1B8B  }
0xa2: {  	_ =	swait.ge [sflag:s23], $0x1  }
0xa3: {  	[sflag:s23] =	ssyncset.done $0x0  }
0xa4: {  	s25 =	simm.s32 $0x1B8E;
	s24 =	sld [smem:$0x3FFE];
	[sflag:s23] =	ssyncadd.s32 $0xFFFFFFFF  }
0xa5: {  	s26 =	simm.s32 $execute0_lowered;
	[smem:$0x3FD2] =	sst s25  }
0xa6: {  	s5 =	sshll.u32 s26, $0x1;
	_ =	strace $0x80000046;
	[dreg:$0x1] =	wrdreg $0xFFFFFFFF  }
0xa7: {  	s28 =	simm.s32 $_size_execute0_lowered;
	s3 =	sadd.s32 s3, s5;
	[dreg:$0x0] =	wrdreg $0x0  }
0xa8: {  	s5 =	sshll.u32 s28, $0x1;
	[dreg:$0x2] =	wrdreg s3  }
0xa9: {  	[dreg:$0x3] =	wrdreg s5  }
0xaa: {  	[dreg:$0x4] =	wrdreg $0xC0  }
0xab: {  	_ =	task [dreg:s7], $0x5FFFF  }
0xac: {  	[dreg:$0x1] =	wrdreg $0xFFFFFFFF  }
0xad: {  	[dreg:$0x0] =	wrdreg $0x60  }
0xae: {  	[dreg:$0x2] =	wrdreg s24  }
0xaf: {  	[dreg:$0x3] =	wrdreg s2  }
0xb0: {  	[dreg:$0x4] =	wrdreg $0x2B800  }
0xb1: {  	[dreg:$0x5] =	wrdreg $0x9  }
0xb2: {  	_ =	task.clear_ibuf [dreg:s7], $0x6FFFF;
	_ =	strace $0x90000046  }
0xb3: {  	s29 =	simm.s32 $0x9;
	_ =	strace $0x80000048  }
0xb4: {  	_ =	swait.ge [sflag:s29], $0x1  }
0xb5: {  	[sflag:s29] =	ssyncadd.s32 $0xFFFFFFFF  }
0xb6: {  	_ =	strace $0x90000048  }
0xb7: {  	_ =	sfence  }
0xb8: {  	s30 =	sld [smem:$0x0];
	_ =	sdelay $0x2  }
0xb9: {  	s31 =	sshll.u32 s1, $0xD;
	s1 =	sshrl.u32 s1, $0x2  }
0xba: {  	s3 =	sand.u32 $0x4000, s31;
	s1 =	sadd.s32 s1, s30  }
0xbb: {  	s0 =	sor.u32 s3, s0;
	s1 =	sshll.u32 s1, $0x11  }
0xbc: {  	s0 =	sor.u32 s1, s0  }
0xbd: {  	s0 =	sadd.s32 $0x8F2B, s0  }
0xbe: {  	[sflag:s0] =	ssyncadd.remote.s32 $0x1  }
0xbf: {  	_ =	sfence.sel $0xFFFF  }
0xc0: {  	[dreg:$0x0] =	wrdreg $0xFFFFFFFF;
	(pc) =	sbr.abs _section_cstart, $3  }
0xc1: {  	[dreg:$0x1] =	wrdreg $0xFFFFFFFF  }
0xc2: {  	_ =	task.clear_ibuf [dreg:s7], $0x2FFFF;
	_ =	strace $0x9FFFFFFF  }
0xc3: {  	(tm) =	ssettm $0x7FFFFFFF  }
tec
execute0_lowered:
.L_overlay_start_1:
0x0: {  	(tag) =	ssettag $0x1  }
0x1: {  	s5 =	rddreg [dreg:$0x0]  }
0x2: {  	s0 =	srdreg.scid;
	s8 =	rddreg [dreg:$0x1]  }
0x3: {  	s2 =	rddreg [dreg:$0x2];
	s3 =	simm.s32 $0x0;
	s13 =	simm.s32 $0x1  }
0x4: {  	s14 =	simm.s32 $0x2880;
	s15 =	simm.s32 $0x80;
	s16 =	simm.s32 $0x2800  }
0x5: {  	s17 =	simm.s32 $0x0;
	s4 =	sand.u32 $0x1, s0;
	s0 =	stileid.u32  }
0x6: {  	[smem:$0x7FF] =	sst s3;
	s1 =	sshll.u32 s4, $0x4;
	s7 =	smul.u32 $0x278, s0  }
0x7: {  	s9 =	ssub.s32 $0x2, s4;
	s10 =	smul.u32 $0x2710, s4;
	s1 =	sor.u32 s0, s1  }
0x8: {  	p0 =	seq.s32 s0, $0xF;
	s31 =	sshrl.u32 s9, $0x1;
	s6 =	smul.u32 $0x500, s1  }
0x9: {  	s1 =	rddreg [dreg:$0x3];
	s4 =	sadd.s32 s7, s2;
	s7 =	sadd.s32 s7, s10  }
0xa: {  	_ =	strace $0x80000047;
	s9 =	ssub.s32 s9, s31;
	s10 =	sshrl.u32 s7, $0x3  }
0xb: {  	s7 =	sadd.s32 $0x2708, s2;
	s9 =	smax.u32 s9, $0x1;
	s11 =	sadd.s32 $0x100, s4  }
0xc: {  	s12 =	sadd.s32 $0x180, s4;
	s5 =	sadd.s32 s6, s5;
	s6 =	sadd.s32 $0x200, s4  }
0xd: {  	v0 =	vimm.f32 $1.000000000e+00;
	v1 =	vimm.f32 $0.0e+00;
	s8 =	sadd.s32 s8, s10;
	s10 =	sadd.s32 $0x80, s4;
	s5 =	sadd.s32 $0x4200, s5  }
.LBB2_1:
0xe: {  	[tilespmem:s3], [sflag:$0x1] =	stream.linear.gather [hbm4b:s5+s3], $0x2800, $0x38;
	[tilespmem:$0x2DF8] =	vst v63  }
0xf: {  	_ =	swait.ge [sflag:s13], $0x2800  }
0x10: {  	[sflag:s13] =	ssyncset.done $0x0  }
0x11: {  	[sflag:s13] =	ssyncadd.s32 $0xFFFFD800  }
0x12: {  	[tilespmem:$0x2800] =	vst v0  }
0x13: {  	[tilespmem:$0x2880] =	vst v1  }
0x14: {  	[tilespmem:$0x2810] =	vst v0  }
0x15: {  	[tilespmem:$0x2890] =	vst v1  }
0x16: {  	[tilespmem:$0x2820] =	vst v0  }
0x17: {  	[tilespmem:$0x28A0] =	vst v1  }
0x18: {  	[tilespmem:$0x2830] =	vst v0  }
0x19: {  	[tilespmem:$0x28B0] =	vst v1  }
0x1a: {  	[tilespmem:$0x2840] =	vst v0  }
0x1b: {  	[tilespmem:$0x28C0] =	vst v1  }
0x1c: {  	[tilespmem:$0x2850] =	vst v0  }
0x1d: {  	[tilespmem:$0x28D0] =	vst v1  }
0x1e: {  	[tilespmem:$0x2860] =	vst v0  }
0x1f: {  	[tilespmem:$0x28E0] =	vst v1  }
0x20: {  	[tilespmem:$0x2870] =	vst v0  }
0x21: {  	[tilespmem:$0x28F0] =	vst v1  }
0x22: {  	[spmem:s4] =	stream.linear.scatter [tilespmem:s14], [sflag:$0x1], $0x80, $0x38;
	[tilespmem:$0x2DF8] =	vst v63  }
0x23: {  	_ =	swait.ge [sflag:s13], $0x80  }
0x24: {  	[sflag:s13] =	ssyncset.done $0x0  }
0x25: {  	[sflag:s13] =	ssyncadd.s32 $0xFFFFFF80  }
0x26: {  	[spmem:s10] =	stream.linear.scatter [tilespmem:s14], [sflag:$0x1], $0x80, $0x38;
	[tilespmem:$0x2DF8] =	vst v63  }
0x27: {  	_ =	swait.ge [sflag:s13], $0x80  }
0x28: {  	[sflag:s13] =	ssyncset.done $0x0  }
0x29: {  	[sflag:s13] =	ssyncadd.s32 $0xFFFFFF80  }
0x2a: {  	[spmem:s11] =	stream.linear.scatter [tilespmem:s14], [sflag:$0x1], $0x80, $0x38;
	[tilespmem:$0x2DF8] =	vst v63  }
0x2b: {  	_ =	swait.ge [sflag:s13], $0x80  }
0x2c: {  	[sflag:s13] =	ssyncset.done $0x0  }
0x2d: {  	[sflag:s13] =	ssyncadd.s32 $0xFFFFFF80  }
0x2e: {  	[spmem:s12] =	stream.linear.scatter [tilespmem:s14], [sflag:$0x1], $0x80, $0x38;
	[tilespmem:$0x2DF8] =	vst v63  }
0x2f: {  	_ =	swait.ge [sflag:s13], $0x80  }
0x30: {  	[sflag:s13] =	ssyncset.done $0x0  }
0x31: {  	s18 =	simm.s32 @p0 $0x2880;
	[sflag:s13] =	ssyncadd.s32 $0xFFFFFF80  }
0x32: {  	[spmem:s7] =	stream.linear.scatter @p0 [tilespmem:s18], [sflag:$0x1], $0x10, $0x38;
	[tilespmem:$0x2DF8] =	vst v63  }
0x33: {  	s18 =	simm.s32 @p0 $0x1  }
0x34: {  	_ =	swait.ge @p0 [sflag:s18], $0x10  }
0x35: {  	[sflag:s18] =	ssyncset.done @p0 $0x0  }
0x36: {  	[sflag:s18] =	ssyncadd.s32 @p0 $0xFFFFFFF0;
	s18 =	simm.s32 @!p0 $0x2880  }
0x37: {  	[spmem:s6] =	stream.linear.scatter @!p0 [tilespmem:s18], [sflag:$0x1], $0x78, $0x38;
	[tilespmem:$0x2DF8] =	vst v63  }
0x38: {  	s18 =	simm.s32 @!p0 $0x1  }
0x39: {  	_ =	swait.ge @!p0 [sflag:s18], $0x78  }
0x3a: {  	[sflag:s18] =	ssyncset.done @!p0 $0x0  }
0x3b: {  	[sflag:s18] =	ssyncadd.s32 @!p0 $0xFFFFFF88  }
0x3c: {  	s31 =	simm.s32 $0x0;
	[bflag:$0x0] =	sbarrier.arrive $0xFFFF  }
0x3d: {  	[spmem:s2] =	stream.indirect.scatter.add.f32 [tilespmem:s16], [sflag:$0x1], $0x1, s31, s15, $0xb8;
	[tilespmem:$0x2DF8] =	vst v63  }
0x3e: {  	_ =	swait.ge [sflag:s13], $0x80  }
0x3f: {  	s18 =	simm.s32 $0x200;
	[sflag:s13] =	ssyncset.done $0x0  }
.LBB2_2:
0x40: {  	s19 =	sshra.s32 s18, $0x2;
	[sflag:s13] =	ssyncadd.s32 $0xFFFFFF80;
	p1 =	sne.s32 s18, $0x9E00  }
0x41: {  	[spmem:s2] =	stream.indirect.scatter.add.f32 [tilespmem:s16], [sflag:$0x1], $0x1, s19, s15, $0xb8;
	[tilespmem:$0x2DF8] =	vst v63  }
.Ltmp0:
0x42: {  	_ = 	snop;
	(pc) =	sbr.rel @p1 .LBB2_2-.Ltmp0, $4  }
0x43: {  	_ = 	snop  }
0x44: {  	s18 =	sadd.s32 $0x200, s18  }
0x45: {  	_ =	swait.ge [sflag:s13], $0x80  }
0x46: {  	[sflag:s13] =	ssyncset.done $0x0  }
0x47: {  	[sflag:s13] =	ssyncadd.s32 $0xFFFFFF80  }
0x48: {  	s18 =	simm.s32 @p0 $0x2900;
	s19 =	simm.s32 @p0 $0x1;
	[bflag:$0x0] =	sbarrier.arrive $0xFFFF  }
0x49: {  	[tilespmem:s18], [sflag:$0x1] =	stream.linear.gather @p0 [spmem:s4], $0x208, $0x38;
	[tilespmem:$0x2DF8] =	vst v63  }
0x4a: {  	_ =	swait.ge @p0 [sflag:s19], $0x208  }
0x4b: {  	[sflag:s19] =	ssyncset.done @p0 $0x0  }
0x4c: {  	s20 =	simm.s32 @p0 $0x0;
	[sflag:s19] =	ssyncadd.s32 @p0 $0xFFFFFDF8  }
0x4d: {  	[hbm4b:s8+s20] =	stream.linear.scatter @p0 [tilespmem:s18], [sflag:$0x1], $0x208, $0x38;
	[tilespmem:$0x2DF8] =	vst v63  }
0x4e: {  	_ =	swait.ge @p0 [sflag:s19], $0x208  }
0x4f: {  	[sflag:s19] =	ssyncset.done @p0 $0x0  }
0x50: {  	s18 =	simm.s32 @!p0 $0x2900;
	[sflag:s19] =	ssyncadd.s32 @p0 $0xFFFFFDF8;
	s19 =	simm.s32 @!p0 $0x1  }
0x51: {  	[tilespmem:s18], [sflag:$0x1] =	stream.linear.gather @!p0 [spmem:s4], $0x278, $0x38;
	[tilespmem:$0x2DF8] =	vst v63  }
0x52: {  	s17 =	sadd.s32 $0x1, s17;
	_ =	swait.ge @!p0 [sflag:s19], $0x278  }
0x53: {  	p1 =	sne.s32 s17, s9;
	[sflag:s19] =	ssyncset.done @!p0 $0x0  }
.Ltmp1:
0x54: {  	s20 =	simm.s32 @!p0 $0x0;
	[sflag:s19] =	ssyncadd.s32 @!p0 $0xFFFFFD88;
	(pc) =	sbr.rel @p1 .LBB2_1-.Ltmp1, $4  }
0x55: {  	[hbm4b:s8+s20] =	stream.linear.scatter @!p0 [tilespmem:s18], [sflag:$0x1], $0x278, $0x38;
	[tilespmem:$0x2DF8] =	vst v63  }
0x56: {  	_ =	swait.ge @!p0 [sflag:s19], $0x278  }
0x57: {  	[sflag:s19] =	ssyncset.done @!p0 $0x0  }
0x58: {  	[sflag:s19] =	ssyncadd.s32 @!p0 $0xFFFFFD88  }
0x59: {  	_ =	sfence.sel $0x180000  }
0x5a: {  	[bflag:$0x0] =	sbarrier.arrive $0xFFFF  }
0x5b: {  	p0 =	sne.s32 s0, $0x0;
	_ =	strace $0x90000047  }
0x5c: {  	s0 =	sadd.s32 @!p0 $0x100000, s1;
	[bflag:$0x2] =	sbarrier.arrive $0xFFFF  }
0x5d: {  	[sflag:s0] =	ssyncadd.tile.s32 @!p0 $0x1;
	_ =	shalt  }
.Lfunc_end2:
_tile_overlayer_lowered:
.L_overlay_start_2:
0x5e: {  	(tag) =	ssettag $0x2  }
0x5f: {  	s0 =	rddreg [dreg:$0x0];
	s2 =	stileid.u32  }
0x60: {  	s1 =	rddreg [dreg:$0x1];
	p0 =	sne.s32 s2, $0x0  }
0x61: {  	s3 =	rddreg [dreg:$0x2];
	[bflag:$0x3] =	sbarrier.arrive $0xFFFF;
	s2 =	simm.s32 @!p0 $0x1C01  }
0x62: {  	[timem:s3], [sflag:s2] =	dma.local @!p0 [hbm:s0], s1  }
0x63: {  	s0 =	simm.s32 @!p0 $0x1  }
0x64: {  	_ =	swait.ge @!p0 [sflag:s0], s1  }
0x65: {  	s1 =	ssub.s32 @!p0 $0x0, s1;
	[sflag:s0] =	ssyncset.done @!p0 $0x0  }
0x66: {  	[sflag:s0] =	ssyncadd.s32 @!p0 s1  }
0x67: {  	[bflag:$0x3] =	sbarrier.arrive $0xFFFF  }
0x68: {  	_ =	shalt  }

// kernel: kernel.13.cloned.1.call-start
scs
__scs_entry_jumppad:
0x0: {  	(pc) =	sbr.rel $0x88, $3  }
0x1: {  	(tag) =	ssettag $0x0;
	lr =	simm.s32 $0x1  }
0x2: {  	[smem:$0x3F8B] =	sst lr;
	_ =	strace $0xD0000000  }
0x3: {  	_ = 	snop  }
0x4: {  	_ = 	snop  }
0x5: {  	_ = 	snop  }
0x6: {  	_ = 	snop  }
0x7: {  	_ = 	snop  }
__scs_overlays_trampoline_lowered:
0x8: {  	[smem:$0x3F9A] =	sst s0  }
0x9: {  	[smem:$0x3F9B] =	sst s1  }
0xa: {  	[smem:$0x3F9C] =	sst s2  }
0xb: {  	[smem:$0x3F9D] =	sst s3  }
0xc: {  	[smem:$0x3F9E] =	sst s4  }
0xd: {  	[smem:$0x3F9F] =	sst s5  }
0xe: {  	[smem:$0x3FA0] =	sst s6  }
0xf: {  	[smem:$0x3FA1] =	sst s7  }
0x10: {  	[smem:$0x3FA2] =	sst s8  }
0x11: {  	[smem:$0x3FA3] =	sst s9;
	s0 =	simm.s32 @!p0 $0x0  }
0x12: {  	s1 =	sld [smem:$0x3F89];
	s0 =	simm.s32 @p0 $0x1  }
0x13: {  	[smem:$0x3FA4] =	sst s0;
	s0 =	simm.s32 @!p1 $0x0  }
0x14: {  	s2 =	sld [smem:$0x3F88];
	s0 =	simm.s32 @p1 $0x1  }
0x15: {  	[smem:$0x3FA5] =	sst s0;
	s0 =	simm.s32 @!p2 $0x0  }
0x16: {  	s3 =	sld [smem:$0x3FDB];
	s0 =	simm.s32 @p2 $0x1  }
0x17: {  	s4 =	simm.s32 $0x1BF5;
	[smem:$0x3FA7] =	sst s0  }
0x18: {  	s0 =	sld [smem:$0x3F8A];
	_ =	swait.ge [sflag:s4], $0x0  }
0x19: {  	s7 =	sld [smem:$0x3F8B]  }
0x1a: {  	s8 =	sadd.s32 $0xFFFFE003, lr  }
0x1b: {  	s9 =	sadd.s32 $0xFFFFFEF7, lr;
	s5 =	simm.s32 $0xFFFFFFFF;
	p2 =	slt.u32 s8, $0xFFFFF086  }
0x1c: {  	p1 =	slt.u32 s9, $0xF7A;
	s5 =	simm.s32 @!p2 $0x0  }
0x1d: {  	s5 =	simm.s32 @p1 $0x1;
	p0 =	seq.s32 s7, s2  }
0x1e: {  	s7 =	smul.u32 @!p0 $0xF7A, s2;
	p2 =	seq.s32 @!p0 s5, $0x0  }
0x1f: {  	s9 =	smul.u32 $0xF7A, s1;
	s8 =	simm.s32 @!p0 $0x1BF5;
	p2 =	por !p2, p0  }
0x20: {  	[sflag:s8] =	ssyncset.s32 @!p0 $0xFFFFF086;
	s6 =	sadd.s32 @!p0 s3, s7;
	s7 =	simm.s32 @!p0 $0x108  }
0x21: {  	s3 =	sadd.s32 s3, s9;
	s6 =	sadd.s32 @!p0 $0x88, s6;
	s7 =	simm.s32 @p2 $0x1082  }
0x22: {  	[simem:s7], [sflag:s8] =	dma.local @!p0 [hbm:s6], $0xF7A  }
0x23: {  	s9 =	sor.u32 $0xD0000000, s2;
	s6 =	simm.s32 $0x108;
	_ =	swait.ge @!p0 [sflag:s8], $0x0  }
0x24: {  	s3 =	sadd.s32 $0x88, s3;
	s6 =	simm.s32 @!p1 $0x1082;
	[sflag:s4] =	ssyncset.s32 $0xFFFFF086  }
0x25: {  	[simem:s6], [sflag:s4] =	dma.local [hbm:s3], $0xF7A  }
0x26: {  	[smem:$0x3F8B] =	sst s1;
	(tag) =	ssettag s2;
	_ =	strace s9  }
0x27: {  	s1 =	sld [smem:$0x3F9B]  }
0x28: {  	s2 =	sld [smem:$0x3F9C]  }
0x29: {  	s4 =	sld [smem:$0x3F9E]  }
0x2a: {  	p0 =	seq.s32 s5, $0x0;
	s5 =	sld [smem:$0x3F9F]  }
0x2b: {  	s6 =	sld [smem:$0x3FA0]  }
0x2c: {  	s7 =	sld [smem:$0x3FA1]  }
0x2d: {  	s3 =	simm.s32 $0x108;
	s8 =	sld [smem:$0x3FA2]  }
0x2e: {  	s3 =	simm.s32 @!p0 $0x1082;
	s9 =	sld [smem:$0x3FA3]  }
0x2f: {  	lr =	sadd.s32 s0, s3;
	s0 =	sld [smem:$0x3F9A]  }
0x30: {  	s3 =	sld [smem:$0x3F9D]  }
0x31: {  	[smem:$0x3FA6] =	sst s10  }
0x32: {  	s10 =	sld [smem:$0x3FA4];
	_ =	sdelay $0x3  }
0x33: {  	p0 =	seq.s32 s10, $0x1;
	s10 =	sld [smem:$0x3FA6];
	_ =	sdelay $0x3  }
0x34: {  	[smem:$0x3FA6] =	sst s10  }
0x35: {  	s10 =	sld [smem:$0x3FA5];
	_ =	sdelay $0x3  }
0x36: {  	p1 =	seq.s32 s10, $0x1;
	s10 =	sld [smem:$0x3FA6];
	_ =	sdelay $0x3  }
0x37: {  	[smem:$0x3FA6] =	sst s10  }
0x38: {  	s10 =	sld [smem:$0x3FA7]  }
0x39: {  	_ = 	snop;
	(pc) =	sbr.ind lr, $3  }
0x3a: {  	_ = 	snop  }
0x3b: {  	_ = 	snop  }
0x3c: {  	p2 =	seq.s32 s10, $0x1;
	s10 =	sld [smem:$0x3FA6]  }
0x3d: {  	_ =	shalt  }
0x3e: {  	_ =	shalt  }
0x3f: {  	_ =	shalt  }
0x40: {  	_ =	shalt  }
0x41: {  	_ =	shalt  }
0x42: {  	_ =	shalt  }
0x43: {  	_ =	shalt  }
0x44: {  	_ =	shalt  }
0x45: {  	_ =	shalt  }
0x46: {  	_ =	shalt  }
0x47: {  	_ =	shalt  }
0x48: {  	_ =	shalt  }
0x49: {  	_ =	shalt  }
0x4a: {  	_ =	shalt  }
0x4b: {  	_ =	shalt  }
0x4c: {  	_ =	shalt  }
0x4d: {  	_ =	shalt  }
0x4e: {  	_ =	shalt  }
0x4f: {  	_ =	shalt  }
0x50: {  	_ =	shalt  }
0x51: {  	_ =	shalt  }
0x52: {  	_ =	shalt  }
0x53: {  	_ =	shalt  }
0x54: {  	_ =	shalt  }
0x55: {  	_ =	shalt  }
0x56: {  	_ =	shalt  }
0x57: {  	_ =	shalt  }
0x58: {  	_ =	shalt  }
0x59: {  	_ =	shalt  }
0x5a: {  	_ =	shalt  }
0x5b: {  	_ =	shalt  }
0x5c: {  	_ =	shalt  }
0x5d: {  	_ =	shalt  }
0x5e: {  	_ =	shalt  }
0x5f: {  	_ =	shalt  }
0x60: {  	_ =	shalt  }
0x61: {  	_ =	shalt  }
0x62: {  	_ =	shalt  }
0x63: {  	_ =	shalt  }
0x64: {  	_ =	shalt  }
0x65: {  	_ =	shalt  }
0x66: {  	_ =	shalt  }
0x67: {  	_ =	shalt  }
0x68: {  	_ =	shalt  }
0x69: {  	_ =	shalt  }
0x6a: {  	_ =	shalt  }
0x6b: {  	_ =	shalt  }
0x6c: {  	_ =	shalt  }
0x6d: {  	_ =	shalt  }
0x6e: {  	_ =	shalt  }
0x6f: {  	_ =	shalt  }
0x70: {  	_ =	shalt  }
0x71: {  	_ =	shalt  }
0x72: {  	_ =	shalt  }
0x73: {  	_ =	shalt  }
0x74: {  	_ =	shalt  }
0x75: {  	_ =	shalt  }
0x76: {  	_ =	shalt  }
0x77: {  	_ =	shalt  }
0x78: {  	_ =	shalt  }
0x79: {  	_ =	shalt  }
0x7a: {  	_ =	shalt  }
0x7b: {  	_ =	shalt  }
0x7c: {  	_ =	shalt  }
0x7d: {  	_ =	shalt  }
0x7e: {  	_ =	shalt  }
0x7f: {  	_ =	shalt  }
0x80: {  	_ =	shalt  }
0x81: {  	_ =	shalt  }
0x82: {  	_ =	shalt  }
0x83: {  	_ =	shalt  }
0x84: {  	_ =	shalt  }
0x85: {  	_ =	shalt  }
0x86: {  	_ =	shalt  }
0x87: {  	_ =	shalt  }
.Lfunc_end0:
.L_simem_size_0:
called_computation.1_lowered:
.L_overlay_start_0:
0x88: {  	s2 =	sld [smem:$0x3FD9]  }
0x89: {  	s3 =	sld [smem:$0x3FFE];
	_ =	sdelay $0x1  }
0x8a: {  	s1 =	srdreg.scid  }
0x8b: {  	s0 =	sand.u32 $0x1, s1  }
0x8c: {  	s16 =	sshll.u32 s0, $0xA;
	s2 =	sadd.s32 s3, s2  }
0x8d: {  	s2 =	sadd.s32 s2, s16  }
0x8e: {  	[smem:$0x3FB2] =	sst s2  }
0x8f: {  	_ = 	snop  }
0x90: {  	(tm) =	ssettm $0x1  }
0x91: {  	s17 =	sld [smem:$0x3FFB];
	_ =	sdelay $0x3  }
0x92: {  	_ =	strace s17  }
0x93: {  	s2 =	sld [smem:$0x3FFC];
	_ =	sdelay $0x3  }
0x94: {  	_ =	strace s2  }
0x95: {  	s2 =	sld [smem:$0x3FFD];
	_ =	sdelay $0x3  }
0x96: {  	_ =	strace s2  }
0x97: {  	_ =	strace $0x8FFFFFFF  }
0x98: {  	s18 =	sld [smem:$0x3FDB];
	_ =	sdelay $0x1  }
0x99: {  	s19 =	simm.s32 $_scs_section_size  }
0x9a: {  	s4 =	simm.s32 $_size__tile_overlayer_lowered;
	s5 =	simm.s32 $_tile_overlayer_lowered  }
0x9b: {  	s22 =	simm.s32 $0x1BFF;
	s21 =	sshll.u32 s5, $0x1;
	s2 =	sadd.s32 s19, s18  }
0x9c: {  	s6 =	simm.s32 $0x0;
	s20 =	sshll.u32 s4, $0x1;
	s4 =	sadd.s32 s21, s2  }
0x9d: {  	[timem:s6], [sflag:s22] =	dma.local [hbm:s4], s20  }
0x9e: {  	_ =	swait.ge [sflag:s22], s20  }
0x9f: {  	s3 =	ssub.s32 $0x0, s20;
	[sflag:s22] =	ssyncset.done $0x0  }
0xa0: {  	[sflag:s22] =	ssyncadd.s32 s3;
	_ =	sdelay $0x1  }
0xa1: {  	s23 =	simm.s32 $0x1B8B  }
0xa2: {  	_ =	swait.ge [sflag:s23], $0x1  }
0xa3: {  	[sflag:s23] =	ssyncset.done $0x0  }
0xa4: {  	s25 =	simm.s32 $0x1B8E;
	s24 =	sld [smem:$0x3FFE];
	[sflag:s23] =	ssyncadd.s32 $0xFFFFFFFF  }
0xa5: {  	s26 =	simm.s32 $execute0_lowered;
	[smem:$0x3FD2] =	sst s25  }
0xa6: {  	s4 =	sshll.u32 s26, $0x1;
	_ =	strace $0x80000049;
	[dreg:$0x1] =	wrdreg $0xFFFFFFFF  }
0xa7: {  	s28 =	simm.s32 $_size_execute0_lowered;
	s2 =	sadd.s32 s2, s4;
	[dreg:$0x0] =	wrdreg $0x0  }
0xa8: {  	s4 =	sshll.u32 s28, $0x1;
	[dreg:$0x2] =	wrdreg s2  }
0xa9: {  	[dreg:$0x3] =	wrdreg s4  }
0xaa: {  	[dreg:$0x4] =	wrdreg $0xC0  }
0xab: {  	_ =	task [dreg:s6], $0x5FFFF  }
0xac: {  	[dreg:$0x1] =	wrdreg $0xFFFFFFFF  }
0xad: {  	[dreg:$0x0] =	wrdreg $0x60  }
0xae: {  	[dreg:$0x2] =	wrdreg s24  }
0xaf: {  	[dreg:$0x3] =	wrdreg $0x118000  }
0xb0: {  	[dreg:$0x4] =	wrdreg $0x9  }
0xb1: {  	_ =	task.clear_ibuf [dreg:s6], $0x5FFFF;
	_ =	strace $0x90000049  }
0xb2: {  	s29 =	simm.s32 $0x9;
	_ =	strace $0x8000004B  }
0xb3: {  	_ =	swait.ge [sflag:s29], $0x1  }
0xb4: {  	[sflag:s29] =	ssyncadd.s32 $0xFFFFFFFF  }
0xb5: {  	_ =	strace $0x9000004B  }
0xb6: {  	_ =	sfence  }
0xb7: {  	s30 =	sld [smem:$0x0];
	_ =	sdelay $0x2  }
0xb8: {  	s31 =	sshll.u32 s1, $0xD;
	s1 =	sshrl.u32 s1, $0x2  }
0xb9: {  	s3 =	sand.u32 $0x4000, s31;
	s1 =	sadd.s32 s1, s30  }
0xba: {  	s0 =	sor.u32 s3, s0;
	s1 =	sshll.u32 s1, $0x11  }
0xbb: {  	s0 =	sor.u32 s1, s0  }
0xbc: {  	s0 =	sadd.s32 $0x8F2B, s0  }
0xbd: {  	[sflag:s0] =	ssyncadd.remote.s32 $0x1  }
0xbe: {  	_ =	sfence.sel $0xFFFF  }
0xbf: {  	[dreg:$0x0] =	wrdreg $0xFFFFFFFF;
	(pc) =	sbr.abs _section_cstart, $3  }
0xc0: {  	[dreg:$0x1] =	wrdreg $0xFFFFFFFF  }
0xc1: {  	_ =	task.clear_ibuf [dreg:s6], $0x2FFFF;
	_ =	strace $0x9FFFFFFF  }
0xc2: {  	(tm) =	ssettm $0x7FFFFFFF  }
0xc3: {  	_ =	shalt  }
tec
execute0_lowered:
.L_overlay_start_1:
0x0: {  	(tag) =	ssettag $0x1  }
0x1: {  	s0 =	rddreg [dreg:$0x0]  }
0x2: {  	s2 =	rddreg [dreg:$0x1];
	s1 =	srdreg.scid  }
0x3: {  	s12 =	stileid.u32;
	s3 =	simm.s32 $0x0;
	s18 =	simm.s32 $0x9800  }
0x4: {  	s19 =	simm.s32 $0x9;
	s20 =	simm.s32 $0x80;
	s28 =	simm.s32 $0x1  }
0x5: {  	s29 =	simm.s32 $0x2;
	s30 =	simm.s32 $0x3;
	s31 =	simm.s32 $0x4  }
0x6: {  	s1 =	sand.u32 $0x1, s1;
	s5 =	smul.u32 $0x278, s12;
	[smem:$0x7FF] =	sst s3  }
0x7: {  	s4 =	sadd.s32 $0x22200, s0;
	s7 =	sadd.s32 $0x18200, s0;
	s10 =	smul.u32 $0x27800, s12  }
0x8: {  	s9 =	sadd.s32 $0xE200, s0;
	s22 =	sshll.u32 s12, $0x7;
	s11 =	smul.u32 $0x980, s12  }
0x9: {  	s25 =	sadd.s32 $0x9C200, s2;
	p1 =	seq.s32 s12, $0xF;
	s6 =	smul.u32 $0x2710, s1  }
0xa: {  	_ =	strace $0x8000004A;
	s21 =	ssub.s32 $0x2, s1;
	p0 =	seq.s32 s1, $0x0  }
0xb: {  	[dreg:$0x9] =	wrdreg s25;
	s8 =	sshrl.u32 s21, $0x1;
	s10 =	sshrl.u32 s10, $0x2  }
0xc: {  	s23 =	sadd.s32 s9, s11;
	s5 =	sadd.s32 s5, s6;
	s6 =	ssub.s32 s21, s8  }
0xd: {  	s8 =	sor.u32 $0x9800, s22;
	[dreg:$0x7] =	wrdreg s23;
	s10 =	sadd.s32 s10, s2  }
0xe: {  	s21 =	simm.s32 $0xB800;
	s23 =	simm.s32 $0xD800;
	s22 =	simm.s32 $0x6  }
0xf: {  	s5 =	sshll.u32 s5, $0x3;
	s13 =	sadd.s32 s7, s8;
	s8 =	sadd.s32 s9, s8  }
0x10: {  	s7 =	sadd.s32 s7, s11;
	s24 =	sadd.s32 $0x8000, s10;
	[dreg:$0x4] =	wrdreg s13  }
0x11: {  	s14 =	smax.u32 s6, $0x1;
	s15 =	sadd.s32 $0x2000, s10;
	[dreg:$0x5] =	wrdreg s8  }
0x12: {  	s16 =	sadd.s32 $0x4000, s10;
	s17 =	sadd.s32 $0x6000, s10;
	[dreg:$0x6] =	wrdreg s7  }
0x13: {  	s0 =	sadd.s32 s5, s0;
	s5 =	simm.s32 $0x98;
	[dreg:$0x8] =	wrdreg s24  }
0x14: {  	s24 =	simm.s32 $0x8;
	s5 =	simm.s32 @!p0 $0x8;
	s13 =	sadd.s32 $0x35C00, s0  }
0x15: {  	s0 =	sadd.s32 $0x94200, s2;
	p0 =	sne.s32 s1, $0x0;
	s26 =	sshll.u32 s5, $0x9  }
0x16: {  	s1 =	simm.s32 $0x7;
	s25 =	sshrl.u32 @p1 s0, $0x3;
	s6 =	sadd.s32 $0xFFFFF800, s26  }
0x17: {  	v0 =	vimm.f32 $0.0e+00;
	s0 =	simm.s32 $0x5;
	s26 =	simm.s32 $0xF800;
	[dreg:$0x3] =	wrdreg s6  }
.LBB2_1:
0x18: {  	s6 =	simm.s32 @p0 $0x0;
	s7 =	rddreg [dreg:$0x4]  }
0x19: {  	[tilespmem:s6], [sflag:$0x9] =	stream.linear.gather @p0 [hbm4b:s7+s6], $0x400, $0x38;
	[tilespmem:$0x1B460] =	vst v63  }
0x1a: {  	s7 =	simm.s32 @p0 $0x9  }
0x1b: {  	_ =	swait.ge @p0 [sflag:s7], $0x400  }
0x1c: {  	[sflag:s7] =	ssyncset.done @p0 $0x0  }
0x1d: {  	s8 =	simm.s32 @p0 $0x4C00;
	s9 =	rddreg [dreg:$0x5];
	[sflag:s7] =	ssyncadd.s32 @p0 $0xFFFFFC00  }
0x1e: {  	[tilespmem:s8], [sflag:$0x9] =	stream.linear.gather @p0 [hbm4b:s9+s6], $0x400, $0x38;
	[tilespmem:$0x1B460] =	vst v63  }
0x1f: {  	_ =	swait.ge @p0 [sflag:s7], $0x400  }
0x20: {  	[sflag:s7] =	ssyncset.done @p0 $0x0  }
0x21: {  	s6 =	simm.s32 @!p0 $0x0;
	[sflag:s7] =	ssyncadd.s32 @p0 $0xFFFFFC00;
	s7 =	rddreg [dreg:$0x6]  }
0x22: {  	[tilespmem:s6], [sflag:$0x9] =	stream.linear.gather @!p0 [hbm4b:s7+s6], $0x4C00, $0x38;
	[tilespmem:$0x1B460] =	vst v63  }
0x23: {  	s7 =	simm.s32 @!p0 $0x9  }
0x24: {  	_ =	swait.ge @!p0 [sflag:s7], $0x4C00  }
0x25: {  	[sflag:s7] =	ssyncset.done @!p0 $0x0  }
0x26: {  	s8 =	simm.s32 @!p0 $0x4C00;
	s9 =	rddreg [dreg:$0x7];
	[sflag:s7] =	ssyncadd.s32 @!p0 $0xFFFFB400  }
0x27: {  	[tilespmem:s8], [sflag:$0x9] =	stream.linear.gather @!p0 [hbm4b:s9+s6], $0x4C00, $0x38;
	[tilespmem:$0x1B460] =	vst v63  }
0x28: {  	_ =	swait.ge @!p0 [sflag:s7], $0x4C00  }
0x29: {  	[sflag:s7] =	ssyncset.done @!p0 $0x0  }
0x2a: {  	s6 =	simm.s32 $0x0;
	[sflag:s7] =	ssyncadd.s32 @!p0 $0xFFFFB400;
	s7 =	simm.s32 $0x100  }
.LBB2_2:
0x2b: {  	p2 =	sne.s32 s7, $0x7F00;
	[tilespmem:s6+$0x9830] =	vst v0;
	s8 =	smov.u32 s7;
	s7 =	sadd.s32 $0x100, s7  }
.Ltmp0:
0x2c: {  	[tilespmem:s6+$0x9820] =	vst v0;
	(pc) =	sbr.rel @p2 .LBB2_2-.Ltmp0, $3  }
0x2d: {  	[tilespmem:s6+$0x9800] =	vst v0  }
0x2e: {  	[tilespmem:s6+$0x9810] =	vst v0;
	_ =	sdelay $0x1  }
0x2f: {  	s6 =	sshra.s32 s8, $0x2  }
0x30: {  	[tilespmem:s6+$0x9830] =	vst v0  }
0x31: {  	[tilespmem:s6+$0x9820] =	vst v0  }
0x32: {  	[tilespmem:s6+$0x9800] =	vst v0  }
0x33: {  	[tilespmem:s6+$0x9810] =	vst v0  }
0x34: {  	[spmem:s10] =	stream.linear.scatter [tilespmem:s18], [sflag:$0x9], $0x2000, $0x38;
	[tilespmem:$0x1B460] =	vst v63  }
0x35: {  	_ =	swait.ge [sflag:s19], $0x2000  }
0x36: {  	[sflag:s19] =	ssyncset.done $0x0  }
0x37: {  	[sflag:s19] =	ssyncadd.s32 $0xFFFFE000  }
0x38: {  	[spmem:s15] =	stream.linear.scatter [tilespmem:s18], [sflag:$0x9], $0x2000, $0x38;
	[tilespmem:$0x1B460] =	vst v63  }
0x39: {  	_ =	swait.ge [sflag:s19], $0x2000  }
0x3a: {  	[sflag:s19] =	ssyncset.done $0x0  }
0x3b: {  	[sflag:s19] =	ssyncadd.s32 $0xFFFFE000  }
0x3c: {  	[spmem:s16] =	stream.linear.scatter [tilespmem:s18], [sflag:$0x9], $0x2000, $0x38;
	[tilespmem:$0x1B460] =	vst v63  }
0x3d: {  	_ =	swait.ge [sflag:s19], $0x2000  }
0x3e: {  	[sflag:s19] =	ssyncset.done $0x0  }
0x3f: {  	[sflag:s19] =	ssyncadd.s32 $0xFFFFE000  }
0x40: {  	[spmem:s17] =	stream.linear.scatter [tilespmem:s18], [sflag:$0x9], $0x2000, $0x38;
	[tilespmem:$0x1B460] =	vst v63  }
0x41: {  	_ =	swait.ge [sflag:s19], $0x2000  }
0x42: {  	[sflag:s19] =	ssyncset.done $0x0  }
0x43: {  	s6 =	simm.s32 @p1 $0x9800;
	s7 =	rddreg [dreg:$0x9];
	[sflag:s19] =	ssyncadd.s32 $0xFFFFE000  }
0x44: {  	[spmem:s7] =	stream.linear.scatter @p1 [tilespmem:s6], [sflag:$0x9], $0x400, $0x38;
	[tilespmem:$0x1B460] =	vst v63  }
0x45: {  	s6 =	simm.s32 @p1 $0x9  }
0x46: {  	_ =	swait.ge @p1 [sflag:s6], $0x400  }
0x47: {  	[sflag:s6] =	ssyncset.done @p1 $0x0  }
0x48: {  	s7 =	rddreg [dreg:$0x8];
	[sflag:s6] =	ssyncadd.s32 @p1 $0xFFFFFC00;
	s6 =	simm.s32 @!p1 $0x9800  }
0x49: {  	[spmem:s7] =	stream.linear.scatter @!p1 [tilespmem:s6], [sflag:$0x9], $0x1E00, $0x38;
	[tilespmem:$0x1B460] =	vst v63  }
0x4a: {  	s6 =	simm.s32 @!p1 $0x9  }
0x4b: {  	_ =	swait.ge @!p1 [sflag:s6], $0x1E00  }
0x4c: {  	[sflag:s6] =	ssyncset.done @!p1 $0x0  }
0x4d: {  	[sflag:s6] =	ssyncadd.s32 @!p1 $0xFFFFE200  }
0x4e: {  	s6 =	simm.s32 $0x0;
	[bflag:$0x0] =	sbarrier.arrive $0xFFFF  }
0x4f: {  	[tilespmem:s18], [sflag:$0x1] =	stream.indirect.gather [hbm4b:s4+s20], $0x40, s6, s20, $0xb8;
	[tilespmem:$0x1B460] =	vst v63  }
0x50: {  	_ = 	snop  }
0x51: {  	[tilespmem:s21], [sflag:$0x2] =	stream.indirect.gather [hbm4b:s4+s20], $0x40, s20, s20, $0xb8;
	[tilespmem:$0x1B460] =	vst v63  }
0x52: {  	s11 =	simm.s32 $0x100  }
0x53: {  	[tilespmem:s23], [sflag:$0x3] =	stream.indirect.gather [hbm4b:s4+s20], $0x40, s11, s20, $0xb8;
	[tilespmem:$0x1B460] =	vst v63  }
0x54: {  	s12 =	simm.s32 $0x180;
	s7 =	simm.s32 $0x7  }
0x55: {  	[tilespmem:s26], [sflag:$0x4] =	stream.indirect.gather [hbm4b:s4+s20], $0x40, s12, s20, $0xb8;
	[tilespmem:$0x1B460] =	vst v63  }
.LBB2_4:
0x56: {  	_ =	swait.ge [sflag:s28], $0x2000  }
0x57: {  	s8 =	sshra.s32 s6, $0x2;
	[sflag:s28] =	ssyncset.done $0x0  }
0x58: {  	s9 =	sadd.s32 $0x4C00, s8;
	[sflag:s28] =	ssyncadd.s32 $0xFFFFE000  }
0x59: {  	[spmem:s2] =	stream.indirect.scatter.add.f32 [tilespmem:s18], [sflag:$0x5], $0x40, s9, s20, $0xb8;
	[tilespmem:$0x1B460] =	vst v63  }
0x5a: {  	_ =	swait.ge [sflag:s29], $0x2000  }
0x5b: {  	[sflag:s29] =	ssyncset.done $0x0  }
0x5c: {  	s11 =	sadd.s32 $0x4C80, s8;
	[sflag:s29] =	ssyncadd.s32 $0xFFFFE000  }
0x5d: {  	[spmem:s2] =	stream.indirect.scatter.add.f32 [tilespmem:s21], [sflag:$0x6], $0x40, s11, s20, $0xb8;
	[tilespmem:$0x1B460] =	vst v63  }
0x5e: {  	_ =	swait.ge [sflag:s30], $0x2000  }
0x5f: {  	[sflag:s30] =	ssyncset.done $0x0  }
0x60: {  	s12 =	sadd.s32 $0x4D00, s8;
	[sflag:s30] =	ssyncadd.s32 $0xFFFFE000  }
0x61: {  	[spmem:s2] =	stream.indirect.scatter.add.f32 [tilespmem:s23], [sflag:$0x7], $0x40, s12, s20, $0xb8;
	[tilespmem:$0x1B460] =	vst v63  }
0x62: {  	_ =	swait.ge [sflag:s31], $0x2000  }
0x63: {  	s9 =	sadd.s32 $0xFFFFFFFD, s7;
	[sflag:s31] =	ssyncset.done $0x0  }
0x64: {  	s8 =	sadd.s32 $0x4D80, s8;
	p2 =	sge.u32 s9, s5;
	[sflag:s31] =	ssyncadd.s32 $0xFFFFE000  }
0x65: {  	[spmem:s2] =	stream.indirect.scatter.add.f32 [tilespmem:s26], [sflag:$0x8], $0x40, s8, s20, $0xb8;
	[tilespmem:$0x1B460] =	vst v63  }
0x66: {  	s8 =	simm.s32 @!p2 $0x5  }
0x67: {  	_ =	swait.ge @!p2 [sflag:s8], $0x2000  }
0x68: {  	[sflag:s8] =	ssyncset.done @!p2 $0x0  }
0x69: {  	[sflag:s8] =	ssyncadd.s32 @!p2 $0xFFFFE000;
	s8 =	sshra.s32 @!p2 s6, $0x2  }
0x6a: {  	s9 =	simm.s32 @!p2 $0x80;
	s11 =	simm.s32 @!p2 $0x9800;
	s8 =	sadd.s32 @!p2 $0x200, s8  }
0x6b: {  	[tilespmem:s11], [sflag:$0x1] =	stream.indirect.gather @!p2 [hbm4b:s4+s9], $0x40, s8, s9, $0xb8;
	[tilespmem:$0x1B460] =	vst v63  }
0x6c: {  	s11 =	sadd.s32 $0xFFFFFFFE, s7  }
0x6d: {  	p2 =	sge.u32 s11, s5  }
0x6e: {  	s8 =	simm.s32 @!p2 $0x6  }
0x6f: {  	_ =	swait.ge @!p2 [sflag:s8], $0x2000  }
0x70: {  	[sflag:s8] =	ssyncset.done @!p2 $0x0  }
0x71: {  	s12 =	sadd.s32 $0xFFFFFFFF, s7;
	[sflag:s8] =	ssyncadd.s32 @!p2 $0xFFFFE000;
	s8 =	sshra.s32 @!p2 s6, $0x2  }
0x72: {  	s9 =	simm.s32 @!p2 $0x80;
	s11 =	simm.s32 @!p2 $0xB800;
	s8 =	sadd.s32 @!p2 $0x280, s8  }
0x73: {  	[tilespmem:s11], [sflag:$0x2] =	stream.indirect.gather @!p2 [hbm4b:s4+s9], $0x40, s8, s9, $0xb8;
	[tilespmem:$0x1B460] =	vst v63  }
0x74: {  	p2 =	sge.u32 s12, s5  }
0x75: {  	s8 =	simm.s32 @!p2 $0x7  }
0x76: {  	_ =	swait.ge @!p2 [sflag:s8], $0x2000  }
0x77: {  	[sflag:s8] =	ssyncset.done @!p2 $0x0  }
0x78: {  	[sflag:s8] =	ssyncadd.s32 @!p2 $0xFFFFE000;
	s8 =	sshra.s32 @!p2 s6, $0x2  }
0x79: {  	s9 =	simm.s32 @!p2 $0x80;
	s11 =	simm.s32 @!p2 $0xD800;
	s8 =	sadd.s32 @!p2 $0x300, s8  }
0x7a: {  	[tilespmem:s11], [sflag:$0x3] =	stream.indirect.gather @!p2 [hbm4b:s4+s9], $0x40, s8, s9, $0xb8;
	[tilespmem:$0x1B460] =	vst v63  }
0x7b: {  	p2 =	sge.u32 s7, s5  }
0x7c: {  	s8 =	simm.s32 @!p2 $0x8  }
0x7d: {  	s9 =	sshra.s32 @!p2 s6, $0x2;
	s11 =	simm.s32 @!p2 $0xF800;
	_ =	swait.ge @!p2 [sflag:s8], $0x2000  }
0x7e: {  	s6 =	sadd.s32 $0x800, s6;
	[sflag:s8] =	ssyncset.done @!p2 $0x0;
	s12 =	rddreg [dreg:$0x3]  }
0x7f: {  	[sflag:s8] =	ssyncadd.s32 @!p2 $0xFFFFE000;
	s8 =	sadd.s32 @!p2 $0x380, s9;
	s9 =	simm.s32 @!p2 $0x80  }
0x80: {  	[tilespmem:s11], [sflag:$0x4] =	stream.indirect.gather @!p2 [hbm4b:s4+s9], $0x40, s8, s9, $0xb8;
	[tilespmem:$0x1B460] =	vst v63  }
0x81: {  	p2 =	sne.s32 s12, s6  }
.Ltmp1:
0x82: {  	_ = 	snop;
	(pc) =	sbr.rel @p2 .LBB2_4-.Ltmp1, $2  }
0x83: {  	_ =	sdelay $0x2  }
0x84: {  	s7 =	sadd.s32 $0x4, s7  }
0x85: {  	_ =	swait.ge [sflag:s28], $0x2000  }
0x86: {  	s8 =	sshra.s32 s6, $0x2;
	[sflag:s28] =	ssyncset.done $0x0  }
0x87: {  	s9 =	sadd.s32 $0x4C00, s8;
	[sflag:s28] =	ssyncadd.s32 $0xFFFFE000  }
0x88: {  	[spmem:s2] =	stream.indirect.scatter.add.f32 [tilespmem:s18], [sflag:$0x5], $0x40, s9, s20, $0xb8;
	[tilespmem:$0x1B460] =	vst v63  }
0x89: {  	_ =	swait.ge [sflag:s29], $0x2000  }
0x8a: {  	[sflag:s29] =	ssyncset.done $0x0  }
0x8b: {  	s11 =	sadd.s32 $0x4C80, s8;
	[sflag:s29] =	ssyncadd.s32 $0xFFFFE000  }
0x8c: {  	[spmem:s2] =	stream.indirect.scatter.add.f32 [tilespmem:s21], [sflag:$0x6], $0x40, s11, s20, $0xb8;
	[tilespmem:$0x1B460] =	vst v63  }
0x8d: {  	_ =	swait.ge [sflag:s30], $0x2000  }
0x8e: {  	[sflag:s30] =	ssyncset.done $0x0  }
0x8f: {  	s12 =	sadd.s32 $0x4D00, s8;
	[sflag:s30] =	ssyncadd.s32 $0xFFFFE000  }
0x90: {  	[spmem:s2] =	stream.indirect.scatter.add.f32 [tilespmem:s23], [sflag:$0x7], $0x40, s12, s20, $0xb8;
	[tilespmem:$0x1B460] =	vst v63  }
0x91: {  	_ =	swait.ge [sflag:s31], $0x2000  }
0x92: {  	s9 =	sadd.s32 $0xFFFFFFFD, s7;
	[sflag:s31] =	ssyncset.done $0x0  }
0x93: {  	s8 =	sadd.s32 $0x4D80, s8;
	p2 =	sge.u32 s9, s5;
	[sflag:s31] =	ssyncadd.s32 $0xFFFFE000  }
0x94: {  	[spmem:s2] =	stream.indirect.scatter.add.f32 [tilespmem:s26], [sflag:$0x8], $0x40, s8, s20, $0xb8;
	[tilespmem:$0x1B460] =	vst v63  }
0x95: {  	s8 =	simm.s32 @!p2 $0x5  }
0x96: {  	_ =	swait.ge @!p2 [sflag:s8], $0x2000  }
0x97: {  	[sflag:s8] =	ssyncset.done @!p2 $0x0  }
0x98: {  	[sflag:s8] =	ssyncadd.s32 @!p2 $0xFFFFE000;
	s8 =	sshra.s32 @!p2 s6, $0x2  }
0x99: {  	s9 =	simm.s32 @!p2 $0x80;
	s11 =	simm.s32 @!p2 $0x9800;
	s8 =	sadd.s32 @!p2 $0x200, s8  }
0x9a: {  	[tilespmem:s11], [sflag:$0x1] =	stream.indirect.gather @!p2 [hbm4b:s4+s9], $0x40, s8, s9, $0xb8;
	[tilespmem:$0x1B460] =	vst v63  }
0x9b: {  	s11 =	sadd.s32 $0xFFFFFFFE, s7  }
0x9c: {  	p2 =	sge.u32 s11, s5  }
0x9d: {  	s8 =	simm.s32 @!p2 $0x6  }
0x9e: {  	_ =	swait.ge @!p2 [sflag:s8], $0x2000  }
0x9f: {  	[sflag:s8] =	ssyncset.done @!p2 $0x0  }
0xa0: {  	s12 =	sadd.s32 $0xFFFFFFFF, s7;
	[sflag:s8] =	ssyncadd.s32 @!p2 $0xFFFFE000;
	s8 =	sshra.s32 @!p2 s6, $0x2  }
0xa1: {  	s9 =	simm.s32 @!p2 $0x80;
	s11 =	simm.s32 @!p2 $0xB800;
	s8 =	sadd.s32 @!p2 $0x280, s8  }
0xa2: {  	[tilespmem:s11], [sflag:$0x2] =	stream.indirect.gather @!p2 [hbm4b:s4+s9], $0x40, s8, s9, $0xb8;
	[tilespmem:$0x1B460] =	vst v63  }
0xa3: {  	p2 =	sge.u32 s12, s5  }
0xa4: {  	s8 =	simm.s32 @!p2 $0x7  }
0xa5: {  	_ =	swait.ge @!p2 [sflag:s8], $0x2000  }
0xa6: {  	[sflag:s8] =	ssyncset.done @!p2 $0x0  }
0xa7: {  	[sflag:s8] =	ssyncadd.s32 @!p2 $0xFFFFE000;
	s8 =	sshra.s32 @!p2 s6, $0x2  }
0xa8: {  	s9 =	simm.s32 @!p2 $0x80;
	s11 =	simm.s32 @!p2 $0xD800;
	s8 =	sadd.s32 @!p2 $0x300, s8  }
0xa9: {  	[tilespmem:s11], [sflag:$0x3] =	stream.indirect.gather @!p2 [hbm4b:s4+s9], $0x40, s8, s9, $0xb8;
	[tilespmem:$0x1B460] =	vst v63  }
0xaa: {  	p2 =	sge.u32 s7, s5  }
0xab: {  	s7 =	simm.s32 @!p2 $0x8  }
0xac: {  	_ =	swait.ge @!p2 [sflag:s7], $0x2000  }
0xad: {  	s6 =	sshra.s32 @!p2 s6, $0x2;
	s8 =	simm.s32 @!p2 $0xF800;
	[sflag:s7] =	ssyncset.done @!p2 $0x0  }
0xae: {  	s6 =	sadd.s32 @!p2 $0x380, s6;
	[sflag:s7] =	ssyncadd.s32 @!p2 $0xFFFFE000;
	s7 =	simm.s32 @!p2 $0x80  }
0xaf: {  	[tilespmem:s8], [sflag:$0x4] =	stream.indirect.gather @!p2 [hbm4b:s4+s7], $0x40, s6, s7, $0xb8;
	[tilespmem:$0x1B460] =	vst v63  }
0xb0: {  	_ =	swait.ge [sflag:s0], $0x2000  }
0xb1: {  	[sflag:s0] =	ssyncset.done $0x0  }
0xb2: {  	[sflag:s0] =	ssyncadd.s32 $0xFFFFE000  }
0xb3: {  	_ =	swait.ge [sflag:s22], $0x2000  }
0xb4: {  	[sflag:s22] =	ssyncset.done $0x0  }
0xb5: {  	[sflag:s22] =	ssyncadd.s32 $0xFFFFE000  }
0xb6: {  	_ =	swait.ge [sflag:s1], $0x2000  }
0xb7: {  	[sflag:s1] =	ssyncset.done $0x0  }
0xb8: {  	[sflag:s1] =	ssyncadd.s32 $0xFFFFE000  }
0xb9: {  	_ =	swait.ge [sflag:s24], $0x2000  }
0xba: {  	[sflag:s24] =	ssyncset.done $0x0  }
0xbb: {  	[sflag:s24] =	ssyncadd.s32 $0xFFFFE000  }
0xbc: {  	s6 =	simm.s32 @p1 $0x1FC9;
	[bflag:$0x0] =	sbarrier.arrive $0xFFFF  }
0xbd: {  	[hbm:s13], [sflag:s6] =	dma.local @p1 [spmem:s25], $0x1040  }
0xbe: {  	s6 =	simm.s32 @p1 $0x9  }
0xbf: {  	s3 =	sadd.s32 $0x1, s3;
	s7 =	stileid.u32;
	_ =	swait.ge @p1 [sflag:s6], $0x1040  }
0xc0: {  	p2 =	sne.s32 s3, s14;
	s7 =	sshll.u32 @!p1 s7, $0x6;
	[sflag:s6] =	ssyncset.done @p1 $0x0  }
0xc1: {  	[sflag:s6] =	ssyncadd.s32 @p1 $0xFFFFEFC0;
	s6 =	sor.u32 @!p1 $0x1C09, s7;
	s7 =	sshrl.u32 @!p1 s10, $0x3  }
0xc2: {  	[hbm:s13], [sflag:s6] =	dma.local @!p1 [spmem:s7], $0x13C0  }
.Ltmp2:
0xc3: {  	_ = 	snop;
	(pc) =	sbr.rel @p2 .LBB2_1-.Ltmp2, $4  }
0xc4: {  	s6 =	simm.s32 @!p1 $0x9  }
0xc5: {  	_ =	swait.ge @!p1 [sflag:s6], $0x13C0  }
0xc6: {  	[sflag:s6] =	ssyncset.done @!p1 $0x0  }
0xc7: {  	[sflag:s6] =	ssyncadd.s32 @!p1 $0xFFFFEC40  }
0xc8: {  	_ =	sfence.sel $0x180000  }
0xc9: {  	[bflag:$0x0] =	sbarrier.arrive $0xFFFF  }
0xca: {  	_ =	strace $0x9000004A  }
0xcb: {  	s0 =	stileid.u32;
	[bflag:$0x2] =	sbarrier.arrive $0xFFFF  }
0xcc: {  	p0 =	sne.s32 s0, $0x0;
	s0 =	rddreg [dreg:$0x2]  }
0xcd: {  	s0 =	sadd.s32 @!p0 $0x100000, s0  }
0xce: {  	[sflag:s0] =	ssyncadd.tile.s32 @!p0 $0x1;
	_ =	shalt  }
.Lfunc_end2:
_tile_overlayer_lowered:
.L_overlay_start_2:
0xcf: {  	(tag) =	ssettag $0x2  }
0xd0: {  	s0 =	rddreg [dreg:$0x0];
	s2 =	stileid.u32  }
0xd1: {  	s1 =	rddreg [dreg:$0x1];
	p0 =	sne.s32 s2, $0x0  }
0xd2: {  	s3 =	rddreg [dreg:$0x2];
	[bflag:$0x3] =	sbarrier.arrive $0xFFFF;
	s2 =	simm.s32 @!p0 $0x1C09  }
0xd3: {  	[timem:s3], [sflag:s2] =	dma.local @!p0 [hbm:s0], s1  }
0xd4: {  	s0 =	simm.s32 @!p0 $0x9  }
0xd5: {  	_ =	swait.ge @!p0 [sflag:s0], s1  }
0xd6: {  	s1 =	ssub.s32 @!p0 $0x0, s1;
	[sflag:s0] =	ssyncset.done @!p0 $0x0  }
0xd7: {  	[sflag:s0] =	ssyncadd.s32 @!p0 s1  }
0xd8: {  	[bflag:$0x3] =	sbarrier.arrive $0xFFFF  }
0xd9: {  	_ =	shalt  }

// kernel: kernel.16.cloned.1.call-start
scs
__scs_entry_jumppad:
0x0: {  	(pc) =	sbr.rel $0x88, $3  }
0x1: {  	(tag) =	ssettag $0x0;
	lr =	simm.s32 $0x1  }
0x2: {  	[smem:$0x3F8B] =	sst lr;
	_ =	strace $0xD0000000  }
0x3: {  	_ = 	snop  }
0x4: {  	_ = 	snop  }
0x5: {  	_ = 	snop  }
0x6: {  	_ = 	snop  }
0x7: {  	_ = 	snop  }
__scs_overlays_trampoline_lowered:
0x8: {  	[smem:$0x3F9A] =	sst s0  }
0x9: {  	[smem:$0x3F9B] =	sst s1  }
0xa: {  	[smem:$0x3F9C] =	sst s2  }
0xb: {  	[smem:$0x3F9D] =	sst s3  }
0xc: {  	[smem:$0x3F9E] =	sst s4  }
0xd: {  	[smem:$0x3F9F] =	sst s5  }
0xe: {  	[smem:$0x3FA0] =	sst s6  }
0xf: {  	[smem:$0x3FA1] =	sst s7  }
0x10: {  	[smem:$0x3FA2] =	sst s8  }
0x11: {  	[smem:$0x3FA3] =	sst s9;
	s0 =	simm.s32 @!p0 $0x0  }
0x12: {  	s1 =	sld [smem:$0x3F89];
	s0 =	simm.s32 @p0 $0x1  }
0x13: {  	[smem:$0x3FA4] =	sst s0;
	s0 =	simm.s32 @!p1 $0x0  }
0x14: {  	s2 =	sld [smem:$0x3F88];
	s0 =	simm.s32 @p1 $0x1  }
0x15: {  	[smem:$0x3FA5] =	sst s0;
	s0 =	simm.s32 @!p2 $0x0  }
0x16: {  	s3 =	sld [smem:$0x3FDB];
	s0 =	simm.s32 @p2 $0x1  }
0x17: {  	s4 =	simm.s32 $0x1BF5;
	[smem:$0x3FA7] =	sst s0  }
0x18: {  	s0 =	sld [smem:$0x3F8A];
	_ =	swait.ge [sflag:s4], $0x0  }
0x19: {  	s7 =	sld [smem:$0x3F8B]  }
0x1a: {  	s8 =	sadd.s32 $0xFFFFE003, lr  }
0x1b: {  	s9 =	sadd.s32 $0xFFFFFEF7, lr;
	s5 =	simm.s32 $0xFFFFFFFF;
	p2 =	slt.u32 s8, $0xFFFFF086  }
0x1c: {  	p1 =	slt.u32 s9, $0xF7A;
	s5 =	simm.s32 @!p2 $0x0  }
0x1d: {  	s5 =	simm.s32 @p1 $0x1;
	p0 =	seq.s32 s7, s2  }
0x1e: {  	s7 =	smul.u32 @!p0 $0xF7A, s2;
	p2 =	seq.s32 @!p0 s5, $0x0  }
0x1f: {  	s9 =	smul.u32 $0xF7A, s1;
	s8 =	simm.s32 @!p0 $0x1BF5;
	p2 =	por !p2, p0  }
0x20: {  	[sflag:s8] =	ssyncset.s32 @!p0 $0xFFFFF086;
	s6 =	sadd.s32 @!p0 s3, s7;
	s7 =	simm.s32 @!p0 $0x108  }
0x21: {  	s3 =	sadd.s32 s3, s9;
	s6 =	sadd.s32 @!p0 $0x88, s6;
	s7 =	simm.s32 @p2 $0x1082  }
0x22: {  	[simem:s7], [sflag:s8] =	dma.local @!p0 [hbm:s6], $0xF7A  }
0x23: {  	s9 =	sor.u32 $0xD0000000, s2;
	s6 =	simm.s32 $0x108;
	_ =	swait.ge @!p0 [sflag:s8], $0x0  }
0x24: {  	s3 =	sadd.s32 $0x88, s3;
	s6 =	simm.s32 @!p1 $0x1082;
	[sflag:s4] =	ssyncset.s32 $0xFFFFF086  }
0x25: {  	[simem:s6], [sflag:s4] =	dma.local [hbm:s3], $0xF7A  }
0x26: {  	[smem:$0x3F8B] =	sst s1;
	(tag) =	ssettag s2;
	_ =	strace s9  }
0x27: {  	s1 =	sld [smem:$0x3F9B]  }
0x28: {  	s2 =	sld [smem:$0x3F9C]  }
0x29: {  	s4 =	sld [smem:$0x3F9E]  }
0x2a: {  	p0 =	seq.s32 s5, $0x0;
	s5 =	sld [smem:$0x3F9F]  }
0x2b: {  	s6 =	sld [smem:$0x3FA0]  }
0x2c: {  	s7 =	sld [smem:$0x3FA1]  }
0x2d: {  	s3 =	simm.s32 $0x108;
	s8 =	sld [smem:$0x3FA2]  }
0x2e: {  	s3 =	simm.s32 @!p0 $0x1082;
	s9 =	sld [smem:$0x3FA3]  }
0x2f: {  	lr =	sadd.s32 s0, s3;
	s0 =	sld [smem:$0x3F9A]  }
0x30: {  	s3 =	sld [smem:$0x3F9D]  }
0x31: {  	[smem:$0x3FA6] =	sst s10  }
0x32: {  	s10 =	sld [smem:$0x3FA4];
	_ =	sdelay $0x3  }
0x33: {  	p0 =	seq.s32 s10, $0x1;
	s10 =	sld [smem:$0x3FA6];
	_ =	sdelay $0x3  }
0x34: {  	[smem:$0x3FA6] =	sst s10  }
0x35: {  	s10 =	sld [smem:$0x3FA5];
	_ =	sdelay $0x3  }
0x36: {  	p1 =	seq.s32 s10, $0x1;
	s10 =	sld [smem:$0x3FA6];
	_ =	sdelay $0x3  }
0x37: {  	[smem:$0x3FA6] =	sst s10  }
0x38: {  	s10 =	sld [smem:$0x3FA7]  }
0x39: {  	_ = 	snop;
	(pc) =	sbr.ind lr, $3  }
0x3a: {  	_ = 	snop  }
0x3b: {  	_ = 	snop  }
0x3c: {  	p2 =	seq.s32 s10, $0x1;
	s10 =	sld [smem:$0x3FA6]  }
0x3d: {  	_ =	shalt  }
0x3e: {  	_ =	shalt  }
0x3f: {  	_ =	shalt  }
0x40: {  	_ =	shalt  }
0x41: {  	_ =	shalt  }
0x42: {  	_ =	shalt  }
0x43: {  	_ =	shalt  }
0x44: {  	_ =	shalt  }
0x45: {  	_ =	shalt  }
0x46: {  	_ =	shalt  }
0x47: {  	_ =	shalt  }
0x48: {  	_ =	shalt  }
0x49: {  	_ =	shalt  }
0x4a: {  	_ =	shalt  }
0x4b: {  	_ =	shalt  }
0x4c: {  	_ =	shalt  }
0x4d: {  	_ =	shalt  }
0x4e: {  	_ =	shalt  }
0x4f: {  	_ =	shalt  }
0x50: {  	_ =	shalt  }
0x51: {  	_ =	shalt  }
0x52: {  	_ =	shalt  }
0x53: {  	_ =	shalt  }
0x54: {  	_ =	shalt  }
0x55: {  	_ =	shalt  }
0x56: {  	_ =	shalt  }
0x57: {  	_ =	shalt  }
0x58: {  	_ =	shalt  }
0x59: {  	_ =	shalt  }
0x5a: {  	_ =	shalt  }
0x5b: {  	_ =	shalt  }
0x5c: {  	_ =	shalt  }
0x5d: {  	_ =	shalt  }
0x5e: {  	_ =	shalt  }
0x5f: {  	_ =	shalt  }
0x60: {  	_ =	shalt  }
0x61: {  	_ =	shalt  }
0x62: {  	_ =	shalt  }
0x63: {  	_ =	shalt  }
0x64: {  	_ =	shalt  }
0x65: {  	_ =	shalt  }
0x66: {  	_ =	shalt  }
0x67: {  	_ =	shalt  }
0x68: {  	_ =	shalt  }
0x69: {  	_ =	shalt  }
0x6a: {  	_ =	shalt  }
0x6b: {  	_ =	shalt  }
0x6c: {  	_ =	shalt  }
0x6d: {  	_ =	shalt  }
0x6e: {  	_ =	shalt  }
0x6f: {  	_ =	shalt  }
0x70: {  	_ =	shalt  }
0x71: {  	_ =	shalt  }
0x72: {  	_ =	shalt  }
0x73: {  	_ =	shalt  }
0x74: {  	_ =	shalt  }
0x75: {  	_ =	shalt  }
0x76: {  	_ =	shalt  }
0x77: {  	_ =	shalt  }
0x78: {  	_ =	shalt  }
0x79: {  	_ =	shalt  }
0x7a: {  	_ =	shalt  }
0x7b: {  	_ =	shalt  }
0x7c: {  	_ =	shalt  }
0x7d: {  	_ =	shalt  }
0x7e: {  	_ =	shalt  }
0x7f: {  	_ =	shalt  }
0x80: {  	_ =	shalt  }
0x81: {  	_ =	shalt  }
0x82: {  	_ =	shalt  }
0x83: {  	_ =	shalt  }
0x84: {  	_ =	shalt  }
0x85: {  	_ =	shalt  }
0x86: {  	_ =	shalt  }
0x87: {  	_ =	shalt  }
.Lfunc_end0:
.L_simem_size_0:
called_computation.2_lowered:
.L_overlay_start_0:
0x88: {  	s2 =	sld [smem:$0x3FD9]  }
0x89: {  	s3 =	sld [smem:$0x3FFE];
	_ =	sdelay $0x1  }
0x8a: {  	s1 =	srdreg.scid  }
0x8b: {  	s0 =	sand.u32 $0x1, s1  }
0x8c: {  	s16 =	sshll.u32 s0, $0xA;
	s2 =	sadd.s32 s3, s2  }
0x8d: {  	s2 =	sadd.s32 s2, s16  }
0x8e: {  	[smem:$0x3FB2] =	sst s2  }
0x8f: {  	_ = 	snop  }
0x90: {  	(tm) =	ssettm $0x1  }
0x91: {  	s17 =	sld [smem:$0x3FFB];
	_ =	sdelay $0x3  }
0x92: {  	_ =	strace s17  }
0x93: {  	s2 =	sld [smem:$0x3FFC];
	_ =	sdelay $0x3  }
0x94: {  	_ =	strace s2  }
0x95: {  	s2 =	sld [smem:$0x3FFD];
	_ =	sdelay $0x3  }
0x96: {  	_ =	strace s2  }
0x97: {  	_ =	strace $0x8FFFFFFF  }
0x98: {  	s18 =	sld [smem:$0x3FDB];
	_ =	sdelay $0x1  }
0x99: {  	s19 =	simm.s32 $_scs_section_size  }
0x9a: {  	s4 =	simm.s32 $_size__tile_overlayer_lowered;
	s5 =	simm.s32 $_tile_overlayer_lowered  }
0x9b: {  	s22 =	simm.s32 $0x1BFF;
	s21 =	sshll.u32 s5, $0x1;
	s2 =	sadd.s32 s19, s18  }
0x9c: {  	s6 =	simm.s32 $0x0;
	s20 =	sshll.u32 s4, $0x1;
	s4 =	sadd.s32 s21, s2  }
0x9d: {  	[timem:s6], [sflag:s22] =	dma.local [hbm:s4], s20  }
0x9e: {  	_ =	swait.ge [sflag:s22], s20  }
0x9f: {  	s3 =	ssub.s32 $0x0, s20;
	[sflag:s22] =	ssyncset.done $0x0  }
0xa0: {  	[sflag:s22] =	ssyncadd.s32 s3;
	_ =	sdelay $0x1  }
0xa1: {  	s23 =	simm.s32 $0x1B8B  }
0xa2: {  	_ =	swait.ge [sflag:s23], $0x1  }
0xa3: {  	[sflag:s23] =	ssyncset.done $0x0  }
0xa4: {  	s25 =	simm.s32 $0x1B8E;
	s24 =	sld [smem:$0x3FFE];
	[sflag:s23] =	ssyncadd.s32 $0xFFFFFFFF  }
0xa5: {  	s26 =	simm.s32 $execute0_lowered;
	[smem:$0x3FD2] =	sst s25  }
0xa6: {  	s4 =	sshll.u32 s26, $0x1;
	_ =	strace $0x8000004C;
	[dreg:$0x1] =	wrdreg $0xFFFFFFFF  }
0xa7: {  	s28 =	simm.s32 $_size_execute0_lowered;
	s2 =	sadd.s32 s2, s4;
	[dreg:$0x0] =	wrdreg $0x0  }
0xa8: {  	s4 =	sshll.u32 s28, $0x1;
	[dreg:$0x2] =	wrdreg s2  }
0xa9: {  	[dreg:$0x3] =	wrdreg s4  }
0xaa: {  	[dreg:$0x4] =	wrdreg $0xC0  }
0xab: {  	_ =	task [dreg:s6], $0x5FFFF  }
0xac: {  	[dreg:$0x1] =	wrdreg $0xFFFFFFFF  }
0xad: {  	[dreg:$0x0] =	wrdreg $0x60  }
0xae: {  	[dreg:$0x2] =	wrdreg s24  }
0xaf: {  	[dreg:$0x3] =	wrdreg $0xD8000  }
0xb0: {  	[dreg:$0x4] =	wrdreg $0x9  }
0xb1: {  	_ =	task.clear_ibuf [dreg:s6], $0x5FFFF;
	_ =	strace $0x9000004C  }
0xb2: {  	s29 =	simm.s32 $0x9;
	_ =	strace $0x8000004E  }
0xb3: {  	_ =	swait.ge [sflag:s29], $0x1  }
0xb4: {  	[sflag:s29] =	ssyncadd.s32 $0xFFFFFFFF  }
0xb5: {  	_ =	strace $0x9000004E  }
0xb6: {  	_ =	sfence  }
0xb7: {  	s30 =	sld [smem:$0x0];
	_ =	sdelay $0x2  }
0xb8: {  	s31 =	sshll.u32 s1, $0xD;
	s1 =	sshrl.u32 s1, $0x2  }
0xb9: {  	s3 =	sand.u32 $0x4000, s31;
	s1 =	sadd.s32 s1, s30  }
0xba: {  	s0 =	sor.u32 s3, s0;
	s1 =	sshll.u32 s1, $0x11  }
0xbb: {  	s0 =	sor.u32 s1, s0  }
0xbc: {  	s0 =	sadd.s32 $0x8F2B, s0  }
0xbd: {  	[sflag:s0] =	ssyncadd.remote.s32 $0x1  }
0xbe: {  	_ =	sfence.sel $0xFFFF  }
0xbf: {  	[dreg:$0x0] =	wrdreg $0xFFFFFFFF;
	(pc) =	sbr.abs _section_cstart, $3  }
0xc0: {  	[dreg:$0x1] =	wrdreg $0xFFFFFFFF  }
0xc1: {  	_ =	task.clear_ibuf [dreg:s6], $0x2FFFF;
	_ =	strace $0x9FFFFFFF  }
0xc2: {  	(tm) =	ssettm $0x7FFFFFFF  }
0xc3: {  	_ =	shalt  }
tec
execute0_lowered:
.L_overlay_start_1:
0x0: {  	(tag) =	ssettag $0x1  }
0x1: {  	s0 =	rddreg [dreg:$0x0]  }
0x2: {  	s2 =	rddreg [dreg:$0x1];
	s1 =	srdreg.scid  }
0x3: {  	s12 =	stileid.u32;
	s3 =	simm.s32 $0x0;
	s18 =	simm.s32 $0x9800  }
0x4: {  	s19 =	simm.s32 $0x9;
	s20 =	simm.s32 $0x80;
	s28 =	simm.s32 $0x1  }
0x5: {  	s29 =	simm.s32 $0x2;
	s30 =	simm.s32 $0x3;
	s31 =	simm.s32 $0x4  }
0x6: {  	s1 =	sand.u32 $0x1, s1;
	s5 =	smul.u32 $0x278, s12;
	[smem:$0x7FF] =	sst s3  }
0x7: {  	s4 =	sadd.s32 $0x4200, s0;
	s7 =	sadd.s32 $0x18200, s0;
	s10 =	smul.u32 $0x13C00, s12  }
0x8: {  	s9 =	sadd.s32 $0xE200, s0;
	s22 =	sshll.u32 s12, $0x7;
	s11 =	smul.u32 $0x980, s12  }
0x9: {  	s25 =	sadd.s32 $0x4E100, s2;
	p1 =	seq.s32 s12, $0xF;
	s6 =	smul.u32 $0x2710, s1  }
0xa: {  	_ =	strace $0x8000004D;
	s21 =	ssub.s32 $0x2, s1;
	p0 =	seq.s32 s1, $0x0  }
0xb: {  	[dreg:$0x9] =	wrdreg s25;
	s8 =	sshrl.u32 s21, $0x1;
	s10 =	sshrl.u32 s10, $0x2  }
0xc: {  	s23 =	sadd.s32 s9, s11;
	s5 =	sadd.s32 s5, s6;
	s6 =	ssub.s32 s21, s8  }
0xd: {  	s8 =	sor.u32 $0x9800, s22;
	[dreg:$0x7] =	wrdreg s23;
	s10 =	sadd.s32 s10, s2  }
0xe: {  	s21 =	simm.s32 $0xA800;
	s23 =	simm.s32 $0xB800;
	s22 =	simm.s32 $0x6  }
0xf: {  	s5 =	sshll.u32 s5, $0x2;
	s13 =	sadd.s32 s7, s8;
	s8 =	sadd.s32 s9, s8  }
0x10: {  	s7 =	sadd.s32 s7, s11;
	s24 =	sadd.s32 $0x4000, s10;
	[dreg:$0x4] =	wrdreg s13  }
0x11: {  	s14 =	smax.u32 s6, $0x1;
	s15 =	sadd.s32 $0x1000, s10;
	[dreg:$0x5] =	wrdreg s8  }
0x12: {  	s16 =	sadd.s32 $0x2000, s10;
	s17 =	sadd.s32 $0x3000, s10;
	[dreg:$0x6] =	wrdreg s7  }
0x13: {  	s0 =	sadd.s32 s5, s0;
	s5 =	simm.s32 $0x98;
	[dreg:$0x8] =	wrdreg s24  }
0x14: {  	s24 =	simm.s32 $0x8;
	s5 =	simm.s32 @!p0 $0x8;
	s13 =	sadd.s32 $0x22200, s0  }
0x15: {  	s0 =	sadd.s32 $0x4A100, s2;
	p0 =	sne.s32 s1, $0x0;
	s26 =	sshll.u32 s5, $0x9  }
0x16: {  	s1 =	simm.s32 $0x7;
	s25 =	sshrl.u32 @p1 s0, $0x3;
	s6 =	sadd.s32 $0xFFFFF800, s26  }
0x17: {  	v0 =	vimm.f32 $0.0e+00;
	s0 =	simm.s32 $0x5;
	s26 =	simm.s32 $0xC800;
	[dreg:$0x3] =	wrdreg s6  }
.LBB2_1:
0x18: {  	s6 =	simm.s32 @p0 $0x0;
	s7 =	rddreg [dreg:$0x4]  }
0x19: {  	[tilespmem:s6], [sflag:$0x9] =	stream.linear.gather @p0 [hbm4b:s7+s6], $0x400, $0x38;
	[tilespmem:$0x12630] =	vst v63  }
0x1a: {  	s7 =	simm.s32 @p0 $0x9  }
0x1b: {  	_ =	swait.ge @p0 [sflag:s7], $0x400  }
0x1c: {  	[sflag:s7] =	ssyncset.done @p0 $0x0  }
0x1d: {  	s8 =	simm.s32 @p0 $0x4C00;
	s9 =	rddreg [dreg:$0x5];
	[sflag:s7] =	ssyncadd.s32 @p0 $0xFFFFFC00  }
0x1e: {  	[tilespmem:s8], [sflag:$0x9] =	stream.linear.gather @p0 [hbm4b:s9+s6], $0x400, $0x38;
	[tilespmem:$0x12630] =	vst v63  }
0x1f: {  	_ =	swait.ge @p0 [sflag:s7], $0x400  }
0x20: {  	[sflag:s7] =	ssyncset.done @p0 $0x0  }
0x21: {  	s6 =	simm.s32 @!p0 $0x0;
	[sflag:s7] =	ssyncadd.s32 @p0 $0xFFFFFC00;
	s7 =	rddreg [dreg:$0x6]  }
0x22: {  	[tilespmem:s6], [sflag:$0x9] =	stream.linear.gather @!p0 [hbm4b:s7+s6], $0x4C00, $0x38;
	[tilespmem:$0x12630] =	vst v63  }
0x23: {  	s7 =	simm.s32 @!p0 $0x9  }
0x24: {  	_ =	swait.ge @!p0 [sflag:s7], $0x4C00  }
0x25: {  	[sflag:s7] =	ssyncset.done @!p0 $0x0  }
0x26: {  	s8 =	simm.s32 @!p0 $0x4C00;
	s9 =	rddreg [dreg:$0x7];
	[sflag:s7] =	ssyncadd.s32 @!p0 $0xFFFFB400  }
0x27: {  	[tilespmem:s8], [sflag:$0x9] =	stream.linear.gather @!p0 [hbm4b:s9+s6], $0x4C00, $0x38;
	[tilespmem:$0x12630] =	vst v63  }
0x28: {  	_ =	swait.ge @!p0 [sflag:s7], $0x4C00  }
0x29: {  	[sflag:s7] =	ssyncset.done @!p0 $0x0  }
0x2a: {  	s6 =	simm.s32 $0x80;
	[sflag:s7] =	ssyncadd.s32 @!p0 $0xFFFFB400;
	s7 =	simm.s32 $0x0  }
.LBB2_2:
0x2b: {  	p2 =	sne.s32 s6, $0x3F80;
	[tilespmem:s7+$0x9800] =	vst v0;
	s8 =	smov.u32 s6;
	s6 =	sadd.s32 $0x80, s6  }
.Ltmp0:
0x2c: {  	[tilespmem:s7+$0x9810] =	vst v0;
	(pc) =	sbr.rel @p2 .LBB2_2-.Ltmp0, $2  }
0x2d: {  	_ =	sdelay $0x2  }
0x2e: {  	s7 =	sshra.s32 s8, $0x2  }
0x2f: {  	[tilespmem:s7+$0x9800] =	vst v0  }
0x30: {  	[tilespmem:s7+$0x9810] =	vst v0  }
0x31: {  	[spmem:s10] =	stream.linear.scatter [tilespmem:s18], [sflag:$0x9], $0x1000, $0x38;
	[tilespmem:$0x12630] =	vst v63  }
0x32: {  	_ =	swait.ge [sflag:s19], $0x1000  }
0x33: {  	[sflag:s19] =	ssyncset.done $0x0  }
0x34: {  	[sflag:s19] =	ssyncadd.s32 $0xFFFFF000  }
0x35: {  	[spmem:s15] =	stream.linear.scatter [tilespmem:s18], [sflag:$0x9], $0x1000, $0x38;
	[tilespmem:$0x12630] =	vst v63  }
0x36: {  	_ =	swait.ge [sflag:s19], $0x1000  }
0x37: {  	[sflag:s19] =	ssyncset.done $0x0  }
0x38: {  	[sflag:s19] =	ssyncadd.s32 $0xFFFFF000  }
0x39: {  	[spmem:s16] =	stream.linear.scatter [tilespmem:s18], [sflag:$0x9], $0x1000, $0x38;
	[tilespmem:$0x12630] =	vst v63  }
0x3a: {  	_ =	swait.ge [sflag:s19], $0x1000  }
0x3b: {  	[sflag:s19] =	ssyncset.done $0x0  }
0x3c: {  	[sflag:s19] =	ssyncadd.s32 $0xFFFFF000  }
0x3d: {  	[spmem:s17] =	stream.linear.scatter [tilespmem:s18], [sflag:$0x9], $0x1000, $0x38;
	[tilespmem:$0x12630] =	vst v63  }
0x3e: {  	_ =	swait.ge [sflag:s19], $0x1000  }
0x3f: {  	[sflag:s19] =	ssyncset.done $0x0  }
0x40: {  	s6 =	simm.s32 @p1 $0x9800;
	s7 =	rddreg [dreg:$0x9];
	[sflag:s19] =	ssyncadd.s32 $0xFFFFF000  }
0x41: {  	[spmem:s7] =	stream.linear.scatter @p1 [tilespmem:s6], [sflag:$0x9], $0x200, $0x38;
	[tilespmem:$0x12630] =	vst v63  }
0x42: {  	s6 =	simm.s32 @p1 $0x9  }
0x43: {  	_ =	swait.ge @p1 [sflag:s6], $0x200  }
0x44: {  	[sflag:s6] =	ssyncset.done @p1 $0x0  }
0x45: {  	s7 =	rddreg [dreg:$0x8];
	[sflag:s6] =	ssyncadd.s32 @p1 $0xFFFFFE00;
	s6 =	simm.s32 @!p1 $0x9800  }
0x46: {  	[spmem:s7] =	stream.linear.scatter @!p1 [tilespmem:s6], [sflag:$0x9], $0xF00, $0x38;
	[tilespmem:$0x12630] =	vst v63  }
0x47: {  	s6 =	simm.s32 @!p1 $0x9  }
0x48: {  	_ =	swait.ge @!p1 [sflag:s6], $0xF00  }
0x49: {  	[sflag:s6] =	ssyncset.done @!p1 $0x0  }
0x4a: {  	[sflag:s6] =	ssyncadd.s32 @!p1 $0xFFFFF100  }
0x4b: {  	s6 =	simm.s32 $0x0;
	[bflag:$0x0] =	sbarrier.arrive $0xFFFF  }
0x4c: {  	[tilespmem:s18], [sflag:$0x1] =	stream.indirect.gather [hbm4b:s4+s20], $0x20, s6, s20, $0xb8;
	[tilespmem:$0x12630] =	vst v63  }
0x4d: {  	_ = 	snop  }
0x4e: {  	[tilespmem:s21], [sflag:$0x2] =	stream.indirect.gather [hbm4b:s4+s20], $0x20, s20, s20, $0xb8;
	[tilespmem:$0x12630] =	vst v63  }
0x4f: {  	s11 =	simm.s32 $0x100  }
0x50: {  	[tilespmem:s23], [sflag:$0x3] =	stream.indirect.gather [hbm4b:s4+s20], $0x20, s11, s20, $0xb8;
	[tilespmem:$0x12630] =	vst v63  }
0x51: {  	s12 =	simm.s32 $0x180;
	s7 =	simm.s32 $0x7  }
0x52: {  	[tilespmem:s26], [sflag:$0x4] =	stream.indirect.gather [hbm4b:s4+s20], $0x20, s12, s20, $0xb8;
	[tilespmem:$0x12630] =	vst v63  }
.LBB2_4:
0x53: {  	_ =	swait.ge [sflag:s28], $0x1000  }
0x54: {  	s8 =	sshra.s32 s6, $0x2;
	[sflag:s28] =	ssyncset.done $0x0  }
0x55: {  	s9 =	sadd.s32 $0x4C00, s8;
	[sflag:s28] =	ssyncadd.s32 $0xFFFFF000  }
0x56: {  	[spmem:s2] =	stream.indirect.scatter.add.f32 [tilespmem:s18], [sflag:$0x5], $0x20, s9, s20, $0xb8;
	[tilespmem:$0x12630] =	vst v63  }
0x57: {  	_ =	swait.ge [sflag:s29], $0x1000  }
0x58: {  	[sflag:s29] =	ssyncset.done $0x0  }
0x59: {  	s11 =	sadd.s32 $0x4C80, s8;
	[sflag:s29] =	ssyncadd.s32 $0xFFFFF000  }
0x5a: {  	[spmem:s2] =	stream.indirect.scatter.add.f32 [tilespmem:s21], [sflag:$0x6], $0x20, s11, s20, $0xb8;
	[tilespmem:$0x12630] =	vst v63  }
0x5b: {  	_ =	swait.ge [sflag:s30], $0x1000  }
0x5c: {  	[sflag:s30] =	ssyncset.done $0x0  }
0x5d: {  	s12 =	sadd.s32 $0x4D00, s8;
	[sflag:s30] =	ssyncadd.s32 $0xFFFFF000  }
0x5e: {  	[spmem:s2] =	stream.indirect.scatter.add.f32 [tilespmem:s23], [sflag:$0x7], $0x20, s12, s20, $0xb8;
	[tilespmem:$0x12630] =	vst v63  }
0x5f: {  	_ =	swait.ge [sflag:s31], $0x1000  }
0x60: {  	s9 =	sadd.s32 $0xFFFFFFFD, s7;
	[sflag:s31] =	ssyncset.done $0x0  }
0x61: {  	s8 =	sadd.s32 $0x4D80, s8;
	p2 =	sge.u32 s9, s5;
	[sflag:s31] =	ssyncadd.s32 $0xFFFFF000  }
0x62: {  	[spmem:s2] =	stream.indirect.scatter.add.f32 [tilespmem:s26], [sflag:$0x8], $0x20, s8, s20, $0xb8;
	[tilespmem:$0x12630] =	vst v63  }
0x63: {  	s8 =	simm.s32 @!p2 $0x5  }
0x64: {  	_ =	swait.ge @!p2 [sflag:s8], $0x1000  }
0x65: {  	[sflag:s8] =	ssyncset.done @!p2 $0x0  }
0x66: {  	[sflag:s8] =	ssyncadd.s32 @!p2 $0xFFFFF000;
	s8 =	sshra.s32 @!p2 s6, $0x2  }
0x67: {  	s9 =	simm.s32 @!p2 $0x80;
	s11 =	simm.s32 @!p2 $0x9800;
	s8 =	sadd.s32 @!p2 $0x200, s8  }
0x68: {  	[tilespmem:s11], [sflag:$0x1] =	stream.indirect.gather @!p2 [hbm4b:s4+s9], $0x20, s8, s9, $0xb8;
	[tilespmem:$0x12630] =	vst v63  }
0x69: {  	s11 =	sadd.s32 $0xFFFFFFFE, s7  }
0x6a: {  	p2 =	sge.u32 s11, s5  }
0x6b: {  	s8 =	simm.s32 @!p2 $0x6  }
0x6c: {  	_ =	swait.ge @!p2 [sflag:s8], $0x1000  }
0x6d: {  	[sflag:s8] =	ssyncset.done @!p2 $0x0  }
0x6e: {  	s12 =	sadd.s32 $0xFFFFFFFF, s7;
	[sflag:s8] =	ssyncadd.s32 @!p2 $0xFFFFF000;
	s8 =	sshra.s32 @!p2 s6, $0x2  }
0x6f: {  	s9 =	simm.s32 @!p2 $0x80;
	s11 =	simm.s32 @!p2 $0xA800;
	s8 =	sadd.s32 @!p2 $0x280, s8  }
0x70: {  	[tilespmem:s11], [sflag:$0x2] =	stream.indirect.gather @!p2 [hbm4b:s4+s9], $0x20, s8, s9, $0xb8;
	[tilespmem:$0x12630] =	vst v63  }
0x71: {  	p2 =	sge.u32 s12, s5  }
0x72: {  	s8 =	simm.s32 @!p2 $0x7  }
0x73: {  	_ =	swait.ge @!p2 [sflag:s8], $0x1000  }
0x74: {  	[sflag:s8] =	ssyncset.done @!p2 $0x0  }
0x75: {  	[sflag:s8] =	ssyncadd.s32 @!p2 $0xFFFFF000;
	s8 =	sshra.s32 @!p2 s6, $0x2  }
0x76: {  	s9 =	simm.s32 @!p2 $0x80;
	s11 =	simm.s32 @!p2 $0xB800;
	s8 =	sadd.s32 @!p2 $0x300, s8  }
0x77: {  	[tilespmem:s11], [sflag:$0x3] =	stream.indirect.gather @!p2 [hbm4b:s4+s9], $0x20, s8, s9, $0xb8;
	[tilespmem:$0x12630] =	vst v63  }
0x78: {  	p2 =	sge.u32 s7, s5  }
0x79: {  	s8 =	simm.s32 @!p2 $0x8  }
0x7a: {  	s9 =	sshra.s32 @!p2 s6, $0x2;
	s11 =	simm.s32 @!p2 $0xC800;
	_ =	swait.ge @!p2 [sflag:s8], $0x1000  }
0x7b: {  	s6 =	sadd.s32 $0x800, s6;
	[sflag:s8] =	ssyncset.done @!p2 $0x0;
	s12 =	rddreg [dreg:$0x3]  }
0x7c: {  	[sflag:s8] =	ssyncadd.s32 @!p2 $0xFFFFF000;
	s8 =	sadd.s32 @!p2 $0x380, s9;
	s9 =	simm.s32 @!p2 $0x80  }
0x7d: {  	[tilespmem:s11], [sflag:$0x4] =	stream.indirect.gather @!p2 [hbm4b:s4+s9], $0x20, s8, s9, $0xb8;
	[tilespmem:$0x12630] =	vst v63  }
0x7e: {  	p2 =	sne.s32 s12, s6  }
.Ltmp1:
0x7f: {  	_ = 	snop;
	(pc) =	sbr.rel @p2 .LBB2_4-.Ltmp1, $2  }
0x80: {  	_ =	sdelay $0x2  }
0x81: {  	s7 =	sadd.s32 $0x4, s7  }
0x82: {  	_ =	swait.ge [sflag:s28], $0x1000  }
0x83: {  	s8 =	sshra.s32 s6, $0x2;
	[sflag:s28] =	ssyncset.done $0x0  }
0x84: {  	s9 =	sadd.s32 $0x4C00, s8;
	[sflag:s28] =	ssyncadd.s32 $0xFFFFF000  }
0x85: {  	[spmem:s2] =	stream.indirect.scatter.add.f32 [tilespmem:s18], [sflag:$0x5], $0x20, s9, s20, $0xb8;
	[tilespmem:$0x12630] =	vst v63  }
0x86: {  	_ =	swait.ge [sflag:s29], $0x1000  }
0x87: {  	[sflag:s29] =	ssyncset.done $0x0  }
0x88: {  	s11 =	sadd.s32 $0x4C80, s8;
	[sflag:s29] =	ssyncadd.s32 $0xFFFFF000  }
0x89: {  	[spmem:s2] =	stream.indirect.scatter.add.f32 [tilespmem:s21], [sflag:$0x6], $0x20, s11, s20, $0xb8;
	[tilespmem:$0x12630] =	vst v63  }
0x8a: {  	_ =	swait.ge [sflag:s30], $0x1000  }
0x8b: {  	[sflag:s30] =	ssyncset.done $0x0  }
0x8c: {  	s12 =	sadd.s32 $0x4D00, s8;
	[sflag:s30] =	ssyncadd.s32 $0xFFFFF000  }
0x8d: {  	[spmem:s2] =	stream.indirect.scatter.add.f32 [tilespmem:s23], [sflag:$0x7], $0x20, s12, s20, $0xb8;
	[tilespmem:$0x12630] =	vst v63  }
0x8e: {  	_ =	swait.ge [sflag:s31], $0x1000  }
0x8f: {  	s9 =	sadd.s32 $0xFFFFFFFD, s7;
	[sflag:s31] =	ssyncset.done $0x0  }
0x90: {  	s8 =	sadd.s32 $0x4D80, s8;
	p2 =	sge.u32 s9, s5;
	[sflag:s31] =	ssyncadd.s32 $0xFFFFF000  }
0x91: {  	[spmem:s2] =	stream.indirect.scatter.add.f32 [tilespmem:s26], [sflag:$0x8], $0x20, s8, s20, $0xb8;
	[tilespmem:$0x12630] =	vst v63  }
0x92: {  	s8 =	simm.s32 @!p2 $0x5  }
0x93: {  	_ =	swait.ge @!p2 [sflag:s8], $0x1000  }
0x94: {  	[sflag:s8] =	ssyncset.done @!p2 $0x0  }
0x95: {  	[sflag:s8] =	ssyncadd.s32 @!p2 $0xFFFFF000;
	s8 =	sshra.s32 @!p2 s6, $0x2  }
0x96: {  	s9 =	simm.s32 @!p2 $0x80;
	s11 =	simm.s32 @!p2 $0x9800;
	s8 =	sadd.s32 @!p2 $0x200, s8  }
0x97: {  	[tilespmem:s11], [sflag:$0x1] =	stream.indirect.gather @!p2 [hbm4b:s4+s9], $0x20, s8, s9, $0xb8;
	[tilespmem:$0x12630] =	vst v63  }
0x98: {  	s11 =	sadd.s32 $0xFFFFFFFE, s7  }
0x99: {  	p2 =	sge.u32 s11, s5  }
0x9a: {  	s8 =	simm.s32 @!p2 $0x6  }
0x9b: {  	_ =	swait.ge @!p2 [sflag:s8], $0x1000  }
0x9c: {  	[sflag:s8] =	ssyncset.done @!p2 $0x0  }
0x9d: {  	s12 =	sadd.s32 $0xFFFFFFFF, s7;
	[sflag:s8] =	ssyncadd.s32 @!p2 $0xFFFFF000;
	s8 =	sshra.s32 @!p2 s6, $0x2  }
0x9e: {  	s9 =	simm.s32 @!p2 $0x80;
	s11 =	simm.s32 @!p2 $0xA800;
	s8 =	sadd.s32 @!p2 $0x280, s8  }
0x9f: {  	[tilespmem:s11], [sflag:$0x2] =	stream.indirect.gather @!p2 [hbm4b:s4+s9], $0x20, s8, s9, $0xb8;
	[tilespmem:$0x12630] =	vst v63  }
0xa0: {  	p2 =	sge.u32 s12, s5  }
0xa1: {  	s8 =	simm.s32 @!p2 $0x7  }
0xa2: {  	_ =	swait.ge @!p2 [sflag:s8], $0x1000  }
0xa3: {  	[sflag:s8] =	ssyncset.done @!p2 $0x0  }
0xa4: {  	[sflag:s8] =	ssyncadd.s32 @!p2 $0xFFFFF000;
	s8 =	sshra.s32 @!p2 s6, $0x2  }
0xa5: {  	s9 =	simm.s32 @!p2 $0x80;
	s11 =	simm.s32 @!p2 $0xB800;
	s8 =	sadd.s32 @!p2 $0x300, s8  }
0xa6: {  	[tilespmem:s11], [sflag:$0x3] =	stream.indirect.gather @!p2 [hbm4b:s4+s9], $0x20, s8, s9, $0xb8;
	[tilespmem:$0x12630] =	vst v63  }
0xa7: {  	p2 =	sge.u32 s7, s5  }
0xa8: {  	s7 =	simm.s32 @!p2 $0x8  }
0xa9: {  	_ =	swait.ge @!p2 [sflag:s7], $0x1000  }
0xaa: {  	s6 =	sshra.s32 @!p2 s6, $0x2;
	s8 =	simm.s32 @!p2 $0xC800;
	[sflag:s7] =	ssyncset.done @!p2 $0x0  }
0xab: {  	s6 =	sadd.s32 @!p2 $0x380, s6;
	[sflag:s7] =	ssyncadd.s32 @!p2 $0xFFFFF000;
	s7 =	simm.s32 @!p2 $0x80  }
0xac: {  	[tilespmem:s8], [sflag:$0x4] =	stream.indirect.gather @!p2 [hbm4b:s4+s7], $0x20, s6, s7, $0xb8;
	[tilespmem:$0x12630] =	vst v63  }
0xad: {  	_ =	swait.ge [sflag:s0], $0x1000  }
0xae: {  	[sflag:s0] =	ssyncset.done $0x0  }
0xaf: {  	[sflag:s0] =	ssyncadd.s32 $0xFFFFF000  }
0xb0: {  	_ =	swait.ge [sflag:s22], $0x1000  }
0xb1: {  	[sflag:s22] =	ssyncset.done $0x0  }
0xb2: {  	[sflag:s22] =	ssyncadd.s32 $0xFFFFF000  }
0xb3: {  	_ =	swait.ge [sflag:s1], $0x1000  }
0xb4: {  	[sflag:s1] =	ssyncset.done $0x0  }
0xb5: {  	[sflag:s1] =	ssyncadd.s32 $0xFFFFF000  }
0xb6: {  	_ =	swait.ge [sflag:s24], $0x1000  }
0xb7: {  	[sflag:s24] =	ssyncset.done $0x0  }
0xb8: {  	[sflag:s24] =	ssyncadd.s32 $0xFFFFF000  }
0xb9: {  	s6 =	simm.s32 @p1 $0x1FC9;
	[bflag:$0x0] =	sbarrier.arrive $0xFFFF  }
0xba: {  	[hbm:s13], [sflag:s6] =	dma.local @p1 [spmem:s25], $0x820  }
0xbb: {  	s6 =	simm.s32 @p1 $0x9  }
0xbc: {  	s3 =	sadd.s32 $0x1, s3;
	s7 =	stileid.u32;
	_ =	swait.ge @p1 [sflag:s6], $0x820  }
0xbd: {  	p2 =	sne.s32 s3, s14;
	s7 =	sshll.u32 @!p1 s7, $0x6;
	[sflag:s6] =	ssyncset.done @p1 $0x0  }
0xbe: {  	[sflag:s6] =	ssyncadd.s32 @p1 $0xFFFFF7E0;
	s6 =	sor.u32 @!p1 $0x1C09, s7;
	s7 =	sshrl.u32 @!p1 s10, $0x3  }
0xbf: {  	[hbm:s13], [sflag:s6] =	dma.local @!p1 [spmem:s7], $0x9E0  }
.Ltmp2:
0xc0: {  	_ = 	snop;
	(pc) =	sbr.rel @p2 .LBB2_1-.Ltmp2, $4  }
0xc1: {  	s6 =	simm.s32 @!p1 $0x9  }
0xc2: {  	_ =	swait.ge @!p1 [sflag:s6], $0x9E0  }
0xc3: {  	[sflag:s6] =	ssyncset.done @!p1 $0x0  }
0xc4: {  	[sflag:s6] =	ssyncadd.s32 @!p1 $0xFFFFF620  }
0xc5: {  	_ =	sfence.sel $0x180000  }
0xc6: {  	[bflag:$0x0] =	sbarrier.arrive $0xFFFF  }
0xc7: {  	_ =	strace $0x9000004D  }
0xc8: {  	s0 =	stileid.u32;
	[bflag:$0x2] =	sbarrier.arrive $0xFFFF  }
0xc9: {  	p0 =	sne.s32 s0, $0x0;
	s0 =	rddreg [dreg:$0x2]  }
0xca: {  	s0 =	sadd.s32 @!p0 $0x100000, s0  }
0xcb: {  	[sflag:s0] =	ssyncadd.tile.s32 @!p0 $0x1;
	_ =	shalt  }
.Lfunc_end2:
_tile_overlayer_lowered:
.L_overlay_start_2:
0xcc: {  	(tag) =	ssettag $0x2  }
0xcd: {  	s0 =	rddreg [dreg:$0x0];
	s2 =	stileid.u32  }
0xce: {  	s1 =	rddreg [dreg:$0x1];
	p0 =	sne.s32 s2, $0x0  }
0xcf: {  	s3 =	rddreg [dreg:$0x2];
	[bflag:$0x3] =	sbarrier.arrive $0xFFFF;
	s2 =	simm.s32 @!p0 $0x1C09  }
0xd0: {  	[timem:s3], [sflag:s2] =	dma.local @!p0 [hbm:s0], s1  }
0xd1: {  	s0 =	simm.s32 @!p0 $0x9  }
0xd2: {  	_ =	swait.ge @!p0 [sflag:s0], s1  }
0xd3: {  	s1 =	ssub.s32 @!p0 $0x0, s1;
	[sflag:s0] =	ssyncset.done @!p0 $0x0  }
0xd4: {  	[sflag:s0] =	ssyncadd.s32 @!p0 s1  }
0xd5: {  	[bflag:$0x3] =	sbarrier.arrive $0xFFFF  }
0xd6: {  	_ =	shalt  }

// kernel: kernel.19.cloned.1.call-start
scs
__scs_entry_jumppad:
0x0: {  	(pc) =	sbr.rel $0x88, $3  }
0x1: {  	(tag) =	ssettag $0x0;
	lr =	simm.s32 $0x1  }
0x2: {  	[smem:$0x3F8B] =	sst lr;
	_ =	strace $0xD0000000  }
0x3: {  	_ = 	snop  }
0x4: {  	_ = 	snop  }
0x5: {  	_ = 	snop  }
0x6: {  	_ = 	snop  }
0x7: {  	_ = 	snop  }
__scs_overlays_trampoline_lowered:
0x8: {  	[smem:$0x3F9A] =	sst s0  }
0x9: {  	[smem:$0x3F9B] =	sst s1  }
0xa: {  	[smem:$0x3F9C] =	sst s2  }
0xb: {  	[smem:$0x3F9D] =	sst s3  }
0xc: {  	[smem:$0x3F9E] =	sst s4  }
0xd: {  	[smem:$0x3F9F] =	sst s5  }
0xe: {  	[smem:$0x3FA0] =	sst s6  }
0xf: {  	[smem:$0x3FA1] =	sst s7  }
0x10: {  	[smem:$0x3FA2] =	sst s8  }
0x11: {  	[smem:$0x3FA3] =	sst s9;
	s0 =	simm.s32 @!p0 $0x0  }
0x12: {  	s1 =	sld [smem:$0x3F89];
	s0 =	simm.s32 @p0 $0x1  }
0x13: {  	[smem:$0x3FA4] =	sst s0;
	s0 =	simm.s32 @!p1 $0x0  }
0x14: {  	s2 =	sld [smem:$0x3F88];
	s0 =	simm.s32 @p1 $0x1  }
0x15: {  	[smem:$0x3FA5] =	sst s0;
	s0 =	simm.s32 @!p2 $0x0  }
0x16: {  	s3 =	sld [smem:$0x3FDB];
	s0 =	simm.s32 @p2 $0x1  }
0x17: {  	s4 =	simm.s32 $0x1BF5;
	[smem:$0x3FA7] =	sst s0  }
0x18: {  	s0 =	sld [smem:$0x3F8A];
	_ =	swait.ge [sflag:s4], $0x0  }
0x19: {  	s7 =	sld [smem:$0x3F8B]  }
0x1a: {  	s8 =	sadd.s32 $0xFFFFE003, lr  }
0x1b: {  	s9 =	sadd.s32 $0xFFFFFEF7, lr;
	s5 =	simm.s32 $0xFFFFFFFF;
	p2 =	slt.u32 s8, $0xFFFFF086  }
0x1c: {  	p1 =	slt.u32 s9, $0xF7A;
	s5 =	simm.s32 @!p2 $0x0  }
0x1d: {  	s5 =	simm.s32 @p1 $0x1;
	p0 =	seq.s32 s7, s2  }
0x1e: {  	s7 =	smul.u32 @!p0 $0xF7A, s2;
	p2 =	seq.s32 @!p0 s5, $0x0  }
0x1f: {  	s9 =	smul.u32 $0xF7A, s1;
	s8 =	simm.s32 @!p0 $0x1BF5;
	p2 =	por !p2, p0  }
0x20: {  	[sflag:s8] =	ssyncset.s32 @!p0 $0xFFFFF086;
	s6 =	sadd.s32 @!p0 s3, s7;
	s7 =	simm.s32 @!p0 $0x108  }
0x21: {  	s3 =	sadd.s32 s3, s9;
	s6 =	sadd.s32 @!p0 $0x88, s6;
	s7 =	simm.s32 @p2 $0x1082  }
0x22: {  	[simem:s7], [sflag:s8] =	dma.local @!p0 [hbm:s6], $0xF7A  }
0x23: {  	s9 =	sor.u32 $0xD0000000, s2;
	s6 =	simm.s32 $0x108;
	_ =	swait.ge @!p0 [sflag:s8], $0x0  }
0x24: {  	s3 =	sadd.s32 $0x88, s3;
	s6 =	simm.s32 @!p1 $0x1082;
	[sflag:s4] =	ssyncset.s32 $0xFFFFF086  }
0x25: {  	[simem:s6], [sflag:s4] =	dma.local [hbm:s3], $0xF7A  }
0x26: {  	[smem:$0x3F8B] =	sst s1;
	(tag) =	ssettag s2;
	_ =	strace s9  }
0x27: {  	s1 =	sld [smem:$0x3F9B]  }
0x28: {  	s2 =	sld [smem:$0x3F9C]  }
0x29: {  	s4 =	sld [smem:$0x3F9E]  }
0x2a: {  	p0 =	seq.s32 s5, $0x0;
	s5 =	sld [smem:$0x3F9F]  }
0x2b: {  	s6 =	sld [smem:$0x3FA0]  }
0x2c: {  	s7 =	sld [smem:$0x3FA1]  }
0x2d: {  	s3 =	simm.s32 $0x108;
	s8 =	sld [smem:$0x3FA2]  }
0x2e: {  	s3 =	simm.s32 @!p0 $0x1082;
	s9 =	sld [smem:$0x3FA3]  }
0x2f: {  	lr =	sadd.s32 s0, s3;
	s0 =	sld [smem:$0x3F9A]  }
0x30: {  	s3 =	sld [smem:$0x3F9D]  }
0x31: {  	[smem:$0x3FA6] =	sst s10  }
0x32: {  	s10 =	sld [smem:$0x3FA4];
	_ =	sdelay $0x3  }
0x33: {  	p0 =	seq.s32 s10, $0x1;
	s10 =	sld [smem:$0x3FA6];
	_ =	sdelay $0x3  }
0x34: {  	[smem:$0x3FA6] =	sst s10  }
0x35: {  	s10 =	sld [smem:$0x3FA5];
	_ =	sdelay $0x3  }
0x36: {  	p1 =	seq.s32 s10, $0x1;
	s10 =	sld [smem:$0x3FA6];
	_ =	sdelay $0x3  }
0x37: {  	[smem:$0x3FA6] =	sst s10  }
0x38: {  	s10 =	sld [smem:$0x3FA7]  }
0x39: {  	_ = 	snop;
	(pc) =	sbr.ind lr, $3  }
0x3a: {  	_ = 	snop  }
0x3b: {  	_ = 	snop  }
0x3c: {  	p2 =	seq.s32 s10, $0x1;
	s10 =	sld [smem:$0x3FA6]  }
0x3d: {  	_ =	shalt  }
0x3e: {  	_ =	shalt  }
0x3f: {  	_ =	shalt  }
0x40: {  	_ =	shalt  }
0x41: {  	_ =	shalt  }
0x42: {  	_ =	shalt  }
0x43: {  	_ =	shalt  }
0x44: {  	_ =	shalt  }
0x45: {  	_ =	shalt  }
0x46: {  	_ =	shalt  }
0x47: {  	_ =	shalt  }
0x48: {  	_ =	shalt  }
0x49: {  	_ =	shalt  }
0x4a: {  	_ =	shalt  }
0x4b: {  	_ =	shalt  }
0x4c: {  	_ =	shalt  }
0x4d: {  	_ =	shalt  }
0x4e: {  	_ =	shalt  }
0x4f: {  	_ =	shalt  }
0x50: {  	_ =	shalt  }
0x51: {  	_ =	shalt  }
0x52: {  	_ =	shalt  }
0x53: {  	_ =	shalt  }
0x54: {  	_ =	shalt  }
0x55: {  	_ =	shalt  }
0x56: {  	_ =	shalt  }
0x57: {  	_ =	shalt  }
0x58: {  	_ =	shalt  }
0x59: {  	_ =	shalt  }
0x5a: {  	_ =	shalt  }
0x5b: {  	_ =	shalt  }
0x5c: {  	_ =	shalt  }
0x5d: {  	_ =	shalt  }
0x5e: {  	_ =	shalt  }
0x5f: {  	_ =	shalt  }
0x60: {  	_ =	shalt  }
0x61: {  	_ =	shalt  }
0x62: {  	_ =	shalt  }
0x63: {  	_ =	shalt  }
0x64: {  	_ =	shalt  }
0x65: {  	_ =	shalt  }
0x66: {  	_ =	shalt  }
0x67: {  	_ =	shalt  }
0x68: {  	_ =	shalt  }
0x69: {  	_ =	shalt  }
0x6a: {  	_ =	shalt  }
0x6b: {  	_ =	shalt  }
0x6c: {  	_ =	shalt  }
0x6d: {  	_ =	shalt  }
0x6e: {  	_ =	shalt  }
0x6f: {  	_ =	shalt  }
0x70: {  	_ =	shalt  }
0x71: {  	_ =	shalt  }
0x72: {  	_ =	shalt  }
0x73: {  	_ =	shalt  }
0x74: {  	_ =	shalt  }
0x75: {  	_ =	shalt  }
0x76: {  	_ =	shalt  }
0x77: {  	_ =	shalt  }
0x78: {  	_ =	shalt  }
0x79: {  	_ =	shalt  }
0x7a: {  	_ =	shalt  }
0x7b: {  	_ =	shalt  }
0x7c: {  	_ =	shalt  }
0x7d: {  	_ =	shalt  }
0x7e: {  	_ =	shalt  }
0x7f: {  	_ =	shalt  }
0x80: {  	_ =	shalt  }
0x81: {  	_ =	shalt  }
0x82: {  	_ =	shalt  }
0x83: {  	_ =	shalt  }
0x84: {  	_ =	shalt  }
0x85: {  	_ =	shalt  }
0x86: {  	_ =	shalt  }
0x87: {  	_ =	shalt  }
.Lfunc_end0:
.L_simem_size_0:
called_computation.3_lowered:
.L_overlay_start_0:
0x88: {  	s2 =	sld [smem:$0x3FD9]  }
0x89: {  	s3 =	sld [smem:$0x3FFE];
	_ =	sdelay $0x1  }
0x8a: {  	s1 =	srdreg.scid  }
0x8b: {  	s0 =	sand.u32 $0x1, s1  }
0x8c: {  	s17 =	sshll.u32 s0, $0xA;
	s2 =	sadd.s32 s3, s2  }
0x8d: {  	s2 =	sadd.s32 s2, s17  }
0x8e: {  	[smem:$0x3FB2] =	sst s2  }
0x8f: {  	_ = 	snop  }
0x90: {  	s2 =	sld [smem:$0x3FD0];
	(tm) =	ssettm $0x1  }
0x91: {  	s18 =	sld [smem:$0x3FFB];
	_ =	sdelay $0x3  }
0x92: {  	_ =	strace s18  }
0x93: {  	s3 =	sld [smem:$0x3FFC];
	_ =	sdelay $0x3  }
0x94: {  	_ =	strace s3  }
0x95: {  	s3 =	sld [smem:$0x3FFD];
	_ =	sdelay $0x3  }
0x96: {  	_ =	strace s3  }
0x97: {  	_ =	strace $0x8FFFFFFF  }
0x98: {  	s19 =	sld [smem:$0x3FDB];
	_ =	sdelay $0x1  }
0x99: {  	s4 =	simm.s32 $_scs_section_size  }
0x9a: {  	s5 =	simm.s32 $_size__tile_overlayer_lowered;
	s6 =	simm.s32 $_tile_overlayer_lowered  }
0x9b: {  	s22 =	simm.s32 $0x1BFF;
	s21 =	sshll.u32 s6, $0x1;
	s3 =	sadd.s32 s4, s19  }
0x9c: {  	s7 =	simm.s32 $0x0;
	s20 =	sshll.u32 s5, $0x1;
	s5 =	sadd.s32 s21, s3  }
0x9d: {  	[timem:s7], [sflag:s22] =	dma.local [hbm:s5], s20  }
0x9e: {  	_ =	swait.ge [sflag:s22], s20  }
0x9f: {  	s4 =	ssub.s32 $0x0, s20;
	[sflag:s22] =	ssyncset.done $0x0  }
0xa0: {  	[sflag:s22] =	ssyncadd.s32 s4;
	_ =	sdelay $0x1  }
0xa1: {  	s23 =	simm.s32 $0x1B8B  }
0xa2: {  	_ =	swait.ge [sflag:s23], $0x1  }
0xa3: {  	[sflag:s23] =	ssyncset.done $0x0  }
0xa4: {  	s25 =	simm.s32 $0x1B8E;
	s24 =	sld [smem:$0x3FFE];
	[sflag:s23] =	ssyncadd.s32 $0xFFFFFFFF  }
0xa5: {  	s26 =	simm.s32 $execute0_lowered;
	[smem:$0x3FD2] =	sst s25  }
0xa6: {  	s5 =	sshll.u32 s26, $0x1;
	_ =	strace $0x8000004F;
	[dreg:$0x1] =	wrdreg $0xFFFFFFFF  }
0xa7: {  	s28 =	simm.s32 $_size_execute0_lowered;
	s3 =	sadd.s32 s3, s5;
	[dreg:$0x0] =	wrdreg $0x0  }
0xa8: {  	s5 =	sshll.u32 s28, $0x1;
	[dreg:$0x2] =	wrdreg s3  }
0xa9: {  	[dreg:$0x3] =	wrdreg s5  }
0xaa: {  	[dreg:$0x4] =	wrdreg $0xC0  }
0xab: {  	_ =	task [dreg:s7], $0x5FFFF  }
0xac: {  	[dreg:$0x1] =	wrdreg $0xFFFFFFFF  }
0xad: {  	[dreg:$0x0] =	wrdreg $0x60  }
0xae: {  	[dreg:$0x2] =	wrdreg s2  }
0xaf: {  	[dreg:$0x3] =	wrdreg s24  }
0xb0: {  	[dreg:$0x4] =	wrdreg $0xB8000  }
0xb1: {  	[dreg:$0x5] =	wrdreg $0x9  }
0xb2: {  	_ =	task.clear_ibuf [dreg:s7], $0x6FFFF;
	_ =	strace $0x9000004F  }
0xb3: {  	s29 =	simm.s32 $0x9;
	_ =	strace $0x80000051  }
0xb4: {  	_ =	swait.ge [sflag:s29], $0x1  }
0xb5: {  	[sflag:s29] =	ssyncadd.s32 $0xFFFFFFFF  }
0xb6: {  	_ =	strace $0x90000051  }
0xb7: {  	_ =	sfence  }
0xb8: {  	s30 =	sld [smem:$0x0];
	_ =	sdelay $0x2  }
0xb9: {  	s31 =	sshll.u32 s1, $0xD;
	s1 =	sshrl.u32 s1, $0x2  }
0xba: {  	s3 =	sand.u32 $0x4000, s31;
	s1 =	sadd.s32 s1, s30  }
0xbb: {  	s0 =	sor.u32 s3, s0;
	s1 =	sshll.u32 s1, $0x11  }
0xbc: {  	s0 =	sor.u32 s1, s0  }
0xbd: {  	s0 =	sadd.s32 $0x8F2B, s0  }
0xbe: {  	[sflag:s0] =	ssyncadd.remote.s32 $0x1  }
0xbf: {  	_ =	sfence.sel $0xFFFF  }
0xc0: {  	[dreg:$0x0] =	wrdreg $0xFFFFFFFF;
	(pc) =	sbr.abs _section_cstart, $3  }
0xc1: {  	[dreg:$0x1] =	wrdreg $0xFFFFFFFF  }
0xc2: {  	_ =	task.clear_ibuf [dreg:s7], $0x2FFFF;
	_ =	strace $0x9FFFFFFF  }
0xc3: {  	(tm) =	ssettm $0x7FFFFFFF  }
tec
execute0_lowered:
.L_overlay_start_1:
0x0: {  	(tag) =	ssettag $0x1  }
0x1: {  	s1 =	rddreg [dreg:$0x0]  }
0x2: {  	s0 =	rddreg [dreg:$0x1]  }
0x3: {  	s3 =	rddreg [dreg:$0x2]  }
0x4: {  	s2 =	srdreg.scid;
	s12 =	stileid.u32;
	s4 =	simm.s32 $0x0  }
0x5: {  	s18 =	simm.s32 $0x9800;
	s19 =	simm.s32 $0x9;
	s20 =	simm.s32 $0x80  }
0x6: {  	s28 =	simm.s32 $0x1;
	s29 =	simm.s32 $0x2;
	s30 =	simm.s32 $0x3  }
0x7: {  	s31 =	simm.s32 $0x4;
	s2 =	sand.u32 $0x1, s2;
	s5 =	smul.u32 $0x278, s12  }
0x8: {  	[smem:$0x7FF] =	sst s4;
	s7 =	sadd.s32 $0x18200, s0;
	s10 =	smul.u32 $0x9E00, s12  }
0x9: {  	s9 =	sadd.s32 $0xE200, s0;
	s22 =	sshll.u32 s12, $0x7;
	s11 =	smul.u32 $0x980, s12  }
0xa: {  	s25 =	sadd.s32 $0x27080, s3;
	p1 =	seq.s32 s12, $0xF;
	s6 =	smul.u32 $0x2710, s2  }
0xb: {  	_ =	strace $0x80000050;
	s21 =	ssub.s32 $0x2, s2;
	p0 =	seq.s32 s2, $0x0  }
0xc: {  	[dreg:$0xa] =	wrdreg s25;
	s8 =	sshrl.u32 s21, $0x1;
	s10 =	sshrl.u32 s10, $0x2  }
0xd: {  	s23 =	sadd.s32 s9, s11;
	s5 =	sadd.s32 s5, s6;
	s6 =	ssub.s32 s21, s8  }
0xe: {  	s8 =	sor.u32 $0x9800, s22;
	[dreg:$0x8] =	wrdreg s23;
	s10 =	sadd.s32 s10, s3  }
0xf: {  	s21 =	simm.s32 $0xA000;
	s23 =	simm.s32 $0xA800;
	s22 =	simm.s32 $0x6  }
0x10: {  	s5 =	sshll.u32 s5, $0x1;
	s13 =	sadd.s32 s7, s8;
	s8 =	sadd.s32 s9, s8  }
0x11: {  	s7 =	sadd.s32 s7, s11;
	s24 =	sadd.s32 $0x2000, s10;
	[dreg:$0x5] =	wrdreg s13  }
0x12: {  	s14 =	smax.u32 s6, $0x1;
	s15 =	sadd.s32 $0x800, s10;
	[dreg:$0x6] =	wrdreg s8  }
0x13: {  	s16 =	sadd.s32 $0x1000, s10;
	s17 =	sadd.s32 $0x1800, s10;
	[dreg:$0x7] =	wrdreg s7  }
0x14: {  	s0 =	sadd.s32 s5, s0;
	s5 =	simm.s32 $0x98;
	[dreg:$0x9] =	wrdreg s24  }
0x15: {  	s24 =	simm.s32 $0x8;
	s5 =	simm.s32 @!p0 $0x8;
	s13 =	sadd.s32 $0x4200, s0  }
0x16: {  	s0 =	sadd.s32 $0x25080, s3;
	p0 =	sne.s32 s2, $0x0;
	s26 =	sshll.u32 s5, $0x9  }
0x17: {  	s2 =	simm.s32 $0x7;
	s25 =	sshrl.u32 @p1 s0, $0x3;
	s6 =	sadd.s32 $0xFFFFF800, s26  }
0x18: {  	v0 =	vimm.f32 $0.0e+00;
	s0 =	simm.s32 $0x5;
	s26 =	simm.s32 $0xB000;
	[dreg:$0x4] =	wrdreg s6  }
.LBB2_1:
0x19: {  	s6 =	simm.s32 @p0 $0x0;
	s7 =	rddreg [dreg:$0x5]  }
0x1a: {  	[tilespmem:s6], [sflag:$0x9] =	stream.linear.gather @p0 [hbm4b:s7+s6], $0x400, $0x38;
	[tilespmem:$0xDF18] =	vst v63  }
0x1b: {  	s7 =	simm.s32 @p0 $0x9  }
0x1c: {  	_ =	swait.ge @p0 [sflag:s7], $0x400  }
0x1d: {  	[sflag:s7] =	ssyncset.done @p0 $0x0  }
0x1e: {  	s8 =	simm.s32 @p0 $0x4C00;
	s9 =	rddreg [dreg:$0x6];
	[sflag:s7] =	ssyncadd.s32 @p0 $0xFFFFFC00  }
0x1f: {  	[tilespmem:s8], [sflag:$0x9] =	stream.linear.gather @p0 [hbm4b:s9+s6], $0x400, $0x38;
	[tilespmem:$0xDF18] =	vst v63  }
0x20: {  	_ =	swait.ge @p0 [sflag:s7], $0x400  }
0x21: {  	[sflag:s7] =	ssyncset.done @p0 $0x0  }
0x22: {  	s6 =	simm.s32 @!p0 $0x0;
	[sflag:s7] =	ssyncadd.s32 @p0 $0xFFFFFC00;
	s7 =	rddreg [dreg:$0x7]  }
0x23: {  	[tilespmem:s6], [sflag:$0x9] =	stream.linear.gather @!p0 [hbm4b:s7+s6], $0x4C00, $0x38;
	[tilespmem:$0xDF18] =	vst v63  }
0x24: {  	s7 =	simm.s32 @!p0 $0x9  }
0x25: {  	_ =	swait.ge @!p0 [sflag:s7], $0x4C00  }
0x26: {  	[sflag:s7] =	ssyncset.done @!p0 $0x0  }
0x27: {  	s8 =	simm.s32 @!p0 $0x4C00;
	s9 =	rddreg [dreg:$0x8];
	[sflag:s7] =	ssyncadd.s32 @!p0 $0xFFFFB400  }
0x28: {  	[tilespmem:s8], [sflag:$0x9] =	stream.linear.gather @!p0 [hbm4b:s9+s6], $0x4C00, $0x38;
	[tilespmem:$0xDF18] =	vst v63  }
0x29: {  	_ =	swait.ge @!p0 [sflag:s7], $0x4C00  }
0x2a: {  	[sflag:s7] =	ssyncset.done @!p0 $0x0  }
0x2b: {  	s6 =	simm.s32 $0x40;
	[sflag:s7] =	ssyncadd.s32 @!p0 $0xFFFFB400;
	s7 =	simm.s32 $0x0  }
.LBB2_2:
0x2c: {  	p2 =	sne.s32 s6, $0x1FC0;
	[tilespmem:s7+$0x9800] =	vst v0;
	s7 =	smov.u32 s6;
	s6 =	sadd.s32 $0x40, s6  }
.Ltmp0:
0x2d: {  	(pc) =	sbr.rel @p2 .LBB2_2-.Ltmp0, $2  }
0x2e: {  	_ =	sdelay $0x2  }
0x2f: {  	s7 =	sshra.s32 s7, $0x2  }
0x30: {  	[tilespmem:s7+$0x9800] =	vst v0  }
0x31: {  	[spmem:s10] =	stream.linear.scatter [tilespmem:s18], [sflag:$0x9], $0x800, $0x38;
	[tilespmem:$0xDF18] =	vst v63  }
0x32: {  	_ =	swait.ge [sflag:s19], $0x800  }
0x33: {  	[sflag:s19] =	ssyncset.done $0x0  }
0x34: {  	[sflag:s19] =	ssyncadd.s32 $0xFFFFF800  }
0x35: {  	[spmem:s15] =	stream.linear.scatter [tilespmem:s18], [sflag:$0x9], $0x800, $0x38;
	[tilespmem:$0xDF18] =	vst v63  }
0x36: {  	_ =	swait.ge [sflag:s19], $0x800  }
0x37: {  	[sflag:s19] =	ssyncset.done $0x0  }
0x38: {  	[sflag:s19] =	ssyncadd.s32 $0xFFFFF800  }
0x39: {  	[spmem:s16] =	stream.linear.scatter [tilespmem:s18], [sflag:$0x9], $0x800, $0x38;
	[tilespmem:$0xDF18] =	vst v63  }
0x3a: {  	_ =	swait.ge [sflag:s19], $0x800  }
0x3b: {  	[sflag:s19] =	ssyncset.done $0x0  }
0x3c: {  	[sflag:s19] =	ssyncadd.s32 $0xFFFFF800  }
0x3d: {  	[spmem:s17] =	stream.linear.scatter [tilespmem:s18], [sflag:$0x9], $0x800, $0x38;
	[tilespmem:$0xDF18] =	vst v63  }
0x3e: {  	_ =	swait.ge [sflag:s19], $0x800  }
0x3f: {  	[sflag:s19] =	ssyncset.done $0x0  }
0x40: {  	s6 =	simm.s32 @p1 $0x9800;
	s7 =	rddreg [dreg:$0xa];
	[sflag:s19] =	ssyncadd.s32 $0xFFFFF800  }
0x41: {  	[spmem:s7] =	stream.linear.scatter @p1 [tilespmem:s6], [sflag:$0x9], $0x100, $0x38;
	[tilespmem:$0xDF18] =	vst v63  }
0x42: {  	s6 =	simm.s32 @p1 $0x9  }
0x43: {  	_ =	swait.ge @p1 [sflag:s6], $0x100  }
0x44: {  	[sflag:s6] =	ssyncset.done @p1 $0x0  }
0x45: {  	s7 =	rddreg [dreg:$0x9];
	[sflag:s6] =	ssyncadd.s32 @p1 $0xFFFFFF00;
	s6 =	simm.s32 @!p1 $0x9800  }
0x46: {  	[spmem:s7] =	stream.linear.scatter @!p1 [tilespmem:s6], [sflag:$0x9], $0x780, $0x38;
	[tilespmem:$0xDF18] =	vst v63  }
0x47: {  	s6 =	simm.s32 @!p1 $0x9  }
0x48: {  	_ =	swait.ge @!p1 [sflag:s6], $0x780  }
0x49: {  	[sflag:s6] =	ssyncset.done @!p1 $0x0  }
0x4a: {  	[sflag:s6] =	ssyncadd.s32 @!p1 $0xFFFFF880  }
0x4b: {  	s6 =	simm.s32 $0x0;
	[bflag:$0x0] =	sbarrier.arrive $0xFFFF  }
0x4c: {  	[tilespmem:s18], [sflag:$0x1] =	stream.indirect.gather [hbm4b:s1+s20], $0x10, s6, s20, $0xb8;
	[tilespmem:$0xDF18] =	vst v63  }
0x4d: {  	_ = 	snop  }
0x4e: {  	[tilespmem:s21], [sflag:$0x2] =	stream.indirect.gather [hbm4b:s1+s20], $0x10, s20, s20, $0xb8;
	[tilespmem:$0xDF18] =	vst v63  }
0x4f: {  	s11 =	simm.s32 $0x100  }
0x50: {  	[tilespmem:s23], [sflag:$0x3] =	stream.indirect.gather [hbm4b:s1+s20], $0x10, s11, s20, $0xb8;
	[tilespmem:$0xDF18] =	vst v63  }
0x51: {  	s12 =	simm.s32 $0x180;
	s7 =	simm.s32 $0x7  }
0x52: {  	[tilespmem:s26], [sflag:$0x4] =	stream.indirect.gather [hbm4b:s1+s20], $0x10, s12, s20, $0xb8;
	[tilespmem:$0xDF18] =	vst v63  }
.LBB2_4:
0x53: {  	_ =	swait.ge [sflag:s28], $0x800  }
0x54: {  	s8 =	sshra.s32 s6, $0x2;
	[sflag:s28] =	ssyncset.done $0x0  }
0x55: {  	s9 =	sadd.s32 $0x4C00, s8;
	[sflag:s28] =	ssyncadd.s32 $0xFFFFF800  }
0x56: {  	[spmem:s3] =	stream.indirect.scatter.add.f32 [tilespmem:s18], [sflag:$0x5], $0x10, s9, s20, $0xb8;
	[tilespmem:$0xDF18] =	vst v63  }
0x57: {  	_ =	swait.ge [sflag:s29], $0x800  }
0x58: {  	[sflag:s29] =	ssyncset.done $0x0  }
0x59: {  	s11 =	sadd.s32 $0x4C80, s8;
	[sflag:s29] =	ssyncadd.s32 $0xFFFFF800  }
0x5a: {  	[spmem:s3] =	stream.indirect.scatter.add.f32 [tilespmem:s21], [sflag:$0x6], $0x10, s11, s20, $0xb8;
	[tilespmem:$0xDF18] =	vst v63  }
0x5b: {  	_ =	swait.ge [sflag:s30], $0x800  }
0x5c: {  	[sflag:s30] =	ssyncset.done $0x0  }
0x5d: {  	s12 =	sadd.s32 $0x4D00, s8;
	[sflag:s30] =	ssyncadd.s32 $0xFFFFF800  }
0x5e: {  	[spmem:s3] =	stream.indirect.scatter.add.f32 [tilespmem:s23], [sflag:$0x7], $0x10, s12, s20, $0xb8;
	[tilespmem:$0xDF18] =	vst v63  }
0x5f: {  	_ =	swait.ge [sflag:s31], $0x800  }
0x60: {  	s9 =	sadd.s32 $0xFFFFFFFD, s7;
	[sflag:s31] =	ssyncset.done $0x0  }
0x61: {  	s8 =	sadd.s32 $0x4D80, s8;
	p2 =	sge.u32 s9, s5;
	[sflag:s31] =	ssyncadd.s32 $0xFFFFF800  }
0x62: {  	[spmem:s3] =	stream.indirect.scatter.add.f32 [tilespmem:s26], [sflag:$0x8], $0x10, s8, s20, $0xb8;
	[tilespmem:$0xDF18] =	vst v63  }
0x63: {  	s8 =	simm.s32 @!p2 $0x5  }
0x64: {  	_ =	swait.ge @!p2 [sflag:s8], $0x800  }
0x65: {  	[sflag:s8] =	ssyncset.done @!p2 $0x0  }
0x66: {  	[sflag:s8] =	ssyncadd.s32 @!p2 $0xFFFFF800;
	s8 =	sshra.s32 @!p2 s6, $0x2  }
0x67: {  	s9 =	simm.s32 @!p2 $0x80;
	s11 =	simm.s32 @!p2 $0x9800;
	s8 =	sadd.s32 @!p2 $0x200, s8  }
0x68: {  	[tilespmem:s11], [sflag:$0x1] =	stream.indirect.gather @!p2 [hbm4b:s1+s9], $0x10, s8, s9, $0xb8;
	[tilespmem:$0xDF18] =	vst v63  }
0x69: {  	s11 =	sadd.s32 $0xFFFFFFFE, s7  }
0x6a: {  	p2 =	sge.u32 s11, s5  }
0x6b: {  	s8 =	simm.s32 @!p2 $0x6  }
0x6c: {  	_ =	swait.ge @!p2 [sflag:s8], $0x800  }
0x6d: {  	[sflag:s8] =	ssyncset.done @!p2 $0x0  }
0x6e: {  	s12 =	sadd.s32 $0xFFFFFFFF, s7;
	[sflag:s8] =	ssyncadd.s32 @!p2 $0xFFFFF800;
	s8 =	sshra.s32 @!p2 s6, $0x2  }
0x6f: {  	s9 =	simm.s32 @!p2 $0x80;
	s11 =	simm.s32 @!p2 $0xA000;
	s8 =	sadd.s32 @!p2 $0x280, s8  }
0x70: {  	[tilespmem:s11], [sflag:$0x2] =	stream.indirect.gather @!p2 [hbm4b:s1+s9], $0x10, s8, s9, $0xb8;
	[tilespmem:$0xDF18] =	vst v63  }
0x71: {  	p2 =	sge.u32 s12, s5  }
0x72: {  	s8 =	simm.s32 @!p2 $0x7  }
0x73: {  	_ =	swait.ge @!p2 [sflag:s8], $0x800  }
0x74: {  	[sflag:s8] =	ssyncset.done @!p2 $0x0  }
0x75: {  	[sflag:s8] =	ssyncadd.s32 @!p2 $0xFFFFF800;
	s8 =	sshra.s32 @!p2 s6, $0x2  }
0x76: {  	s9 =	simm.s32 @!p2 $0x80;
	s11 =	simm.s32 @!p2 $0xA800;
	s8 =	sadd.s32 @!p2 $0x300, s8  }
0x77: {  	[tilespmem:s11], [sflag:$0x3] =	stream.indirect.gather @!p2 [hbm4b:s1+s9], $0x10, s8, s9, $0xb8;
	[tilespmem:$0xDF18] =	vst v63  }
0x78: {  	p2 =	sge.u32 s7, s5  }
0x79: {  	s8 =	simm.s32 @!p2 $0x8  }
0x7a: {  	s9 =	sshra.s32 @!p2 s6, $0x2;
	s11 =	simm.s32 @!p2 $0xB000;
	_ =	swait.ge @!p2 [sflag:s8], $0x800  }
0x7b: {  	s6 =	sadd.s32 $0x800, s6;
	[sflag:s8] =	ssyncset.done @!p2 $0x0;
	s12 =	rddreg [dreg:$0x4]  }
0x7c: {  	[sflag:s8] =	ssyncadd.s32 @!p2 $0xFFFFF800;
	s8 =	sadd.s32 @!p2 $0x380, s9;
	s9 =	simm.s32 @!p2 $0x80  }
0x7d: {  	[tilespmem:s11], [sflag:$0x4] =	stream.indirect.gather @!p2 [hbm4b:s1+s9], $0x10, s8, s9, $0xb8;
	[tilespmem:$0xDF18] =	vst v63  }
0x7e: {  	p2 =	sne.s32 s12, s6  }
.Ltmp1:
0x7f: {  	_ = 	snop;
	(pc) =	sbr.rel @p2 .LBB2_4-.Ltmp1, $2  }
0x80: {  	_ =	sdelay $0x2  }
0x81: {  	s7 =	sadd.s32 $0x4, s7  }
0x82: {  	_ =	swait.ge [sflag:s28], $0x800  }
0x83: {  	s8 =	sshra.s32 s6, $0x2;
	[sflag:s28] =	ssyncset.done $0x0  }
0x84: {  	s9 =	sadd.s32 $0x4C00, s8;
	[sflag:s28] =	ssyncadd.s32 $0xFFFFF800  }
0x85: {  	[spmem:s3] =	stream.indirect.scatter.add.f32 [tilespmem:s18], [sflag:$0x5], $0x10, s9, s20, $0xb8;
	[tilespmem:$0xDF18] =	vst v63  }
0x86: {  	_ =	swait.ge [sflag:s29], $0x800  }
0x87: {  	[sflag:s29] =	ssyncset.done $0x0  }
0x88: {  	s11 =	sadd.s32 $0x4C80, s8;
	[sflag:s29] =	ssyncadd.s32 $0xFFFFF800  }
0x89: {  	[spmem:s3] =	stream.indirect.scatter.add.f32 [tilespmem:s21], [sflag:$0x6], $0x10, s11, s20, $0xb8;
	[tilespmem:$0xDF18] =	vst v63  }
0x8a: {  	_ =	swait.ge [sflag:s30], $0x800  }
0x8b: {  	[sflag:s30] =	ssyncset.done $0x0  }
0x8c: {  	s12 =	sadd.s32 $0x4D00, s8;
	[sflag:s30] =	ssyncadd.s32 $0xFFFFF800  }
0x8d: {  	[spmem:s3] =	stream.indirect.scatter.add.f32 [tilespmem:s23], [sflag:$0x7], $0x10, s12, s20, $0xb8;
	[tilespmem:$0xDF18] =	vst v63  }
0x8e: {  	_ =	swait.ge [sflag:s31], $0x800  }
0x8f: {  	s9 =	sadd.s32 $0xFFFFFFFD, s7;
	[sflag:s31] =	ssyncset.done $0x0  }
0x90: {  	s8 =	sadd.s32 $0x4D80, s8;
	p2 =	sge.u32 s9, s5;
	[sflag:s31] =	ssyncadd.s32 $0xFFFFF800  }
0x91: {  	[spmem:s3] =	stream.indirect.scatter.add.f32 [tilespmem:s26], [sflag:$0x8], $0x10, s8, s20, $0xb8;
	[tilespmem:$0xDF18] =	vst v63  }
0x92: {  	s8 =	simm.s32 @!p2 $0x5  }
0x93: {  	_ =	swait.ge @!p2 [sflag:s8], $0x800  }
0x94: {  	[sflag:s8] =	ssyncset.done @!p2 $0x0  }
0x95: {  	[sflag:s8] =	ssyncadd.s32 @!p2 $0xFFFFF800;
	s8 =	sshra.s32 @!p2 s6, $0x2  }
0x96: {  	s9 =	simm.s32 @!p2 $0x80;
	s11 =	simm.s32 @!p2 $0x9800;
	s8 =	sadd.s32 @!p2 $0x200, s8  }
0x97: {  	[tilespmem:s11], [sflag:$0x1] =	stream.indirect.gather @!p2 [hbm4b:s1+s9], $0x10, s8, s9, $0xb8;
	[tilespmem:$0xDF18] =	vst v63  }
0x98: {  	s11 =	sadd.s32 $0xFFFFFFFE, s7  }
0x99: {  	p2 =	sge.u32 s11, s5  }
0x9a: {  	s8 =	simm.s32 @!p2 $0x6  }
0x9b: {  	_ =	swait.ge @!p2 [sflag:s8], $0x800  }
0x9c: {  	[sflag:s8] =	ssyncset.done @!p2 $0x0  }
0x9d: {  	s12 =	sadd.s32 $0xFFFFFFFF, s7;
	[sflag:s8] =	ssyncadd.s32 @!p2 $0xFFFFF800;
	s8 =	sshra.s32 @!p2 s6, $0x2  }
0x9e: {  	s9 =	simm.s32 @!p2 $0x80;
	s11 =	simm.s32 @!p2 $0xA000;
	s8 =	sadd.s32 @!p2 $0x280, s8  }
0x9f: {  	[tilespmem:s11], [sflag:$0x2] =	stream.indirect.gather @!p2 [hbm4b:s1+s9], $0x10, s8, s9, $0xb8;
	[tilespmem:$0xDF18] =	vst v63  }
0xa0: {  	p2 =	sge.u32 s12, s5  }
0xa1: {  	s8 =	simm.s32 @!p2 $0x7  }
0xa2: {  	_ =	swait.ge @!p2 [sflag:s8], $0x800  }
0xa3: {  	[sflag:s8] =	ssyncset.done @!p2 $0x0  }
0xa4: {  	[sflag:s8] =	ssyncadd.s32 @!p2 $0xFFFFF800;
	s8 =	sshra.s32 @!p2 s6, $0x2  }
0xa5: {  	s9 =	simm.s32 @!p2 $0x80;
	s11 =	simm.s32 @!p2 $0xA800;
	s8 =	sadd.s32 @!p2 $0x300, s8  }
0xa6: {  	[tilespmem:s11], [sflag:$0x3] =	stream.indirect.gather @!p2 [hbm4b:s1+s9], $0x10, s8, s9, $0xb8;
	[tilespmem:$0xDF18] =	vst v63  }
0xa7: {  	p2 =	sge.u32 s7, s5  }
0xa8: {  	s7 =	simm.s32 @!p2 $0x8  }
0xa9: {  	_ =	swait.ge @!p2 [sflag:s7], $0x800  }
0xaa: {  	s6 =	sshra.s32 @!p2 s6, $0x2;
	s8 =	simm.s32 @!p2 $0xB000;
	[sflag:s7] =	ssyncset.done @!p2 $0x0  }
0xab: {  	s6 =	sadd.s32 @!p2 $0x380, s6;
	[sflag:s7] =	ssyncadd.s32 @!p2 $0xFFFFF800;
	s7 =	simm.s32 @!p2 $0x80  }
0xac: {  	[tilespmem:s8], [sflag:$0x4] =	stream.indirect.gather @!p2 [hbm4b:s1+s7], $0x10, s6, s7, $0xb8;
	[tilespmem:$0xDF18] =	vst v63  }
0xad: {  	_ =	swait.ge [sflag:s0], $0x800  }
0xae: {  	[sflag:s0] =	ssyncset.done $0x0  }
0xaf: {  	[sflag:s0] =	ssyncadd.s32 $0xFFFFF800  }
0xb0: {  	_ =	swait.ge [sflag:s22], $0x800  }
0xb1: {  	[sflag:s22] =	ssyncset.done $0x0  }
0xb2: {  	[sflag:s22] =	ssyncadd.s32 $0xFFFFF800  }
0xb3: {  	_ =	swait.ge [sflag:s2], $0x800  }
0xb4: {  	[sflag:s2] =	ssyncset.done $0x0  }
0xb5: {  	[sflag:s2] =	ssyncadd.s32 $0xFFFFF800  }
0xb6: {  	_ =	swait.ge [sflag:s24], $0x800  }
0xb7: {  	[sflag:s24] =	ssyncset.done $0x0  }
0xb8: {  	[sflag:s24] =	ssyncadd.s32 $0xFFFFF800  }
0xb9: {  	s6 =	simm.s32 @p1 $0x1FC9;
	[bflag:$0x0] =	sbarrier.arrive $0xFFFF  }
0xba: {  	[hbm:s13], [sflag:s6] =	dma.local @p1 [spmem:s25], $0x410  }
0xbb: {  	s6 =	simm.s32 @p1 $0x9  }
0xbc: {  	s4 =	sadd.s32 $0x1, s4;
	s7 =	stileid.u32;
	_ =	swait.ge @p1 [sflag:s6], $0x410  }
0xbd: {  	p2 =	sne.s32 s4, s14;
	s7 =	sshll.u32 @!p1 s7, $0x6;
	[sflag:s6] =	ssyncset.done @p1 $0x0  }
0xbe: {  	[sflag:s6] =	ssyncadd.s32 @p1 $0xFFFFFBF0;
	s6 =	sor.u32 @!p1 $0x1C09, s7;
	s7 =	sshrl.u32 @!p1 s10, $0x3  }
0xbf: {  	[hbm:s13], [sflag:s6] =	dma.local @!p1 [spmem:s7], $0x4F0  }
.Ltmp2:
0xc0: {  	_ = 	snop;
	(pc) =	sbr.rel @p2 .LBB2_1-.Ltmp2, $4  }
0xc1: {  	s6 =	simm.s32 @!p1 $0x9  }
0xc2: {  	_ =	swait.ge @!p1 [sflag:s6], $0x4F0  }
0xc3: {  	[sflag:s6] =	ssyncset.done @!p1 $0x0  }
0xc4: {  	[sflag:s6] =	ssyncadd.s32 @!p1 $0xFFFFFB10  }
0xc5: {  	_ =	sfence.sel $0x180000  }
0xc6: {  	[bflag:$0x0] =	sbarrier.arrive $0xFFFF  }
0xc7: {  	_ =	strace $0x90000050  }
0xc8: {  	s0 =	stileid.u32;
	[bflag:$0x2] =	sbarrier.arrive $0xFFFF  }
0xc9: {  	p0 =	sne.s32 s0, $0x0;
	s0 =	rddreg [dreg:$0x3]  }
0xca: {  	s0 =	sadd.s32 @!p0 $0x100000, s0  }
0xcb: {  	[sflag:s0] =	ssyncadd.tile.s32 @!p0 $0x1;
	_ =	shalt  }
.Lfunc_end2:
_tile_overlayer_lowered:
.L_overlay_start_2:
0xcc: {  	(tag) =	ssettag $0x2  }
0xcd: {  	s0 =	rddreg [dreg:$0x0];
	s2 =	stileid.u32  }
0xce: {  	s1 =	rddreg [dreg:$0x1];
	p0 =	sne.s32 s2, $0x0  }
0xcf: {  	s3 =	rddreg [dreg:$0x2];
	[bflag:$0x3] =	sbarrier.arrive $0xFFFF;
	s2 =	simm.s32 @!p0 $0x1C09  }
0xd0: {  	[timem:s3], [sflag:s2] =	dma.local @!p0 [hbm:s0], s1  }
0xd1: {  	s0 =	simm.s32 @!p0 $0x9  }
0xd2: {  	_ =	swait.ge @!p0 [sflag:s0], s1  }
0xd3: {  	s1 =	ssub.s32 @!p0 $0x0, s1;
	[sflag:s0] =	ssyncset.done @!p0 $0x0  }
0xd4: {  	[sflag:s0] =	ssyncadd.s32 @!p0 s1  }
0xd5: {  	[bflag:$0x3] =	sbarrier.arrive $0xFFFF  }
0xd6: {  	_ =	shalt  }

</sc_bundles>
